<compile_context>
chip_gen: v7x
topology: tpu7x:2x2x1
jax: 0.10.2.dev20260603
libtpu: 0.0.44.dev20260713+nightly
codegen_flags: <defaults>
</compile_context>

<pallas_src>
import functools

import jax
import jax.numpy as jnp
from jax import lax
from jax.experimental import pallas as pl
from jax.experimental.pallas import tpu as pltpu
from jax.experimental.pallas import tpu_sc as plsc

N = 10000
E = 320000
D = 128
NC = 2
NS = 16
CHUNK = 128
CPT = 160
EPAD = NS * CPT * CHUNK
CPW = CPT // 2
STG = 32
S0 = 32
S1 = 32
NP = 10112
RPT = NP // NS

_mesh = plsc.VectorSubcoreMesh(core_axis_name="c", subcore_axis_name="s")


@functools.partial(
    pl.kernel,
    out_type=jax.ShapeDtypeStruct((NC, NS, NP), jnp.float32),
    mesh=_mesh,
    scratch_types=[
        pltpu.VMEM((CPW, CHUNK), jnp.int32),
        pltpu.VMEM((NP,), jnp.float32),
    ],
    compiler_params=pltpu.CompilerParams(needs_layout_passes=False),
)
def _deg_kernel(dst_hbm, out_hbm, idx_v, hist_v):
    c = lax.axis_index("c")
    s = lax.axis_index("s")

    def zbody(i, carry):
        hist_v[pl.ds(i * 16, 16)] = jnp.zeros((16,), jnp.float32)
        return carry

    lax.fori_loop(0, NP // 16, zbody, 0)
    ones = jnp.ones((16,), jnp.float32)

    pltpu.sync_copy(dst_hbm.at[s].at[pl.ds(c * CPW, CPW)], idx_v)

    def body(j, carry):
        def inner(k, carry2):
            vals = idx_v[j, pl.ds(k * 16, 16)]
            plsc.addupdate_scatter(hist_v, [vals], ones)
            return carry2

        lax.fori_loop(0, CHUNK // 16, inner, 0)
        return carry

    lax.fori_loop(0, CPW, body, 0)
    pltpu.sync_copy(hist_v, out_hbm.at[c].at[s])


@functools.partial(
    pl.kernel,
    out_type=jax.ShapeDtypeStruct((NC, NP, D), jnp.float32),
    mesh=_mesh,
    scratch_types=[
        pltpu.VMEM((STG, CHUNK), jnp.int32),
        pltpu.VMEM((STG, CHUNK), jnp.int32),
        pltpu.VMEM((2, CHUNK, D), jnp.float32),
        pltpu.VMEM_SHARED((NP, D), jnp.float32),
        pltpu.SemaphoreType.DMA,
        pltpu.SemaphoreType.DMA,
    ],
)
def _agg_kernel(g_hbm, src_hbm, dst_hbm, zeros_hbm, out_hbm,
                src_v, dst_v, rows_v, acc_sh, sem0, sem1):
    c = lax.axis_index("c")
    s = lax.axis_index("s")
    pltpu.sync_copy(zeros_hbm, acc_sh.at[pl.ds(s * RPT, RPT)])
    plsc.subcore_barrier()

    def stage(base_row, nrows):
        pltpu.sync_copy(src_hbm.at[s].at[pl.ds(base_row, nrows)],
                        src_v.at[pl.ds(0, nrows)])
        pltpu.sync_copy(dst_hbm.at[s].at[pl.ds(base_row, nrows)],
                        dst_v.at[pl.ds(0, nrows)])
        pltpu.async_copy(g_hbm.at[src_v.at[0]], rows_v.at[0], sem0)
        pltpu.async_copy(g_hbm.at[src_v.at[1]], rows_v.at[1], sem1)

        def body(i, carry):
            j0 = 2 * i
            pltpu.make_async_copy(g_hbm.at[src_v.at[j0]],
                                  rows_v.at[0], sem0).wait()
            pltpu.sync_copy(rows_v.at[0], acc_sh.at[dst_v.at[j0]], add=True)
            pltpu.async_copy(g_hbm.at[src_v.at[j0 + 2]], rows_v.at[0], sem0)
            pltpu.make_async_copy(g_hbm.at[src_v.at[j0 + 1]],
                                  rows_v.at[1], sem1).wait()
            pltpu.sync_copy(rows_v.at[1], acc_sh.at[dst_v.at[j0 + 1]], add=True)
            pltpu.async_copy(g_hbm.at[src_v.at[j0 + 3]], rows_v.at[1], sem1)
            return carry

        lax.fori_loop(0, nrows // 2 - 1, body, 0)
        j0 = nrows - 2
        pltpu.make_async_copy(g_hbm.at[src_v.at[j0]],
                              rows_v.at[0], sem0).wait()
        pltpu.sync_copy(rows_v.at[0], acc_sh.at[dst_v.at[j0]], add=True)
        pltpu.make_async_copy(g_hbm.at[src_v.at[j0 + 1]],
                              rows_v.at[1], sem1).wait()
        pltpu.sync_copy(rows_v.at[1], acc_sh.at[dst_v.at[j0 + 1]], add=True)

    @pl.when(c == 0)
    def _():
        stage(0 * S0, S0)
        stage(1 * S0, S0)
        stage(2 * S0, S0)
        stage(3 * S0, S0)

    @pl.when(c == 1)
    def _():
        stage(4 * S0, S1)

    plsc.subcore_barrier()
    pltpu.sync_copy(acc_sh.at[pl.ds(s * RPT, RPT)],
                    out_hbm.at[c].at[pl.ds(s * RPT, RPT)])


def _tc1_body(x_ref, w1_ref, dct_ref, g_out, dinv_out):
    degsum = lax.dot_general(dct_ref[...], jnp.ones((NC * NS, 1), jnp.float32),
                             (((1,), (0,)), ((), ())),
                             preferred_element_type=jnp.float32)
    deg = degsum[: N] + 1.0
    dinv = lax.rsqrt(deg)
    h = lax.dot_general(x_ref[...], w1_ref[...], (((1,), (1,)), ((), ())),
                        preferred_element_type=jnp.float32)
    g_out[...] = dinv * h
    dinv_out[...] = dinv


def _tc_mid_body(agg_ref, gprev_ref, dinv_ref, b_ref, gam_ref, bet_ref, a_ref,
                 w2_ref, g_out):
    dinv = dinv_ref[...]
    full = agg_ref[0, : N, :] + agg_ref[1, : N, :] + gprev_ref[...]
    conv = dinv * full + b_ref[...]
    m = jnp.mean(conv, axis=0, keepdims=True)
    v = jnp.mean((conv - m) ** 2, axis=0, keepdims=True)
    bn = gam_ref[...] * (conv - m) * lax.rsqrt(v + 1e-5) + bet_ref[...]
    p = jnp.where(bn >= 0, bn, a_ref[0, 0] * bn)
    h2 = lax.dot_general(p, w2_ref[...], (((1,), (1,)), ((), ())),
                         preferred_element_type=jnp.float32)
    g_out[...] = dinv * h2


def _tc_final_body(agg_ref, gprev_ref, dinv_ref, b_ref, gam_ref, bet_ref,
                   a_ref, out_ref):
    dinv = dinv_ref[...]
    full = agg_ref[0, : N, :] + agg_ref[1, : N, :] + gprev_ref[...]
    conv = dinv * full + b_ref[...]
    m = jnp.mean(conv, axis=0, keepdims=True)
    v = jnp.mean((conv - m) ** 2, axis=0, keepdims=True)
    bn = gam_ref[...] * (conv - m) * lax.rsqrt(v + 1e-5) + bet_ref[...]
    out_ref[...] = jnp.where(bn >= 0, bn, a_ref[0, 0] * bn)


_tc1 = pl.pallas_call(
    _tc1_body,
    out_shape=[jax.ShapeDtypeStruct((N, D), jnp.float32),
               jax.ShapeDtypeStruct((N, 1), jnp.float32)],
)

_tc_mid = pl.pallas_call(
    _tc_mid_body,
    out_shape=jax.ShapeDtypeStruct((N, D), jnp.float32),
)

_tc_final = pl.pallas_call(
    _tc_final_body,
    out_shape=jax.ShapeDtypeStruct((N, D), jnp.float32),
)


def kernel(x, edge_index, W1, b1, g1, be1, a1, W2, b2, g2, be2, a2):
    src = edge_index[0]
    dst = edge_index[1]
    pad = EPAD - E
    srcp = jnp.concatenate([src, jnp.zeros((pad,), jnp.int32)])
    dstp = jnp.concatenate(
        [dst, N + (jnp.arange(pad, dtype=jnp.int32) % (NP - N))])
    src_rs = srcp.reshape(NS, CPT, CHUNK)
    dst_rs = dstp.reshape(NS, CPT, CHUNK)

    zerosD = jnp.zeros((RPT, D), jnp.float32)

    dc = _deg_kernel(dst_rs)
    dct = dc.reshape(NC * NS, NP).T
    g1s, dinv = _tc1(x, W1, dct)
    agg1 = _agg_kernel(g1s, src_rs, dst_rs, zerosD)
    g2s = _tc_mid(agg1, g1s, dinv, b1.reshape(1, D), g1.reshape(1, D),
                  be1.reshape(1, D), a1.reshape(1, 1), W2)
    agg2 = _agg_kernel(g2s, src_rs, dst_rs, zerosD)
    return _tc_final(agg2, g2s, dinv, b2.reshape(1, D), g2.reshape(1, D),
                     be2.reshape(1, D), a2.reshape(1, 1))

# --- scband reference (transcript-rebuilt; emitter-appended) ---
"""Pipeline reference for scband-encoder-50294067036840 (READ-ONLY COPY).

The authoritative reference and input builder live on the scoring server;
editing this copy changes nothing except your own understanding.
"""

import jax, jax.numpy as jnp
import numpy as np

N = 10000
E = 320000
D = 128


def _gcn_conv(x, W, b, src, dst):
    # PyG GCNConv: add self-loops, symmetric D^{-1/2} (A+I) D^{-1/2} normalization,
    # linear transform, scatter-add aggregation at dst, then bias.
    n = x.shape[0]
    loop = jnp.arange(n, dtype=src.dtype)
    s = jnp.concatenate([src, loop])
    d = jnp.concatenate([dst, loop])
    ew = jnp.ones(s.shape[0], dtype=x.dtype)
    deg = jax.ops.segment_sum(ew, d, num_segments=n)
    dinv = jnp.where(deg > 0, jax.lax.rsqrt(deg), 0.0)
    norm = dinv[s] * dinv[d]
    h = x @ W.T
    msg = h[s] * norm[:, None]
    out = jax.ops.segment_sum(msg, d, num_segments=n)
    return out + b


def _bn(x, g, b, eps=1e-5):
    # BatchNorm1d in training mode: batch statistics (biased variance)
    m = jnp.mean(x, axis=0)
    v = jnp.mean((x - m) ** 2, axis=0)
    return g * (x - m) * jax.lax.rsqrt(v + eps) + b


def _prelu(x, a):
    return jnp.where(x >= 0, x, a * x)


def setup_inputs(seed: int = 0):
    key = jax.random.key(seed)
    ks = jax.random.split(key, 8)
    s = float(1.0 / np.sqrt(D))
    return {
        "x": jax.random.normal(ks[0], (N, D), dtype=jnp.float32),
        "edge_index": jax.random.randint(ks[1], (2, E), 0, N, dtype=jnp.int32),
        "W1": jax.random.uniform(ks[2], (D, D), jnp.float32, -s, s),
        "b1": jnp.zeros((D,), jnp.float32),
        "g1": jnp.ones((D,), jnp.float32),
        "be1": jnp.zeros((D,), jnp.float32),
        "a1": jnp.full((1,), 0.25, jnp.float32),
        "W2": jax.random.uniform(ks[3], (D, D), jnp.float32, -s, s),
        "b2": jnp.zeros((D,), jnp.float32),
        "g2": jnp.ones((D,), jnp.float32),
        "be2": jnp.zeros((D,), jnp.float32),
        "a2": jnp.full((1,), 0.25, jnp.float32),
    }


def reference(x, edge_index, W1, b1, g1, be1, a1, W2, b2, g2, be2, a2):
    src = edge_index[0]
    dst = edge_index[1]
    h = _gcn_conv(x, W1, b1, src, dst)
    h = _bn(h, g1, be1)
    h = _prelu(h, a1)
    h = _gcn_conv(h, W2, b2, src, dst)
    h = _bn(h, g2, be2)
    h = _prelu(h, a2)
    return h

if __name__ == "__main__":
    import jax
    _d = setup_inputs()
    print(jax.jit(kernel)(*tuple(_d.values())))

</pallas_src>

<mosaic_0001>
#map = affine_map<(d0, d1) -> (0, 0, 0)>
module attributes {stable_mosaic.version = 14 : i64} {
  func.func @_deg_kernel(%arg0: i32, %arg1: i32, %arg2: memref<16x160x128xi32, #tpu.memory_space<hbm>>, %arg3: memref<2x16x10112xf32, #tpu.memory_space<hbm>>, %arg4: memref<80x128xi32, #tpu.memory_space<vmem>>, %arg5: memref<10112xf32, #tpu.memory_space<vmem>>) attributes {dimension_semantics = [#tpu.dimension_semantics<core_parallel>, #tpu.dimension_semantics<subcore_parallel>], iteration_bounds = array<i64: 2, 16>, scalar_prefetch = 0 : i64, scratch_operands = 2 : i64, tpu.core_type = #tpu.core_type<sc_vector_subcore>, window_params = [{transform_indices = #map}, {transform_indices = #map}]} {
    %scan3A = arith.constant 0 : i32
    %scan3A_0 = arith.constant 0 : i32
    %scan3A_1 = arith.constant 632 : i32
    %scan3A_2 = arith.addi %scan3A_0, %scan3A_1 : i32
    %scan3A_3 = arith.constant 1 : i32
    scf.for %scan3A_13 = %scan3A_0 to %scan3A_2 step %scan3A_3  : i32 {
      %broadcast_in_dim3A_14 = arith.constant 0.000000e+00 : f32
      %broadcast_in_dim3A_15 = vector.broadcast %broadcast_in_dim3A_14 : f32 to vector<16xf32>
      %mul3A_16 = arith.constant 16 : i32
      %mul3A_17 = arith.muli %scan3A_13, %mul3A_16 : i32
      %swap3A = arith.index_cast %mul3A_17 : i32 to index
      %swap3A_18 = tpu.vector_load %arg5[%swap3A] {strides = array<i32>} : memref<10112xf32, #tpu.memory_space<vmem>>, vector<16xf32>,
      tpu.vector_store %arg5[%swap3A], %broadcast_in_dim3A_15 {strides = array<i32>} : memref<10112xf32, #tpu.memory_space<vmem>>, vector<16xf32>,
    }
    %scan3A_4 = arith.constant 632 : i32
    %broadcast_in_dim3A = arith.constant 1.000000e+00 : f32
    %broadcast_in_dim3A_5 = vector.broadcast %broadcast_in_dim3A : f32 to vector<16xf32>
    %mul3A = arith.constant 80 : i32
    %mul3A_6 = arith.muli %arg0, %mul3A : i32
    "tpu.region"() ({
      %run_scoped3A = tpu.sem_alloc : memref<!tpu.dma_semaphore, #tpu.memory_space<semaphore_mem>>
      %dma_start3A = arith.constant 0 : i32
      %dma_start3A_13 = arith.constant 0 : i32
      %dma_start3A_14 = tpu.memref_slice %arg2[%arg1, %dma_start3A, %dma_start3A_13] : memref<16x160x128xi32, #tpu.memory_space<hbm>> -> memref<1x160x128xi32, #tpu.memory_space<hbm>>
      %dma_start3A_15 = tpu.memref_squeeze %dma_start3A_14 : memref<1x160x128xi32, #tpu.memory_space<hbm>> -> memref<160x128xi32, #tpu.memory_space<hbm>>
      %dma_start3A_16 = arith.constant 0 : i32
      %dma_start3A_17 = tpu.memref_slice %dma_start3A_15[%mul3A_6, %dma_start3A_16] : memref<160x128xi32, #tpu.memory_space<hbm>> -> memref<80x128xi32, #tpu.memory_space<hbm>>
      %dma_start3A_18 = arith.constant 0 : i32
      %dma_start3A_19 = arith.constant 0 : i32
      %dma_start3A_20 = tpu.memref_slice %arg2[%arg1, %dma_start3A_18, %dma_start3A_19] : memref<16x160x128xi32, #tpu.memory_space<hbm>> -> memref<1x160x128xi32, #tpu.memory_space<hbm>>
      %dma_start3A_21 = tpu.memref_squeeze %dma_start3A_20 : memref<1x160x128xi32, #tpu.memory_space<hbm>> -> memref<160x128xi32, #tpu.memory_space<hbm>>
      %dma_start3A_22 = arith.constant 0 : i32
      %dma_start3A_23 = tpu.memref_slice %dma_start3A_21[%mul3A_6, %dma_start3A_22] : memref<160x128xi32, #tpu.memory_space<hbm>> -> memref<80x128xi32, #tpu.memory_space<hbm>>
      tpu.enqueue_dma source(%dma_start3A_23 : memref<80x128xi32, #tpu.memory_space<hbm>>) target(%arg4 : memref<80x128xi32, #tpu.memory_space<vmem>>) target_semaphore(%run_scoped3A : memref<!tpu.dma_semaphore, #tpu.memory_space<semaphore_mem>>)
      %dma_wait3A = arith.constant 0 : i32
      %dma_wait3A_24 = arith.constant 0 : i32
      %dma_wait3A_25 = tpu.memref_slice %arg2[%arg1, %dma_wait3A, %dma_wait3A_24] : memref<16x160x128xi32, #tpu.memory_space<hbm>> -> memref<1x160x128xi32, #tpu.memory_space<hbm>>
      %dma_wait3A_26 = tpu.memref_squeeze %dma_wait3A_25 : memref<1x160x128xi32, #tpu.memory_space<hbm>> -> memref<160x128xi32, #tpu.memory_space<hbm>>
      %dma_wait3A_27 = arith.constant 0 : i32
      %dma_wait3A_28 = tpu.memref_slice %dma_wait3A_26[%mul3A_6, %dma_wait3A_27] : memref<160x128xi32, #tpu.memory_space<hbm>> -> memref<80x128xi32, #tpu.memory_space<hbm>>
      %dma_wait3A_29 = arith.constant 0 : i32
      %dma_wait3A_30 = arith.constant 0 : i32
      %dma_wait3A_31 = tpu.memref_slice %arg2[%arg1, %dma_wait3A_29, %dma_wait3A_30] : memref<16x160x128xi32, #tpu.memory_space<hbm>> -> memref<1x160x128xi32, #tpu.memory_space<hbm>>
      %dma_wait3A_32 = tpu.memref_squeeze %dma_wait3A_31 : memref<1x160x128xi32, #tpu.memory_space<hbm>> -> memref<160x128xi32, #tpu.memory_space<hbm>>
      %dma_wait3A_33 = arith.constant 0 : i32
      %dma_wait3A_34 = tpu.memref_slice %dma_wait3A_32[%mul3A_6, %dma_wait3A_33] : memref<160x128xi32, #tpu.memory_space<hbm>> -> memref<80x128xi32, #tpu.memory_space<hbm>>
      tpu.wait_dma2 semaphore(%run_scoped3A : memref<!tpu.dma_semaphore, #tpu.memory_space<semaphore_mem>>) src(%dma_wait3A_34 : memref<80x128xi32, #tpu.memory_space<hbm>>) dst(%arg4 : memref<80x128xi32, #tpu.memory_space<vmem>>)
      tpu.yield
    }) : () -> ()
    %scan3A_7 = arith.constant 0 : i32
    %scan3A_8 = arith.constant 0 : i32
    %scan3A_9 = arith.constant 80 : i32
    %scan3A_10 = arith.addi %scan3A_8, %scan3A_9 : i32
    %scan3A_11 = arith.constant 1 : i32
    scf.for %scan3A_13 = %scan3A_8 to %scan3A_10 step %scan3A_11  : i32 {
      %scan3A_14 = arith.constant 0 : i32
      %scan3A_15 = arith.constant 0 : i32
      %scan3A_16 = arith.constant 8 : i32
      %scan3A_17 = arith.addi %scan3A_15, %scan3A_16 : i32
      %scan3A_18 = arith.constant 1 : i32
      scf.for %scan3A_20 = %scan3A_15 to %scan3A_17 step %scan3A_18  : i32 {
        %mul3A_21 = arith.constant 16 : i32
        %mul3A_22 = arith.muli %scan3A_20, %mul3A_21 : i32
        %get3A = arith.index_cast %scan3A_13 : i32 to index
        %get3A_23 = arith.index_cast %mul3A_22 : i32 to index
        %get3A_24 = tpu.vector_load %arg4[%get3A, %get3A_23] {strides = array<i32>} : memref<80x128xi32, #tpu.memory_space<vmem>>, vector<16xi32>,
        tpu.vector_store_idx %arg5[%get3A_24], %broadcast_in_dim3A_5 {add = true} : memref<10112xf32, #tpu.memory_space<vmem>>[vector<16xi32>], vector<16xf32>,
      }
      %scan3A_19 = arith.constant 8 : i32
    }
    %scan3A_12 = arith.constant 80 : i32
    "tpu.region"() ({
      %run_scoped3A = tpu.sem_alloc : memref<!tpu.dma_semaphore, #tpu.memory_space<semaphore_mem>>
      %dma_start3A = arith.constant 0 : i32
      %dma_start3A_13 = arith.constant 0 : i32
      %dma_start3A_14 = tpu.memref_slice %arg3[%arg0, %dma_start3A, %dma_start3A_13] : memref<2x16x10112xf32, #tpu.memory_space<hbm>> -> memref<1x16x10112xf32, #tpu.memory_space<hbm>>
      %dma_start3A_15 = tpu.memref_squeeze %dma_start3A_14 : memref<1x16x10112xf32, #tpu.memory_space<hbm>> -> memref<16x10112xf32, #tpu.memory_space<hbm>>
      %dma_start3A_16 = arith.constant 0 : i32
      %dma_start3A_17 = tpu.memref_slice %dma_start3A_15[%arg1, %dma_start3A_16] : memref<16x10112xf32, #tpu.memory_space<hbm>> -> memref<1x10112xf32, #tpu.memory_space<hbm>>
      %dma_start3A_18 = tpu.memref_squeeze %dma_start3A_17 : memref<1x10112xf32, #tpu.memory_space<hbm>> -> memref<10112xf32, #tpu.memory_space<hbm>>
      %dma_start3A_19 = arith.constant 0 : i32
      %dma_start3A_20 = arith.constant 0 : i32
      %dma_start3A_21 = tpu.memref_slice %arg3[%arg0, %dma_start3A_19, %dma_start3A_20] : memref<2x16x10112xf32, #tpu.memory_space<hbm>> -> memref<1x16x10112xf32, #tpu.memory_space<hbm>>
      %dma_start3A_22 = tpu.memref_squeeze %dma_start3A_21 : memref<1x16x10112xf32, #tpu.memory_space<hbm>> -> memref<16x10112xf32, #tpu.memory_space<hbm>>
      %dma_start3A_23 = arith.constant 0 : i32
      %dma_start3A_24 = tpu.memref_slice %dma_start3A_22[%arg1, %dma_start3A_23] : memref<16x10112xf32, #tpu.memory_space<hbm>> -> memref<1x10112xf32, #tpu.memory_space<hbm>>
      %dma_start3A_25 = tpu.memref_squeeze %dma_start3A_24 : memref<1x10112xf32, #tpu.memory_space<hbm>> -> memref<10112xf32, #tpu.memory_space<hbm>>
      tpu.enqueue_dma source(%arg5 : memref<10112xf32, #tpu.memory_space<vmem>>) target(%dma_start3A_25 : memref<10112xf32, #tpu.memory_space<hbm>>) target_semaphore(%run_scoped3A : memref<!tpu.dma_semaphore, #tpu.memory_space<semaphore_mem>>)
      %dma_wait3A = arith.constant 0 : i32
      %dma_wait3A_26 = arith.constant 0 : i32
      %dma_wait3A_27 = tpu.memref_slice %arg3[%arg0, %dma_wait3A, %dma_wait3A_26] : memref<2x16x10112xf32, #tpu.memory_space<hbm>> -> memref<1x16x10112xf32, #tpu.memory_space<hbm>>
      %dma_wait3A_28 = tpu.memref_squeeze %dma_wait3A_27 : memref<1x16x10112xf32, #tpu.memory_space<hbm>> -> memref<16x10112xf32, #tpu.memory_space<hbm>>
      %dma_wait3A_29 = arith.constant 0 : i32
      %dma_wait3A_30 = tpu.memref_slice %dma_wait3A_28[%arg1, %dma_wait3A_29] : memref<16x10112xf32, #tpu.memory_space<hbm>> -> memref<1x10112xf32, #tpu.memory_space<hbm>>
      %dma_wait3A_31 = tpu.memref_squeeze %dma_wait3A_30 : memref<1x10112xf32, #tpu.memory_space<hbm>> -> memref<10112xf32, #tpu.memory_space<hbm>>
      %dma_wait3A_32 = arith.constant 0 : i32
      %dma_wait3A_33 = arith.constant 0 : i32
      %dma_wait3A_34 = tpu.memref_slice %arg3[%arg0, %dma_wait3A_32, %dma_wait3A_33] : memref<2x16x10112xf32, #tpu.memory_space<hbm>> -> memref<1x16x10112xf32, #tpu.memory_space<hbm>>
      %dma_wait3A_35 = tpu.memref_squeeze %dma_wait3A_34 : memref<1x16x10112xf32, #tpu.memory_space<hbm>> -> memref<16x10112xf32, #tpu.memory_space<hbm>>
      %dma_wait3A_36 = arith.constant 0 : i32
      %dma_wait3A_37 = tpu.memref_slice %dma_wait3A_35[%arg1, %dma_wait3A_36] : memref<16x10112xf32, #tpu.memory_space<hbm>> -> memref<1x10112xf32, #tpu.memory_space<hbm>>
      %dma_wait3A_38 = tpu.memref_squeeze %dma_wait3A_37 : memref<1x10112xf32, #tpu.memory_space<hbm>> -> memref<10112xf32, #tpu.memory_space<hbm>>
      tpu.wait_dma2 semaphore(%run_scoped3A : memref<!tpu.dma_semaphore, #tpu.memory_space<semaphore_mem>>) src(%arg5 : memref<10112xf32, #tpu.memory_space<vmem>>) dst(%dma_wait3A_38 : memref<10112xf32, #tpu.memory_space<hbm>>)
      tpu.yield
    }) : () -> ()
    return
  }
}

#map = affine_map<(d0, d1) -> (0, 0)>
#map1 = affine_map<(d0, d1) -> (0, 0, 0)>
module attributes {stable_mosaic.version = 14 : i64} {
  func.func @_agg_kernel(%arg0: i32, %arg1: i32, %arg2: memref<10000x128xf32, #tpu.memory_space<hbm>>, %arg3: memref<16x160x128xi32, #tpu.memory_space<hbm>>, %arg4: memref<16x160x128xi32, #tpu.memory_space<hbm>>, %arg5: memref<632x128xf32, #tpu.memory_space<hbm>>, %arg6: memref<2x10112x128xf32, #tpu.memory_space<hbm>>, %arg7: memref<32x128xi32, #tpu.memory_space<vmem>>, %arg8: memref<32x128xi32, #tpu.memory_space<vmem>>, %arg9: memref<2x128x128xf32, #tpu.memory_space<vmem>>, %arg10: memref<10112x128xf32, #tpu.memory_space<vmem_shared>>, %arg11: memref<!tpu.dma_semaphore, #tpu.memory_space<semaphore_mem>>, %arg12: memref<!tpu.dma_semaphore, #tpu.memory_space<semaphore_mem>>) attributes {dimension_semantics = [#tpu.dimension_semantics<core_parallel>, #tpu.dimension_semantics<subcore_parallel>], iteration_bounds = array<i64: 2, 16>, scalar_prefetch = 0 : i64, scratch_operands = 6 : i64, tpu.core_type = #tpu.core_type<sc_vector_subcore>, window_params = [{transform_indices = #map}, {transform_indices = #map1}, {transform_indices = #map1}, {transform_indices = #map}, {transform_indices = #map1}]} {
    %mul3A = arith.constant 632 : i32
    %mul3A_0 = arith.muli %arg1, %mul3A : i32
    "tpu.region"() ({
      %run_scoped3A = tpu.sem_alloc : memref<!tpu.dma_semaphore, #tpu.memory_space<semaphore_mem>>
      %dma_start3A = arith.constant 0 : i32
      %dma_start3A_13 = tpu.memref_slice %arg10[%mul3A_0, %dma_start3A] : memref<10112x128xf32, #tpu.memory_space<vmem_shared>> -> memref<632x128xf32, #tpu.memory_space<vmem_shared>>
      tpu.enqueue_dma source(%arg5 : memref<632x128xf32, #tpu.memory_space<hbm>>) target(%dma_start3A_13 : memref<632x128xf32, #tpu.memory_space<vmem_shared>>) target_semaphore(%run_scoped3A : memref<!tpu.dma_semaphore, #tpu.memory_space<semaphore_mem>>)
      %dma_wait3A = arith.constant 0 : i32
      %dma_wait3A_14 = tpu.memref_slice %arg10[%mul3A_0, %dma_wait3A] : memref<10112x128xf32, #tpu.memory_space<vmem_shared>> -> memref<632x128xf32, #tpu.memory_space<vmem_shared>>
      tpu.wait_dma2 semaphore(%run_scoped3A : memref<!tpu.dma_semaphore, #tpu.memory_space<semaphore_mem>>) src(%arg5 : memref<632x128xf32, #tpu.memory_space<hbm>>) dst(%dma_wait3A_14 : memref<632x128xf32, #tpu.memory_space<vmem_shared>>)
      tpu.yield
    }) : () -> ()
    %barrier3A = arith.constant 0 : index
    tpu.barrier barrier_id(%barrier3A)
    %eq3A = arith.constant 0 : i32
    %eq3A_1 = arith.cmpi eq, %arg0, %eq3A : i32
    %convert_element_type3A = arith.extui %eq3A_1 : i1 to i32
    %cond3A = arith.constant 0 : i32
    %cond3A_2 = arith.cmpi ne, %convert_element_type3A, %cond3A : i32
    scf.if %cond3A_2 {
      "tpu.region"() ({
        %run_scoped3A_241 = tpu.sem_alloc : memref<!tpu.dma_semaphore, #tpu.memory_space<semaphore_mem>>
        %dma_start3A_242 = arith.constant 0 : i32
        %dma_start3A_243 = arith.constant 0 : i32
        %dma_start3A_244 = tpu.memref_slice %arg7[%dma_start3A_242, %dma_start3A_243] : memref<32x128xi32, #tpu.memory_space<vmem>> -> memref<32x128xi32, #tpu.memory_space<vmem>>
        %dma_start3A_245 = arith.constant 0 : i32
        %dma_start3A_246 = arith.constant 0 : i32
        %dma_start3A_247 = tpu.memref_slice %arg3[%arg1, %dma_start3A_245, %dma_start3A_246] : memref<16x160x128xi32, #tpu.memory_space<hbm>> -> memref<1x160x128xi32, #tpu.memory_space<hbm>>
        %dma_start3A_248 = tpu.memref_squeeze %dma_start3A_247 : memref<1x160x128xi32, #tpu.memory_space<hbm>> -> memref<160x128xi32, #tpu.memory_space<hbm>>
        %dma_start3A_249 = arith.constant 0 : i32
        %dma_start3A_250 = arith.constant 0 : i32
        %dma_start3A_251 = tpu.memref_slice %dma_start3A_248[%dma_start3A_249, %dma_start3A_250] : memref<160x128xi32, #tpu.memory_space<hbm>> -> memref<32x128xi32, #tpu.memory_space<hbm>>
        %dma_start3A_252 = arith.constant 0 : i32
        %dma_start3A_253 = arith.constant 0 : i32
        %dma_start3A_254 = tpu.memref_slice %arg7[%dma_start3A_252, %dma_start3A_253] : memref<32x128xi32, #tpu.memory_space<vmem>> -> memref<32x128xi32, #tpu.memory_space<vmem>>
        %dma_start3A_255 = arith.constant 0 : i32
        %dma_start3A_256 = arith.constant 0 : i32
        %dma_start3A_257 = tpu.memref_slice %arg3[%arg1, %dma_start3A_255, %dma_start3A_256] : memref<16x160x128xi32, #tpu.memory_space<hbm>> -> memref<1x160x128xi32, #tpu.memory_space<hbm>>
        %dma_start3A_258 = tpu.memref_squeeze %dma_start3A_257 : memref<1x160x128xi32, #tpu.memory_space<hbm>> -> memref<160x128xi32, #tpu.memory_space<hbm>>
        %dma_start3A_259 = arith.constant 0 : i32
        %dma_start3A_260 = arith.constant 0 : i32
        %dma_start3A_261 = tpu.memref_slice %dma_start3A_258[%dma_start3A_259, %dma_start3A_260] : memref<160x128xi32, #tpu.memory_space<hbm>> -> memref<32x128xi32, #tpu.memory_space<hbm>>
        tpu.enqueue_dma source(%dma_start3A_261 : memref<32x128xi32, #tpu.memory_space<hbm>>) target(%dma_start3A_254 : memref<32x128xi32, #tpu.memory_space<vmem>>) target_semaphore(%run_scoped3A_241 : memref<!tpu.dma_semaphore, #tpu.memory_space<semaphore_mem>>)
        %dma_wait3A_262 = arith.constant 0 : i32
        %dma_wait3A_263 = arith.constant 0 : i32
        %dma_wait3A_264 = tpu.memref_slice %arg7[%dma_wait3A_262, %dma_wait3A_263] : memref<32x128xi32, #tpu.memory_space<vmem>> -> memref<32x128xi32, #tpu.memory_space<vmem>>
        %dma_wait3A_265 = arith.constant 0 : i32
        %dma_wait3A_266 = arith.constant 0 : i32
        %dma_wait3A_267 = tpu.memref_slice %arg3[%arg1, %dma_wait3A_265, %dma_wait3A_266] : memref<16x160x128xi32, #tpu.memory_space<hbm>> -> memref<1x160x128xi32, #tpu.memory_space<hbm>>
        %dma_wait3A_268 = tpu.memref_squeeze %dma_wait3A_267 : memref<1x160x128xi32, #tpu.memory_space<hbm>> -> memref<160x128xi32, #tpu.memory_space<hbm>>
        %dma_wait3A_269 = arith.constant 0 : i32
        %dma_wait3A_270 = arith.constant 0 : i32
        %dma_wait3A_271 = tpu.memref_slice %dma_wait3A_268[%dma_wait3A_269, %dma_wait3A_270] : memref<160x128xi32, #tpu.memory_space<hbm>> -> memref<32x128xi32, #tpu.memory_space<hbm>>
        %dma_wait3A_272 = arith.constant 0 : i32
        %dma_wait3A_273 = arith.constant 0 : i32
        %dma_wait3A_274 = tpu.memref_slice %arg7[%dma_wait3A_272, %dma_wait3A_273] : memref<32x128xi32, #tpu.memory_space<vmem>> -> memref<32x128xi32, #tpu.memory_space<vmem>>
        %dma_wait3A_275 = arith.constant 0 : i32
        %dma_wait3A_276 = arith.constant 0 : i32
        %dma_wait3A_277 = tpu.memref_slice %arg3[%arg1, %dma_wait3A_275, %dma_wait3A_276] : memref<16x160x128xi32, #tpu.memory_space<hbm>> -> memref<1x160x128xi32, #tpu.memory_space<hbm>>
        %dma_wait3A_278 = tpu.memref_squeeze %dma_wait3A_277 : memref<1x160x128xi32, #tpu.memory_space<hbm>> -> memref<160x128xi32, #tpu.memory_space<hbm>>
        %dma_wait3A_279 = arith.constant 0 : i32
        %dma_wait3A_280 = arith.constant 0 : i32
        %dma_wait3A_281 = tpu.memref_slice %dma_wait3A_278[%dma_wait3A_279, %dma_wait3A_280] : memref<160x128xi32, #tpu.memory_space<hbm>> -> memref<32x128xi32, #tpu.memory_space<hbm>>
        tpu.wait_dma2 semaphore(%run_scoped3A_241 : memref<!tpu.dma_semaphore, #tpu.memory_space<semaphore_mem>>) src(%dma_wait3A_281 : memref<32x128xi32, #tpu.memory_space<hbm>>) dst(%dma_wait3A_274 : memref<32x128xi32, #tpu.memory_space<vmem>>)
        tpu.yield
      }) : () -> ()
      "tpu.region"() ({
        %run_scoped3A_241 = tpu.sem_alloc : memref<!tpu.dma_semaphore, #tpu.memory_space<semaphore_mem>>
        %dma_start3A_242 = arith.constant 0 : i32
        %dma_start3A_243 = arith.constant 0 : i32
        %dma_start3A_244 = tpu.memref_slice %arg8[%dma_start3A_242, %dma_start3A_243] : memref<32x128xi32, #tpu.memory_space<vmem>> -> memref<32x128xi32, #tpu.memory_space<vmem>>
        %dma_start3A_245 = arith.constant 0 : i32
        %dma_start3A_246 = arith.constant 0 : i32
        %dma_start3A_247 = tpu.memref_slice %arg4[%arg1, %dma_start3A_245, %dma_start3A_246] : memref<16x160x128xi32, #tpu.memory_space<hbm>> -> memref<1x160x128xi32, #tpu.memory_space<hbm>>
        %dma_start3A_248 = tpu.memref_squeeze %dma_start3A_247 : memref<1x160x128xi32, #tpu.memory_space<hbm>> -> memref<160x128xi32, #tpu.memory_space<hbm>>
        %dma_start3A_249 = arith.constant 0 : i32
        %dma_start3A_250 = arith.constant 0 : i32
        %dma_start3A_251 = tpu.memref_slice %dma_start3A_248[%dma_start3A_249, %dma_start3A_250] : memref<160x128xi32, #tpu.memory_space<hbm>> -> memref<32x128xi32, #tpu.memory_space<hbm>>
        %dma_start3A_252 = arith.constant 0 : i32
        %dma_start3A_253 = arith.constant 0 : i32
        %dma_start3A_254 = tpu.memref_slice %arg8[%dma_start3A_252, %dma_start3A_253] : memref<32x128xi32, #tpu.memory_space<vmem>> -> memref<32x128xi32, #tpu.memory_space<vmem>>
        %dma_start3A_255 = arith.constant 0 : i32
        %dma_start3A_256 = arith.constant 0 : i32
        %dma_start3A_257 = tpu.memref_slice %arg4[%arg1, %dma_start3A_255, %dma_start3A_256] : memref<16x160x128xi32, #tpu.memory_space<hbm>> -> memref<1x160x128xi32, #tpu.memory_space<hbm>>
        %dma_start3A_258 = tpu.memref_squeeze %dma_start3A_257 : memref<1x160x128xi32, #tpu.memory_space<hbm>> -> memref<160x128xi32, #tpu.memory_space<hbm>>
        %dma_start3A_259 = arith.constant 0 : i32
        %dma_start3A_260 = arith.constant 0 : i32
        %dma_start3A_261 = tpu.memref_slice %dma_start3A_258[%dma_start3A_259, %dma_start3A_260] : memref<160x128xi32, #tpu.memory_space<hbm>> -> memref<32x128xi32, #tpu.memory_space<hbm>>
        tpu.enqueue_dma source(%dma_start3A_261 : memref<32x128xi32, #tpu.memory_space<hbm>>) target(%dma_start3A_254 : memref<32x128xi32, #tpu.memory_space<vmem>>) target_semaphore(%run_scoped3A_241 : memref<!tpu.dma_semaphore, #tpu.memory_space<semaphore_mem>>)
        %dma_wait3A_262 = arith.constant 0 : i32
        %dma_wait3A_263 = arith.constant 0 : i32
        %dma_wait3A_264 = tpu.memref_slice %arg8[%dma_wait3A_262, %dma_wait3A_263] : memref<32x128xi32, #tpu.memory_space<vmem>> -> memref<32x128xi32, #tpu.memory_space<vmem>>
        %dma_wait3A_265 = arith.constant 0 : i32
        %dma_wait3A_266 = arith.constant 0 : i32
        %dma_wait3A_267 = tpu.memref_slice %arg4[%arg1, %dma_wait3A_265, %dma_wait3A_266] : memref<16x160x128xi32, #tpu.memory_space<hbm>> -> memref<1x160x128xi32, #tpu.memory_space<hbm>>
        %dma_wait3A_268 = tpu.memref_squeeze %dma_wait3A_267 : memref<1x160x128xi32, #tpu.memory_space<hbm>> -> memref<160x128xi32, #tpu.memory_space<hbm>>
        %dma_wait3A_269 = arith.constant 0 : i32
        %dma_wait3A_270 = arith.constant 0 : i32
        %dma_wait3A_271 = tpu.memref_slice %dma_wait3A_268[%dma_wait3A_269, %dma_wait3A_270] : memref<160x128xi32, #tpu.memory_space<hbm>> -> memref<32x128xi32, #tpu.memory_space<hbm>>
        %dma_wait3A_272 = arith.constant 0 : i32
        %dma_wait3A_273 = arith.constant 0 : i32
        %dma_wait3A_274 = tpu.memref_slice %arg8[%dma_wait3A_272, %dma_wait3A_273] : memref<32x128xi32, #tpu.memory_space<vmem>> -> memref<32x128xi32, #tpu.memory_space<vmem>>
        %dma_wait3A_275 = arith.constant 0 : i32
        %dma_wait3A_276 = arith.constant 0 : i32
        %dma_wait3A_277 = tpu.memref_slice %arg4[%arg1, %dma_wait3A_275, %dma_wait3A_276] : memref<16x160x128xi32, #tpu.memory_space<hbm>> -> memref<1x160x128xi32, #tpu.memory_space<hbm>>
        %dma_wait3A_278 = tpu.memref_squeeze %dma_wait3A_277 : memref<1x160x128xi32, #tpu.memory_space<hbm>> -> memref<160x128xi32, #tpu.memory_space<hbm>>
        %dma_wait3A_279 = arith.constant 0 : i32
        %dma_wait3A_280 = arith.constant 0 : i32
        %dma_wait3A_281 = tpu.memref_slice %dma_wait3A_278[%dma_wait3A_279, %dma_wait3A_280] : memref<160x128xi32, #tpu.memory_space<hbm>> -> memref<32x128xi32, #tpu.memory_space<hbm>>
        tpu.wait_dma2 semaphore(%run_scoped3A_241 : memref<!tpu.dma_semaphore, #tpu.memory_space<semaphore_mem>>) src(%dma_wait3A_281 : memref<32x128xi32, #tpu.memory_space<hbm>>) dst(%dma_wait3A_274 : memref<32x128xi32, #tpu.memory_space<vmem>>)
        tpu.yield
      }) : () -> ()
      %dma_start3A = arith.constant 0 : i32
      %dma_start3A_13 = arith.constant 0 : i32
      %dma_start3A_14 = arith.constant 0 : i32
      %dma_start3A_15 = arith.constant 0 : i32
      %dma_start3A_16 = tpu.memref_slice %arg9[%dma_start3A_13, %dma_start3A_14, %dma_start3A_15] : memref<2x128x128xf32, #tpu.memory_space<vmem>> -> memref<1x128x128xf32, #tpu.memory_space<vmem>>
      %dma_start3A_17 = tpu.memref_squeeze %dma_start3A_16 : memref<1x128x128xf32, #tpu.memory_space<vmem>> -> memref<128x128xf32, #tpu.memory_space<vmem>>
      %dma_start3A_18 = arith.constant 0 : i32
      %dma_start3A_19 = tpu.memref_slice %arg7[%dma_start3A, %dma_start3A_18] : memref<32x128xi32, #tpu.memory_space<vmem>> -> memref<1x128xi32, #tpu.memory_space<vmem>>
      %dma_start3A_20 = tpu.memref_squeeze %dma_start3A_19 : memref<1x128xi32, #tpu.memory_space<vmem>> -> memref<128xi32, #tpu.memory_space<vmem>>
      %dma_start3A_21 = arith.constant 0 : i32
      %dma_start3A_22 = arith.constant 0 : i32
      %dma_start3A_23 = tpu.memref_slice %arg2[%dma_start3A_21, %dma_start3A_22] : memref<10000x128xf32, #tpu.memory_space<hbm>> -> memref<10000x128xf32, #tpu.memory_space<hbm>>
      tpu.enqueue_indirect_dma source(%dma_start3A_23 : memref<10000x128xf32, #tpu.memory_space<hbm>>) target(%dma_start3A_17 : memref<128x128xf32, #tpu.memory_space<vmem>>) offsets(%dma_start3A_20 : memref<128xi32, #tpu.memory_space<vmem>>) semaphore(%arg11 : memref<!tpu.dma_semaphore, #tpu.memory_space<semaphore_mem>>)
      %dma_start3A_24 = arith.constant 1 : i32
      %dma_start3A_25 = arith.constant 1 : i32
      %dma_start3A_26 = arith.constant 0 : i32
      %dma_start3A_27 = arith.constant 0 : i32
      %dma_start3A_28 = tpu.memref_slice %arg9[%dma_start3A_25, %dma_start3A_26, %dma_start3A_27] : memref<2x128x128xf32, #tpu.memory_space<vmem>> -> memref<1x128x128xf32, #tpu.memory_space<vmem>>
      %dma_start3A_29 = tpu.memref_squeeze %dma_start3A_28 : memref<1x128x128xf32, #tpu.memory_space<vmem>> -> memref<128x128xf32, #tpu.memory_space<vmem>>
      %dma_start3A_30 = arith.constant 0 : i32
      %dma_start3A_31 = tpu.memref_slice %arg7[%dma_start3A_24, %dma_start3A_30] : memref<32x128xi32, #tpu.memory_space<vmem>> -> memref<1x128xi32, #tpu.memory_space<vmem>>
      %dma_start3A_32 = tpu.memref_squeeze %dma_start3A_31 : memref<1x128xi32, #tpu.memory_space<vmem>> -> memref<128xi32, #tpu.memory_space<vmem>>
      %dma_start3A_33 = arith.constant 0 : i32
      %dma_start3A_34 = arith.constant 0 : i32
      %dma_start3A_35 = tpu.memref_slice %arg2[%dma_start3A_33, %dma_start3A_34] : memref<10000x128xf32, #tpu.memory_space<hbm>> -> memref<10000x128xf32, #tpu.memory_space<hbm>>
      tpu.enqueue_indirect_dma source(%dma_start3A_35 : memref<10000x128xf32, #tpu.memory_space<hbm>>) target(%dma_start3A_29 : memref<128x128xf32, #tpu.memory_space<vmem>>) offsets(%dma_start3A_32 : memref<128xi32, #tpu.memory_space<vmem>>) semaphore(%arg12 : memref<!tpu.dma_semaphore, #tpu.memory_space<semaphore_mem>>)
      %scan3A = arith.constant 0 : i32
      %scan3A_36 = arith.constant 0 : i32
      %scan3A_37 = arith.constant 15 : i32
      %scan3A_38 = arith.addi %scan3A_36, %scan3A_37 : i32
      %scan3A_39 = arith.constant 1 : i32
      scf.for %scan3A_241 = %scan3A_36 to %scan3A_38 step %scan3A_39  : i32 {
        %mul3A_242 = arith.constant 2 : i32
        %mul3A_243 = arith.muli %mul3A_242, %scan3A_241 : i32
        %dma_wait3A_244 = arith.constant 0 : i32
        %dma_wait3A_245 = arith.constant 0 : i32
        %dma_wait3A_246 = arith.constant 0 : i32
        %dma_wait3A_247 = tpu.memref_slice %arg9[%dma_wait3A_244, %dma_wait3A_245, %dma_wait3A_246] : memref<2x128x128xf32, #tpu.memory_space<vmem>> -> memref<1x128x128xf32, #tpu.memory_space<vmem>>
        %dma_wait3A_248 = tpu.memref_squeeze %dma_wait3A_247 : memref<1x128x128xf32, #tpu.memory_space<vmem>> -> memref<128x128xf32, #tpu.memory_space<vmem>>
        %dma_wait3A_249 = arith.constant 0 : i32
        %dma_wait3A_250 = tpu.memref_slice %arg7[%mul3A_243, %dma_wait3A_249] : memref<32x128xi32, #tpu.memory_space<vmem>> -> memref<1x128xi32, #tpu.memory_space<vmem>>
        %dma_wait3A_251 = tpu.memref_squeeze %dma_wait3A_250 : memref<1x128xi32, #tpu.memory_space<vmem>> -> memref<128xi32, #tpu.memory_space<vmem>>
        %dma_wait3A_252 = arith.constant 0 : i32
        %dma_wait3A_253 = arith.constant 0 : i32
        %dma_wait3A_254 = tpu.memref_slice %arg2[%dma_wait3A_252, %dma_wait3A_253] : memref<10000x128xf32, #tpu.memory_space<hbm>> -> memref<10000x128xf32, #tpu.memory_space<hbm>>
        tpu.wait_indirect_dma semaphore(%arg11 : memref<!tpu.dma_semaphore, #tpu.memory_space<semaphore_mem>>) src(%dma_wait3A_254 : memref<10000x128xf32, #tpu.memory_space<hbm>>) dst(%dma_wait3A_248 : memref<128x128xf32, #tpu.memory_space<vmem>>)
        %run_scoped3A_255 = arith.constant 0 : i32
        "tpu.region"() ({
          %run_scoped3A_297 = tpu.sem_alloc : memref<!tpu.dma_semaphore, #tpu.memory_space<semaphore_mem>>
          %dma_start3A_298 = arith.constant 0 : i32
          %dma_start3A_299 = arith.constant 0 : i32
          %dma_start3A_300 = tpu.memref_slice %arg9[%run_scoped3A_255, %dma_start3A_298, %dma_start3A_299] : memref<2x128x128xf32, #tpu.memory_space<vmem>> -> memref<1x128x128xf32, #tpu.memory_space<vmem>>
          %dma_start3A_301 = tpu.memref_squeeze %dma_start3A_300 : memref<1x128x128xf32, #tpu.memory_space<vmem>> -> memref<128x128xf32, #tpu.memory_space<vmem>>
          %dma_start3A_302 = arith.constant 0 : i32
          %dma_start3A_303 = tpu.memref_slice %arg8[%mul3A_243, %dma_start3A_302] : memref<32x128xi32, #tpu.memory_space<vmem>> -> memref<1x128xi32, #tpu.memory_space<vmem>>
          %dma_start3A_304 = tpu.memref_squeeze %dma_start3A_303 : memref<1x128xi32, #tpu.memory_space<vmem>> -> memref<128xi32, #tpu.memory_space<vmem>>
          %dma_start3A_305 = arith.constant 0 : i32
          %dma_start3A_306 = arith.constant 0 : i32
          %dma_start3A_307 = tpu.memref_slice %arg10[%dma_start3A_305, %dma_start3A_306] : memref<10112x128xf32, #tpu.memory_space<vmem_shared>> -> memref<10112x128xf32, #tpu.memory_space<vmem_shared>>
          tpu.enqueue_indirect_dma source(%dma_start3A_301 : memref<128x128xf32, #tpu.memory_space<vmem>>) target(%dma_start3A_307 : memref<10112x128xf32, #tpu.memory_space<vmem_shared>>) offsets(%dma_start3A_304 : memref<128xi32, #tpu.memory_space<vmem>>) semaphore(%run_scoped3A_297 : memref<!tpu.dma_semaphore, #tpu.memory_space<semaphore_mem>>) {add = true}
          %dma_wait3A_308 = arith.constant 0 : i32
          %dma_wait3A_309 = arith.constant 0 : i32
          %dma_wait3A_310 = tpu.memref_slice %arg9[%run_scoped3A_255, %dma_wait3A_308, %dma_wait3A_309] : memref<2x128x128xf32, #tpu.memory_space<vmem>> -> memref<1x128x128xf32, #tpu.memory_space<vmem>>
          %dma_wait3A_311 = tpu.memref_squeeze %dma_wait3A_310 : memref<1x128x128xf32, #tpu.memory_space<vmem>> -> memref<128x128xf32, #tpu.memory_space<vmem>>
          %dma_wait3A_312 = arith.constant 0 : i32
          %dma_wait3A_313 = tpu.memref_slice %arg8[%mul3A_243, %dma_wait3A_312] : memref<32x128xi32, #tpu.memory_space<vmem>> -> memref<1x128xi32, #tpu.memory_space<vmem>>
          %dma_wait3A_314 = tpu.memref_squeeze %dma_wait3A_313 : memref<1x128xi32, #tpu.memory_space<vmem>> -> memref<128xi32, #tpu.memory_space<vmem>>
          %dma_wait3A_315 = arith.constant 0 : i32
          %dma_wait3A_316 = arith.constant 0 : i32
          %dma_wait3A_317 = tpu.memref_slice %arg10[%dma_wait3A_315, %dma_wait3A_316] : memref<10112x128xf32, #tpu.memory_space<vmem_shared>> -> memref<10112x128xf32, #tpu.memory_space<vmem_shared>>
          tpu.wait_indirect_dma semaphore(%run_scoped3A_297 : memref<!tpu.dma_semaphore, #tpu.memory_space<semaphore_mem>>) src(%dma_wait3A_311 : memref<128x128xf32, #tpu.memory_space<vmem>>) dst(%dma_wait3A_317 : memref<10112x128xf32, #tpu.memory_space<vmem_shared>>)
          tpu.yield
        }) : () -> ()
        %add3A = arith.constant 2 : i32
        %add3A_256 = arith.addi %mul3A_243, %add3A : i32
        %dma_start3A_257 = arith.constant 0 : i32
        %dma_start3A_258 = arith.constant 0 : i32
        %dma_start3A_259 = arith.constant 0 : i32
        %dma_start3A_260 = tpu.memref_slice %arg9[%dma_start3A_257, %dma_start3A_258, %dma_start3A_259] : memref<2x128x128xf32, #tpu.memory_space<vmem>> -> memref<1x128x128xf32, #tpu.memory_space<vmem>>
        %dma_start3A_261 = tpu.memref_squeeze %dma_start3A_260 : memref<1x128x128xf32, #tpu.memory_space<vmem>> -> memref<128x128xf32, #tpu.memory_space<vmem>>
        %dma_start3A_262 = arith.constant 0 : i32
        %dma_start3A_263 = tpu.memref_slice %arg7[%add3A_256, %dma_start3A_262] : memref<32x128xi32, #tpu.memory_space<vmem>> -> memref<1x128xi32, #tpu.memory_space<vmem>>
        %dma_start3A_264 = tpu.memref_squeeze %dma_start3A_263 : memref<1x128xi32, #tpu.memory_space<vmem>> -> memref<128xi32, #tpu.memory_space<vmem>>
        %dma_start3A_265 = arith.constant 0 : i32
        %dma_start3A_266 = arith.constant 0 : i32
        %dma_start3A_267 = tpu.memref_slice %arg2[%dma_start3A_265, %dma_start3A_266] : memref<10000x128xf32, #tpu.memory_space<hbm>> -> memref<10000x128xf32, #tpu.memory_space<hbm>>
        tpu.enqueue_indirect_dma source(%dma_start3A_267 : memref<10000x128xf32, #tpu.memory_space<hbm>>) target(%dma_start3A_261 : memref<128x128xf32, #tpu.memory_space<vmem>>) offsets(%dma_start3A_264 : memref<128xi32, #tpu.memory_space<vmem>>) semaphore(%arg11 : memref<!tpu.dma_semaphore, #tpu.memory_space<semaphore_mem>>)
        %add3A_268 = arith.constant 1 : i32
        %add3A_269 = arith.addi %mul3A_243, %add3A_268 : i32
        %dma_wait3A_270 = arith.constant 1 : i32
        %dma_wait3A_271 = arith.constant 0 : i32
        %dma_wait3A_272 = arith.constant 0 : i32
        %dma_wait3A_273 = tpu.memref_slice %arg9[%dma_wait3A_270, %dma_wait3A_271, %dma_wait3A_272] : memref<2x128x128xf32, #tpu.memory_space<vmem>> -> memref<1x128x128xf32, #tpu.memory_space<vmem>>
        %dma_wait3A_274 = tpu.memref_squeeze %dma_wait3A_273 : memref<1x128x128xf32, #tpu.memory_space<vmem>> -> memref<128x128xf32, #tpu.memory_space<vmem>>
        %dma_wait3A_275 = arith.constant 0 : i32
        %dma_wait3A_276 = tpu.memref_slice %arg7[%add3A_269, %dma_wait3A_275] : memref<32x128xi32, #tpu.memory_space<vmem>> -> memref<1x128xi32, #tpu.memory_space<vmem>>
        %dma_wait3A_277 = tpu.memref_squeeze %dma_wait3A_276 : memref<1x128xi32, #tpu.memory_space<vmem>> -> memref<128xi32, #tpu.memory_space<vmem>>
        %dma_wait3A_278 = arith.constant 0 : i32
        %dma_wait3A_279 = arith.constant 0 : i32
        %dma_wait3A_280 = tpu.memref_slice %arg2[%dma_wait3A_278, %dma_wait3A_279] : memref<10000x128xf32, #tpu.memory_space<hbm>> -> memref<10000x128xf32, #tpu.memory_space<hbm>>
        tpu.wait_indirect_dma semaphore(%arg12 : memref<!tpu.dma_semaphore, #tpu.memory_space<semaphore_mem>>) src(%dma_wait3A_280 : memref<10000x128xf32, #tpu.memory_space<hbm>>) dst(%dma_wait3A_274 : memref<128x128xf32, #tpu.memory_space<vmem>>)
        %add3A_281 = arith.constant 1 : i32
        %add3A_282 = arith.addi %mul3A_243, %add3A_281 : i32
        %run_scoped3A_283 = arith.constant 1 : i32
        "tpu.region"() ({
          %run_scoped3A_297 = tpu.sem_alloc : memref<!tpu.dma_semaphore, #tpu.memory_space<semaphore_mem>>
          %dma_start3A_298 = arith.constant 0 : i32
          %dma_start3A_299 = arith.constant 0 : i32
          %dma_start3A_300 = tpu.memref_slice %arg9[%run_scoped3A_283, %dma_start3A_298, %dma_start3A_299] : memref<2x128x128xf32, #tpu.memory_space<vmem>> -> memref<1x128x128xf32, #tpu.memory_space<vmem>>
          %dma_start3A_301 = tpu.memref_squeeze %dma_start3A_300 : memref<1x128x128xf32, #tpu.memory_space<vmem>> -> memref<128x128xf32, #tpu.memory_space<vmem>>
          %dma_start3A_302 = arith.constant 0 : i32
          %dma_start3A_303 = tpu.memref_slice %arg8[%add3A_282, %dma_start3A_302] : memref<32x128xi32, #tpu.memory_space<vmem>> -> memref<1x128xi32, #tpu.memory_space<vmem>>
          %dma_start3A_304 = tpu.memref_squeeze %dma_start3A_303 : memref<1x128xi32, #tpu.memory_space<vmem>> -> memref<128xi32, #tpu.memory_space<vmem>>
          %dma_start3A_305 = arith.constant 0 : i32
          %dma_start3A_306 = arith.constant 0 : i32
          %dma_start3A_307 = tpu.memref_slice %arg10[%dma_start3A_305, %dma_start3A_306] : memref<10112x128xf32, #tpu.memory_space<vmem_shared>> -> memref<10112x128xf32, #tpu.memory_space<vmem_shared>>
          tpu.enqueue_indirect_dma source(%dma_start3A_301 : memref<128x128xf32, #tpu.memory_space<vmem>>) target(%dma_start3A_307 : memref<10112x128xf32, #tpu.memory_space<vmem_shared>>) offsets(%dma_start3A_304 : memref<128xi32, #tpu.memory_space<vmem>>) semaphore(%run_scoped3A_297 : memref<!tpu.dma_semaphore, #tpu.memory_space<semaphore_mem>>) {add = true}
          %dma_wait3A_308 = arith.constant 0 : i32
          %dma_wait3A_309 = arith.constant 0 : i32
          %dma_wait3A_310 = tpu.memref_slice %arg9[%run_scoped3A_283, %dma_wait3A_308, %dma_wait3A_309] : memref<2x128x128xf32, #tpu.memory_space<vmem>> -> memref<1x128x128xf32, #tpu.memory_space<vmem>>
          %dma_wait3A_311 = tpu.memref_squeeze %dma_wait3A_310 : memref<1x128x128xf32, #tpu.memory_space<vmem>> -> memref<128x128xf32, #tpu.memory_space<vmem>>
          %dma_wait3A_312 = arith.constant 0 : i32
          %dma_wait3A_313 = tpu.memref_slice %arg8[%add3A_282, %dma_wait3A_312] : memref<32x128xi32, #tpu.memory_space<vmem>> -> memref<1x128xi32, #tpu.memory_space<vmem>>
          %dma_wait3A_314 = tpu.memref_squeeze %dma_wait3A_313 : memref<1x128xi32, #tpu.memory_space<vmem>> -> memref<128xi32, #tpu.memory_space<vmem>>
          %dma_wait3A_315 = arith.constant 0 : i32
          %dma_wait3A_316 = arith.constant 0 : i32
          %dma_wait3A_317 = tpu.memref_slice %arg10[%dma_wait3A_315, %dma_wait3A_316] : memref<10112x128xf32, #tpu.memory_space<vmem_shared>> -> memref<10112x128xf32, #tpu.memory_space<vmem_shared>>
          tpu.wait_indirect_dma semaphore(%run_scoped3A_297 : memref<!tpu.dma_semaphore, #tpu.memory_space<semaphore_mem>>) src(%dma_wait3A_311 : memref<128x128xf32, #tpu.memory_space<vmem>>) dst(%dma_wait3A_317 : memref<10112x128xf32, #tpu.memory_space<vmem_shared>>)
          tpu.yield
        }) : () -> ()
        %add3A_284 = arith.constant 3 : i32
        %add3A_285 = arith.addi %mul3A_243, %add3A_284 : i32
        %dma_start3A_286 = arith.constant 1 : i32
        %dma_start3A_287 = arith.constant 0 : i32
        %dma_start3A_288 = arith.constant 0 : i32
        %dma_start3A_289 = tpu.memref_slice %arg9[%dma_start3A_286, %dma_start3A_287, %dma_start3A_288] : memref<2x128x128xf32, #tpu.memory_space<vmem>> -> memref<1x128x128xf32, #tpu.memory_space<vmem>>
        %dma_start3A_290 = tpu.memref_squeeze %dma_start3A_289 : memref<1x128x128xf32, #tpu.memory_space<vmem>> -> memref<128x128xf32, #tpu.memory_space<vmem>>
        %dma_start3A_291 = arith.constant 0 : i32
        %dma_start3A_292 = tpu.memref_slice %arg7[%add3A_285, %dma_start3A_291] : memref<32x128xi32, #tpu.memory_space<vmem>> -> memref<1x128xi32, #tpu.memory_space<vmem>>
        %dma_start3A_293 = tpu.memref_squeeze %dma_start3A_292 : memref<1x128xi32, #tpu.memory_space<vmem>> -> memref<128xi32, #tpu.memory_space<vmem>>
        %dma_start3A_294 = arith.constant 0 : i32
        %dma_start3A_295 = arith.constant 0 : i32
        %dma_start3A_296 = tpu.memref_slice %arg2[%dma_start3A_294, %dma_start3A_295] : memref<10000x128xf32, #tpu.memory_space<hbm>> -> memref<10000x128xf32, #tpu.memory_space<hbm>>
        tpu.enqueue_indirect_dma source(%dma_start3A_296 : memref<10000x128xf32, #tpu.memory_space<hbm>>) target(%dma_start3A_290 : memref<128x128xf32, #tpu.memory_space<vmem>>) offsets(%dma_start3A_293 : memref<128xi32, #tpu.memory_space<vmem>>) semaphore(%arg12 : memref<!tpu.dma_semaphore, #tpu.memory_space<semaphore_mem>>)
      }
      %scan3A_40 = arith.constant 15 : i32
      %dma_wait3A = arith.constant 30 : i32
      %dma_wait3A_41 = arith.constant 0 : i32
      %dma_wait3A_42 = arith.constant 0 : i32
      %dma_wait3A_43 = arith.constant 0 : i32
      %dma_wait3A_44 = tpu.memref_slice %arg9[%dma_wait3A_41, %dma_wait3A_42, %dma_wait3A_43] : memref<2x128x128xf32, #tpu.memory_space<vmem>> -> memref<1x128x128xf32, #tpu.memory_space<vmem>>
      %dma_wait3A_45 = tpu.memref_squeeze %dma_wait3A_44 : memref<1x128x128xf32, #tpu.memory_space<vmem>> -> memref<128x128xf32, #tpu.memory_space<vmem>>
      %dma_wait3A_46 = arith.constant 0 : i32
      %dma_wait3A_47 = tpu.memref_slice %arg7[%dma_wait3A, %dma_wait3A_46] : memref<32x128xi32, #tpu.memory_space<vmem>> -> memref<1x128xi32, #tpu.memory_space<vmem>>
      %dma_wait3A_48 = tpu.memref_squeeze %dma_wait3A_47 : memref<1x128xi32, #tpu.memory_space<vmem>> -> memref<128xi32, #tpu.memory_space<vmem>>
      %dma_wait3A_49 = arith.constant 0 : i32
      %dma_wait3A_50 = arith.constant 0 : i32
      %dma_wait3A_51 = tpu.memref_slice %arg2[%dma_wait3A_49, %dma_wait3A_50] : memref<10000x128xf32, #tpu.memory_space<hbm>> -> memref<10000x128xf32, #tpu.memory_space<hbm>>
      tpu.wait_indirect_dma semaphore(%arg11 : memref<!tpu.dma_semaphore, #tpu.memory_space<semaphore_mem>>) src(%dma_wait3A_51 : memref<10000x128xf32, #tpu.memory_space<hbm>>) dst(%dma_wait3A_45 : memref<128x128xf32, #tpu.memory_space<vmem>>)
      %run_scoped3A = arith.constant 0 : i32
      %run_scoped3A_52 = arith.constant 30 : i32
      "tpu.region"() ({
        %run_scoped3A_241 = tpu.sem_alloc : memref<!tpu.dma_semaphore, #tpu.memory_space<semaphore_mem>>
        %dma_start3A_242 = arith.constant 0 : i32
        %dma_start3A_243 = arith.constant 0 : i32
        %dma_start3A_244 = tpu.memref_slice %arg9[%run_scoped3A, %dma_start3A_242, %dma_start3A_243] : memref<2x128x128xf32, #tpu.memory_space<vmem>> -> memref<1x128x128xf32, #tpu.memory_space<vmem>>
        %dma_start3A_245 = tpu.memref_squeeze %dma_start3A_244 : memref<1x128x128xf32, #tpu.memory_space<vmem>> -> memref<128x128xf32, #tpu.memory_space<vmem>>
        %dma_start3A_246 = arith.constant 0 : i32
        %dma_start3A_247 = tpu.memref_slice %arg8[%run_scoped3A_52, %dma_start3A_246] : memref<32x128xi32, #tpu.memory_space<vmem>> -> memref<1x128xi32, #tpu.memory_space<vmem>>
        %dma_start3A_248 = tpu.memref_squeeze %dma_start3A_247 : memref<1x128xi32, #tpu.memory_space<vmem>> -> memref<128xi32, #tpu.memory_space<vmem>>
        %dma_start3A_249 = arith.constant 0 : i32
        %dma_start3A_250 = arith.constant 0 : i32
        %dma_start3A_251 = tpu.memref_slice %arg10[%dma_start3A_249, %dma_start3A_250] : memref<10112x128xf32, #tpu.memory_space<vmem_shared>> -> memref<10112x128xf32, #tpu.memory_space<vmem_shared>>
        tpu.enqueue_indirect_dma source(%dma_start3A_245 : memref<128x128xf32, #tpu.memory_space<vmem>>) target(%dma_start3A_251 : memref<10112x128xf32, #tpu.memory_space<vmem_shared>>) offsets(%dma_start3A_248 : memref<128xi32, #tpu.memory_space<vmem>>) semaphore(%run_scoped3A_241 : memref<!tpu.dma_semaphore, #tpu.memory_space<semaphore_mem>>) {add = true}
        %dma_wait3A_252 = arith.constant 0 : i32
        %dma_wait3A_253 = arith.constant 0 : i32
        %dma_wait3A_254 = tpu.memref_slice %arg9[%run_scoped3A, %dma_wait3A_252, %dma_wait3A_253] : memref<2x128x128xf32, #tpu.memory_space<vmem>> -> memref<1x128x128xf32, #tpu.memory_space<vmem>>
        %dma_wait3A_255 = tpu.memref_squeeze %dma_wait3A_254 : memref<1x128x128xf32, #tpu.memory_space<vmem>> -> memref<128x128xf32, #tpu.memory_space<vmem>>
        %dma_wait3A_256 = arith.constant 0 : i32
        %dma_wait3A_257 = tpu.memref_slice %arg8[%run_scoped3A_52, %dma_wait3A_256] : memref<32x128xi32, #tpu.memory_space<vmem>> -> memref<1x128xi32, #tpu.memory_space<vmem>>
        %dma_wait3A_258 = tpu.memref_squeeze %dma_wait3A_257 : memref<1x128xi32, #tpu.memory_space<vmem>> -> memref<128xi32, #tpu.memory_space<vmem>>
        %dma_wait3A_259 = arith.constant 0 : i32
        %dma_wait3A_260 = arith.constant 0 : i32
        %dma_wait3A_261 = tpu.memref_slice %arg10[%dma_wait3A_259, %dma_wait3A_260] : memref<10112x128xf32, #tpu.memory_space<vmem_shared>> -> memref<10112x128xf32, #tpu.memory_space<vmem_shared>>
        tpu.wait_indirect_dma semaphore(%run_scoped3A_241 : memref<!tpu.dma_semaphore, #tpu.memory_space<semaphore_mem>>) src(%dma_wait3A_255 : memref<128x128xf32, #tpu.memory_space<vmem>>) dst(%dma_wait3A_261 : memref<10112x128xf32, #tpu.memory_space<vmem_shared>>)
        tpu.yield
      }) : () -> ()
      %dma_wait3A_53 = arith.constant 31 : i32
      %dma_wait3A_54 = arith.constant 1 : i32
      %dma_wait3A_55 = arith.constant 0 : i32
      %dma_wait3A_56 = arith.constant 0 : i32
      %dma_wait3A_57 = tpu.memref_slice %arg9[%dma_wait3A_54, %dma_wait3A_55, %dma_wait3A_56] : memref<2x128x128xf32, #tpu.memory_space<vmem>> -> memref<1x128x128xf32, #tpu.memory_space<vmem>>
      %dma_wait3A_58 = tpu.memref_squeeze %dma_wait3A_57 : memref<1x128x128xf32, #tpu.memory_space<vmem>> -> memref<128x128xf32, #tpu.memory_space<vmem>>
      %dma_wait3A_59 = arith.constant 0 : i32
      %dma_wait3A_60 = tpu.memref_slice %arg7[%dma_wait3A_53, %dma_wait3A_59] : memref<32x128xi32, #tpu.memory_space<vmem>> -> memref<1x128xi32, #tpu.memory_space<vmem>>
      %dma_wait3A_61 = tpu.memref_squeeze %dma_wait3A_60 : memref<1x128xi32, #tpu.memory_space<vmem>> -> memref<128xi32, #tpu.memory_space<vmem>>
      %dma_wait3A_62 = arith.constant 0 : i32
      %dma_wait3A_63 = arith.constant 0 : i32
      %dma_wait3A_64 = tpu.memref_slice %arg2[%dma_wait3A_62, %dma_wait3A_63] : memref<10000x128xf32, #tpu.memory_space<hbm>> -> memref<10000x128xf32, #tpu.memory_space<hbm>>
      tpu.wait_indirect_dma semaphore(%arg12 : memref<!tpu.dma_semaphore, #tpu.memory_space<semaphore_mem>>) src(%dma_wait3A_64 : memref<10000x128xf32, #tpu.memory_space<hbm>>) dst(%dma_wait3A_58 : memref<128x128xf32, #tpu.memory_space<vmem>>)
      %run_scoped3A_65 = arith.constant 1 : i32
      %run_scoped3A_66 = arith.constant 31 : i32
      "tpu.region"() ({
        %run_scoped3A_241 = tpu.sem_alloc : memref<!tpu.dma_semaphore, #tpu.memory_space<semaphore_mem>>
        %dma_start3A_242 = arith.constant 0 : i32
        %dma_start3A_243 = arith.constant 0 : i32
        %dma_start3A_244 = tpu.memref_slice %arg9[%run_scoped3A_65, %dma_start3A_242, %dma_start3A_243] : memref<2x128x128xf32, #tpu.memory_space<vmem>> -> memref<1x128x128xf32, #tpu.memory_space<vmem>>
        %dma_start3A_245 = tpu.memref_squeeze %dma_start3A_244 : memref<1x128x128xf32, #tpu.memory_space<vmem>> -> memref<128x128xf32, #tpu.memory_space<vmem>>
        %dma_start3A_246 = arith.constant 0 : i32
        %dma_start3A_247 = tpu.memref_slice %arg8[%run_scoped3A_66, %dma_start3A_246] : memref<32x128xi32, #tpu.memory_space<vmem>> -> memref<1x128xi32, #tpu.memory_space<vmem>>
        %dma_start3A_248 = tpu.memref_squeeze %dma_start3A_247 : memref<1x128xi32, #tpu.memory_space<vmem>> -> memref<128xi32, #tpu.memory_space<vmem>>
        %dma_start3A_249 = arith.constant 0 : i32
        %dma_start3A_250 = arith.constant 0 : i32
        %dma_start3A_251 = tpu.memref_slice %arg10[%dma_start3A_249, %dma_start3A_250] : memref<10112x128xf32, #tpu.memory_space<vmem_shared>> -> memref<10112x128xf32, #tpu.memory_space<vmem_shared>>
        tpu.enqueue_indirect_dma source(%dma_start3A_245 : memref<128x128xf32, #tpu.memory_space<vmem>>) target(%dma_start3A_251 : memref<10112x128xf32, #tpu.memory_space<vmem_shared>>) offsets(%dma_start3A_248 : memref<128xi32, #tpu.memory_space<vmem>>) semaphore(%run_scoped3A_241 : memref<!tpu.dma_semaphore, #tpu.memory_space<semaphore_mem>>) {add = true}
        %dma_wait3A_252 = arith.constant 0 : i32
        %dma_wait3A_253 = arith.constant 0 : i32
        %dma_wait3A_254 = tpu.memref_slice %arg9[%run_scoped3A_65, %dma_wait3A_252, %dma_wait3A_253] : memref<2x128x128xf32, #tpu.memory_space<vmem>> -> memref<1x128x128xf32, #tpu.memory_space<vmem>>
        %dma_wait3A_255 = tpu.memref_squeeze %dma_wait3A_254 : memref<1x128x128xf32, #tpu.memory_space<vmem>> -> memref<128x128xf32, #tpu.memory_space<vmem>>
        %dma_wait3A_256 = arith.constant 0 : i32
        %dma_wait3A_257 = tpu.memref_slice %arg8[%run_scoped3A_66, %dma_wait3A_256] : memref<32x128xi32, #tpu.memory_space<vmem>> -> memref<1x128xi32, #tpu.memory_space<vmem>>
        %dma_wait3A_258 = tpu.memref_squeeze %dma_wait3A_257 : memref<1x128xi32, #tpu.memory_space<vmem>> -> memref<128xi32, #tpu.memory_space<vmem>>
        %dma_wait3A_259 = arith.constant 0 : i32
        %dma_wait3A_260 = arith.constant 0 : i32
        %dma_wait3A_261 = tpu.memref_slice %arg10[%dma_wait3A_259, %dma_wait3A_260] : memref<10112x128xf32, #tpu.memory_space<vmem_shared>> -> memref<10112x128xf32, #tpu.memory_space<vmem_shared>>
        tpu.wait_indirect_dma semaphore(%run_scoped3A_241 : memref<!tpu.dma_semaphore, #tpu.memory_space<semaphore_mem>>) src(%dma_wait3A_255 : memref<128x128xf32, #tpu.memory_space<vmem>>) dst(%dma_wait3A_261 : memref<10112x128xf32, #tpu.memory_space<vmem_shared>>)
        tpu.yield
      }) : () -> ()
      "tpu.region"() ({
        %run_scoped3A_241 = tpu.sem_alloc : memref<!tpu.dma_semaphore, #tpu.memory_space<semaphore_mem>>
        %dma_start3A_242 = arith.constant 0 : i32
        %dma_start3A_243 = arith.constant 0 : i32
        %dma_start3A_244 = tpu.memref_slice %arg7[%dma_start3A_242, %dma_start3A_243] : memref<32x128xi32, #tpu.memory_space<vmem>> -> memref<32x128xi32, #tpu.memory_space<vmem>>
        %dma_start3A_245 = arith.constant 0 : i32
        %dma_start3A_246 = arith.constant 0 : i32
        %dma_start3A_247 = tpu.memref_slice %arg3[%arg1, %dma_start3A_245, %dma_start3A_246] : memref<16x160x128xi32, #tpu.memory_space<hbm>> -> memref<1x160x128xi32, #tpu.memory_space<hbm>>
        %dma_start3A_248 = tpu.memref_squeeze %dma_start3A_247 : memref<1x160x128xi32, #tpu.memory_space<hbm>> -> memref<160x128xi32, #tpu.memory_space<hbm>>
        %dma_start3A_249 = arith.constant 32 : i32
        %dma_start3A_250 = arith.constant 0 : i32
        %dma_start3A_251 = tpu.memref_slice %dma_start3A_248[%dma_start3A_249, %dma_start3A_250] : memref<160x128xi32, #tpu.memory_space<hbm>> -> memref<32x128xi32, #tpu.memory_space<hbm>>
        %dma_start3A_252 = arith.constant 0 : i32
        %dma_start3A_253 = arith.constant 0 : i32
        %dma_start3A_254 = tpu.memref_slice %arg7[%dma_start3A_252, %dma_start3A_253] : memref<32x128xi32, #tpu.memory_space<vmem>> -> memref<32x128xi32, #tpu.memory_space<vmem>>
        %dma_start3A_255 = arith.constant 0 : i32
        %dma_start3A_256 = arith.constant 0 : i32
        %dma_start3A_257 = tpu.memref_slice %arg3[%arg1, %dma_start3A_255, %dma_start3A_256] : memref<16x160x128xi32, #tpu.memory_space<hbm>> -> memref<1x160x128xi32, #tpu.memory_space<hbm>>
        %dma_start3A_258 = tpu.memref_squeeze %dma_start3A_257 : memref<1x160x128xi32, #tpu.memory_space<hbm>> -> memref<160x128xi32, #tpu.memory_space<hbm>>
        %dma_start3A_259 = arith.constant 32 : i32
        %dma_start3A_260 = arith.constant 0 : i32
        %dma_start3A_261 = tpu.memref_slice %dma_start3A_258[%dma_start3A_259, %dma_start3A_260] : memref<160x128xi32, #tpu.memory_space<hbm>> -> memref<32x128xi32, #tpu.memory_space<hbm>>
        tpu.enqueue_dma source(%dma_start3A_261 : memref<32x128xi32, #tpu.memory_space<hbm>>) target(%dma_start3A_254 : memref<32x128xi32, #tpu.memory_space<vmem>>) target_semaphore(%run_scoped3A_241 : memref<!tpu.dma_semaphore, #tpu.memory_space<semaphore_mem>>)
        %dma_wait3A_262 = arith.constant 0 : i32
        %dma_wait3A_263 = arith.constant 0 : i32
        %dma_wait3A_264 = tpu.memref_slice %arg7[%dma_wait3A_262, %dma_wait3A_263] : memref<32x128xi32, #tpu.memory_space<vmem>> -> memref<32x128xi32, #tpu.memory_space<vmem>>
        %dma_wait3A_265 = arith.constant 0 : i32
        %dma_wait3A_266 = arith.constant 0 : i32
        %dma_wait3A_267 = tpu.memref_slice %arg3[%arg1, %dma_wait3A_265, %dma_wait3A_266] : memref<16x160x128xi32, #tpu.memory_space<hbm>> -> memref<1x160x128xi32, #tpu.memory_space<hbm>>
        %dma_wait3A_268 = tpu.memref_squeeze %dma_wait3A_267 : memref<1x160x128xi32, #tpu.memory_space<hbm>> -> memref<160x128xi32, #tpu.memory_space<hbm>>
        %dma_wait3A_269 = arith.constant 32 : i32
        %dma_wait3A_270 = arith.constant 0 : i32
        %dma_wait3A_271 = tpu.memref_slice %dma_wait3A_268[%dma_wait3A_269, %dma_wait3A_270] : memref<160x128xi32, #tpu.memory_space<hbm>> -> memref<32x128xi32, #tpu.memory_space<hbm>>
        %dma_wait3A_272 = arith.constant 0 : i32
        %dma_wait3A_273 = arith.constant 0 : i32
        %dma_wait3A_274 = tpu.memref_slice %arg7[%dma_wait3A_272, %dma_wait3A_273] : memref<32x128xi32, #tpu.memory_space<vmem>> -> memref<32x128xi32, #tpu.memory_space<vmem>>
        %dma_wait3A_275 = arith.constant 0 : i32
        %dma_wait3A_276 = arith.constant 0 : i32
        %dma_wait3A_277 = tpu.memref_slice %arg3[%arg1, %dma_wait3A_275, %dma_wait3A_276] : memref<16x160x128xi32, #tpu.memory_space<hbm>> -> memref<1x160x128xi32, #tpu.memory_space<hbm>>
        %dma_wait3A_278 = tpu.memref_squeeze %dma_wait3A_277 : memref<1x160x128xi32, #tpu.memory_space<hbm>> -> memref<160x128xi32, #tpu.memory_space<hbm>>
        %dma_wait3A_279 = arith.constant 32 : i32
        %dma_wait3A_280 = arith.constant 0 : i32
        %dma_wait3A_281 = tpu.memref_slice %dma_wait3A_278[%dma_wait3A_279, %dma_wait3A_280] : memref<160x128xi32, #tpu.memory_space<hbm>> -> memref<32x128xi32, #tpu.memory_space<hbm>>
        tpu.wait_dma2 semaphore(%run_scoped3A_241 : memref<!tpu.dma_semaphore, #tpu.memory_space<semaphore_mem>>) src(%dma_wait3A_281 : memref<32x128xi32, #tpu.memory_space<hbm>>) dst(%dma_wait3A_274 : memref<32x128xi32, #tpu.memory_space<vmem>>)
        tpu.yield
      }) : () -> ()
      "tpu.region"() ({
        %run_scoped3A_241 = tpu.sem_alloc : memref<!tpu.dma_semaphore, #tpu.memory_space<semaphore_mem>>
        %dma_start3A_242 = arith.constant 0 : i32
        %dma_start3A_243 = arith.constant 0 : i32
        %dma_start3A_244 = tpu.memref_slice %arg8[%dma_start3A_242, %dma_start3A_243] : memref<32x128xi32, #tpu.memory_space<vmem>> -> memref<32x128xi32, #tpu.memory_space<vmem>>
        %dma_start3A_245 = arith.constant 0 : i32
        %dma_start3A_246 = arith.constant 0 : i32
        %dma_start3A_247 = tpu.memref_slice %arg4[%arg1, %dma_start3A_245, %dma_start3A_246] : memref<16x160x128xi32, #tpu.memory_space<hbm>> -> memref<1x160x128xi32, #tpu.memory_space<hbm>>
        %dma_start3A_248 = tpu.memref_squeeze %dma_start3A_247 : memref<1x160x128xi32, #tpu.memory_space<hbm>> -> memref<160x128xi32, #tpu.memory_space<hbm>>
        %dma_start3A_249 = arith.constant 32 : i32
        %dma_start3A_250 = arith.constant 0 : i32
        %dma_start3A_251 = tpu.memref_slice %dma_start3A_248[%dma_start3A_249, %dma_start3A_250] : memref<160x128xi32, #tpu.memory_space<hbm>> -> memref<32x128xi32, #tpu.memory_space<hbm>>
        %dma_start3A_252 = arith.constant 0 : i32
        %dma_start3A_253 = arith.constant 0 : i32
        %dma_start3A_254 = tpu.memref_slice %arg8[%dma_start3A_252, %dma_start3A_253] : memref<32x128xi32, #tpu.memory_space<vmem>> -> memref<32x128xi32, #tpu.memory_space<vmem>>
        %dma_start3A_255 = arith.constant 0 : i32
        %dma_start3A_256 = arith.constant 0 : i32
        %dma_start3A_257 = tpu.memref_slice %arg4[%arg1, %dma_start3A_255, %dma_start3A_256] : memref<16x160x128xi32, #tpu.memory_space<hbm>> -> memref<1x160x128xi32, #tpu.memory_space<hbm>>
        %dma_start3A_258 = tpu.memref_squeeze %dma_start3A_257 : memref<1x160x128xi32, #tpu.memory_space<hbm>> -> memref<160x128xi32, #tpu.memory_space<hbm>>
        %dma_start3A_259 = arith.constant 32 : i32
        %dma_start3A_260 = arith.constant 0 : i32
        %dma_start3A_261 = tpu.memref_slice %dma_start3A_258[%dma_start3A_259, %dma_start3A_260] : memref<160x128xi32, #tpu.memory_space<hbm>> -> memref<32x128xi32, #tpu.memory_space<hbm>>
        tpu.enqueue_dma source(%dma_start3A_261 : memref<32x128xi32, #tpu.memory_space<hbm>>) target(%dma_start3A_254 : memref<32x128xi32, #tpu.memory_space<vmem>>) target_semaphore(%run_scoped3A_241 : memref<!tpu.dma_semaphore, #tpu.memory_space<semaphore_mem>>)
        %dma_wait3A_262 = arith.constant 0 : i32
        %dma_wait3A_263 = arith.constant 0 : i32
        %dma_wait3A_264 = tpu.memref_slice %arg8[%dma_wait3A_262, %dma_wait3A_263] : memref<32x128xi32, #tpu.memory_space<vmem>> -> memref<32x128xi32, #tpu.memory_space<vmem>>
        %dma_wait3A_265 = arith.constant 0 : i32
        %dma_wait3A_266 = arith.constant 0 : i32
        %dma_wait3A_267 = tpu.memref_slice %arg4[%arg1, %dma_wait3A_265, %dma_wait3A_266] : memref<16x160x128xi32, #tpu.memory_space<hbm>> -> memref<1x160x128xi32, #tpu.memory_space<hbm>>
        %dma_wait3A_268 = tpu.memref_squeeze %dma_wait3A_267 : memref<1x160x128xi32, #tpu.memory_space<hbm>> -> memref<160x128xi32, #tpu.memory_space<hbm>>
        %dma_wait3A_269 = arith.constant 32 : i32
        %dma_wait3A_270 = arith.constant 0 : i32
        %dma_wait3A_271 = tpu.memref_slice %dma_wait3A_268[%dma_wait3A_269, %dma_wait3A_270] : memref<160x128xi32, #tpu.memory_space<hbm>> -> memref<32x128xi32, #tpu.memory_space<hbm>>
        %dma_wait3A_272 = arith.constant 0 : i32
        %dma_wait3A_273 = arith.constant 0 : i32
        %dma_wait3A_274 = tpu.memref_slice %arg8[%dma_wait3A_272, %dma_wait3A_273] : memref<32x128xi32, #tpu.memory_space<vmem>> -> memref<32x128xi32, #tpu.memory_space<vmem>>
        %dma_wait3A_275 = arith.constant 0 : i32
        %dma_wait3A_276 = arith.constant 0 : i32
        %dma_wait3A_277 = tpu.memref_slice %arg4[%arg1, %dma_wait3A_275, %dma_wait3A_276] : memref<16x160x128xi32, #tpu.memory_space<hbm>> -> memref<1x160x128xi32, #tpu.memory_space<hbm>>
        %dma_wait3A_278 = tpu.memref_squeeze %dma_wait3A_277 : memref<1x160x128xi32, #tpu.memory_space<hbm>> -> memref<160x128xi32, #tpu.memory_space<hbm>>
        %dma_wait3A_279 = arith.constant 32 : i32
        %dma_wait3A_280 = arith.constant 0 : i32
        %dma_wait3A_281 = tpu.memref_slice %dma_wait3A_278[%dma_wait3A_279, %dma_wait3A_280] : memref<160x128xi32, #tpu.memory_space<hbm>> -> memref<32x128xi32, #tpu.memory_space<hbm>>
        tpu.wait_dma2 semaphore(%run_scoped3A_241 : memref<!tpu.dma_semaphore, #tpu.memory_space<semaphore_mem>>) src(%dma_wait3A_281 : memref<32x128xi32, #tpu.memory_space<hbm>>) dst(%dma_wait3A_274 : memref<32x128xi32, #tpu.memory_space<vmem>>)
        tpu.yield
      }) : () -> ()
      %dma_start3A_67 = arith.constant 0 : i32
      %dma_start3A_68 = arith.constant 0 : i32
      %dma_start3A_69 = arith.constant 0 : i32
      %dma_start3A_70 = arith.constant 0 : i32
      %dma_start3A_71 = tpu.memref_slice %arg9[%dma_start3A_68, %dma_start3A_69, %dma_start3A_70] : memref<2x128x128xf32, #tpu.memory_space<vmem>> -> memref<1x128x128xf32, #tpu.memory_space<vmem>>
      %dma_start3A_72 = tpu.memref_squeeze %dma_start3A_71 : memref<1x128x128xf32, #tpu.memory_space<vmem>> -> memref<128x128xf32, #tpu.memory_space<vmem>>
      %dma_start3A_73 = arith.constant 0 : i32
      %dma_start3A_74 = tpu.memref_slice %arg7[%dma_start3A_67, %dma_start3A_73] : memref<32x128xi32, #tpu.memory_space<vmem>> -> memref<1x128xi32, #tpu.memory_space<vmem>>
      %dma_start3A_75 = tpu.memref_squeeze %dma_start3A_74 : memref<1x128xi32, #tpu.memory_space<vmem>> -> memref<128xi32, #tpu.memory_space<vmem>>
      %dma_start3A_76 = arith.constant 0 : i32
      %dma_start3A_77 = arith.constant 0 : i32
      %dma_start3A_78 = tpu.memref_slice %arg2[%dma_start3A_76, %dma_start3A_77] : memref<10000x128xf32, #tpu.memory_space<hbm>> -> memref<10000x128xf32, #tpu.memory_space<hbm>>
      tpu.enqueue_indirect_dma source(%dma_start3A_78 : memref<10000x128xf32, #tpu.memory_space<hbm>>) target(%dma_start3A_72 : memref<128x128xf32, #tpu.memory_space<vmem>>) offsets(%dma_start3A_75 : memref<128xi32, #tpu.memory_space<vmem>>) semaphore(%arg11 : memref<!tpu.dma_semaphore, #tpu.memory_space<semaphore_mem>>)
      %dma_start3A_79 = arith.constant 1 : i32
      %dma_start3A_80 = arith.constant 1 : i32
      %dma_start3A_81 = arith.constant 0 : i32
      %dma_start3A_82 = arith.constant 0 : i32
      %dma_start3A_83 = tpu.memref_slice %arg9[%dma_start3A_80, %dma_start3A_81, %dma_start3A_82] : memref<2x128x128xf32, #tpu.memory_space<vmem>> -> memref<1x128x128xf32, #tpu.memory_space<vmem>>
      %dma_start3A_84 = tpu.memref_squeeze %dma_start3A_83 : memref<1x128x128xf32, #tpu.memory_space<vmem>> -> memref<128x128xf32, #tpu.memory_space<vmem>>
      %dma_start3A_85 = arith.constant 0 : i32
      %dma_start3A_86 = tpu.memref_slice %arg7[%dma_start3A_79, %dma_start3A_85] : memref<32x128xi32, #tpu.memory_space<vmem>> -> memref<1x128xi32, #tpu.memory_space<vmem>>
      %dma_start3A_87 = tpu.memref_squeeze %dma_start3A_86 : memref<1x128xi32, #tpu.memory_space<vmem>> -> memref<128xi32, #tpu.memory_space<vmem>>
      %dma_start3A_88 = arith.constant 0 : i32
      %dma_start3A_89 = arith.constant 0 : i32
      %dma_start3A_90 = tpu.memref_slice %arg2[%dma_start3A_88, %dma_start3A_89] : memref<10000x128xf32, #tpu.memory_space<hbm>> -> memref<10000x128xf32, #tpu.memory_space<hbm>>
      tpu.enqueue_indirect_dma source(%dma_start3A_90 : memref<10000x128xf32, #tpu.memory_space<hbm>>) target(%dma_start3A_84 : memref<128x128xf32, #tpu.memory_space<vmem>>) offsets(%dma_start3A_87 : memref<128xi32, #tpu.memory_space<vmem>>) semaphore(%arg12 : memref<!tpu.dma_semaphore, #tpu.memory_space<semaphore_mem>>)
      %scan3A_91 = arith.constant 0 : i32
      %scan3A_92 = arith.constant 0 : i32
      %scan3A_93 = arith.constant 15 : i32
      %scan3A_94 = arith.addi %scan3A_92, %scan3A_93 : i32
      %scan3A_95 = arith.constant 1 : i32
      scf.for %scan3A_241 = %scan3A_92 to %scan3A_94 step %scan3A_95  : i32 {
        %mul3A_242 = arith.constant 2 : i32
        %mul3A_243 = arith.muli %mul3A_242, %scan3A_241 : i32
        %dma_wait3A_244 = arith.constant 0 : i32
        %dma_wait3A_245 = arith.constant 0 : i32
        %dma_wait3A_246 = arith.constant 0 : i32
        %dma_wait3A_247 = tpu.memref_slice %arg9[%dma_wait3A_244, %dma_wait3A_245, %dma_wait3A_246] : memref<2x128x128xf32, #tpu.memory_space<vmem>> -> memref<1x128x128xf32, #tpu.memory_space<vmem>>
        %dma_wait3A_248 = tpu.memref_squeeze %dma_wait3A_247 : memref<1x128x128xf32, #tpu.memory_space<vmem>> -> memref<128x128xf32, #tpu.memory_space<vmem>>
        %dma_wait3A_249 = arith.constant 0 : i32
        %dma_wait3A_250 = tpu.memref_slice %arg7[%mul3A_243, %dma_wait3A_249] : memref<32x128xi32, #tpu.memory_space<vmem>> -> memref<1x128xi32, #tpu.memory_space<vmem>>
        %dma_wait3A_251 = tpu.memref_squeeze %dma_wait3A_250 : memref<1x128xi32, #tpu.memory_space<vmem>> -> memref<128xi32, #tpu.memory_space<vmem>>
        %dma_wait3A_252 = arith.constant 0 : i32
        %dma_wait3A_253 = arith.constant 0 : i32
        %dma_wait3A_254 = tpu.memref_slice %arg2[%dma_wait3A_252, %dma_wait3A_253] : memref<10000x128xf32, #tpu.memory_space<hbm>> -> memref<10000x128xf32, #tpu.memory_space<hbm>>
        tpu.wait_indirect_dma semaphore(%arg11 : memref<!tpu.dma_semaphore, #tpu.memory_space<semaphore_mem>>) src(%dma_wait3A_254 : memref<10000x128xf32, #tpu.memory_space<hbm>>) dst(%dma_wait3A_248 : memref<128x128xf32, #tpu.memory_space<vmem>>)
        %run_scoped3A_255 = arith.constant 0 : i32
        "tpu.region"() ({
          %run_scoped3A_297 = tpu.sem_alloc : memref<!tpu.dma_semaphore, #tpu.memory_space<semaphore_mem>>
          %dma_start3A_298 = arith.constant 0 : i32
          %dma_start3A_299 = arith.constant 0 : i32
          %dma_start3A_300 = tpu.memref_slice %arg9[%run_scoped3A_255, %dma_start3A_298, %dma_start3A_299] : memref<2x128x128xf32, #tpu.memory_space<vmem>> -> memref<1x128x128xf32, #tpu.memory_space<vmem>>
          %dma_start3A_301 = tpu.memref_squeeze %dma_start3A_300 : memref<1x128x128xf32, #tpu.memory_space<vmem>> -> memref<128x128xf32, #tpu.memory_space<vmem>>
          %dma_start3A_302 = arith.constant 0 : i32
          %dma_start3A_303 = tpu.memref_slice %arg8[%mul3A_243, %dma_start3A_302] : memref<32x128xi32, #tpu.memory_space<vmem>> -> memref<1x128xi32, #tpu.memory_space<vmem>>
          %dma_start3A_304 = tpu.memref_squeeze %dma_start3A_303 : memref<1x128xi32, #tpu.memory_space<vmem>> -> memref<128xi32, #tpu.memory_space<vmem>>
          %dma_start3A_305 = arith.constant 0 : i32
          %dma_start3A_306 = arith.constant 0 : i32
          %dma_start3A_307 = tpu.memref_slice %arg10[%dma_start3A_305, %dma_start3A_306] : memref<10112x128xf32, #tpu.memory_space<vmem_shared>> -> memref<10112x128xf32, #tpu.memory_space<vmem_shared>>
          tpu.enqueue_indirect_dma source(%dma_start3A_301 : memref<128x128xf32, #tpu.memory_space<vmem>>) target(%dma_start3A_307 : memref<10112x128xf32, #tpu.memory_space<vmem_shared>>) offsets(%dma_start3A_304 : memref<128xi32, #tpu.memory_space<vmem>>) semaphore(%run_scoped3A_297 : memref<!tpu.dma_semaphore, #tpu.memory_space<semaphore_mem>>) {add = true}
          %dma_wait3A_308 = arith.constant 0 : i32
          %dma_wait3A_309 = arith.constant 0 : i32
          %dma_wait3A_310 = tpu.memref_slice %arg9[%run_scoped3A_255, %dma_wait3A_308, %dma_wait3A_309] : memref<2x128x128xf32, #tpu.memory_space<vmem>> -> memref<1x128x128xf32, #tpu.memory_space<vmem>>
          %dma_wait3A_311 = tpu.memref_squeeze %dma_wait3A_310 : memref<1x128x128xf32, #tpu.memory_space<vmem>> -> memref<128x128xf32, #tpu.memory_space<vmem>>
          %dma_wait3A_312 = arith.constant 0 : i32
          %dma_wait3A_313 = tpu.memref_slice %arg8[%mul3A_243, %dma_wait3A_312] : memref<32x128xi32, #tpu.memory_space<vmem>> -> memref<1x128xi32, #tpu.memory_space<vmem>>
          %dma_wait3A_314 = tpu.memref_squeeze %dma_wait3A_313 : memref<1x128xi32, #tpu.memory_space<vmem>> -> memref<128xi32, #tpu.memory_space<vmem>>
          %dma_wait3A_315 = arith.constant 0 : i32
          %dma_wait3A_316 = arith.constant 0 : i32
          %dma_wait3A_317 = tpu.memref_slice %arg10[%dma_wait3A_315, %dma_wait3A_316] : memref<10112x128xf32, #tpu.memory_space<vmem_shared>> -> memref<10112x128xf32, #tpu.memory_space<vmem_shared>>
          tpu.wait_indirect_dma semaphore(%run_scoped3A_297 : memref<!tpu.dma_semaphore, #tpu.memory_space<semaphore_mem>>) src(%dma_wait3A_311 : memref<128x128xf32, #tpu.memory_space<vmem>>) dst(%dma_wait3A_317 : memref<10112x128xf32, #tpu.memory_space<vmem_shared>>)
          tpu.yield
        }) : () -> ()
        %add3A = arith.constant 2 : i32
        %add3A_256 = arith.addi %mul3A_243, %add3A : i32
        %dma_start3A_257 = arith.constant 0 : i32
        %dma_start3A_258 = arith.constant 0 : i32
        %dma_start3A_259 = arith.constant 0 : i32
        %dma_start3A_260 = tpu.memref_slice %arg9[%dma_start3A_257, %dma_start3A_258, %dma_start3A_259] : memref<2x128x128xf32, #tpu.memory_space<vmem>> -> memref<1x128x128xf32, #tpu.memory_space<vmem>>
        %dma_start3A_261 = tpu.memref_squeeze %dma_start3A_260 : memref<1x128x128xf32, #tpu.memory_space<vmem>> -> memref<128x128xf32, #tpu.memory_space<vmem>>
        %dma_start3A_262 = arith.constant 0 : i32
        %dma_start3A_263 = tpu.memref_slice %arg7[%add3A_256, %dma_start3A_262] : memref<32x128xi32, #tpu.memory_space<vmem>> -> memref<1x128xi32, #tpu.memory_space<vmem>>
        %dma_start3A_264 = tpu.memref_squeeze %dma_start3A_263 : memref<1x128xi32, #tpu.memory_space<vmem>> -> memref<128xi32, #tpu.memory_space<vmem>>
        %dma_start3A_265 = arith.constant 0 : i32
        %dma_start3A_266 = arith.constant 0 : i32
        %dma_start3A_267 = tpu.memref_slice %arg2[%dma_start3A_265, %dma_start3A_266] : memref<10000x128xf32, #tpu.memory_space<hbm>> -> memref<10000x128xf32, #tpu.memory_space<hbm>>
        tpu.enqueue_indirect_dma source(%dma_start3A_267 : memref<10000x128xf32, #tpu.memory_space<hbm>>) target(%dma_start3A_261 : memref<128x128xf32, #tpu.memory_space<vmem>>) offsets(%dma_start3A_264 : memref<128xi32, #tpu.memory_space<vmem>>) semaphore(%arg11 : memref<!tpu.dma_semaphore, #tpu.memory_space<semaphore_mem>>)
        %add3A_268 = arith.constant 1 : i32
        %add3A_269 = arith.addi %mul3A_243, %add3A_268 : i32
        %dma_wait3A_270 = arith.constant 1 : i32
        %dma_wait3A_271 = arith.constant 0 : i32
        %dma_wait3A_272 = arith.constant 0 : i32
        %dma_wait3A_273 = tpu.memref_slice %arg9[%dma_wait3A_270, %dma_wait3A_271, %dma_wait3A_272] : memref<2x128x128xf32, #tpu.memory_space<vmem>> -> memref<1x128x128xf32, #tpu.memory_space<vmem>>
        %dma_wait3A_274 = tpu.memref_squeeze %dma_wait3A_273 : memref<1x128x128xf32, #tpu.memory_space<vmem>> -> memref<128x128xf32, #tpu.memory_space<vmem>>
        %dma_wait3A_275 = arith.constant 0 : i32
        %dma_wait3A_276 = tpu.memref_slice %arg7[%add3A_269, %dma_wait3A_275] : memref<32x128xi32, #tpu.memory_space<vmem>> -> memref<1x128xi32, #tpu.memory_space<vmem>>
        %dma_wait3A_277 = tpu.memref_squeeze %dma_wait3A_276 : memref<1x128xi32, #tpu.memory_space<vmem>> -> memref<128xi32, #tpu.memory_space<vmem>>
        %dma_wait3A_278 = arith.constant 0 : i32
        %dma_wait3A_279 = arith.constant 0 : i32
        %dma_wait3A_280 = tpu.memref_slice %arg2[%dma_wait3A_278, %dma_wait3A_279] : memref<10000x128xf32, #tpu.memory_space<hbm>> -> memref<10000x128xf32, #tpu.memory_space<hbm>>
        tpu.wait_indirect_dma semaphore(%arg12 : memref<!tpu.dma_semaphore, #tpu.memory_space<semaphore_mem>>) src(%dma_wait3A_280 : memref<10000x128xf32, #tpu.memory_space<hbm>>) dst(%dma_wait3A_274 : memref<128x128xf32, #tpu.memory_space<vmem>>)
        %add3A_281 = arith.constant 1 : i32
        %add3A_282 = arith.addi %mul3A_243, %add3A_281 : i32
        %run_scoped3A_283 = arith.constant 1 : i32
        "tpu.region"() ({
          %run_scoped3A_297 = tpu.sem_alloc : memref<!tpu.dma_semaphore, #tpu.memory_space<semaphore_mem>>
          %dma_start3A_298 = arith.constant 0 : i32
          %dma_start3A_299 = arith.constant 0 : i32
          %dma_start3A_300 = tpu.memref_slice %arg9[%run_scoped3A_283, %dma_start3A_298, %dma_start3A_299] : memref<2x128x128xf32, #tpu.memory_space<vmem>> -> memref<1x128x128xf32, #tpu.memory_space<vmem>>
          %dma_start3A_301 = tpu.memref_squeeze %dma_start3A_300 : memref<1x128x128xf32, #tpu.memory_space<vmem>> -> memref<128x128xf32, #tpu.memory_space<vmem>>
          %dma_start3A_302 = arith.constant 0 : i32
          %dma_start3A_303 = tpu.memref_slice %arg8[%add3A_282, %dma_start3A_302] : memref<32x128xi32, #tpu.memory_space<vmem>> -> memref<1x128xi32, #tpu.memory_space<vmem>>
          %dma_start3A_304 = tpu.memref_squeeze %dma_start3A_303 : memref<1x128xi32, #tpu.memory_space<vmem>> -> memref<128xi32, #tpu.memory_space<vmem>>
          %dma_start3A_305 = arith.constant 0 : i32
          %dma_start3A_306 = arith.constant 0 : i32
          %dma_start3A_307 = tpu.memref_slice %arg10[%dma_start3A_305, %dma_start3A_306] : memref<10112x128xf32, #tpu.memory_space<vmem_shared>> -> memref<10112x128xf32, #tpu.memory_space<vmem_shared>>
          tpu.enqueue_indirect_dma source(%dma_start3A_301 : memref<128x128xf32, #tpu.memory_space<vmem>>) target(%dma_start3A_307 : memref<10112x128xf32, #tpu.memory_space<vmem_shared>>) offsets(%dma_start3A_304 : memref<128xi32, #tpu.memory_space<vmem>>) semaphore(%run_scoped3A_297 : memref<!tpu.dma_semaphore, #tpu.memory_space<semaphore_mem>>) {add = true}
          %dma_wait3A_308 = arith.constant 0 : i32
          %dma_wait3A_309 = arith.constant 0 : i32
          %dma_wait3A_310 = tpu.memref_slice %arg9[%run_scoped3A_283, %dma_wait3A_308, %dma_wait3A_309] : memref<2x128x128xf32, #tpu.memory_space<vmem>> -> memref<1x128x128xf32, #tpu.memory_space<vmem>>
          %dma_wait3A_311 = tpu.memref_squeeze %dma_wait3A_310 : memref<1x128x128xf32, #tpu.memory_space<vmem>> -> memref<128x128xf32, #tpu.memory_space<vmem>>
          %dma_wait3A_312 = arith.constant 0 : i32
          %dma_wait3A_313 = tpu.memref_slice %arg8[%add3A_282, %dma_wait3A_312] : memref<32x128xi32, #tpu.memory_space<vmem>> -> memref<1x128xi32, #tpu.memory_space<vmem>>
          %dma_wait3A_314 = tpu.memref_squeeze %dma_wait3A_313 : memref<1x128xi32, #tpu.memory_space<vmem>> -> memref<128xi32, #tpu.memory_space<vmem>>
          %dma_wait3A_315 = arith.constant 0 : i32
          %dma_wait3A_316 = arith.constant 0 : i32
          %dma_wait3A_317 = tpu.memref_slice %arg10[%dma_wait3A_315, %dma_wait3A_316] : memref<10112x128xf32, #tpu.memory_space<vmem_shared>> -> memref<10112x128xf32, #tpu.memory_space<vmem_shared>>
          tpu.wait_indirect_dma semaphore(%run_scoped3A_297 : memref<!tpu.dma_semaphore, #tpu.memory_space<semaphore_mem>>) src(%dma_wait3A_311 : memref<128x128xf32, #tpu.memory_space<vmem>>) dst(%dma_wait3A_317 : memref<10112x128xf32, #tpu.memory_space<vmem_shared>>)
          tpu.yield
        }) : () -> ()
        %add3A_284 = arith.constant 3 : i32
        %add3A_285 = arith.addi %mul3A_243, %add3A_284 : i32
        %dma_start3A_286 = arith.constant 1 : i32
        %dma_start3A_287 = arith.constant 0 : i32
        %dma_start3A_288 = arith.constant 0 : i32
        %dma_start3A_289 = tpu.memref_slice %arg9[%dma_start3A_286, %dma_start3A_287, %dma_start3A_288] : memref<2x128x128xf32, #tpu.memory_space<vmem>> -> memref<1x128x128xf32, #tpu.memory_space<vmem>>
        %dma_start3A_290 = tpu.memref_squeeze %dma_start3A_289 : memref<1x128x128xf32, #tpu.memory_space<vmem>> -> memref<128x128xf32, #tpu.memory_space<vmem>>
        %dma_start3A_291 = arith.constant 0 : i32
        %dma_start3A_292 = tpu.memref_slice %arg7[%add3A_285, %dma_start3A_291] : memref<32x128xi32, #tpu.memory_space<vmem>> -> memref<1x128xi32, #tpu.memory_space<vmem>>
        %dma_start3A_293 = tpu.memref_squeeze %dma_start3A_292 : memref<1x128xi32, #tpu.memory_space<vmem>> -> memref<128xi32, #tpu.memory_space<vmem>>
        %dma_start3A_294 = arith.constant 0 : i32
        %dma_start3A_295 = arith.constant 0 : i32
        %dma_start3A_296 = tpu.memref_slice %arg2[%dma_start3A_294, %dma_start3A_295] : memref<10000x128xf32, #tpu.memory_space<hbm>> -> memref<10000x128xf32, #tpu.memory_space<hbm>>
        tpu.enqueue_indirect_dma source(%dma_start3A_296 : memref<10000x128xf32, #tpu.memory_space<hbm>>) target(%dma_start3A_290 : memref<128x128xf32, #tpu.memory_space<vmem>>) offsets(%dma_start3A_293 : memref<128xi32, #tpu.memory_space<vmem>>) semaphore(%arg12 : memref<!tpu.dma_semaphore, #tpu.memory_space<semaphore_mem>>)
      }
      %scan3A_96 = arith.constant 15 : i32
      %dma_wait3A_97 = arith.constant 30 : i32
      %dma_wait3A_98 = arith.constant 0 : i32
      %dma_wait3A_99 = arith.constant 0 : i32
      %dma_wait3A_100 = arith.constant 0 : i32
      %dma_wait3A_101 = tpu.memref_slice %arg9[%dma_wait3A_98, %dma_wait3A_99, %dma_wait3A_100] : memref<2x128x128xf32, #tpu.memory_space<vmem>> -> memref<1x128x128xf32, #tpu.memory_space<vmem>>
      %dma_wait3A_102 = tpu.memref_squeeze %dma_wait3A_101 : memref<1x128x128xf32, #tpu.memory_space<vmem>> -> memref<128x128xf32, #tpu.memory_space<vmem>>
      %dma_wait3A_103 = arith.constant 0 : i32
      %dma_wait3A_104 = tpu.memref_slice %arg7[%dma_wait3A_97, %dma_wait3A_103] : memref<32x128xi32, #tpu.memory_space<vmem>> -> memref<1x128xi32, #tpu.memory_space<vmem>>
      %dma_wait3A_105 = tpu.memref_squeeze %dma_wait3A_104 : memref<1x128xi32, #tpu.memory_space<vmem>> -> memref<128xi32, #tpu.memory_space<vmem>>
      %dma_wait3A_106 = arith.constant 0 : i32
      %dma_wait3A_107 = arith.constant 0 : i32
      %dma_wait3A_108 = tpu.memref_slice %arg2[%dma_wait3A_106, %dma_wait3A_107] : memref<10000x128xf32, #tpu.memory_space<hbm>> -> memref<10000x128xf32, #tpu.memory_space<hbm>>
      tpu.wait_indirect_dma semaphore(%arg11 : memref<!tpu.dma_semaphore, #tpu.memory_space<semaphore_mem>>) src(%dma_wait3A_108 : memref<10000x128xf32, #tpu.memory_space<hbm>>) dst(%dma_wait3A_102 : memref<128x128xf32, #tpu.memory_space<vmem>>)
      %run_scoped3A_109 = arith.constant 0 : i32
      %run_scoped3A_110 = arith.constant 30 : i32
      "tpu.region"() ({
        %run_scoped3A_241 = tpu.sem_alloc : memref<!tpu.dma_semaphore, #tpu.memory_space<semaphore_mem>>
        %dma_start3A_242 = arith.constant 0 : i32
        %dma_start3A_243 = arith.constant 0 : i32
        %dma_start3A_244 = tpu.memref_slice %arg9[%run_scoped3A_109, %dma_start3A_242, %dma_start3A_243] : memref<2x128x128xf32, #tpu.memory_space<vmem>> -> memref<1x128x128xf32, #tpu.memory_space<vmem>>
        %dma_start3A_245 = tpu.memref_squeeze %dma_start3A_244 : memref<1x128x128xf32, #tpu.memory_space<vmem>> -> memref<128x128xf32, #tpu.memory_space<vmem>>
        %dma_start3A_246 = arith.constant 0 : i32
        %dma_start3A_247 = tpu.memref_slice %arg8[%run_scoped3A_110, %dma_start3A_246] : memref<32x128xi32, #tpu.memory_space<vmem>> -> memref<1x128xi32, #tpu.memory_space<vmem>>
        %dma_start3A_248 = tpu.memref_squeeze %dma_start3A_247 : memref<1x128xi32, #tpu.memory_space<vmem>> -> memref<128xi32, #tpu.memory_space<vmem>>
        %dma_start3A_249 = arith.constant 0 : i32
        %dma_start3A_250 = arith.constant 0 : i32
        %dma_start3A_251 = tpu.memref_slice %arg10[%dma_start3A_249, %dma_start3A_250] : memref<10112x128xf32, #tpu.memory_space<vmem_shared>> -> memref<10112x128xf32, #tpu.memory_space<vmem_shared>>
        tpu.enqueue_indirect_dma source(%dma_start3A_245 : memref<128x128xf32, #tpu.memory_space<vmem>>) target(%dma_start3A_251 : memref<10112x128xf32, #tpu.memory_space<vmem_shared>>) offsets(%dma_start3A_248 : memref<128xi32, #tpu.memory_space<vmem>>) semaphore(%run_scoped3A_241 : memref<!tpu.dma_semaphore, #tpu.memory_space<semaphore_mem>>) {add = true}
        %dma_wait3A_252 = arith.constant 0 : i32
        %dma_wait3A_253 = arith.constant 0 : i32
        %dma_wait3A_254 = tpu.memref_slice %arg9[%run_scoped3A_109, %dma_wait3A_252, %dma_wait3A_253] : memref<2x128x128xf32, #tpu.memory_space<vmem>> -> memref<1x128x128xf32, #tpu.memory_space<vmem>>
        %dma_wait3A_255 = tpu.memref_squeeze %dma_wait3A_254 : memref<1x128x128xf32, #tpu.memory_space<vmem>> -> memref<128x128xf32, #tpu.memory_space<vmem>>
        %dma_wait3A_256 = arith.constant 0 : i32
        %dma_wait3A_257 = tpu.memref_slice %arg8[%run_scoped3A_110, %dma_wait3A_256] : memref<32x128xi32, #tpu.memory_space<vmem>> -> memref<1x128xi32, #tpu.memory_space<vmem>>
        %dma_wait3A_258 = tpu.memref_squeeze %dma_wait3A_257 : memref<1x128xi32, #tpu.memory_space<vmem>> -> memref<128xi32, #tpu.memory_space<vmem>>
        %dma_wait3A_259 = arith.constant 0 : i32
        %dma_wait3A_260 = arith.constant 0 : i32
        %dma_wait3A_261 = tpu.memref_slice %arg10[%dma_wait3A_259, %dma_wait3A_260] : memref<10112x128xf32, #tpu.memory_space<vmem_shared>> -> memref<10112x128xf32, #tpu.memory_space<vmem_shared>>
        tpu.wait_indirect_dma semaphore(%run_scoped3A_241 : memref<!tpu.dma_semaphore, #tpu.memory_space<semaphore_mem>>) src(%dma_wait3A_255 : memref<128x128xf32, #tpu.memory_space<vmem>>) dst(%dma_wait3A_261 : memref<10112x128xf32, #tpu.memory_space<vmem_shared>>)
        tpu.yield
      }) : () -> ()
      %dma_wait3A_111 = arith.constant 31 : i32
      %dma_wait3A_112 = arith.constant 1 : i32
      %dma_wait3A_113 = arith.constant 0 : i32
      %dma_wait3A_114 = arith.constant 0 : i32
      %dma_wait3A_115 = tpu.memref_slice %arg9[%dma_wait3A_112, %dma_wait3A_113, %dma_wait3A_114] : memref<2x128x128xf32, #tpu.memory_space<vmem>> -> memref<1x128x128xf32, #tpu.memory_space<vmem>>
      %dma_wait3A_116 = tpu.memref_squeeze %dma_wait3A_115 : memref<1x128x128xf32, #tpu.memory_space<vmem>> -> memref<128x128xf32, #tpu.memory_space<vmem>>
      %dma_wait3A_117 = arith.constant 0 : i32
      %dma_wait3A_118 = tpu.memref_slice %arg7[%dma_wait3A_111, %dma_wait3A_117] : memref<32x128xi32, #tpu.memory_space<vmem>> -> memref<1x128xi32, #tpu.memory_space<vmem>>
      %dma_wait3A_119 = tpu.memref_squeeze %dma_wait3A_118 : memref<1x128xi32, #tpu.memory_space<vmem>> -> memref<128xi32, #tpu.memory_space<vmem>>
      %dma_wait3A_120 = arith.constant 0 : i32
      %dma_wait3A_121 = arith.constant 0 : i32
      %dma_wait3A_122 = tpu.memref_slice %arg2[%dma_wait3A_120, %dma_wait3A_121] : memref<10000x128xf32, #tpu.memory_space<hbm>> -> memref<10000x128xf32, #tpu.memory_space<hbm>>
      tpu.wait_indirect_dma semaphore(%arg12 : memref<!tpu.dma_semaphore, #tpu.memory_space<semaphore_mem>>) src(%dma_wait3A_122 : memref<10000x128xf32, #tpu.memory_space<hbm>>) dst(%dma_wait3A_116 : memref<128x128xf32, #tpu.memory_space<vmem>>)
      %run_scoped3A_123 = arith.constant 1 : i32
      %run_scoped3A_124 = arith.constant 31 : i32
      "tpu.region"() ({
        %run_scoped3A_241 = tpu.sem_alloc : memref<!tpu.dma_semaphore, #tpu.memory_space<semaphore_mem>>
        %dma_start3A_242 = arith.constant 0 : i32
        %dma_start3A_243 = arith.constant 0 : i32
        %dma_start3A_244 = tpu.memref_slice %arg9[%run_scoped3A_123, %dma_start3A_242, %dma_start3A_243] : memref<2x128x128xf32, #tpu.memory_space<vmem>> -> memref<1x128x128xf32, #tpu.memory_space<vmem>>
        %dma_start3A_245 = tpu.memref_squeeze %dma_start3A_244 : memref<1x128x128xf32, #tpu.memory_space<vmem>> -> memref<128x128xf32, #tpu.memory_space<vmem>>
        %dma_start3A_246 = arith.constant 0 : i32
        %dma_start3A_247 = tpu.memref_slice %arg8[%run_scoped3A_124, %dma_start3A_246] : memref<32x128xi32, #tpu.memory_space<vmem>> -> memref<1x128xi32, #tpu.memory_space<vmem>>
        %dma_start3A_248 = tpu.memref_squeeze %dma_start3A_247 : memref<1x128xi32, #tpu.memory_space<vmem>> -> memref<128xi32, #tpu.memory_space<vmem>>
        %dma_start3A_249 = arith.constant 0 : i32
        %dma_start3A_250 = arith.constant 0 : i32
        %dma_start3A_251 = tpu.memref_slice %arg10[%dma_start3A_249, %dma_start3A_250] : memref<10112x128xf32, #tpu.memory_space<vmem_shared>> -> memref<10112x128xf32, #tpu.memory_space<vmem_shared>>
        tpu.enqueue_indirect_dma source(%dma_start3A_245 : memref<128x128xf32, #tpu.memory_space<vmem>>) target(%dma_start3A_251 : memref<10112x128xf32, #tpu.memory_space<vmem_shared>>) offsets(%dma_start3A_248 : memref<128xi32, #tpu.memory_space<vmem>>) semaphore(%run_scoped3A_241 : memref<!tpu.dma_semaphore, #tpu.memory_space<semaphore_mem>>) {add = true}
        %dma_wait3A_252 = arith.constant 0 : i32
        %dma_wait3A_253 = arith.constant 0 : i32
        %dma_wait3A_254 = tpu.memref_slice %arg9[%run_scoped3A_123, %dma_wait3A_252, %dma_wait3A_253] : memref<2x128x128xf32, #tpu.memory_space<vmem>> -> memref<1x128x128xf32, #tpu.memory_space<vmem>>
        %dma_wait3A_255 = tpu.memref_squeeze %dma_wait3A_254 : memref<1x128x128xf32, #tpu.memory_space<vmem>> -> memref<128x128xf32, #tpu.memory_space<vmem>>
        %dma_wait3A_256 = arith.constant 0 : i32
        %dma_wait3A_257 = tpu.memref_slice %arg8[%run_scoped3A_124, %dma_wait3A_256] : memref<32x128xi32, #tpu.memory_space<vmem>> -> memref<1x128xi32, #tpu.memory_space<vmem>>
        %dma_wait3A_258 = tpu.memref_squeeze %dma_wait3A_257 : memref<1x128xi32, #tpu.memory_space<vmem>> -> memref<128xi32, #tpu.memory_space<vmem>>
        %dma_wait3A_259 = arith.constant 0 : i32
        %dma_wait3A_260 = arith.constant 0 : i32
        %dma_wait3A_261 = tpu.memref_slice %arg10[%dma_wait3A_259, %dma_wait3A_260] : memref<10112x128xf32, #tpu.memory_space<vmem_shared>> -> memref<10112x128xf32, #tpu.memory_space<vmem_shared>>
        tpu.wait_indirect_dma semaphore(%run_scoped3A_241 : memref<!tpu.dma_semaphore, #tpu.memory_space<semaphore_mem>>) src(%dma_wait3A_255 : memref<128x128xf32, #tpu.memory_space<vmem>>) dst(%dma_wait3A_261 : memref<10112x128xf32, #tpu.memory_space<vmem_shared>>)
        tpu.yield
      }) : () -> ()
      "tpu.region"() ({
        %run_scoped3A_241 = tpu.sem_alloc : memref<!tpu.dma_semaphore, #tpu.memory_space<semaphore_mem>>
        %dma_start3A_242 = arith.constant 0 : i32
        %dma_start3A_243 = arith.constant 0 : i32
        %dma_start3A_244 = tpu.memref_slice %arg7[%dma_start3A_242, %dma_start3A_243] : memref<32x128xi32, #tpu.memory_space<vmem>> -> memref<32x128xi32, #tpu.memory_space<vmem>>
        %dma_start3A_245 = arith.constant 0 : i32
        %dma_start3A_246 = arith.constant 0 : i32
        %dma_start3A_247 = tpu.memref_slice %arg3[%arg1, %dma_start3A_245, %dma_start3A_246] : memref<16x160x128xi32, #tpu.memory_space<hbm>> -> memref<1x160x128xi32, #tpu.memory_space<hbm>>
        %dma_start3A_248 = tpu.memref_squeeze %dma_start3A_247 : memref<1x160x128xi32, #tpu.memory_space<hbm>> -> memref<160x128xi32, #tpu.memory_space<hbm>>
        %dma_start3A_249 = arith.constant 64 : i32
        %dma_start3A_250 = arith.constant 0 : i32
        %dma_start3A_251 = tpu.memref_slice %dma_start3A_248[%dma_start3A_249, %dma_start3A_250] : memref<160x128xi32, #tpu.memory_space<hbm>> -> memref<32x128xi32, #tpu.memory_space<hbm>>
        %dma_start3A_252 = arith.constant 0 : i32
        %dma_start3A_253 = arith.constant 0 : i32
        %dma_start3A_254 = tpu.memref_slice %arg7[%dma_start3A_252, %dma_start3A_253] : memref<32x128xi32, #tpu.memory_space<vmem>> -> memref<32x128xi32, #tpu.memory_space<vmem>>
        %dma_start3A_255 = arith.constant 0 : i32
        %dma_start3A_256 = arith.constant 0 : i32
        %dma_start3A_257 = tpu.memref_slice %arg3[%arg1, %dma_start3A_255, %dma_start3A_256] : memref<16x160x128xi32, #tpu.memory_space<hbm>> -> memref<1x160x128xi32, #tpu.memory_space<hbm>>
        %dma_start3A_258 = tpu.memref_squeeze %dma_start3A_257 : memref<1x160x128xi32, #tpu.memory_space<hbm>> -> memref<160x128xi32, #tpu.memory_space<hbm>>
        %dma_start3A_259 = arith.constant 64 : i32
        %dma_start3A_260 = arith.constant 0 : i32
        %dma_start3A_261 = tpu.memref_slice %dma_start3A_258[%dma_start3A_259, %dma_start3A_260] : memref<160x128xi32, #tpu.memory_space<hbm>> -> memref<32x128xi32, #tpu.memory_space<hbm>>
        tpu.enqueue_dma source(%dma_start3A_261 : memref<32x128xi32, #tpu.memory_space<hbm>>) target(%dma_start3A_254 : memref<32x128xi32, #tpu.memory_space<vmem>>) target_semaphore(%run_scoped3A_241 : memref<!tpu.dma_semaphore, #tpu.memory_space<semaphore_mem>>)
        %dma_wait3A_262 = arith.constant 0 : i32
        %dma_wait3A_263 = arith.constant 0 : i32
        %dma_wait3A_264 = tpu.memref_slice %arg7[%dma_wait3A_262, %dma_wait3A_263] : memref<32x128xi32, #tpu.memory_space<vmem>> -> memref<32x128xi32, #tpu.memory_space<vmem>>
        %dma_wait3A_265 = arith.constant 0 : i32
        %dma_wait3A_266 = arith.constant 0 : i32
        %dma_wait3A_267 = tpu.memref_slice %arg3[%arg1, %dma_wait3A_265, %dma_wait3A_266] : memref<16x160x128xi32, #tpu.memory_space<hbm>> -> memref<1x160x128xi32, #tpu.memory_space<hbm>>
        %dma_wait3A_268 = tpu.memref_squeeze %dma_wait3A_267 : memref<1x160x128xi32, #tpu.memory_space<hbm>> -> memref<160x128xi32, #tpu.memory_space<hbm>>
        %dma_wait3A_269 = arith.constant 64 : i32
        %dma_wait3A_270 = arith.constant 0 : i32
        %dma_wait3A_271 = tpu.memref_slice %dma_wait3A_268[%dma_wait3A_269, %dma_wait3A_270] : memref<160x128xi32, #tpu.memory_space<hbm>> -> memref<32x128xi32, #tpu.memory_space<hbm>>
        %dma_wait3A_272 = arith.constant 0 : i32
        %dma_wait3A_273 = arith.constant 0 : i32
        %dma_wait3A_274 = tpu.memref_slice %arg7[%dma_wait3A_272, %dma_wait3A_273] : memref<32x128xi32, #tpu.memory_space<vmem>> -> memref<32x128xi32, #tpu.memory_space<vmem>>
        %dma_wait3A_275 = arith.constant 0 : i32
        %dma_wait3A_276 = arith.constant 0 : i32
        %dma_wait3A_277 = tpu.memref_slice %arg3[%arg1, %dma_wait3A_275, %dma_wait3A_276] : memref<16x160x128xi32, #tpu.memory_space<hbm>> -> memref<1x160x128xi32, #tpu.memory_space<hbm>>
        %dma_wait3A_278 = tpu.memref_squeeze %dma_wait3A_277 : memref<1x160x128xi32, #tpu.memory_space<hbm>> -> memref<160x128xi32, #tpu.memory_space<hbm>>
        %dma_wait3A_279 = arith.constant 64 : i32
        %dma_wait3A_280 = arith.constant 0 : i32
        %dma_wait3A_281 = tpu.memref_slice %dma_wait3A_278[%dma_wait3A_279, %dma_wait3A_280] : memref<160x128xi32, #tpu.memory_space<hbm>> -> memref<32x128xi32, #tpu.memory_space<hbm>>
        tpu.wait_dma2 semaphore(%run_scoped3A_241 : memref<!tpu.dma_semaphore, #tpu.memory_space<semaphore_mem>>) src(%dma_wait3A_281 : memref<32x128xi32, #tpu.memory_space<hbm>>) dst(%dma_wait3A_274 : memref<32x128xi32, #tpu.memory_space<vmem>>)
        tpu.yield
      }) : () -> ()
      "tpu.region"() ({
        %run_scoped3A_241 = tpu.sem_alloc : memref<!tpu.dma_semaphore, #tpu.memory_space<semaphore_mem>>
        %dma_start3A_242 = arith.constant 0 : i32
        %dma_start3A_243 = arith.constant 0 : i32
        %dma_start3A_244 = tpu.memref_slice %arg8[%dma_start3A_242, %dma_start3A_243] : memref<32x128xi32, #tpu.memory_space<vmem>> -> memref<32x128xi32, #tpu.memory_space<vmem>>
        %dma_start3A_245 = arith.constant 0 : i32
        %dma_start3A_246 = arith.constant 0 : i32
        %dma_start3A_247 = tpu.memref_slice %arg4[%arg1, %dma_start3A_245, %dma_start3A_246] : memref<16x160x128xi32, #tpu.memory_space<hbm>> -> memref<1x160x128xi32, #tpu.memory_space<hbm>>
        %dma_start3A_248 = tpu.memref_squeeze %dma_start3A_247 : memref<1x160x128xi32, #tpu.memory_space<hbm>> -> memref<160x128xi32, #tpu.memory_space<hbm>>
        %dma_start3A_249 = arith.constant 64 : i32
        %dma_start3A_250 = arith.constant 0 : i32
        %dma_start3A_251 = tpu.memref_slice %dma_start3A_248[%dma_start3A_249, %dma_start3A_250] : memref<160x128xi32, #tpu.memory_space<hbm>> -> memref<32x128xi32, #tpu.memory_space<hbm>>
        %dma_start3A_252 = arith.constant 0 : i32
        %dma_start3A_253 = arith.constant 0 : i32
        %dma_start3A_254 = tpu.memref_slice %arg8[%dma_start3A_252, %dma_start3A_253] : memref<32x128xi32, #tpu.memory_space<vmem>> -> memref<32x128xi32, #tpu.memory_space<vmem>>
        %dma_start3A_255 = arith.constant 0 : i32
        %dma_start3A_256 = arith.constant 0 : i32
        %dma_start3A_257 = tpu.memref_slice %arg4[%arg1, %dma_start3A_255, %dma_start3A_256] : memref<16x160x128xi32, #tpu.memory_space<hbm>> -> memref<1x160x128xi32, #tpu.memory_space<hbm>>
        %dma_start3A_258 = tpu.memref_squeeze %dma_start3A_257 : memref<1x160x128xi32, #tpu.memory_space<hbm>> -> memref<160x128xi32, #tpu.memory_space<hbm>>
        %dma_start3A_259 = arith.constant 64 : i32
        %dma_start3A_260 = arith.constant 0 : i32
        %dma_start3A_261 = tpu.memref_slice %dma_start3A_258[%dma_start3A_259, %dma_start3A_260] : memref<160x128xi32, #tpu.memory_space<hbm>> -> memref<32x128xi32, #tpu.memory_space<hbm>>
        tpu.enqueue_dma source(%dma_start3A_261 : memref<32x128xi32, #tpu.memory_space<hbm>>) target(%dma_start3A_254 : memref<32x128xi32, #tpu.memory_space<vmem>>) target_semaphore(%run_scoped3A_241 : memref<!tpu.dma_semaphore, #tpu.memory_space<semaphore_mem>>)
        %dma_wait3A_262 = arith.constant 0 : i32
        %dma_wait3A_263 = arith.constant 0 : i32
        %dma_wait3A_264 = tpu.memref_slice %arg8[%dma_wait3A_262, %dma_wait3A_263] : memref<32x128xi32, #tpu.memory_space<vmem>> -> memref<32x128xi32, #tpu.memory_space<vmem>>
        %dma_wait3A_265 = arith.constant 0 : i32
        %dma_wait3A_266 = arith.constant 0 : i32
        %dma_wait3A_267 = tpu.memref_slice %arg4[%arg1, %dma_wait3A_265, %dma_wait3A_266] : memref<16x160x128xi32, #tpu.memory_space<hbm>> -> memref<1x160x128xi32, #tpu.memory_space<hbm>>
        %dma_wait3A_268 = tpu.memref_squeeze %dma_wait3A_267 : memref<1x160x128xi32, #tpu.memory_space<hbm>> -> memref<160x128xi32, #tpu.memory_space<hbm>>
        %dma_wait3A_269 = arith.constant 64 : i32
        %dma_wait3A_270 = arith.constant 0 : i32
        %dma_wait3A_271 = tpu.memref_slice %dma_wait3A_268[%dma_wait3A_269, %dma_wait3A_270] : memref<160x128xi32, #tpu.memory_space<hbm>> -> memref<32x128xi32, #tpu.memory_space<hbm>>
        %dma_wait3A_272 = arith.constant 0 : i32
        %dma_wait3A_273 = arith.constant 0 : i32
        %dma_wait3A_274 = tpu.memref_slice %arg8[%dma_wait3A_272, %dma_wait3A_273] : memref<32x128xi32, #tpu.memory_space<vmem>> -> memref<32x128xi32, #tpu.memory_space<vmem>>
        %dma_wait3A_275 = arith.constant 0 : i32
        %dma_wait3A_276 = arith.constant 0 : i32
        %dma_wait3A_277 = tpu.memref_slice %arg4[%arg1, %dma_wait3A_275, %dma_wait3A_276] : memref<16x160x128xi32, #tpu.memory_space<hbm>> -> memref<1x160x128xi32, #tpu.memory_space<hbm>>
        %dma_wait3A_278 = tpu.memref_squeeze %dma_wait3A_277 : memref<1x160x128xi32, #tpu.memory_space<hbm>> -> memref<160x128xi32, #tpu.memory_space<hbm>>
        %dma_wait3A_279 = arith.constant 64 : i32
        %dma_wait3A_280 = arith.constant 0 : i32
        %dma_wait3A_281 = tpu.memref_slice %dma_wait3A_278[%dma_wait3A_279, %dma_wait3A_280] : memref<160x128xi32, #tpu.memory_space<hbm>> -> memref<32x128xi32, #tpu.memory_space<hbm>>
        tpu.wait_dma2 semaphore(%run_scoped3A_241 : memref<!tpu.dma_semaphore, #tpu.memory_space<semaphore_mem>>) src(%dma_wait3A_281 : memref<32x128xi32, #tpu.memory_space<hbm>>) dst(%dma_wait3A_274 : memref<32x128xi32, #tpu.memory_space<vmem>>)
        tpu.yield
      }) : () -> ()
      %dma_start3A_125 = arith.constant 0 : i32
      %dma_start3A_126 = arith.constant 0 : i32
      %dma_start3A_127 = arith.constant 0 : i32
      %dma_start3A_128 = arith.constant 0 : i32
      %dma_start3A_129 = tpu.memref_slice %arg9[%dma_start3A_126, %dma_start3A_127, %dma_start3A_128] : memref<2x128x128xf32, #tpu.memory_space<vmem>> -> memref<1x128x128xf32, #tpu.memory_space<vmem>>
      %dma_start3A_130 = tpu.memref_squeeze %dma_start3A_129 : memref<1x128x128xf32, #tpu.memory_space<vmem>> -> memref<128x128xf32, #tpu.memory_space<vmem>>
      %dma_start3A_131 = arith.constant 0 : i32
      %dma_start3A_132 = tpu.memref_slice %arg7[%dma_start3A_125, %dma_start3A_131] : memref<32x128xi32, #tpu.memory_space<vmem>> -> memref<1x128xi32, #tpu.memory_space<vmem>>
      %dma_start3A_133 = tpu.memref_squeeze %dma_start3A_132 : memref<1x128xi32, #tpu.memory_space<vmem>> -> memref<128xi32, #tpu.memory_space<vmem>>
      %dma_start3A_134 = arith.constant 0 : i32
      %dma_start3A_135 = arith.constant 0 : i32
      %dma_start3A_136 = tpu.memref_slice %arg2[%dma_start3A_134, %dma_start3A_135] : memref<10000x128xf32, #tpu.memory_space<hbm>> -> memref<10000x128xf32, #tpu.memory_space<hbm>>
      tpu.enqueue_indirect_dma source(%dma_start3A_136 : memref<10000x128xf32, #tpu.memory_space<hbm>>) target(%dma_start3A_130 : memref<128x128xf32, #tpu.memory_space<vmem>>) offsets(%dma_start3A_133 : memref<128xi32, #tpu.memory_space<vmem>>) semaphore(%arg11 : memref<!tpu.dma_semaphore, #tpu.memory_space<semaphore_mem>>)
      %dma_start3A_137 = arith.constant 1 : i32
      %dma_start3A_138 = arith.constant 1 : i32
      %dma_start3A_139 = arith.constant 0 : i32
      %dma_start3A_140 = arith.constant 0 : i32
      %dma_start3A_141 = tpu.memref_slice %arg9[%dma_start3A_138, %dma_start3A_139, %dma_start3A_140] : memref<2x128x128xf32, #tpu.memory_space<vmem>> -> memref<1x128x128xf32, #tpu.memory_space<vmem>>
      %dma_start3A_142 = tpu.memref_squeeze %dma_start3A_141 : memref<1x128x128xf32, #tpu.memory_space<vmem>> -> memref<128x128xf32, #tpu.memory_space<vmem>>
      %dma_start3A_143 = arith.constant 0 : i32
      %dma_start3A_144 = tpu.memref_slice %arg7[%dma_start3A_137, %dma_start3A_143] : memref<32x128xi32, #tpu.memory_space<vmem>> -> memref<1x128xi32, #tpu.memory_space<vmem>>
      %dma_start3A_145 = tpu.memref_squeeze %dma_start3A_144 : memref<1x128xi32, #tpu.memory_space<vmem>> -> memref<128xi32, #tpu.memory_space<vmem>>
      %dma_start3A_146 = arith.constant 0 : i32
      %dma_start3A_147 = arith.constant 0 : i32
      %dma_start3A_148 = tpu.memref_slice %arg2[%dma_start3A_146, %dma_start3A_147] : memref<10000x128xf32, #tpu.memory_space<hbm>> -> memref<10000x128xf32, #tpu.memory_space<hbm>>
      tpu.enqueue_indirect_dma source(%dma_start3A_148 : memref<10000x128xf32, #tpu.memory_space<hbm>>) target(%dma_start3A_142 : memref<128x128xf32, #tpu.memory_space<vmem>>) offsets(%dma_start3A_145 : memref<128xi32, #tpu.memory_space<vmem>>) semaphore(%arg12 : memref<!tpu.dma_semaphore, #tpu.memory_space<semaphore_mem>>)
      %scan3A_149 = arith.constant 0 : i32
      %scan3A_150 = arith.constant 0 : i32
      %scan3A_151 = arith.constant 15 : i32
      %scan3A_152 = arith.addi %scan3A_150, %scan3A_151 : i32
      %scan3A_153 = arith.constant 1 : i32
      scf.for %scan3A_241 = %scan3A_150 to %scan3A_152 step %scan3A_153  : i32 {
        %mul3A_242 = arith.constant 2 : i32
        %mul3A_243 = arith.muli %mul3A_242, %scan3A_241 : i32
        %dma_wait3A_244 = arith.constant 0 : i32
        %dma_wait3A_245 = arith.constant 0 : i32
        %dma_wait3A_246 = arith.constant 0 : i32
        %dma_wait3A_247 = tpu.memref_slice %arg9[%dma_wait3A_244, %dma_wait3A_245, %dma_wait3A_246] : memref<2x128x128xf32, #tpu.memory_space<vmem>> -> memref<1x128x128xf32, #tpu.memory_space<vmem>>
        %dma_wait3A_248 = tpu.memref_squeeze %dma_wait3A_247 : memref<1x128x128xf32, #tpu.memory_space<vmem>> -> memref<128x128xf32, #tpu.memory_space<vmem>>
        %dma_wait3A_249 = arith.constant 0 : i32
        %dma_wait3A_250 = tpu.memref_slice %arg7[%mul3A_243, %dma_wait3A_249] : memref<32x128xi32, #tpu.memory_space<vmem>> -> memref<1x128xi32, #tpu.memory_space<vmem>>
        %dma_wait3A_251 = tpu.memref_squeeze %dma_wait3A_250 : memref<1x128xi32, #tpu.memory_space<vmem>> -> memref<128xi32, #tpu.memory_space<vmem>>
        %dma_wait3A_252 = arith.constant 0 : i32
        %dma_wait3A_253 = arith.constant 0 : i32
        %dma_wait3A_254 = tpu.memref_slice %arg2[%dma_wait3A_252, %dma_wait3A_253] : memref<10000x128xf32, #tpu.memory_space<hbm>> -> memref<10000x128xf32, #tpu.memory_space<hbm>>
        tpu.wait_indirect_dma semaphore(%arg11 : memref<!tpu.dma_semaphore, #tpu.memory_space<semaphore_mem>>) src(%dma_wait3A_254 : memref<10000x128xf32, #tpu.memory_space<hbm>>) dst(%dma_wait3A_248 : memref<128x128xf32, #tpu.memory_space<vmem>>)
        %run_scoped3A_255 = arith.constant 0 : i32
        "tpu.region"() ({
          %run_scoped3A_297 = tpu.sem_alloc : memref<!tpu.dma_semaphore, #tpu.memory_space<semaphore_mem>>
          %dma_start3A_298 = arith.constant 0 : i32
          %dma_start3A_299 = arith.constant 0 : i32
          %dma_start3A_300 = tpu.memref_slice %arg9[%run_scoped3A_255, %dma_start3A_298, %dma_start3A_299] : memref<2x128x128xf32, #tpu.memory_space<vmem>> -> memref<1x128x128xf32, #tpu.memory_space<vmem>>
          %dma_start3A_301 = tpu.memref_squeeze %dma_start3A_300 : memref<1x128x128xf32, #tpu.memory_space<vmem>> -> memref<128x128xf32, #tpu.memory_space<vmem>>
          %dma_start3A_302 = arith.constant 0 : i32
          %dma_start3A_303 = tpu.memref_slice %arg8[%mul3A_243, %dma_start3A_302] : memref<32x128xi32, #tpu.memory_space<vmem>> -> memref<1x128xi32, #tpu.memory_space<vmem>>
          %dma_start3A_304 = tpu.memref_squeeze %dma_start3A_303 : memref<1x128xi32, #tpu.memory_space<vmem>> -> memref<128xi32, #tpu.memory_space<vmem>>
          %dma_start3A_305 = arith.constant 0 : i32
          %dma_start3A_306 = arith.constant 0 : i32
          %dma_start3A_307 = tpu.memref_slice %arg10[%dma_start3A_305, %dma_start3A_306] : memref<10112x128xf32, #tpu.memory_space<vmem_shared>> -> memref<10112x128xf32, #tpu.memory_space<vmem_shared>>
          tpu.enqueue_indirect_dma source(%dma_start3A_301 : memref<128x128xf32, #tpu.memory_space<vmem>>) target(%dma_start3A_307 : memref<10112x128xf32, #tpu.memory_space<vmem_shared>>) offsets(%dma_start3A_304 : memref<128xi32, #tpu.memory_space<vmem>>) semaphore(%run_scoped3A_297 : memref<!tpu.dma_semaphore, #tpu.memory_space<semaphore_mem>>) {add = true}
          %dma_wait3A_308 = arith.constant 0 : i32
          %dma_wait3A_309 = arith.constant 0 : i32
          %dma_wait3A_310 = tpu.memref_slice %arg9[%run_scoped3A_255, %dma_wait3A_308, %dma_wait3A_309] : memref<2x128x128xf32, #tpu.memory_space<vmem>> -> memref<1x128x128xf32, #tpu.memory_space<vmem>>
          %dma_wait3A_311 = tpu.memref_squeeze %dma_wait3A_310 : memref<1x128x128xf32, #tpu.memory_space<vmem>> -> memref<128x128xf32, #tpu.memory_space<vmem>>
          %dma_wait3A_312 = arith.constant 0 : i32
          %dma_wait3A_313 = tpu.memref_slice %arg8[%mul3A_243, %dma_wait3A_312] : memref<32x128xi32, #tpu.memory_space<vmem>> -> memref<1x128xi32, #tpu.memory_space<vmem>>
          %dma_wait3A_314 = tpu.memref_squeeze %dma_wait3A_313 : memref<1x128xi32, #tpu.memory_space<vmem>> -> memref<128xi32, #tpu.memory_space<vmem>>
          %dma_wait3A_315 = arith.constant 0 : i32
          %dma_wait3A_316 = arith.constant 0 : i32
          %dma_wait3A_317 = tpu.memref_slice %arg10[%dma_wait3A_315, %dma_wait3A_316] : memref<10112x128xf32, #tpu.memory_space<vmem_shared>> -> memref<10112x128xf32, #tpu.memory_space<vmem_shared>>
          tpu.wait_indirect_dma semaphore(%run_scoped3A_297 : memref<!tpu.dma_semaphore, #tpu.memory_space<semaphore_mem>>) src(%dma_wait3A_311 : memref<128x128xf32, #tpu.memory_space<vmem>>) dst(%dma_wait3A_317 : memref<10112x128xf32, #tpu.memory_space<vmem_shared>>)
          tpu.yield
        }) : () -> ()
        %add3A = arith.constant 2 : i32
        %add3A_256 = arith.addi %mul3A_243, %add3A : i32
        %dma_start3A_257 = arith.constant 0 : i32
        %dma_start3A_258 = arith.constant 0 : i32
        %dma_start3A_259 = arith.constant 0 : i32
        %dma_start3A_260 = tpu.memref_slice %arg9[%dma_start3A_257, %dma_start3A_258, %dma_start3A_259] : memref<2x128x128xf32, #tpu.memory_space<vmem>> -> memref<1x128x128xf32, #tpu.memory_space<vmem>>
        %dma_start3A_261 = tpu.memref_squeeze %dma_start3A_260 : memref<1x128x128xf32, #tpu.memory_space<vmem>> -> memref<128x128xf32, #tpu.memory_space<vmem>>
        %dma_start3A_262 = arith.constant 0 : i32
        %dma_start3A_263 = tpu.memref_slice %arg7[%add3A_256, %dma_start3A_262] : memref<32x128xi32, #tpu.memory_space<vmem>> -> memref<1x128xi32, #tpu.memory_space<vmem>>
        %dma_start3A_264 = tpu.memref_squeeze %dma_start3A_263 : memref<1x128xi32, #tpu.memory_space<vmem>> -> memref<128xi32, #tpu.memory_space<vmem>>
        %dma_start3A_265 = arith.constant 0 : i32
        %dma_start3A_266 = arith.constant 0 : i32
        %dma_start3A_267 = tpu.memref_slice %arg2[%dma_start3A_265, %dma_start3A_266] : memref<10000x128xf32, #tpu.memory_space<hbm>> -> memref<10000x128xf32, #tpu.memory_space<hbm>>
        tpu.enqueue_indirect_dma source(%dma_start3A_267 : memref<10000x128xf32, #tpu.memory_space<hbm>>) target(%dma_start3A_261 : memref<128x128xf32, #tpu.memory_space<vmem>>) offsets(%dma_start3A_264 : memref<128xi32, #tpu.memory_space<vmem>>) semaphore(%arg11 : memref<!tpu.dma_semaphore, #tpu.memory_space<semaphore_mem>>)
        %add3A_268 = arith.constant 1 : i32
        %add3A_269 = arith.addi %mul3A_243, %add3A_268 : i32
        %dma_wait3A_270 = arith.constant 1 : i32
        %dma_wait3A_271 = arith.constant 0 : i32
        %dma_wait3A_272 = arith.constant 0 : i32
        %dma_wait3A_273 = tpu.memref_slice %arg9[%dma_wait3A_270, %dma_wait3A_271, %dma_wait3A_272] : memref<2x128x128xf32, #tpu.memory_space<vmem>> -> memref<1x128x128xf32, #tpu.memory_space<vmem>>
        %dma_wait3A_274 = tpu.memref_squeeze %dma_wait3A_273 : memref<1x128x128xf32, #tpu.memory_space<vmem>> -> memref<128x128xf32, #tpu.memory_space<vmem>>
        %dma_wait3A_275 = arith.constant 0 : i32
        %dma_wait3A_276 = tpu.memref_slice %arg7[%add3A_269, %dma_wait3A_275] : memref<32x128xi32, #tpu.memory_space<vmem>> -> memref<1x128xi32, #tpu.memory_space<vmem>>
        %dma_wait3A_277 = tpu.memref_squeeze %dma_wait3A_276 : memref<1x128xi32, #tpu.memory_space<vmem>> -> memref<128xi32, #tpu.memory_space<vmem>>
        %dma_wait3A_278 = arith.constant 0 : i32
        %dma_wait3A_279 = arith.constant 0 : i32
        %dma_wait3A_280 = tpu.memref_slice %arg2[%dma_wait3A_278, %dma_wait3A_279] : memref<10000x128xf32, #tpu.memory_space<hbm>> -> memref<10000x128xf32, #tpu.memory_space<hbm>>
        tpu.wait_indirect_dma semaphore(%arg12 : memref<!tpu.dma_semaphore, #tpu.memory_space<semaphore_mem>>) src(%dma_wait3A_280 : memref<10000x128xf32, #tpu.memory_space<hbm>>) dst(%dma_wait3A_274 : memref<128x128xf32, #tpu.memory_space<vmem>>)
        %add3A_281 = arith.constant 1 : i32
        %add3A_282 = arith.addi %mul3A_243, %add3A_281 : i32
        %run_scoped3A_283 = arith.constant 1 : i32
        "tpu.region"() ({
          %run_scoped3A_297 = tpu.sem_alloc : memref<!tpu.dma_semaphore, #tpu.memory_space<semaphore_mem>>
          %dma_start3A_298 = arith.constant 0 : i32
          %dma_start3A_299 = arith.constant 0 : i32
          %dma_start3A_300 = tpu.memref_slice %arg9[%run_scoped3A_283, %dma_start3A_298, %dma_start3A_299] : memref<2x128x128xf32, #tpu.memory_space<vmem>> -> memref<1x128x128xf32, #tpu.memory_space<vmem>>
          %dma_start3A_301 = tpu.memref_squeeze %dma_start3A_300 : memref<1x128x128xf32, #tpu.memory_space<vmem>> -> memref<128x128xf32, #tpu.memory_space<vmem>>
          %dma_start3A_302 = arith.constant 0 : i32
          %dma_start3A_303 = tpu.memref_slice %arg8[%add3A_282, %dma_start3A_302] : memref<32x128xi32, #tpu.memory_space<vmem>> -> memref<1x128xi32, #tpu.memory_space<vmem>>
          %dma_start3A_304 = tpu.memref_squeeze %dma_start3A_303 : memref<1x128xi32, #tpu.memory_space<vmem>> -> memref<128xi32, #tpu.memory_space<vmem>>
          %dma_start3A_305 = arith.constant 0 : i32
          %dma_start3A_306 = arith.constant 0 : i32
          %dma_start3A_307 = tpu.memref_slice %arg10[%dma_start3A_305, %dma_start3A_306] : memref<10112x128xf32, #tpu.memory_space<vmem_shared>> -> memref<10112x128xf32, #tpu.memory_space<vmem_shared>>
          tpu.enqueue_indirect_dma source(%dma_start3A_301 : memref<128x128xf32, #tpu.memory_space<vmem>>) target(%dma_start3A_307 : memref<10112x128xf32, #tpu.memory_space<vmem_shared>>) offsets(%dma_start3A_304 : memref<128xi32, #tpu.memory_space<vmem>>) semaphore(%run_scoped3A_297 : memref<!tpu.dma_semaphore, #tpu.memory_space<semaphore_mem>>) {add = true}
          %dma_wait3A_308 = arith.constant 0 : i32
          %dma_wait3A_309 = arith.constant 0 : i32
          %dma_wait3A_310 = tpu.memref_slice %arg9[%run_scoped3A_283, %dma_wait3A_308, %dma_wait3A_309] : memref<2x128x128xf32, #tpu.memory_space<vmem>> -> memref<1x128x128xf32, #tpu.memory_space<vmem>>
          %dma_wait3A_311 = tpu.memref_squeeze %dma_wait3A_310 : memref<1x128x128xf32, #tpu.memory_space<vmem>> -> memref<128x128xf32, #tpu.memory_space<vmem>>
          %dma_wait3A_312 = arith.constant 0 : i32
          %dma_wait3A_313 = tpu.memref_slice %arg8[%add3A_282, %dma_wait3A_312] : memref<32x128xi32, #tpu.memory_space<vmem>> -> memref<1x128xi32, #tpu.memory_space<vmem>>
          %dma_wait3A_314 = tpu.memref_squeeze %dma_wait3A_313 : memref<1x128xi32, #tpu.memory_space<vmem>> -> memref<128xi32, #tpu.memory_space<vmem>>
          %dma_wait3A_315 = arith.constant 0 : i32
          %dma_wait3A_316 = arith.constant 0 : i32
          %dma_wait3A_317 = tpu.memref_slice %arg10[%dma_wait3A_315, %dma_wait3A_316] : memref<10112x128xf32, #tpu.memory_space<vmem_shared>> -> memref<10112x128xf32, #tpu.memory_space<vmem_shared>>
          tpu.wait_indirect_dma semaphore(%run_scoped3A_297 : memref<!tpu.dma_semaphore, #tpu.memory_space<semaphore_mem>>) src(%dma_wait3A_311 : memref<128x128xf32, #tpu.memory_space<vmem>>) dst(%dma_wait3A_317 : memref<10112x128xf32, #tpu.memory_space<vmem_shared>>)
          tpu.yield
        }) : () -> ()
        %add3A_284 = arith.constant 3 : i32
        %add3A_285 = arith.addi %mul3A_243, %add3A_284 : i32
        %dma_start3A_286 = arith.constant 1 : i32
        %dma_start3A_287 = arith.constant 0 : i32
        %dma_start3A_288 = arith.constant 0 : i32
        %dma_start3A_289 = tpu.memref_slice %arg9[%dma_start3A_286, %dma_start3A_287, %dma_start3A_288] : memref<2x128x128xf32, #tpu.memory_space<vmem>> -> memref<1x128x128xf32, #tpu.memory_space<vmem>>
        %dma_start3A_290 = tpu.memref_squeeze %dma_start3A_289 : memref<1x128x128xf32, #tpu.memory_space<vmem>> -> memref<128x128xf32, #tpu.memory_space<vmem>>
        %dma_start3A_291 = arith.constant 0 : i32
        %dma_start3A_292 = tpu.memref_slice %arg7[%add3A_285, %dma_start3A_291] : memref<32x128xi32, #tpu.memory_space<vmem>> -> memref<1x128xi32, #tpu.memory_space<vmem>>
        %dma_start3A_293 = tpu.memref_squeeze %dma_start3A_292 : memref<1x128xi32, #tpu.memory_space<vmem>> -> memref<128xi32, #tpu.memory_space<vmem>>
        %dma_start3A_294 = arith.constant 0 : i32
        %dma_start3A_295 = arith.constant 0 : i32
        %dma_start3A_296 = tpu.memref_slice %arg2[%dma_start3A_294, %dma_start3A_295] : memref<10000x128xf32, #tpu.memory_space<hbm>> -> memref<10000x128xf32, #tpu.memory_space<hbm>>
        tpu.enqueue_indirect_dma source(%dma_start3A_296 : memref<10000x128xf32, #tpu.memory_space<hbm>>) target(%dma_start3A_290 : memref<128x128xf32, #tpu.memory_space<vmem>>) offsets(%dma_start3A_293 : memref<128xi32, #tpu.memory_space<vmem>>) semaphore(%arg12 : memref<!tpu.dma_semaphore, #tpu.memory_space<semaphore_mem>>)
      }
      %scan3A_154 = arith.constant 15 : i32
      %dma_wait3A_155 = arith.constant 30 : i32
      %dma_wait3A_156 = arith.constant 0 : i32
      %dma_wait3A_157 = arith.constant 0 : i32
      %dma_wait3A_158 = arith.constant 0 : i32
      %dma_wait3A_159 = tpu.memref_slice %arg9[%dma_wait3A_156, %dma_wait3A_157, %dma_wait3A_158] : memref<2x128x128xf32, #tpu.memory_space<vmem>> -> memref<1x128x128xf32, #tpu.memory_space<vmem>>
      %dma_wait3A_160 = tpu.memref_squeeze %dma_wait3A_159 : memref<1x128x128xf32, #tpu.memory_space<vmem>> -> memref<128x128xf32, #tpu.memory_space<vmem>>
      %dma_wait3A_161 = arith.constant 0 : i32
      %dma_wait3A_162 = tpu.memref_slice %arg7[%dma_wait3A_155, %dma_wait3A_161] : memref<32x128xi32, #tpu.memory_space<vmem>> -> memref<1x128xi32, #tpu.memory_space<vmem>>
      %dma_wait3A_163 = tpu.memref_squeeze %dma_wait3A_162 : memref<1x128xi32, #tpu.memory_space<vmem>> -> memref<128xi32, #tpu.memory_space<vmem>>
      %dma_wait3A_164 = arith.constant 0 : i32
      %dma_wait3A_165 = arith.constant 0 : i32
      %dma_wait3A_166 = tpu.memref_slice %arg2[%dma_wait3A_164, %dma_wait3A_165] : memref<10000x128xf32, #tpu.memory_space<hbm>> -> memref<10000x128xf32, #tpu.memory_space<hbm>>
      tpu.wait_indirect_dma semaphore(%arg11 : memref<!tpu.dma_semaphore, #tpu.memory_space<semaphore_mem>>) src(%dma_wait3A_166 : memref<10000x128xf32, #tpu.memory_space<hbm>>) dst(%dma_wait3A_160 : memref<128x128xf32, #tpu.memory_space<vmem>>)
      %run_scoped3A_167 = arith.constant 0 : i32
      %run_scoped3A_168 = arith.constant 30 : i32
      "tpu.region"() ({
        %run_scoped3A_241 = tpu.sem_alloc : memref<!tpu.dma_semaphore, #tpu.memory_space<semaphore_mem>>
        %dma_start3A_242 = arith.constant 0 : i32
        %dma_start3A_243 = arith.constant 0 : i32
        %dma_start3A_244 = tpu.memref_slice %arg9[%run_scoped3A_167, %dma_start3A_242, %dma_start3A_243] : memref<2x128x128xf32, #tpu.memory_space<vmem>> -> memref<1x128x128xf32, #tpu.memory_space<vmem>>
        %dma_start3A_245 = tpu.memref_squeeze %dma_start3A_244 : memref<1x128x128xf32, #tpu.memory_space<vmem>> -> memref<128x128xf32, #tpu.memory_space<vmem>>
        %dma_start3A_246 = arith.constant 0 : i32
        %dma_start3A_247 = tpu.memref_slice %arg8[%run_scoped3A_168, %dma_start3A_246] : memref<32x128xi32, #tpu.memory_space<vmem>> -> memref<1x128xi32, #tpu.memory_space<vmem>>
        %dma_start3A_248 = tpu.memref_squeeze %dma_start3A_247 : memref<1x128xi32, #tpu.memory_space<vmem>> -> memref<128xi32, #tpu.memory_space<vmem>>
        %dma_start3A_249 = arith.constant 0 : i32
        %dma_start3A_250 = arith.constant 0 : i32
        %dma_start3A_251 = tpu.memref_slice %arg10[%dma_start3A_249, %dma_start3A_250] : memref<10112x128xf32, #tpu.memory_space<vmem_shared>> -> memref<10112x128xf32, #tpu.memory_space<vmem_shared>>
        tpu.enqueue_indirect_dma source(%dma_start3A_245 : memref<128x128xf32, #tpu.memory_space<vmem>>) target(%dma_start3A_251 : memref<10112x128xf32, #tpu.memory_space<vmem_shared>>) offsets(%dma_start3A_248 : memref<128xi32, #tpu.memory_space<vmem>>) semaphore(%run_scoped3A_241 : memref<!tpu.dma_semaphore, #tpu.memory_space<semaphore_mem>>) {add = true}
        %dma_wait3A_252 = arith.constant 0 : i32
        %dma_wait3A_253 = arith.constant 0 : i32
        %dma_wait3A_254 = tpu.memref_slice %arg9[%run_scoped3A_167, %dma_wait3A_252, %dma_wait3A_253] : memref<2x128x128xf32, #tpu.memory_space<vmem>> -> memref<1x128x128xf32, #tpu.memory_space<vmem>>
        %dma_wait3A_255 = tpu.memref_squeeze %dma_wait3A_254 : memref<1x128x128xf32, #tpu.memory_space<vmem>> -> memref<128x128xf32, #tpu.memory_space<vmem>>
        %dma_wait3A_256 = arith.constant 0 : i32
        %dma_wait3A_257 = tpu.memref_slice %arg8[%run_scoped3A_168, %dma_wait3A_256] : memref<32x128xi32, #tpu.memory_space<vmem>> -> memref<1x128xi32, #tpu.memory_space<vmem>>
        %dma_wait3A_258 = tpu.memref_squeeze %dma_wait3A_257 : memref<1x128xi32, #tpu.memory_space<vmem>> -> memref<128xi32, #tpu.memory_space<vmem>>
        %dma_wait3A_259 = arith.constant 0 : i32
        %dma_wait3A_260 = arith.constant 0 : i32
        %dma_wait3A_261 = tpu.memref_slice %arg10[%dma_wait3A_259, %dma_wait3A_260] : memref<10112x128xf32, #tpu.memory_space<vmem_shared>> -> memref<10112x128xf32, #tpu.memory_space<vmem_shared>>
        tpu.wait_indirect_dma semaphore(%run_scoped3A_241 : memref<!tpu.dma_semaphore, #tpu.memory_space<semaphore_mem>>) src(%dma_wait3A_255 : memref<128x128xf32, #tpu.memory_space<vmem>>) dst(%dma_wait3A_261 : memref<10112x128xf32, #tpu.memory_space<vmem_shared>>)
        tpu.yield
      }) : () -> ()
      %dma_wait3A_169 = arith.constant 31 : i32
      %dma_wait3A_170 = arith.constant 1 : i32
      %dma_wait3A_171 = arith.constant 0 : i32
      %dma_wait3A_172 = arith.constant 0 : i32
      %dma_wait3A_173 = tpu.memref_slice %arg9[%dma_wait3A_170, %dma_wait3A_171, %dma_wait3A_172] : memref<2x128x128xf32, #tpu.memory_space<vmem>> -> memref<1x128x128xf32, #tpu.memory_space<vmem>>
      %dma_wait3A_174 = tpu.memref_squeeze %dma_wait3A_173 : memref<1x128x128xf32, #tpu.memory_space<vmem>> -> memref<128x128xf32, #tpu.memory_space<vmem>>
      %dma_wait3A_175 = arith.constant 0 : i32
      %dma_wait3A_176 = tpu.memref_slice %arg7[%dma_wait3A_169, %dma_wait3A_175] : memref<32x128xi32, #tpu.memory_space<vmem>> -> memref<1x128xi32, #tpu.memory_space<vmem>>
      %dma_wait3A_177 = tpu.memref_squeeze %dma_wait3A_176 : memref<1x128xi32, #tpu.memory_space<vmem>> -> memref<128xi32, #tpu.memory_space<vmem>>
      %dma_wait3A_178 = arith.constant 0 : i32
      %dma_wait3A_179 = arith.constant 0 : i32
      %dma_wait3A_180 = tpu.memref_slice %arg2[%dma_wait3A_178, %dma_wait3A_179] : memref<10000x128xf32, #tpu.memory_space<hbm>> -> memref<10000x128xf32, #tpu.memory_space<hbm>>
      tpu.wait_indirect_dma semaphore(%arg12 : memref<!tpu.dma_semaphore, #tpu.memory_space<semaphore_mem>>) src(%dma_wait3A_180 : memref<10000x128xf32, #tpu.memory_space<hbm>>) dst(%dma_wait3A_174 : memref<128x128xf32, #tpu.memory_space<vmem>>)
      %run_scoped3A_181 = arith.constant 1 : i32
      %run_scoped3A_182 = arith.constant 31 : i32
      "tpu.region"() ({
        %run_scoped3A_241 = tpu.sem_alloc : memref<!tpu.dma_semaphore, #tpu.memory_space<semaphore_mem>>
        %dma_start3A_242 = arith.constant 0 : i32
        %dma_start3A_243 = arith.constant 0 : i32
        %dma_start3A_244 = tpu.memref_slice %arg9[%run_scoped3A_181, %dma_start3A_242, %dma_start3A_243] : memref<2x128x128xf32, #tpu.memory_space<vmem>> -> memref<1x128x128xf32, #tpu.memory_space<vmem>>
        %dma_start3A_245 = tpu.memref_squeeze %dma_start3A_244 : memref<1x128x128xf32, #tpu.memory_space<vmem>> -> memref<128x128xf32, #tpu.memory_space<vmem>>
        %dma_start3A_246 = arith.constant 0 : i32
        %dma_start3A_247 = tpu.memref_slice %arg8[%run_scoped3A_182, %dma_start3A_246] : memref<32x128xi32, #tpu.memory_space<vmem>> -> memref<1x128xi32, #tpu.memory_space<vmem>>
        %dma_start3A_248 = tpu.memref_squeeze %dma_start3A_247 : memref<1x128xi32, #tpu.memory_space<vmem>> -> memref<128xi32, #tpu.memory_space<vmem>>
        %dma_start3A_249 = arith.constant 0 : i32
        %dma_start3A_250 = arith.constant 0 : i32
        %dma_start3A_251 = tpu.memref_slice %arg10[%dma_start3A_249, %dma_start3A_250] : memref<10112x128xf32, #tpu.memory_space<vmem_shared>> -> memref<10112x128xf32, #tpu.memory_space<vmem_shared>>
        tpu.enqueue_indirect_dma source(%dma_start3A_245 : memref<128x128xf32, #tpu.memory_space<vmem>>) target(%dma_start3A_251 : memref<10112x128xf32, #tpu.memory_space<vmem_shared>>) offsets(%dma_start3A_248 : memref<128xi32, #tpu.memory_space<vmem>>) semaphore(%run_scoped3A_241 : memref<!tpu.dma_semaphore, #tpu.memory_space<semaphore_mem>>) {add = true}
        %dma_wait3A_252 = arith.constant 0 : i32
        %dma_wait3A_253 = arith.constant 0 : i32
        %dma_wait3A_254 = tpu.memref_slice %arg9[%run_scoped3A_181, %dma_wait3A_252, %dma_wait3A_253] : memref<2x128x128xf32, #tpu.memory_space<vmem>> -> memref<1x128x128xf32, #tpu.memory_space<vmem>>
        %dma_wait3A_255 = tpu.memref_squeeze %dma_wait3A_254 : memref<1x128x128xf32, #tpu.memory_space<vmem>> -> memref<128x128xf32, #tpu.memory_space<vmem>>
        %dma_wait3A_256 = arith.constant 0 : i32
        %dma_wait3A_257 = tpu.memref_slice %arg8[%run_scoped3A_182, %dma_wait3A_256] : memref<32x128xi32, #tpu.memory_space<vmem>> -> memref<1x128xi32, #tpu.memory_space<vmem>>
        %dma_wait3A_258 = tpu.memref_squeeze %dma_wait3A_257 : memref<1x128xi32, #tpu.memory_space<vmem>> -> memref<128xi32, #tpu.memory_space<vmem>>
        %dma_wait3A_259 = arith.constant 0 : i32
        %dma_wait3A_260 = arith.constant 0 : i32
        %dma_wait3A_261 = tpu.memref_slice %arg10[%dma_wait3A_259, %dma_wait3A_260] : memref<10112x128xf32, #tpu.memory_space<vmem_shared>> -> memref<10112x128xf32, #tpu.memory_space<vmem_shared>>
        tpu.wait_indirect_dma semaphore(%run_scoped3A_241 : memref<!tpu.dma_semaphore, #tpu.memory_space<semaphore_mem>>) src(%dma_wait3A_255 : memref<128x128xf32, #tpu.memory_space<vmem>>) dst(%dma_wait3A_261 : memref<10112x128xf32, #tpu.memory_space<vmem_shared>>)
        tpu.yield
      }) : () -> ()
      "tpu.region"() ({
        %run_scoped3A_241 = tpu.sem_alloc : memref<!tpu.dma_semaphore, #tpu.memory_space<semaphore_mem>>
        %dma_start3A_242 = arith.constant 0 : i32
        %dma_start3A_243 = arith.constant 0 : i32
        %dma_start3A_244 = tpu.memref_slice %arg7[%dma_start3A_242, %dma_start3A_243] : memref<32x128xi32, #tpu.memory_space<vmem>> -> memref<32x128xi32, #tpu.memory_space<vmem>>
        %dma_start3A_245 = arith.constant 0 : i32
        %dma_start3A_246 = arith.constant 0 : i32
        %dma_start3A_247 = tpu.memref_slice %arg3[%arg1, %dma_start3A_245, %dma_start3A_246] : memref<16x160x128xi32, #tpu.memory_space<hbm>> -> memref<1x160x128xi32, #tpu.memory_space<hbm>>
        %dma_start3A_248 = tpu.memref_squeeze %dma_start3A_247 : memref<1x160x128xi32, #tpu.memory_space<hbm>> -> memref<160x128xi32, #tpu.memory_space<hbm>>
        %dma_start3A_249 = arith.constant 96 : i32
        %dma_start3A_250 = arith.constant 0 : i32
        %dma_start3A_251 = tpu.memref_slice %dma_start3A_248[%dma_start3A_249, %dma_start3A_250] : memref<160x128xi32, #tpu.memory_space<hbm>> -> memref<32x128xi32, #tpu.memory_space<hbm>>
        %dma_start3A_252 = arith.constant 0 : i32
        %dma_start3A_253 = arith.constant 0 : i32
        %dma_start3A_254 = tpu.memref_slice %arg7[%dma_start3A_252, %dma_start3A_253] : memref<32x128xi32, #tpu.memory_space<vmem>> -> memref<32x128xi32, #tpu.memory_space<vmem>>
        %dma_start3A_255 = arith.constant 0 : i32
        %dma_start3A_256 = arith.constant 0 : i32
        %dma_start3A_257 = tpu.memref_slice %arg3[%arg1, %dma_start3A_255, %dma_start3A_256] : memref<16x160x128xi32, #tpu.memory_space<hbm>> -> memref<1x160x128xi32, #tpu.memory_space<hbm>>
        %dma_start3A_258 = tpu.memref_squeeze %dma_start3A_257 : memref<1x160x128xi32, #tpu.memory_space<hbm>> -> memref<160x128xi32, #tpu.memory_space<hbm>>
        %dma_start3A_259 = arith.constant 96 : i32
        %dma_start3A_260 = arith.constant 0 : i32
        %dma_start3A_261 = tpu.memref_slice %dma_start3A_258[%dma_start3A_259, %dma_start3A_260] : memref<160x128xi32, #tpu.memory_space<hbm>> -> memref<32x128xi32, #tpu.memory_space<hbm>>
        tpu.enqueue_dma source(%dma_start3A_261 : memref<32x128xi32, #tpu.memory_space<hbm>>) target(%dma_start3A_254 : memref<32x128xi32, #tpu.memory_space<vmem>>) target_semaphore(%run_scoped3A_241 : memref<!tpu.dma_semaphore, #tpu.memory_space<semaphore_mem>>)
        %dma_wait3A_262 = arith.constant 0 : i32
        %dma_wait3A_263 = arith.constant 0 : i32
        %dma_wait3A_264 = tpu.memref_slice %arg7[%dma_wait3A_262, %dma_wait3A_263] : memref<32x128xi32, #tpu.memory_space<vmem>> -> memref<32x128xi32, #tpu.memory_space<vmem>>
        %dma_wait3A_265 = arith.constant 0 : i32
        %dma_wait3A_266 = arith.constant 0 : i32
        %dma_wait3A_267 = tpu.memref_slice %arg3[%arg1, %dma_wait3A_265, %dma_wait3A_266] : memref<16x160x128xi32, #tpu.memory_space<hbm>> -> memref<1x160x128xi32, #tpu.memory_space<hbm>>
        %dma_wait3A_268 = tpu.memref_squeeze %dma_wait3A_267 : memref<1x160x128xi32, #tpu.memory_space<hbm>> -> memref<160x128xi32, #tpu.memory_space<hbm>>
        %dma_wait3A_269 = arith.constant 96 : i32
        %dma_wait3A_270 = arith.constant 0 : i32
        %dma_wait3A_271 = tpu.memref_slice %dma_wait3A_268[%dma_wait3A_269, %dma_wait3A_270] : memref<160x128xi32, #tpu.memory_space<hbm>> -> memref<32x128xi32, #tpu.memory_space<hbm>>
        %dma_wait3A_272 = arith.constant 0 : i32
        %dma_wait3A_273 = arith.constant 0 : i32
        %dma_wait3A_274 = tpu.memref_slice %arg7[%dma_wait3A_272, %dma_wait3A_273] : memref<32x128xi32, #tpu.memory_space<vmem>> -> memref<32x128xi32, #tpu.memory_space<vmem>>
        %dma_wait3A_275 = arith.constant 0 : i32
        %dma_wait3A_276 = arith.constant 0 : i32
        %dma_wait3A_277 = tpu.memref_slice %arg3[%arg1, %dma_wait3A_275, %dma_wait3A_276] : memref<16x160x128xi32, #tpu.memory_space<hbm>> -> memref<1x160x128xi32, #tpu.memory_space<hbm>>
        %dma_wait3A_278 = tpu.memref_squeeze %dma_wait3A_277 : memref<1x160x128xi32, #tpu.memory_space<hbm>> -> memref<160x128xi32, #tpu.memory_space<hbm>>
        %dma_wait3A_279 = arith.constant 96 : i32
        %dma_wait3A_280 = arith.constant 0 : i32
        %dma_wait3A_281 = tpu.memref_slice %dma_wait3A_278[%dma_wait3A_279, %dma_wait3A_280] : memref<160x128xi32, #tpu.memory_space<hbm>> -> memref<32x128xi32, #tpu.memory_space<hbm>>
        tpu.wait_dma2 semaphore(%run_scoped3A_241 : memref<!tpu.dma_semaphore, #tpu.memory_space<semaphore_mem>>) src(%dma_wait3A_281 : memref<32x128xi32, #tpu.memory_space<hbm>>) dst(%dma_wait3A_274 : memref<32x128xi32, #tpu.memory_space<vmem>>)
        tpu.yield
      }) : () -> ()
      "tpu.region"() ({
        %run_scoped3A_241 = tpu.sem_alloc : memref<!tpu.dma_semaphore, #tpu.memory_space<semaphore_mem>>
        %dma_start3A_242 = arith.constant 0 : i32
        %dma_start3A_243 = arith.constant 0 : i32
        %dma_start3A_244 = tpu.memref_slice %arg8[%dma_start3A_242, %dma_start3A_243] : memref<32x128xi32, #tpu.memory_space<vmem>> -> memref<32x128xi32, #tpu.memory_space<vmem>>
        %dma_start3A_245 = arith.constant 0 : i32
        %dma_start3A_246 = arith.constant 0 : i32
        %dma_start3A_247 = tpu.memref_slice %arg4[%arg1, %dma_start3A_245, %dma_start3A_246] : memref<16x160x128xi32, #tpu.memory_space<hbm>> -> memref<1x160x128xi32, #tpu.memory_space<hbm>>
        %dma_start3A_248 = tpu.memref_squeeze %dma_start3A_247 : memref<1x160x128xi32, #tpu.memory_space<hbm>> -> memref<160x128xi32, #tpu.memory_space<hbm>>
        %dma_start3A_249 = arith.constant 96 : i32
        %dma_start3A_250 = arith.constant 0 : i32
        %dma_start3A_251 = tpu.memref_slice %dma_start3A_248[%dma_start3A_249, %dma_start3A_250] : memref<160x128xi32, #tpu.memory_space<hbm>> -> memref<32x128xi32, #tpu.memory_space<hbm>>
        %dma_start3A_252 = arith.constant 0 : i32
        %dma_start3A_253 = arith.constant 0 : i32
        %dma_start3A_254 = tpu.memref_slice %arg8[%dma_start3A_252, %dma_start3A_253] : memref<32x128xi32, #tpu.memory_space<vmem>> -> memref<32x128xi32, #tpu.memory_space<vmem>>
        %dma_start3A_255 = arith.constant 0 : i32
        %dma_start3A_256 = arith.constant 0 : i32
        %dma_start3A_257 = tpu.memref_slice %arg4[%arg1, %dma_start3A_255, %dma_start3A_256] : memref<16x160x128xi32, #tpu.memory_space<hbm>> -> memref<1x160x128xi32, #tpu.memory_space<hbm>>
        %dma_start3A_258 = tpu.memref_squeeze %dma_start3A_257 : memref<1x160x128xi32, #tpu.memory_space<hbm>> -> memref<160x128xi32, #tpu.memory_space<hbm>>
        %dma_start3A_259 = arith.constant 96 : i32
        %dma_start3A_260 = arith.constant 0 : i32
        %dma_start3A_261 = tpu.memref_slice %dma_start3A_258[%dma_start3A_259, %dma_start3A_260] : memref<160x128xi32, #tpu.memory_space<hbm>> -> memref<32x128xi32, #tpu.memory_space<hbm>>
        tpu.enqueue_dma source(%dma_start3A_261 : memref<32x128xi32, #tpu.memory_space<hbm>>) target(%dma_start3A_254 : memref<32x128xi32, #tpu.memory_space<vmem>>) target_semaphore(%run_scoped3A_241 : memref<!tpu.dma_semaphore, #tpu.memory_space<semaphore_mem>>)
        %dma_wait3A_262 = arith.constant 0 : i32
        %dma_wait3A_263 = arith.constant 0 : i32
        %dma_wait3A_264 = tpu.memref_slice %arg8[%dma_wait3A_262, %dma_wait3A_263] : memref<32x128xi32, #tpu.memory_space<vmem>> -> memref<32x128xi32, #tpu.memory_space<vmem>>
        %dma_wait3A_265 = arith.constant 0 : i32
        %dma_wait3A_266 = arith.constant 0 : i32
        %dma_wait3A_267 = tpu.memref_slice %arg4[%arg1, %dma_wait3A_265, %dma_wait3A_266] : memref<16x160x128xi32, #tpu.memory_space<hbm>> -> memref<1x160x128xi32, #tpu.memory_space<hbm>>
        %dma_wait3A_268 = tpu.memref_squeeze %dma_wait3A_267 : memref<1x160x128xi32, #tpu.memory_space<hbm>> -> memref<160x128xi32, #tpu.memory_space<hbm>>
        %dma_wait3A_269 = arith.constant 96 : i32
        %dma_wait3A_270 = arith.constant 0 : i32
        %dma_wait3A_271 = tpu.memref_slice %dma_wait3A_268[%dma_wait3A_269, %dma_wait3A_270] : memref<160x128xi32, #tpu.memory_space<hbm>> -> memref<32x128xi32, #tpu.memory_space<hbm>>
        %dma_wait3A_272 = arith.constant 0 : i32
        %dma_wait3A_273 = arith.constant 0 : i32
        %dma_wait3A_274 = tpu.memref_slice %arg8[%dma_wait3A_272, %dma_wait3A_273] : memref<32x128xi32, #tpu.memory_space<vmem>> -> memref<32x128xi32, #tpu.memory_space<vmem>>
        %dma_wait3A_275 = arith.constant 0 : i32
        %dma_wait3A_276 = arith.constant 0 : i32
        %dma_wait3A_277 = tpu.memref_slice %arg4[%arg1, %dma_wait3A_275, %dma_wait3A_276] : memref<16x160x128xi32, #tpu.memory_space<hbm>> -> memref<1x160x128xi32, #tpu.memory_space<hbm>>
        %dma_wait3A_278 = tpu.memref_squeeze %dma_wait3A_277 : memref<1x160x128xi32, #tpu.memory_space<hbm>> -> memref<160x128xi32, #tpu.memory_space<hbm>>
        %dma_wait3A_279 = arith.constant 96 : i32
        %dma_wait3A_280 = arith.constant 0 : i32
        %dma_wait3A_281 = tpu.memref_slice %dma_wait3A_278[%dma_wait3A_279, %dma_wait3A_280] : memref<160x128xi32, #tpu.memory_space<hbm>> -> memref<32x128xi32, #tpu.memory_space<hbm>>
        tpu.wait_dma2 semaphore(%run_scoped3A_241 : memref<!tpu.dma_semaphore, #tpu.memory_space<semaphore_mem>>) src(%dma_wait3A_281 : memref<32x128xi32, #tpu.memory_space<hbm>>) dst(%dma_wait3A_274 : memref<32x128xi32, #tpu.memory_space<vmem>>)
        tpu.yield
      }) : () -> ()
      %dma_start3A_183 = arith.constant 0 : i32
      %dma_start3A_184 = arith.constant 0 : i32
      %dma_start3A_185 = arith.constant 0 : i32
      %dma_start3A_186 = arith.constant 0 : i32
      %dma_start3A_187 = tpu.memref_slice %arg9[%dma_start3A_184, %dma_start3A_185, %dma_start3A_186] : memref<2x128x128xf32, #tpu.memory_space<vmem>> -> memref<1x128x128xf32, #tpu.memory_space<vmem>>
      %dma_start3A_188 = tpu.memref_squeeze %dma_start3A_187 : memref<1x128x128xf32, #tpu.memory_space<vmem>> -> memref<128x128xf32, #tpu.memory_space<vmem>>
      %dma_start3A_189 = arith.constant 0 : i32
      %dma_start3A_190 = tpu.memref_slice %arg7[%dma_start3A_183, %dma_start3A_189] : memref<32x128xi32, #tpu.memory_space<vmem>> -> memref<1x128xi32, #tpu.memory_space<vmem>>
      %dma_start3A_191 = tpu.memref_squeeze %dma_start3A_190 : memref<1x128xi32, #tpu.memory_space<vmem>> -> memref<128xi32, #tpu.memory_space<vmem>>
      %dma_start3A_192 = arith.constant 0 : i32
      %dma_start3A_193 = arith.constant 0 : i32
      %dma_start3A_194 = tpu.memref_slice %arg2[%dma_start3A_192, %dma_start3A_193] : memref<10000x128xf32, #tpu.memory_space<hbm>> -> memref<10000x128xf32, #tpu.memory_space<hbm>>
      tpu.enqueue_indirect_dma source(%dma_start3A_194 : memref<10000x128xf32, #tpu.memory_space<hbm>>) target(%dma_start3A_188 : memref<128x128xf32, #tpu.memory_space<vmem>>) offsets(%dma_start3A_191 : memref<128xi32, #tpu.memory_space<vmem>>) semaphore(%arg11 : memref<!tpu.dma_semaphore, #tpu.memory_space<semaphore_mem>>)
      %dma_start3A_195 = arith.constant 1 : i32
      %dma_start3A_196 = arith.constant 1 : i32
      %dma_start3A_197 = arith.constant 0 : i32
      %dma_start3A_198 = arith.constant 0 : i32
      %dma_start3A_199 = tpu.memref_slice %arg9[%dma_start3A_196, %dma_start3A_197, %dma_start3A_198] : memref<2x128x128xf32, #tpu.memory_space<vmem>> -> memref<1x128x128xf32, #tpu.memory_space<vmem>>
      %dma_start3A_200 = tpu.memref_squeeze %dma_start3A_199 : memref<1x128x128xf32, #tpu.memory_space<vmem>> -> memref<128x128xf32, #tpu.memory_space<vmem>>
      %dma_start3A_201 = arith.constant 0 : i32
      %dma_start3A_202 = tpu.memref_slice %arg7[%dma_start3A_195, %dma_start3A_201] : memref<32x128xi32, #tpu.memory_space<vmem>> -> memref<1x128xi32, #tpu.memory_space<vmem>>
      %dma_start3A_203 = tpu.memref_squeeze %dma_start3A_202 : memref<1x128xi32, #tpu.memory_space<vmem>> -> memref<128xi32, #tpu.memory_space<vmem>>
      %dma_start3A_204 = arith.constant 0 : i32
      %dma_start3A_205 = arith.constant 0 : i32
      %dma_start3A_206 = tpu.memref_slice %arg2[%dma_start3A_204, %dma_start3A_205] : memref<10000x128xf32, #tpu.memory_space<hbm>> -> memref<10000x128xf32, #tpu.memory_space<hbm>>
      tpu.enqueue_indirect_dma source(%dma_start3A_206 : memref<10000x128xf32, #tpu.memory_space<hbm>>) target(%dma_start3A_200 : memref<128x128xf32, #tpu.memory_space<vmem>>) offsets(%dma_start3A_203 : memref<128xi32, #tpu.memory_space<vmem>>) semaphore(%arg12 : memref<!tpu.dma_semaphore, #tpu.memory_space<semaphore_mem>>)
      %scan3A_207 = arith.constant 0 : i32
      %scan3A_208 = arith.constant 0 : i32
      %scan3A_209 = arith.constant 15 : i32
      %scan3A_210 = arith.addi %scan3A_208, %scan3A_209 : i32
      %scan3A_211 = arith.constant 1 : i32
      scf.for %scan3A_241 = %scan3A_208 to %scan3A_210 step %scan3A_211  : i32 {
        %mul3A_242 = arith.constant 2 : i32
        %mul3A_243 = arith.muli %mul3A_242, %scan3A_241 : i32
        %dma_wait3A_244 = arith.constant 0 : i32
        %dma_wait3A_245 = arith.constant 0 : i32
        %dma_wait3A_246 = arith.constant 0 : i32
        %dma_wait3A_247 = tpu.memref_slice %arg9[%dma_wait3A_244, %dma_wait3A_245, %dma_wait3A_246] : memref<2x128x128xf32, #tpu.memory_space<vmem>> -> memref<1x128x128xf32, #tpu.memory_space<vmem>>
        %dma_wait3A_248 = tpu.memref_squeeze %dma_wait3A_247 : memref<1x128x128xf32, #tpu.memory_space<vmem>> -> memref<128x128xf32, #tpu.memory_space<vmem>>
        %dma_wait3A_249 = arith.constant 0 : i32
        %dma_wait3A_250 = tpu.memref_slice %arg7[%mul3A_243, %dma_wait3A_249] : memref<32x128xi32, #tpu.memory_space<vmem>> -> memref<1x128xi32, #tpu.memory_space<vmem>>
        %dma_wait3A_251 = tpu.memref_squeeze %dma_wait3A_250 : memref<1x128xi32, #tpu.memory_space<vmem>> -> memref<128xi32, #tpu.memory_space<vmem>>
        %dma_wait3A_252 = arith.constant 0 : i32
        %dma_wait3A_253 = arith.constant 0 : i32
        %dma_wait3A_254 = tpu.memref_slice %arg2[%dma_wait3A_252, %dma_wait3A_253] : memref<10000x128xf32, #tpu.memory_space<hbm>> -> memref<10000x128xf32, #tpu.memory_space<hbm>>
        tpu.wait_indirect_dma semaphore(%arg11 : memref<!tpu.dma_semaphore, #tpu.memory_space<semaphore_mem>>) src(%dma_wait3A_254 : memref<10000x128xf32, #tpu.memory_space<hbm>>) dst(%dma_wait3A_248 : memref<128x128xf32, #tpu.memory_space<vmem>>)
        %run_scoped3A_255 = arith.constant 0 : i32
        "tpu.region"() ({
          %run_scoped3A_297 = tpu.sem_alloc : memref<!tpu.dma_semaphore, #tpu.memory_space<semaphore_mem>>
          %dma_start3A_298 = arith.constant 0 : i32
          %dma_start3A_299 = arith.constant 0 : i32
          %dma_start3A_300 = tpu.memref_slice %arg9[%run_scoped3A_255, %dma_start3A_298, %dma_start3A_299] : memref<2x128x128xf32, #tpu.memory_space<vmem>> -> memref<1x128x128xf32, #tpu.memory_space<vmem>>
          %dma_start3A_301 = tpu.memref_squeeze %dma_start3A_300 : memref<1x128x128xf32, #tpu.memory_space<vmem>> -> memref<128x128xf32, #tpu.memory_space<vmem>>
          %dma_start3A_302 = arith.constant 0 : i32
          %dma_start3A_303 = tpu.memref_slice %arg8[%mul3A_243, %dma_start3A_302] : memref<32x128xi32, #tpu.memory_space<vmem>> -> memref<1x128xi32, #tpu.memory_space<vmem>>
          %dma_start3A_304 = tpu.memref_squeeze %dma_start3A_303 : memref<1x128xi32, #tpu.memory_space<vmem>> -> memref<128xi32, #tpu.memory_space<vmem>>
          %dma_start3A_305 = arith.constant 0 : i32
          %dma_start3A_306 = arith.constant 0 : i32
          %dma_start3A_307 = tpu.memref_slice %arg10[%dma_start3A_305, %dma_start3A_306] : memref<10112x128xf32, #tpu.memory_space<vmem_shared>> -> memref<10112x128xf32, #tpu.memory_space<vmem_shared>>
          tpu.enqueue_indirect_dma source(%dma_start3A_301 : memref<128x128xf32, #tpu.memory_space<vmem>>) target(%dma_start3A_307 : memref<10112x128xf32, #tpu.memory_space<vmem_shared>>) offsets(%dma_start3A_304 : memref<128xi32, #tpu.memory_space<vmem>>) semaphore(%run_scoped3A_297 : memref<!tpu.dma_semaphore, #tpu.memory_space<semaphore_mem>>) {add = true}
          %dma_wait3A_308 = arith.constant 0 : i32
          %dma_wait3A_309 = arith.constant 0 : i32
          %dma_wait3A_310 = tpu.memref_slice %arg9[%run_scoped3A_255, %dma_wait3A_308, %dma_wait3A_309] : memref<2x128x128xf32, #tpu.memory_space<vmem>> -> memref<1x128x128xf32, #tpu.memory_space<vmem>>
          %dma_wait3A_311 = tpu.memref_squeeze %dma_wait3A_310 : memref<1x128x128xf32, #tpu.memory_space<vmem>> -> memref<128x128xf32, #tpu.memory_space<vmem>>
          %dma_wait3A_312 = arith.constant 0 : i32
          %dma_wait3A_313 = tpu.memref_slice %arg8[%mul3A_243, %dma_wait3A_312] : memref<32x128xi32, #tpu.memory_space<vmem>> -> memref<1x128xi32, #tpu.memory_space<vmem>>
          %dma_wait3A_314 = tpu.memref_squeeze %dma_wait3A_313 : memref<1x128xi32, #tpu.memory_space<vmem>> -> memref<128xi32, #tpu.memory_space<vmem>>
          %dma_wait3A_315 = arith.constant 0 : i32
          %dma_wait3A_316 = arith.constant 0 : i32
          %dma_wait3A_317 = tpu.memref_slice %arg10[%dma_wait3A_315, %dma_wait3A_316] : memref<10112x128xf32, #tpu.memory_space<vmem_shared>> -> memref<10112x128xf32, #tpu.memory_space<vmem_shared>>
          tpu.wait_indirect_dma semaphore(%run_scoped3A_297 : memref<!tpu.dma_semaphore, #tpu.memory_space<semaphore_mem>>) src(%dma_wait3A_311 : memref<128x128xf32, #tpu.memory_space<vmem>>) dst(%dma_wait3A_317 : memref<10112x128xf32, #tpu.memory_space<vmem_shared>>)
          tpu.yield
        }) : () -> ()
        %add3A = arith.constant 2 : i32
        %add3A_256 = arith.addi %mul3A_243, %add3A : i32
        %dma_start3A_257 = arith.constant 0 : i32
        %dma_start3A_258 = arith.constant 0 : i32
        %dma_start3A_259 = arith.constant 0 : i32
        %dma_start3A_260 = tpu.memref_slice %arg9[%dma_start3A_257, %dma_start3A_258, %dma_start3A_259] : memref<2x128x128xf32, #tpu.memory_space<vmem>> -> memref<1x128x128xf32, #tpu.memory_space<vmem>>
        %dma_start3A_261 = tpu.memref_squeeze %dma_start3A_260 : memref<1x128x128xf32, #tpu.memory_space<vmem>> -> memref<128x128xf32, #tpu.memory_space<vmem>>
        %dma_start3A_262 = arith.constant 0 : i32
        %dma_start3A_263 = tpu.memref_slice %arg7[%add3A_256, %dma_start3A_262] : memref<32x128xi32, #tpu.memory_space<vmem>> -> memref<1x128xi32, #tpu.memory_space<vmem>>
        %dma_start3A_264 = tpu.memref_squeeze %dma_start3A_263 : memref<1x128xi32, #tpu.memory_space<vmem>> -> memref<128xi32, #tpu.memory_space<vmem>>
        %dma_start3A_265 = arith.constant 0 : i32
        %dma_start3A_266 = arith.constant 0 : i32
        %dma_start3A_267 = tpu.memref_slice %arg2[%dma_start3A_265, %dma_start3A_266] : memref<10000x128xf32, #tpu.memory_space<hbm>> -> memref<10000x128xf32, #tpu.memory_space<hbm>>
        tpu.enqueue_indirect_dma source(%dma_start3A_267 : memref<10000x128xf32, #tpu.memory_space<hbm>>) target(%dma_start3A_261 : memref<128x128xf32, #tpu.memory_space<vmem>>) offsets(%dma_start3A_264 : memref<128xi32, #tpu.memory_space<vmem>>) semaphore(%arg11 : memref<!tpu.dma_semaphore, #tpu.memory_space<semaphore_mem>>)
        %add3A_268 = arith.constant 1 : i32
        %add3A_269 = arith.addi %mul3A_243, %add3A_268 : i32
        %dma_wait3A_270 = arith.constant 1 : i32
        %dma_wait3A_271 = arith.constant 0 : i32
        %dma_wait3A_272 = arith.constant 0 : i32
        %dma_wait3A_273 = tpu.memref_slice %arg9[%dma_wait3A_270, %dma_wait3A_271, %dma_wait3A_272] : memref<2x128x128xf32, #tpu.memory_space<vmem>> -> memref<1x128x128xf32, #tpu.memory_space<vmem>>
        %dma_wait3A_274 = tpu.memref_squeeze %dma_wait3A_273 : memref<1x128x128xf32, #tpu.memory_space<vmem>> -> memref<128x128xf32, #tpu.memory_space<vmem>>
        %dma_wait3A_275 = arith.constant 0 : i32
        %dma_wait3A_276 = tpu.memref_slice %arg7[%add3A_269, %dma_wait3A_275] : memref<32x128xi32, #tpu.memory_space<vmem>> -> memref<1x128xi32, #tpu.memory_space<vmem>>
        %dma_wait3A_277 = tpu.memref_squeeze %dma_wait3A_276 : memref<1x128xi32, #tpu.memory_space<vmem>> -> memref<128xi32, #tpu.memory_space<vmem>>
        %dma_wait3A_278 = arith.constant 0 : i32
        %dma_wait3A_279 = arith.constant 0 : i32
        %dma_wait3A_280 = tpu.memref_slice %arg2[%dma_wait3A_278, %dma_wait3A_279] : memref<10000x128xf32, #tpu.memory_space<hbm>> -> memref<10000x128xf32, #tpu.memory_space<hbm>>
        tpu.wait_indirect_dma semaphore(%arg12 : memref<!tpu.dma_semaphore, #tpu.memory_space<semaphore_mem>>) src(%dma_wait3A_280 : memref<10000x128xf32, #tpu.memory_space<hbm>>) dst(%dma_wait3A_274 : memref<128x128xf32, #tpu.memory_space<vmem>>)
        %add3A_281 = arith.constant 1 : i32
        %add3A_282 = arith.addi %mul3A_243, %add3A_281 : i32
        %run_scoped3A_283 = arith.constant 1 : i32
        "tpu.region"() ({
          %run_scoped3A_297 = tpu.sem_alloc : memref<!tpu.dma_semaphore, #tpu.memory_space<semaphore_mem>>
          %dma_start3A_298 = arith.constant 0 : i32
          %dma_start3A_299 = arith.constant 0 : i32
          %dma_start3A_300 = tpu.memref_slice %arg9[%run_scoped3A_283, %dma_start3A_298, %dma_start3A_299] : memref<2x128x128xf32, #tpu.memory_space<vmem>> -> memref<1x128x128xf32, #tpu.memory_space<vmem>>
          %dma_start3A_301 = tpu.memref_squeeze %dma_start3A_300 : memref<1x128x128xf32, #tpu.memory_space<vmem>> -> memref<128x128xf32, #tpu.memory_space<vmem>>
          %dma_start3A_302 = arith.constant 0 : i32
          %dma_start3A_303 = tpu.memref_slice %arg8[%add3A_282, %dma_start3A_302] : memref<32x128xi32, #tpu.memory_space<vmem>> -> memref<1x128xi32, #tpu.memory_space<vmem>>
          %dma_start3A_304 = tpu.memref_squeeze %dma_start3A_303 : memref<1x128xi32, #tpu.memory_space<vmem>> -> memref<128xi32, #tpu.memory_space<vmem>>
          %dma_start3A_305 = arith.constant 0 : i32
          %dma_start3A_306 = arith.constant 0 : i32
          %dma_start3A_307 = tpu.memref_slice %arg10[%dma_start3A_305, %dma_start3A_306] : memref<10112x128xf32, #tpu.memory_space<vmem_shared>> -> memref<10112x128xf32, #tpu.memory_space<vmem_shared>>
          tpu.enqueue_indirect_dma source(%dma_start3A_301 : memref<128x128xf32, #tpu.memory_space<vmem>>) target(%dma_start3A_307 : memref<10112x128xf32, #tpu.memory_space<vmem_shared>>) offsets(%dma_start3A_304 : memref<128xi32, #tpu.memory_space<vmem>>) semaphore(%run_scoped3A_297 : memref<!tpu.dma_semaphore, #tpu.memory_space<semaphore_mem>>) {add = true}
          %dma_wait3A_308 = arith.constant 0 : i32
          %dma_wait3A_309 = arith.constant 0 : i32
          %dma_wait3A_310 = tpu.memref_slice %arg9[%run_scoped3A_283, %dma_wait3A_308, %dma_wait3A_309] : memref<2x128x128xf32, #tpu.memory_space<vmem>> -> memref<1x128x128xf32, #tpu.memory_space<vmem>>
          %dma_wait3A_311 = tpu.memref_squeeze %dma_wait3A_310 : memref<1x128x128xf32, #tpu.memory_space<vmem>> -> memref<128x128xf32, #tpu.memory_space<vmem>>
          %dma_wait3A_312 = arith.constant 0 : i32
          %dma_wait3A_313 = tpu.memref_slice %arg8[%add3A_282, %dma_wait3A_312] : memref<32x128xi32, #tpu.memory_space<vmem>> -> memref<1x128xi32, #tpu.memory_space<vmem>>
          %dma_wait3A_314 = tpu.memref_squeeze %dma_wait3A_313 : memref<1x128xi32, #tpu.memory_space<vmem>> -> memref<128xi32, #tpu.memory_space<vmem>>
          %dma_wait3A_315 = arith.constant 0 : i32
          %dma_wait3A_316 = arith.constant 0 : i32
          %dma_wait3A_317 = tpu.memref_slice %arg10[%dma_wait3A_315, %dma_wait3A_316] : memref<10112x128xf32, #tpu.memory_space<vmem_shared>> -> memref<10112x128xf32, #tpu.memory_space<vmem_shared>>
          tpu.wait_indirect_dma semaphore(%run_scoped3A_297 : memref<!tpu.dma_semaphore, #tpu.memory_space<semaphore_mem>>) src(%dma_wait3A_311 : memref<128x128xf32, #tpu.memory_space<vmem>>) dst(%dma_wait3A_317 : memref<10112x128xf32, #tpu.memory_space<vmem_shared>>)
          tpu.yield
        }) : () -> ()
        %add3A_284 = arith.constant 3 : i32
        %add3A_285 = arith.addi %mul3A_243, %add3A_284 : i32
        %dma_start3A_286 = arith.constant 1 : i32
        %dma_start3A_287 = arith.constant 0 : i32
        %dma_start3A_288 = arith.constant 0 : i32
        %dma_start3A_289 = tpu.memref_slice %arg9[%dma_start3A_286, %dma_start3A_287, %dma_start3A_288] : memref<2x128x128xf32, #tpu.memory_space<vmem>> -> memref<1x128x128xf32, #tpu.memory_space<vmem>>
        %dma_start3A_290 = tpu.memref_squeeze %dma_start3A_289 : memref<1x128x128xf32, #tpu.memory_space<vmem>> -> memref<128x128xf32, #tpu.memory_space<vmem>>
        %dma_start3A_291 = arith.constant 0 : i32
        %dma_start3A_292 = tpu.memref_slice %arg7[%add3A_285, %dma_start3A_291] : memref<32x128xi32, #tpu.memory_space<vmem>> -> memref<1x128xi32, #tpu.memory_space<vmem>>
        %dma_start3A_293 = tpu.memref_squeeze %dma_start3A_292 : memref<1x128xi32, #tpu.memory_space<vmem>> -> memref<128xi32, #tpu.memory_space<vmem>>
        %dma_start3A_294 = arith.constant 0 : i32
        %dma_start3A_295 = arith.constant 0 : i32
        %dma_start3A_296 = tpu.memref_slice %arg2[%dma_start3A_294, %dma_start3A_295] : memref<10000x128xf32, #tpu.memory_space<hbm>> -> memref<10000x128xf32, #tpu.memory_space<hbm>>
        tpu.enqueue_indirect_dma source(%dma_start3A_296 : memref<10000x128xf32, #tpu.memory_space<hbm>>) target(%dma_start3A_290 : memref<128x128xf32, #tpu.memory_space<vmem>>) offsets(%dma_start3A_293 : memref<128xi32, #tpu.memory_space<vmem>>) semaphore(%arg12 : memref<!tpu.dma_semaphore, #tpu.memory_space<semaphore_mem>>)
      }
      %scan3A_212 = arith.constant 15 : i32
      %dma_wait3A_213 = arith.constant 30 : i32
      %dma_wait3A_214 = arith.constant 0 : i32
      %dma_wait3A_215 = arith.constant 0 : i32
      %dma_wait3A_216 = arith.constant 0 : i32
      %dma_wait3A_217 = tpu.memref_slice %arg9[%dma_wait3A_214, %dma_wait3A_215, %dma_wait3A_216] : memref<2x128x128xf32, #tpu.memory_space<vmem>> -> memref<1x128x128xf32, #tpu.memory_space<vmem>>
      %dma_wait3A_218 = tpu.memref_squeeze %dma_wait3A_217 : memref<1x128x128xf32, #tpu.memory_space<vmem>> -> memref<128x128xf32, #tpu.memory_space<vmem>>
      %dma_wait3A_219 = arith.constant 0 : i32
      %dma_wait3A_220 = tpu.memref_slice %arg7[%dma_wait3A_213, %dma_wait3A_219] : memref<32x128xi32, #tpu.memory_space<vmem>> -> memref<1x128xi32, #tpu.memory_space<vmem>>
      %dma_wait3A_221 = tpu.memref_squeeze %dma_wait3A_220 : memref<1x128xi32, #tpu.memory_space<vmem>> -> memref<128xi32, #tpu.memory_space<vmem>>
      %dma_wait3A_222 = arith.constant 0 : i32
      %dma_wait3A_223 = arith.constant 0 : i32
      %dma_wait3A_224 = tpu.memref_slice %arg2[%dma_wait3A_222, %dma_wait3A_223] : memref<10000x128xf32, #tpu.memory_space<hbm>> -> memref<10000x128xf32, #tpu.memory_space<hbm>>
      tpu.wait_indirect_dma semaphore(%arg11 : memref<!tpu.dma_semaphore, #tpu.memory_space<semaphore_mem>>) src(%dma_wait3A_224 : memref<10000x128xf32, #tpu.memory_space<hbm>>) dst(%dma_wait3A_218 : memref<128x128xf32, #tpu.memory_space<vmem>>)
      %run_scoped3A_225 = arith.constant 0 : i32
      %run_scoped3A_226 = arith.constant 30 : i32
      "tpu.region"() ({
        %run_scoped3A_241 = tpu.sem_alloc : memref<!tpu.dma_semaphore, #tpu.memory_space<semaphore_mem>>
        %dma_start3A_242 = arith.constant 0 : i32
        %dma_start3A_243 = arith.constant 0 : i32
        %dma_start3A_244 = tpu.memref_slice %arg9[%run_scoped3A_225, %dma_start3A_242, %dma_start3A_243] : memref<2x128x128xf32, #tpu.memory_space<vmem>> -> memref<1x128x128xf32, #tpu.memory_space<vmem>>
        %dma_start3A_245 = tpu.memref_squeeze %dma_start3A_244 : memref<1x128x128xf32, #tpu.memory_space<vmem>> -> memref<128x128xf32, #tpu.memory_space<vmem>>
        %dma_start3A_246 = arith.constant 0 : i32
        %dma_start3A_247 = tpu.memref_slice %arg8[%run_scoped3A_226, %dma_start3A_246] : memref<32x128xi32, #tpu.memory_space<vmem>> -> memref<1x128xi32, #tpu.memory_space<vmem>>
        %dma_start3A_248 = tpu.memref_squeeze %dma_start3A_247 : memref<1x128xi32, #tpu.memory_space<vmem>> -> memref<128xi32, #tpu.memory_space<vmem>>
        %dma_start3A_249 = arith.constant 0 : i32
        %dma_start3A_250 = arith.constant 0 : i32
        %dma_start3A_251 = tpu.memref_slice %arg10[%dma_start3A_249, %dma_start3A_250] : memref<10112x128xf32, #tpu.memory_space<vmem_shared>> -> memref<10112x128xf32, #tpu.memory_space<vmem_shared>>
        tpu.enqueue_indirect_dma source(%dma_start3A_245 : memref<128x128xf32, #tpu.memory_space<vmem>>) target(%dma_start3A_251 : memref<10112x128xf32, #tpu.memory_space<vmem_shared>>) offsets(%dma_start3A_248 : memref<128xi32, #tpu.memory_space<vmem>>) semaphore(%run_scoped3A_241 : memref<!tpu.dma_semaphore, #tpu.memory_space<semaphore_mem>>) {add = true}
        %dma_wait3A_252 = arith.constant 0 : i32
        %dma_wait3A_253 = arith.constant 0 : i32
        %dma_wait3A_254 = tpu.memref_slice %arg9[%run_scoped3A_225, %dma_wait3A_252, %dma_wait3A_253] : memref<2x128x128xf32, #tpu.memory_space<vmem>> -> memref<1x128x128xf32, #tpu.memory_space<vmem>>
        %dma_wait3A_255 = tpu.memref_squeeze %dma_wait3A_254 : memref<1x128x128xf32, #tpu.memory_space<vmem>> -> memref<128x128xf32, #tpu.memory_space<vmem>>
        %dma_wait3A_256 = arith.constant 0 : i32
        %dma_wait3A_257 = tpu.memref_slice %arg8[%run_scoped3A_226, %dma_wait3A_256] : memref<32x128xi32, #tpu.memory_space<vmem>> -> memref<1x128xi32, #tpu.memory_space<vmem>>
        %dma_wait3A_258 = tpu.memref_squeeze %dma_wait3A_257 : memref<1x128xi32, #tpu.memory_space<vmem>> -> memref<128xi32, #tpu.memory_space<vmem>>
        %dma_wait3A_259 = arith.constant 0 : i32
        %dma_wait3A_260 = arith.constant 0 : i32
        %dma_wait3A_261 = tpu.memref_slice %arg10[%dma_wait3A_259, %dma_wait3A_260] : memref<10112x128xf32, #tpu.memory_space<vmem_shared>> -> memref<10112x128xf32, #tpu.memory_space<vmem_shared>>
        tpu.wait_indirect_dma semaphore(%run_scoped3A_241 : memref<!tpu.dma_semaphore, #tpu.memory_space<semaphore_mem>>) src(%dma_wait3A_255 : memref<128x128xf32, #tpu.memory_space<vmem>>) dst(%dma_wait3A_261 : memref<10112x128xf32, #tpu.memory_space<vmem_shared>>)
        tpu.yield
      }) : () -> ()
      %dma_wait3A_227 = arith.constant 31 : i32
      %dma_wait3A_228 = arith.constant 1 : i32
      %dma_wait3A_229 = arith.constant 0 : i32
      %dma_wait3A_230 = arith.constant 0 : i32
      %dma_wait3A_231 = tpu.memref_slice %arg9[%dma_wait3A_228, %dma_wait3A_229, %dma_wait3A_230] : memref<2x128x128xf32, #tpu.memory_space<vmem>> -> memref<1x128x128xf32, #tpu.memory_space<vmem>>
      %dma_wait3A_232 = tpu.memref_squeeze %dma_wait3A_231 : memref<1x128x128xf32, #tpu.memory_space<vmem>> -> memref<128x128xf32, #tpu.memory_space<vmem>>
      %dma_wait3A_233 = arith.constant 0 : i32
      %dma_wait3A_234 = tpu.memref_slice %arg7[%dma_wait3A_227, %dma_wait3A_233] : memref<32x128xi32, #tpu.memory_space<vmem>> -> memref<1x128xi32, #tpu.memory_space<vmem>>
      %dma_wait3A_235 = tpu.memref_squeeze %dma_wait3A_234 : memref<1x128xi32, #tpu.memory_space<vmem>> -> memref<128xi32, #tpu.memory_space<vmem>>
      %dma_wait3A_236 = arith.constant 0 : i32
      %dma_wait3A_237 = arith.constant 0 : i32
      %dma_wait3A_238 = tpu.memref_slice %arg2[%dma_wait3A_236, %dma_wait3A_237] : memref<10000x128xf32, #tpu.memory_space<hbm>> -> memref<10000x128xf32, #tpu.memory_space<hbm>>
      tpu.wait_indirect_dma semaphore(%arg12 : memref<!tpu.dma_semaphore, #tpu.memory_space<semaphore_mem>>) src(%dma_wait3A_238 : memref<10000x128xf32, #tpu.memory_space<hbm>>) dst(%dma_wait3A_232 : memref<128x128xf32, #tpu.memory_space<vmem>>)
      %run_scoped3A_239 = arith.constant 1 : i32
      %run_scoped3A_240 = arith.constant 31 : i32
      "tpu.region"() ({
        %run_scoped3A_241 = tpu.sem_alloc : memref<!tpu.dma_semaphore, #tpu.memory_space<semaphore_mem>>
        %dma_start3A_242 = arith.constant 0 : i32
        %dma_start3A_243 = arith.constant 0 : i32
        %dma_start3A_244 = tpu.memref_slice %arg9[%run_scoped3A_239, %dma_start3A_242, %dma_start3A_243] : memref<2x128x128xf32, #tpu.memory_space<vmem>> -> memref<1x128x128xf32, #tpu.memory_space<vmem>>
        %dma_start3A_245 = tpu.memref_squeeze %dma_start3A_244 : memref<1x128x128xf32, #tpu.memory_space<vmem>> -> memref<128x128xf32, #tpu.memory_space<vmem>>
        %dma_start3A_246 = arith.constant 0 : i32
        %dma_start3A_247 = tpu.memref_slice %arg8[%run_scoped3A_240, %dma_start3A_246] : memref<32x128xi32, #tpu.memory_space<vmem>> -> memref<1x128xi32, #tpu.memory_space<vmem>>
        %dma_start3A_248 = tpu.memref_squeeze %dma_start3A_247 : memref<1x128xi32, #tpu.memory_space<vmem>> -> memref<128xi32, #tpu.memory_space<vmem>>
        %dma_start3A_249 = arith.constant 0 : i32
        %dma_start3A_250 = arith.constant 0 : i32
        %dma_start3A_251 = tpu.memref_slice %arg10[%dma_start3A_249, %dma_start3A_250] : memref<10112x128xf32, #tpu.memory_space<vmem_shared>> -> memref<10112x128xf32, #tpu.memory_space<vmem_shared>>
        tpu.enqueue_indirect_dma source(%dma_start3A_245 : memref<128x128xf32, #tpu.memory_space<vmem>>) target(%dma_start3A_251 : memref<10112x128xf32, #tpu.memory_space<vmem_shared>>) offsets(%dma_start3A_248 : memref<128xi32, #tpu.memory_space<vmem>>) semaphore(%run_scoped3A_241 : memref<!tpu.dma_semaphore, #tpu.memory_space<semaphore_mem>>) {add = true}
        %dma_wait3A_252 = arith.constant 0 : i32
        %dma_wait3A_253 = arith.constant 0 : i32
        %dma_wait3A_254 = tpu.memref_slice %arg9[%run_scoped3A_239, %dma_wait3A_252, %dma_wait3A_253] : memref<2x128x128xf32, #tpu.memory_space<vmem>> -> memref<1x128x128xf32, #tpu.memory_space<vmem>>
        %dma_wait3A_255 = tpu.memref_squeeze %dma_wait3A_254 : memref<1x128x128xf32, #tpu.memory_space<vmem>> -> memref<128x128xf32, #tpu.memory_space<vmem>>
        %dma_wait3A_256 = arith.constant 0 : i32
        %dma_wait3A_257 = tpu.memref_slice %arg8[%run_scoped3A_240, %dma_wait3A_256] : memref<32x128xi32, #tpu.memory_space<vmem>> -> memref<1x128xi32, #tpu.memory_space<vmem>>
        %dma_wait3A_258 = tpu.memref_squeeze %dma_wait3A_257 : memref<1x128xi32, #tpu.memory_space<vmem>> -> memref<128xi32, #tpu.memory_space<vmem>>
        %dma_wait3A_259 = arith.constant 0 : i32
        %dma_wait3A_260 = arith.constant 0 : i32
        %dma_wait3A_261 = tpu.memref_slice %arg10[%dma_wait3A_259, %dma_wait3A_260] : memref<10112x128xf32, #tpu.memory_space<vmem_shared>> -> memref<10112x128xf32, #tpu.memory_space<vmem_shared>>
        tpu.wait_indirect_dma semaphore(%run_scoped3A_241 : memref<!tpu.dma_semaphore, #tpu.memory_space<semaphore_mem>>) src(%dma_wait3A_255 : memref<128x128xf32, #tpu.memory_space<vmem>>) dst(%dma_wait3A_261 : memref<10112x128xf32, #tpu.memory_space<vmem_shared>>)
        tpu.yield
      }) : () -> ()
    } else {
    }
    %eq3A_3 = arith.constant 1 : i32
    %eq3A_4 = arith.cmpi eq, %arg0, %eq3A_3 : i32
    %convert_element_type3A_5 = arith.extui %eq3A_4 : i1 to i32
    %cond3A_6 = arith.constant 0 : i32
    %cond3A_7 = arith.cmpi ne, %convert_element_type3A_5, %cond3A_6 : i32
    scf.if %cond3A_7 {
      "tpu.region"() ({
        %run_scoped3A_67 = tpu.sem_alloc : memref<!tpu.dma_semaphore, #tpu.memory_space<semaphore_mem>>
        %dma_start3A_68 = arith.constant 0 : i32
        %dma_start3A_69 = arith.constant 0 : i32
        %dma_start3A_70 = tpu.memref_slice %arg7[%dma_start3A_68, %dma_start3A_69] : memref<32x128xi32, #tpu.memory_space<vmem>> -> memref<32x128xi32, #tpu.memory_space<vmem>>
        %dma_start3A_71 = arith.constant 0 : i32
        %dma_start3A_72 = arith.constant 0 : i32
        %dma_start3A_73 = tpu.memref_slice %arg3[%arg1, %dma_start3A_71, %dma_start3A_72] : memref<16x160x128xi32, #tpu.memory_space<hbm>> -> memref<1x160x128xi32, #tpu.memory_space<hbm>>
        %dma_start3A_74 = tpu.memref_squeeze %dma_start3A_73 : memref<1x160x128xi32, #tpu.memory_space<hbm>> -> memref<160x128xi32, #tpu.memory_space<hbm>>
        %dma_start3A_75 = arith.constant 128 : i32
        %dma_start3A_76 = arith.constant 0 : i32
        %dma_start3A_77 = tpu.memref_slice %dma_start3A_74[%dma_start3A_75, %dma_start3A_76] : memref<160x128xi32, #tpu.memory_space<hbm>> -> memref<32x128xi32, #tpu.memory_space<hbm>>
        %dma_start3A_78 = arith.constant 0 : i32
        %dma_start3A_79 = arith.constant 0 : i32
        %dma_start3A_80 = tpu.memref_slice %arg7[%dma_start3A_78, %dma_start3A_79] : memref<32x128xi32, #tpu.memory_space<vmem>> -> memref<32x128xi32, #tpu.memory_space<vmem>>
        %dma_start3A_81 = arith.constant 0 : i32
        %dma_start3A_82 = arith.constant 0 : i32
        %dma_start3A_83 = tpu.memref_slice %arg3[%arg1, %dma_start3A_81, %dma_start3A_82] : memref<16x160x128xi32, #tpu.memory_space<hbm>> -> memref<1x160x128xi32, #tpu.memory_space<hbm>>
        %dma_start3A_84 = tpu.memref_squeeze %dma_start3A_83 : memref<1x160x128xi32, #tpu.memory_space<hbm>> -> memref<160x128xi32, #tpu.memory_space<hbm>>
        %dma_start3A_85 = arith.constant 128 : i32
        %dma_start3A_86 = arith.constant 0 : i32
        %dma_start3A_87 = tpu.memref_slice %dma_start3A_84[%dma_start3A_85, %dma_start3A_86] : memref<160x128xi32, #tpu.memory_space<hbm>> -> memref<32x128xi32, #tpu.memory_space<hbm>>
        tpu.enqueue_dma source(%dma_start3A_87 : memref<32x128xi32, #tpu.memory_space<hbm>>) target(%dma_start3A_80 : memref<32x128xi32, #tpu.memory_space<vmem>>) target_semaphore(%run_scoped3A_67 : memref<!tpu.dma_semaphore, #tpu.memory_space<semaphore_mem>>)
        %dma_wait3A_88 = arith.constant 0 : i32
        %dma_wait3A_89 = arith.constant 0 : i32
        %dma_wait3A_90 = tpu.memref_slice %arg7[%dma_wait3A_88, %dma_wait3A_89] : memref<32x128xi32, #tpu.memory_space<vmem>> -> memref<32x128xi32, #tpu.memory_space<vmem>>
        %dma_wait3A_91 = arith.constant 0 : i32
        %dma_wait3A_92 = arith.constant 0 : i32
        %dma_wait3A_93 = tpu.memref_slice %arg3[%arg1, %dma_wait3A_91, %dma_wait3A_92] : memref<16x160x128xi32, #tpu.memory_space<hbm>> -> memref<1x160x128xi32, #tpu.memory_space<hbm>>
        %dma_wait3A_94 = tpu.memref_squeeze %dma_wait3A_93 : memref<1x160x128xi32, #tpu.memory_space<hbm>> -> memref<160x128xi32, #tpu.memory_space<hbm>>
        %dma_wait3A_95 = arith.constant 128 : i32
        %dma_wait3A_96 = arith.constant 0 : i32
        %dma_wait3A_97 = tpu.memref_slice %dma_wait3A_94[%dma_wait3A_95, %dma_wait3A_96] : memref<160x128xi32, #tpu.memory_space<hbm>> -> memref<32x128xi32, #tpu.memory_space<hbm>>
        %dma_wait3A_98 = arith.constant 0 : i32
        %dma_wait3A_99 = arith.constant 0 : i32
        %dma_wait3A_100 = tpu.memref_slice %arg7[%dma_wait3A_98, %dma_wait3A_99] : memref<32x128xi32, #tpu.memory_space<vmem>> -> memref<32x128xi32, #tpu.memory_space<vmem>>
        %dma_wait3A_101 = arith.constant 0 : i32
        %dma_wait3A_102 = arith.constant 0 : i32
        %dma_wait3A_103 = tpu.memref_slice %arg3[%arg1, %dma_wait3A_101, %dma_wait3A_102] : memref<16x160x128xi32, #tpu.memory_space<hbm>> -> memref<1x160x128xi32, #tpu.memory_space<hbm>>
        %dma_wait3A_104 = tpu.memref_squeeze %dma_wait3A_103 : memref<1x160x128xi32, #tpu.memory_space<hbm>> -> memref<160x128xi32, #tpu.memory_space<hbm>>
        %dma_wait3A_105 = arith.constant 128 : i32
        %dma_wait3A_106 = arith.constant 0 : i32
        %dma_wait3A_107 = tpu.memref_slice %dma_wait3A_104[%dma_wait3A_105, %dma_wait3A_106] : memref<160x128xi32, #tpu.memory_space<hbm>> -> memref<32x128xi32, #tpu.memory_space<hbm>>
        tpu.wait_dma2 semaphore(%run_scoped3A_67 : memref<!tpu.dma_semaphore, #tpu.memory_space<semaphore_mem>>) src(%dma_wait3A_107 : memref<32x128xi32, #tpu.memory_space<hbm>>) dst(%dma_wait3A_100 : memref<32x128xi32, #tpu.memory_space<vmem>>)
        tpu.yield
      }) : () -> ()
      "tpu.region"() ({
        %run_scoped3A_67 = tpu.sem_alloc : memref<!tpu.dma_semaphore, #tpu.memory_space<semaphore_mem>>
        %dma_start3A_68 = arith.constant 0 : i32
        %dma_start3A_69 = arith.constant 0 : i32
        %dma_start3A_70 = tpu.memref_slice %arg8[%dma_start3A_68, %dma_start3A_69] : memref<32x128xi32, #tpu.memory_space<vmem>> -> memref<32x128xi32, #tpu.memory_space<vmem>>
        %dma_start3A_71 = arith.constant 0 : i32
        %dma_start3A_72 = arith.constant 0 : i32
        %dma_start3A_73 = tpu.memref_slice %arg4[%arg1, %dma_start3A_71, %dma_start3A_72] : memref<16x160x128xi32, #tpu.memory_space<hbm>> -> memref<1x160x128xi32, #tpu.memory_space<hbm>>
        %dma_start3A_74 = tpu.memref_squeeze %dma_start3A_73 : memref<1x160x128xi32, #tpu.memory_space<hbm>> -> memref<160x128xi32, #tpu.memory_space<hbm>>
        %dma_start3A_75 = arith.constant 128 : i32
        %dma_start3A_76 = arith.constant 0 : i32
        %dma_start3A_77 = tpu.memref_slice %dma_start3A_74[%dma_start3A_75, %dma_start3A_76] : memref<160x128xi32, #tpu.memory_space<hbm>> -> memref<32x128xi32, #tpu.memory_space<hbm>>
        %dma_start3A_78 = arith.constant 0 : i32
        %dma_start3A_79 = arith.constant 0 : i32
        %dma_start3A_80 = tpu.memref_slice %arg8[%dma_start3A_78, %dma_start3A_79] : memref<32x128xi32, #tpu.memory_space<vmem>> -> memref<32x128xi32, #tpu.memory_space<vmem>>
        %dma_start3A_81 = arith.constant 0 : i32
        %dma_start3A_82 = arith.constant 0 : i32
        %dma_start3A_83 = tpu.memref_slice %arg4[%arg1, %dma_start3A_81, %dma_start3A_82] : memref<16x160x128xi32, #tpu.memory_space<hbm>> -> memref<1x160x128xi32, #tpu.memory_space<hbm>>
        %dma_start3A_84 = tpu.memref_squeeze %dma_start3A_83 : memref<1x160x128xi32, #tpu.memory_space<hbm>> -> memref<160x128xi32, #tpu.memory_space<hbm>>
        %dma_start3A_85 = arith.constant 128 : i32
        %dma_start3A_86 = arith.constant 0 : i32
        %dma_start3A_87 = tpu.memref_slice %dma_start3A_84[%dma_start3A_85, %dma_start3A_86] : memref<160x128xi32, #tpu.memory_space<hbm>> -> memref<32x128xi32, #tpu.memory_space<hbm>>
        tpu.enqueue_dma source(%dma_start3A_87 : memref<32x128xi32, #tpu.memory_space<hbm>>) target(%dma_start3A_80 : memref<32x128xi32, #tpu.memory_space<vmem>>) target_semaphore(%run_scoped3A_67 : memref<!tpu.dma_semaphore, #tpu.memory_space<semaphore_mem>>)
        %dma_wait3A_88 = arith.constant 0 : i32
        %dma_wait3A_89 = arith.constant 0 : i32
        %dma_wait3A_90 = tpu.memref_slice %arg8[%dma_wait3A_88, %dma_wait3A_89] : memref<32x128xi32, #tpu.memory_space<vmem>> -> memref<32x128xi32, #tpu.memory_space<vmem>>
        %dma_wait3A_91 = arith.constant 0 : i32
        %dma_wait3A_92 = arith.constant 0 : i32
        %dma_wait3A_93 = tpu.memref_slice %arg4[%arg1, %dma_wait3A_91, %dma_wait3A_92] : memref<16x160x128xi32, #tpu.memory_space<hbm>> -> memref<1x160x128xi32, #tpu.memory_space<hbm>>
        %dma_wait3A_94 = tpu.memref_squeeze %dma_wait3A_93 : memref<1x160x128xi32, #tpu.memory_space<hbm>> -> memref<160x128xi32, #tpu.memory_space<hbm>>
        %dma_wait3A_95 = arith.constant 128 : i32
        %dma_wait3A_96 = arith.constant 0 : i32
        %dma_wait3A_97 = tpu.memref_slice %dma_wait3A_94[%dma_wait3A_95, %dma_wait3A_96] : memref<160x128xi32, #tpu.memory_space<hbm>> -> memref<32x128xi32, #tpu.memory_space<hbm>>
        %dma_wait3A_98 = arith.constant 0 : i32
        %dma_wait3A_99 = arith.constant 0 : i32
        %dma_wait3A_100 = tpu.memref_slice %arg8[%dma_wait3A_98, %dma_wait3A_99] : memref<32x128xi32, #tpu.memory_space<vmem>> -> memref<32x128xi32, #tpu.memory_space<vmem>>
        %dma_wait3A_101 = arith.constant 0 : i32
        %dma_wait3A_102 = arith.constant 0 : i32
        %dma_wait3A_103 = tpu.memref_slice %arg4[%arg1, %dma_wait3A_101, %dma_wait3A_102] : memref<16x160x128xi32, #tpu.memory_space<hbm>> -> memref<1x160x128xi32, #tpu.memory_space<hbm>>
        %dma_wait3A_104 = tpu.memref_squeeze %dma_wait3A_103 : memref<1x160x128xi32, #tpu.memory_space<hbm>> -> memref<160x128xi32, #tpu.memory_space<hbm>>
        %dma_wait3A_105 = arith.constant 128 : i32
        %dma_wait3A_106 = arith.constant 0 : i32
        %dma_wait3A_107 = tpu.memref_slice %dma_wait3A_104[%dma_wait3A_105, %dma_wait3A_106] : memref<160x128xi32, #tpu.memory_space<hbm>> -> memref<32x128xi32, #tpu.memory_space<hbm>>
        tpu.wait_dma2 semaphore(%run_scoped3A_67 : memref<!tpu.dma_semaphore, #tpu.memory_space<semaphore_mem>>) src(%dma_wait3A_107 : memref<32x128xi32, #tpu.memory_space<hbm>>) dst(%dma_wait3A_100 : memref<32x128xi32, #tpu.memory_space<vmem>>)
        tpu.yield
      }) : () -> ()
      %dma_start3A = arith.constant 0 : i32
      %dma_start3A_13 = arith.constant 0 : i32
      %dma_start3A_14 = arith.constant 0 : i32
      %dma_start3A_15 = arith.constant 0 : i32
      %dma_start3A_16 = tpu.memref_slice %arg9[%dma_start3A_13, %dma_start3A_14, %dma_start3A_15] : memref<2x128x128xf32, #tpu.memory_space<vmem>> -> memref<1x128x128xf32, #tpu.memory_space<vmem>>
      %dma_start3A_17 = tpu.memref_squeeze %dma_start3A_16 : memref<1x128x128xf32, #tpu.memory_space<vmem>> -> memref<128x128xf32, #tpu.memory_space<vmem>>
      %dma_start3A_18 = arith.constant 0 : i32
      %dma_start3A_19 = tpu.memref_slice %arg7[%dma_start3A, %dma_start3A_18] : memref<32x128xi32, #tpu.memory_space<vmem>> -> memref<1x128xi32, #tpu.memory_space<vmem>>
      %dma_start3A_20 = tpu.memref_squeeze %dma_start3A_19 : memref<1x128xi32, #tpu.memory_space<vmem>> -> memref<128xi32, #tpu.memory_space<vmem>>
      %dma_start3A_21 = arith.constant 0 : i32
      %dma_start3A_22 = arith.constant 0 : i32
      %dma_start3A_23 = tpu.memref_slice %arg2[%dma_start3A_21, %dma_start3A_22] : memref<10000x128xf32, #tpu.memory_space<hbm>> -> memref<10000x128xf32, #tpu.memory_space<hbm>>
      tpu.enqueue_indirect_dma source(%dma_start3A_23 : memref<10000x128xf32, #tpu.memory_space<hbm>>) target(%dma_start3A_17 : memref<128x128xf32, #tpu.memory_space<vmem>>) offsets(%dma_start3A_20 : memref<128xi32, #tpu.memory_space<vmem>>) semaphore(%arg11 : memref<!tpu.dma_semaphore, #tpu.memory_space<semaphore_mem>>)
      %dma_start3A_24 = arith.constant 1 : i32
      %dma_start3A_25 = arith.constant 1 : i32
      %dma_start3A_26 = arith.constant 0 : i32
      %dma_start3A_27 = arith.constant 0 : i32
      %dma_start3A_28 = tpu.memref_slice %arg9[%dma_start3A_25, %dma_start3A_26, %dma_start3A_27] : memref<2x128x128xf32, #tpu.memory_space<vmem>> -> memref<1x128x128xf32, #tpu.memory_space<vmem>>
      %dma_start3A_29 = tpu.memref_squeeze %dma_start3A_28 : memref<1x128x128xf32, #tpu.memory_space<vmem>> -> memref<128x128xf32, #tpu.memory_space<vmem>>
      %dma_start3A_30 = arith.constant 0 : i32
      %dma_start3A_31 = tpu.memref_slice %arg7[%dma_start3A_24, %dma_start3A_30] : memref<32x128xi32, #tpu.memory_space<vmem>> -> memref<1x128xi32, #tpu.memory_space<vmem>>
      %dma_start3A_32 = tpu.memref_squeeze %dma_start3A_31 : memref<1x128xi32, #tpu.memory_space<vmem>> -> memref<128xi32, #tpu.memory_space<vmem>>
      %dma_start3A_33 = arith.constant 0 : i32
      %dma_start3A_34 = arith.constant 0 : i32
      %dma_start3A_35 = tpu.memref_slice %arg2[%dma_start3A_33, %dma_start3A_34] : memref<10000x128xf32, #tpu.memory_space<hbm>> -> memref<10000x128xf32, #tpu.memory_space<hbm>>
      tpu.enqueue_indirect_dma source(%dma_start3A_35 : memref<10000x128xf32, #tpu.memory_space<hbm>>) target(%dma_start3A_29 : memref<128x128xf32, #tpu.memory_space<vmem>>) offsets(%dma_start3A_32 : memref<128xi32, #tpu.memory_space<vmem>>) semaphore(%arg12 : memref<!tpu.dma_semaphore, #tpu.memory_space<semaphore_mem>>)
      %scan3A = arith.constant 0 : i32
      %scan3A_36 = arith.constant 0 : i32
      %scan3A_37 = arith.constant 15 : i32
      %scan3A_38 = arith.addi %scan3A_36, %scan3A_37 : i32
      %scan3A_39 = arith.constant 1 : i32
      scf.for %scan3A_67 = %scan3A_36 to %scan3A_38 step %scan3A_39  : i32 {
        %mul3A_68 = arith.constant 2 : i32
        %mul3A_69 = arith.muli %mul3A_68, %scan3A_67 : i32
        %dma_wait3A_70 = arith.constant 0 : i32
        %dma_wait3A_71 = arith.constant 0 : i32
        %dma_wait3A_72 = arith.constant 0 : i32
        %dma_wait3A_73 = tpu.memref_slice %arg9[%dma_wait3A_70, %dma_wait3A_71, %dma_wait3A_72] : memref<2x128x128xf32, #tpu.memory_space<vmem>> -> memref<1x128x128xf32, #tpu.memory_space<vmem>>
        %dma_wait3A_74 = tpu.memref_squeeze %dma_wait3A_73 : memref<1x128x128xf32, #tpu.memory_space<vmem>> -> memref<128x128xf32, #tpu.memory_space<vmem>>
        %dma_wait3A_75 = arith.constant 0 : i32
        %dma_wait3A_76 = tpu.memref_slice %arg7[%mul3A_69, %dma_wait3A_75] : memref<32x128xi32, #tpu.memory_space<vmem>> -> memref<1x128xi32, #tpu.memory_space<vmem>>
        %dma_wait3A_77 = tpu.memref_squeeze %dma_wait3A_76 : memref<1x128xi32, #tpu.memory_space<vmem>> -> memref<128xi32, #tpu.memory_space<vmem>>
        %dma_wait3A_78 = arith.constant 0 : i32
        %dma_wait3A_79 = arith.constant 0 : i32
        %dma_wait3A_80 = tpu.memref_slice %arg2[%dma_wait3A_78, %dma_wait3A_79] : memref<10000x128xf32, #tpu.memory_space<hbm>> -> memref<10000x128xf32, #tpu.memory_space<hbm>>
        tpu.wait_indirect_dma semaphore(%arg11 : memref<!tpu.dma_semaphore, #tpu.memory_space<semaphore_mem>>) src(%dma_wait3A_80 : memref<10000x128xf32, #tpu.memory_space<hbm>>) dst(%dma_wait3A_74 : memref<128x128xf32, #tpu.memory_space<vmem>>)
        %run_scoped3A_81 = arith.constant 0 : i32
        "tpu.region"() ({
          %run_scoped3A_123 = tpu.sem_alloc : memref<!tpu.dma_semaphore, #tpu.memory_space<semaphore_mem>>
          %dma_start3A_124 = arith.constant 0 : i32
          %dma_start3A_125 = arith.constant 0 : i32
          %dma_start3A_126 = tpu.memref_slice %arg9[%run_scoped3A_81, %dma_start3A_124, %dma_start3A_125] : memref<2x128x128xf32, #tpu.memory_space<vmem>> -> memref<1x128x128xf32, #tpu.memory_space<vmem>>
          %dma_start3A_127 = tpu.memref_squeeze %dma_start3A_126 : memref<1x128x128xf32, #tpu.memory_space<vmem>> -> memref<128x128xf32, #tpu.memory_space<vmem>>
          %dma_start3A_128 = arith.constant 0 : i32
          %dma_start3A_129 = tpu.memref_slice %arg8[%mul3A_69, %dma_start3A_128] : memref<32x128xi32, #tpu.memory_space<vmem>> -> memref<1x128xi32, #tpu.memory_space<vmem>>
          %dma_start3A_130 = tpu.memref_squeeze %dma_start3A_129 : memref<1x128xi32, #tpu.memory_space<vmem>> -> memref<128xi32, #tpu.memory_space<vmem>>
          %dma_start3A_131 = arith.constant 0 : i32
          %dma_start3A_132 = arith.constant 0 : i32
          %dma_start3A_133 = tpu.memref_slice %arg10[%dma_start3A_131, %dma_start3A_132] : memref<10112x128xf32, #tpu.memory_space<vmem_shared>> -> memref<10112x128xf32, #tpu.memory_space<vmem_shared>>
          tpu.enqueue_indirect_dma source(%dma_start3A_127 : memref<128x128xf32, #tpu.memory_space<vmem>>) target(%dma_start3A_133 : memref<10112x128xf32, #tpu.memory_space<vmem_shared>>) offsets(%dma_start3A_130 : memref<128xi32, #tpu.memory_space<vmem>>) semaphore(%run_scoped3A_123 : memref<!tpu.dma_semaphore, #tpu.memory_space<semaphore_mem>>) {add = true}
          %dma_wait3A_134 = arith.constant 0 : i32
          %dma_wait3A_135 = arith.constant 0 : i32
          %dma_wait3A_136 = tpu.memref_slice %arg9[%run_scoped3A_81, %dma_wait3A_134, %dma_wait3A_135] : memref<2x128x128xf32, #tpu.memory_space<vmem>> -> memref<1x128x128xf32, #tpu.memory_space<vmem>>
          %dma_wait3A_137 = tpu.memref_squeeze %dma_wait3A_136 : memref<1x128x128xf32, #tpu.memory_space<vmem>> -> memref<128x128xf32, #tpu.memory_space<vmem>>
          %dma_wait3A_138 = arith.constant 0 : i32
          %dma_wait3A_139 = tpu.memref_slice %arg8[%mul3A_69, %dma_wait3A_138] : memref<32x128xi32, #tpu.memory_space<vmem>> -> memref<1x128xi32, #tpu.memory_space<vmem>>
          %dma_wait3A_140 = tpu.memref_squeeze %dma_wait3A_139 : memref<1x128xi32, #tpu.memory_space<vmem>> -> memref<128xi32, #tpu.memory_space<vmem>>
          %dma_wait3A_141 = arith.constant 0 : i32
          %dma_wait3A_142 = arith.constant 0 : i32
          %dma_wait3A_143 = tpu.memref_slice %arg10[%dma_wait3A_141, %dma_wait3A_142] : memref<10112x128xf32, #tpu.memory_space<vmem_shared>> -> memref<10112x128xf32, #tpu.memory_space<vmem_shared>>
          tpu.wait_indirect_dma semaphore(%run_scoped3A_123 : memref<!tpu.dma_semaphore, #tpu.memory_space<semaphore_mem>>) src(%dma_wait3A_137 : memref<128x128xf32, #tpu.memory_space<vmem>>) dst(%dma_wait3A_143 : memref<10112x128xf32, #tpu.memory_space<vmem_shared>>)
          tpu.yield
        }) : () -> ()
        %add3A = arith.constant 2 : i32
        %add3A_82 = arith.addi %mul3A_69, %add3A : i32
        %dma_start3A_83 = arith.constant 0 : i32
        %dma_start3A_84 = arith.constant 0 : i32
        %dma_start3A_85 = arith.constant 0 : i32
        %dma_start3A_86 = tpu.memref_slice %arg9[%dma_start3A_83, %dma_start3A_84, %dma_start3A_85] : memref<2x128x128xf32, #tpu.memory_space<vmem>> -> memref<1x128x128xf32, #tpu.memory_space<vmem>>
        %dma_start3A_87 = tpu.memref_squeeze %dma_start3A_86 : memref<1x128x128xf32, #tpu.memory_space<vmem>> -> memref<128x128xf32, #tpu.memory_space<vmem>>
        %dma_start3A_88 = arith.constant 0 : i32
        %dma_start3A_89 = tpu.memref_slice %arg7[%add3A_82, %dma_start3A_88] : memref<32x128xi32, #tpu.memory_space<vmem>> -> memref<1x128xi32, #tpu.memory_space<vmem>>
        %dma_start3A_90 = tpu.memref_squeeze %dma_start3A_89 : memref<1x128xi32, #tpu.memory_space<vmem>> -> memref<128xi32, #tpu.memory_space<vmem>>
        %dma_start3A_91 = arith.constant 0 : i32
        %dma_start3A_92 = arith.constant 0 : i32
        %dma_start3A_93 = tpu.memref_slice %arg2[%dma_start3A_91, %dma_start3A_92] : memref<10000x128xf32, #tpu.memory_space<hbm>> -> memref<10000x128xf32, #tpu.memory_space<hbm>>
        tpu.enqueue_indirect_dma source(%dma_start3A_93 : memref<10000x128xf32, #tpu.memory_space<hbm>>) target(%dma_start3A_87 : memref<128x128xf32, #tpu.memory_space<vmem>>) offsets(%dma_start3A_90 : memref<128xi32, #tpu.memory_space<vmem>>) semaphore(%arg11 : memref<!tpu.dma_semaphore, #tpu.memory_space<semaphore_mem>>)
        %add3A_94 = arith.constant 1 : i32
        %add3A_95 = arith.addi %mul3A_69, %add3A_94 : i32
        %dma_wait3A_96 = arith.constant 1 : i32
        %dma_wait3A_97 = arith.constant 0 : i32
        %dma_wait3A_98 = arith.constant 0 : i32
        %dma_wait3A_99 = tpu.memref_slice %arg9[%dma_wait3A_96, %dma_wait3A_97, %dma_wait3A_98] : memref<2x128x128xf32, #tpu.memory_space<vmem>> -> memref<1x128x128xf32, #tpu.memory_space<vmem>>
        %dma_wait3A_100 = tpu.memref_squeeze %dma_wait3A_99 : memref<1x128x128xf32, #tpu.memory_space<vmem>> -> memref<128x128xf32, #tpu.memory_space<vmem>>
        %dma_wait3A_101 = arith.constant 0 : i32
        %dma_wait3A_102 = tpu.memref_slice %arg7[%add3A_95, %dma_wait3A_101] : memref<32x128xi32, #tpu.memory_space<vmem>> -> memref<1x128xi32, #tpu.memory_space<vmem>>
        %dma_wait3A_103 = tpu.memref_squeeze %dma_wait3A_102 : memref<1x128xi32, #tpu.memory_space<vmem>> -> memref<128xi32, #tpu.memory_space<vmem>>
        %dma_wait3A_104 = arith.constant 0 : i32
        %dma_wait3A_105 = arith.constant 0 : i32
        %dma_wait3A_106 = tpu.memref_slice %arg2[%dma_wait3A_104, %dma_wait3A_105] : memref<10000x128xf32, #tpu.memory_space<hbm>> -> memref<10000x128xf32, #tpu.memory_space<hbm>>
        tpu.wait_indirect_dma semaphore(%arg12 : memref<!tpu.dma_semaphore, #tpu.memory_space<semaphore_mem>>) src(%dma_wait3A_106 : memref<10000x128xf32, #tpu.memory_space<hbm>>) dst(%dma_wait3A_100 : memref<128x128xf32, #tpu.memory_space<vmem>>)
        %add3A_107 = arith.constant 1 : i32
        %add3A_108 = arith.addi %mul3A_69, %add3A_107 : i32
        %run_scoped3A_109 = arith.constant 1 : i32
        "tpu.region"() ({
          %run_scoped3A_123 = tpu.sem_alloc : memref<!tpu.dma_semaphore, #tpu.memory_space<semaphore_mem>>
          %dma_start3A_124 = arith.constant 0 : i32
          %dma_start3A_125 = arith.constant 0 : i32
          %dma_start3A_126 = tpu.memref_slice %arg9[%run_scoped3A_109, %dma_start3A_124, %dma_start3A_125] : memref<2x128x128xf32, #tpu.memory_space<vmem>> -> memref<1x128x128xf32, #tpu.memory_space<vmem>>
          %dma_start3A_127 = tpu.memref_squeeze %dma_start3A_126 : memref<1x128x128xf32, #tpu.memory_space<vmem>> -> memref<128x128xf32, #tpu.memory_space<vmem>>
          %dma_start3A_128 = arith.constant 0 : i32
          %dma_start3A_129 = tpu.memref_slice %arg8[%add3A_108, %dma_start3A_128] : memref<32x128xi32, #tpu.memory_space<vmem>> -> memref<1x128xi32, #tpu.memory_space<vmem>>
          %dma_start3A_130 = tpu.memref_squeeze %dma_start3A_129 : memref<1x128xi32, #tpu.memory_space<vmem>> -> memref<128xi32, #tpu.memory_space<vmem>>
          %dma_start3A_131 = arith.constant 0 : i32
          %dma_start3A_132 = arith.constant 0 : i32
          %dma_start3A_133 = tpu.memref_slice %arg10[%dma_start3A_131, %dma_start3A_132] : memref<10112x128xf32, #tpu.memory_space<vmem_shared>> -> memref<10112x128xf32, #tpu.memory_space<vmem_shared>>
          tpu.enqueue_indirect_dma source(%dma_start3A_127 : memref<128x128xf32, #tpu.memory_space<vmem>>) target(%dma_start3A_133 : memref<10112x128xf32, #tpu.memory_space<vmem_shared>>) offsets(%dma_start3A_130 : memref<128xi32, #tpu.memory_space<vmem>>) semaphore(%run_scoped3A_123 : memref<!tpu.dma_semaphore, #tpu.memory_space<semaphore_mem>>) {add = true}
          %dma_wait3A_134 = arith.constant 0 : i32
          %dma_wait3A_135 = arith.constant 0 : i32
          %dma_wait3A_136 = tpu.memref_slice %arg9[%run_scoped3A_109, %dma_wait3A_134, %dma_wait3A_135] : memref<2x128x128xf32, #tpu.memory_space<vmem>> -> memref<1x128x128xf32, #tpu.memory_space<vmem>>
          %dma_wait3A_137 = tpu.memref_squeeze %dma_wait3A_136 : memref<1x128x128xf32, #tpu.memory_space<vmem>> -> memref<128x128xf32, #tpu.memory_space<vmem>>
          %dma_wait3A_138 = arith.constant 0 : i32
          %dma_wait3A_139 = tpu.memref_slice %arg8[%add3A_108, %dma_wait3A_138] : memref<32x128xi32, #tpu.memory_space<vmem>> -> memref<1x128xi32, #tpu.memory_space<vmem>>
          %dma_wait3A_140 = tpu.memref_squeeze %dma_wait3A_139 : memref<1x128xi32, #tpu.memory_space<vmem>> -> memref<128xi32, #tpu.memory_space<vmem>>
          %dma_wait3A_141 = arith.constant 0 : i32
          %dma_wait3A_142 = arith.constant 0 : i32
          %dma_wait3A_143 = tpu.memref_slice %arg10[%dma_wait3A_141, %dma_wait3A_142] : memref<10112x128xf32, #tpu.memory_space<vmem_shared>> -> memref<10112x128xf32, #tpu.memory_space<vmem_shared>>
          tpu.wait_indirect_dma semaphore(%run_scoped3A_123 : memref<!tpu.dma_semaphore, #tpu.memory_space<semaphore_mem>>) src(%dma_wait3A_137 : memref<128x128xf32, #tpu.memory_space<vmem>>) dst(%dma_wait3A_143 : memref<10112x128xf32, #tpu.memory_space<vmem_shared>>)
          tpu.yield
        }) : () -> ()
        %add3A_110 = arith.constant 3 : i32
        %add3A_111 = arith.addi %mul3A_69, %add3A_110 : i32
        %dma_start3A_112 = arith.constant 1 : i32
        %dma_start3A_113 = arith.constant 0 : i32
        %dma_start3A_114 = arith.constant 0 : i32
        %dma_start3A_115 = tpu.memref_slice %arg9[%dma_start3A_112, %dma_start3A_113, %dma_start3A_114] : memref<2x128x128xf32, #tpu.memory_space<vmem>> -> memref<1x128x128xf32, #tpu.memory_space<vmem>>
        %dma_start3A_116 = tpu.memref_squeeze %dma_start3A_115 : memref<1x128x128xf32, #tpu.memory_space<vmem>> -> memref<128x128xf32, #tpu.memory_space<vmem>>
        %dma_start3A_117 = arith.constant 0 : i32
        %dma_start3A_118 = tpu.memref_slice %arg7[%add3A_111, %dma_start3A_117] : memref<32x128xi32, #tpu.memory_space<vmem>> -> memref<1x128xi32, #tpu.memory_space<vmem>>
        %dma_start3A_119 = tpu.memref_squeeze %dma_start3A_118 : memref<1x128xi32, #tpu.memory_space<vmem>> -> memref<128xi32, #tpu.memory_space<vmem>>
        %dma_start3A_120 = arith.constant 0 : i32
        %dma_start3A_121 = arith.constant 0 : i32
        %dma_start3A_122 = tpu.memref_slice %arg2[%dma_start3A_120, %dma_start3A_121] : memref<10000x128xf32, #tpu.memory_space<hbm>> -> memref<10000x128xf32, #tpu.memory_space<hbm>>
        tpu.enqueue_indirect_dma source(%dma_start3A_122 : memref<10000x128xf32, #tpu.memory_space<hbm>>) target(%dma_start3A_116 : memref<128x128xf32, #tpu.memory_space<vmem>>) offsets(%dma_start3A_119 : memref<128xi32, #tpu.memory_space<vmem>>) semaphore(%arg12 : memref<!tpu.dma_semaphore, #tpu.memory_space<semaphore_mem>>)
      }
      %scan3A_40 = arith.constant 15 : i32
      %dma_wait3A = arith.constant 30 : i32
      %dma_wait3A_41 = arith.constant 0 : i32
      %dma_wait3A_42 = arith.constant 0 : i32
      %dma_wait3A_43 = arith.constant 0 : i32
      %dma_wait3A_44 = tpu.memref_slice %arg9[%dma_wait3A_41, %dma_wait3A_42, %dma_wait3A_43] : memref<2x128x128xf32, #tpu.memory_space<vmem>> -> memref<1x128x128xf32, #tpu.memory_space<vmem>>
      %dma_wait3A_45 = tpu.memref_squeeze %dma_wait3A_44 : memref<1x128x128xf32, #tpu.memory_space<vmem>> -> memref<128x128xf32, #tpu.memory_space<vmem>>
      %dma_wait3A_46 = arith.constant 0 : i32
      %dma_wait3A_47 = tpu.memref_slice %arg7[%dma_wait3A, %dma_wait3A_46] : memref<32x128xi32, #tpu.memory_space<vmem>> -> memref<1x128xi32, #tpu.memory_space<vmem>>
      %dma_wait3A_48 = tpu.memref_squeeze %dma_wait3A_47 : memref<1x128xi32, #tpu.memory_space<vmem>> -> memref<128xi32, #tpu.memory_space<vmem>>
      %dma_wait3A_49 = arith.constant 0 : i32
      %dma_wait3A_50 = arith.constant 0 : i32
      %dma_wait3A_51 = tpu.memref_slice %arg2[%dma_wait3A_49, %dma_wait3A_50] : memref<10000x128xf32, #tpu.memory_space<hbm>> -> memref<10000x128xf32, #tpu.memory_space<hbm>>
      tpu.wait_indirect_dma semaphore(%arg11 : memref<!tpu.dma_semaphore, #tpu.memory_space<semaphore_mem>>) src(%dma_wait3A_51 : memref<10000x128xf32, #tpu.memory_space<hbm>>) dst(%dma_wait3A_45 : memref<128x128xf32, #tpu.memory_space<vmem>>)
      %run_scoped3A = arith.constant 0 : i32
      %run_scoped3A_52 = arith.constant 30 : i32
      "tpu.region"() ({
        %run_scoped3A_67 = tpu.sem_alloc : memref<!tpu.dma_semaphore, #tpu.memory_space<semaphore_mem>>
        %dma_start3A_68 = arith.constant 0 : i32
        %dma_start3A_69 = arith.constant 0 : i32
        %dma_start3A_70 = tpu.memref_slice %arg9[%run_scoped3A, %dma_start3A_68, %dma_start3A_69] : memref<2x128x128xf32, #tpu.memory_space<vmem>> -> memref<1x128x128xf32, #tpu.memory_space<vmem>>
        %dma_start3A_71 = tpu.memref_squeeze %dma_start3A_70 : memref<1x128x128xf32, #tpu.memory_space<vmem>> -> memref<128x128xf32, #tpu.memory_space<vmem>>
        %dma_start3A_72 = arith.constant 0 : i32
        %dma_start3A_73 = tpu.memref_slice %arg8[%run_scoped3A_52, %dma_start3A_72] : memref<32x128xi32, #tpu.memory_space<vmem>> -> memref<1x128xi32, #tpu.memory_space<vmem>>
        %dma_start3A_74 = tpu.memref_squeeze %dma_start3A_73 : memref<1x128xi32, #tpu.memory_space<vmem>> -> memref<128xi32, #tpu.memory_space<vmem>>
        %dma_start3A_75 = arith.constant 0 : i32
        %dma_start3A_76 = arith.constant 0 : i32
        %dma_start3A_77 = tpu.memref_slice %arg10[%dma_start3A_75, %dma_start3A_76] : memref<10112x128xf32, #tpu.memory_space<vmem_shared>> -> memref<10112x128xf32, #tpu.memory_space<vmem_shared>>
        tpu.enqueue_indirect_dma source(%dma_start3A_71 : memref<128x128xf32, #tpu.memory_space<vmem>>) target(%dma_start3A_77 : memref<10112x128xf32, #tpu.memory_space<vmem_shared>>) offsets(%dma_start3A_74 : memref<128xi32, #tpu.memory_space<vmem>>) semaphore(%run_scoped3A_67 : memref<!tpu.dma_semaphore, #tpu.memory_space<semaphore_mem>>) {add = true}
        %dma_wait3A_78 = arith.constant 0 : i32
        %dma_wait3A_79 = arith.constant 0 : i32
        %dma_wait3A_80 = tpu.memref_slice %arg9[%run_scoped3A, %dma_wait3A_78, %dma_wait3A_79] : memref<2x128x128xf32, #tpu.memory_space<vmem>> -> memref<1x128x128xf32, #tpu.memory_space<vmem>>
        %dma_wait3A_81 = tpu.memref_squeeze %dma_wait3A_80 : memref<1x128x128xf32, #tpu.memory_space<vmem>> -> memref<128x128xf32, #tpu.memory_space<vmem>>
        %dma_wait3A_82 = arith.constant 0 : i32
        %dma_wait3A_83 = tpu.memref_slice %arg8[%run_scoped3A_52, %dma_wait3A_82] : memref<32x128xi32, #tpu.memory_space<vmem>> -> memref<1x128xi32, #tpu.memory_space<vmem>>
        %dma_wait3A_84 = tpu.memref_squeeze %dma_wait3A_83 : memref<1x128xi32, #tpu.memory_space<vmem>> -> memref<128xi32, #tpu.memory_space<vmem>>
        %dma_wait3A_85 = arith.constant 0 : i32
        %dma_wait3A_86 = arith.constant 0 : i32
        %dma_wait3A_87 = tpu.memref_slice %arg10[%dma_wait3A_85, %dma_wait3A_86] : memref<10112x128xf32, #tpu.memory_space<vmem_shared>> -> memref<10112x128xf32, #tpu.memory_space<vmem_shared>>
        tpu.wait_indirect_dma semaphore(%run_scoped3A_67 : memref<!tpu.dma_semaphore, #tpu.memory_space<semaphore_mem>>) src(%dma_wait3A_81 : memref<128x128xf32, #tpu.memory_space<vmem>>) dst(%dma_wait3A_87 : memref<10112x128xf32, #tpu.memory_space<vmem_shared>>)
        tpu.yield
      }) : () -> ()
      %dma_wait3A_53 = arith.constant 31 : i32
      %dma_wait3A_54 = arith.constant 1 : i32
      %dma_wait3A_55 = arith.constant 0 : i32
      %dma_wait3A_56 = arith.constant 0 : i32
      %dma_wait3A_57 = tpu.memref_slice %arg9[%dma_wait3A_54, %dma_wait3A_55, %dma_wait3A_56] : memref<2x128x128xf32, #tpu.memory_space<vmem>> -> memref<1x128x128xf32, #tpu.memory_space<vmem>>
      %dma_wait3A_58 = tpu.memref_squeeze %dma_wait3A_57 : memref<1x128x128xf32, #tpu.memory_space<vmem>> -> memref<128x128xf32, #tpu.memory_space<vmem>>
      %dma_wait3A_59 = arith.constant 0 : i32
      %dma_wait3A_60 = tpu.memref_slice %arg7[%dma_wait3A_53, %dma_wait3A_59] : memref<32x128xi32, #tpu.memory_space<vmem>> -> memref<1x128xi32, #tpu.memory_space<vmem>>
      %dma_wait3A_61 = tpu.memref_squeeze %dma_wait3A_60 : memref<1x128xi32, #tpu.memory_space<vmem>> -> memref<128xi32, #tpu.memory_space<vmem>>
      %dma_wait3A_62 = arith.constant 0 : i32
      %dma_wait3A_63 = arith.constant 0 : i32
      %dma_wait3A_64 = tpu.memref_slice %arg2[%dma_wait3A_62, %dma_wait3A_63] : memref<10000x128xf32, #tpu.memory_space<hbm>> -> memref<10000x128xf32, #tpu.memory_space<hbm>>
      tpu.wait_indirect_dma semaphore(%arg12 : memref<!tpu.dma_semaphore, #tpu.memory_space<semaphore_mem>>) src(%dma_wait3A_64 : memref<10000x128xf32, #tpu.memory_space<hbm>>) dst(%dma_wait3A_58 : memref<128x128xf32, #tpu.memory_space<vmem>>)
      %run_scoped3A_65 = arith.constant 1 : i32
      %run_scoped3A_66 = arith.constant 31 : i32
      "tpu.region"() ({
        %run_scoped3A_67 = tpu.sem_alloc : memref<!tpu.dma_semaphore, #tpu.memory_space<semaphore_mem>>
        %dma_start3A_68 = arith.constant 0 : i32
        %dma_start3A_69 = arith.constant 0 : i32
        %dma_start3A_70 = tpu.memref_slice %arg9[%run_scoped3A_65, %dma_start3A_68, %dma_start3A_69] : memref<2x128x128xf32, #tpu.memory_space<vmem>> -> memref<1x128x128xf32, #tpu.memory_space<vmem>>
        %dma_start3A_71 = tpu.memref_squeeze %dma_start3A_70 : memref<1x128x128xf32, #tpu.memory_space<vmem>> -> memref<128x128xf32, #tpu.memory_space<vmem>>
        %dma_start3A_72 = arith.constant 0 : i32
        %dma_start3A_73 = tpu.memref_slice %arg8[%run_scoped3A_66, %dma_start3A_72] : memref<32x128xi32, #tpu.memory_space<vmem>> -> memref<1x128xi32, #tpu.memory_space<vmem>>
        %dma_start3A_74 = tpu.memref_squeeze %dma_start3A_73 : memref<1x128xi32, #tpu.memory_space<vmem>> -> memref<128xi32, #tpu.memory_space<vmem>>
        %dma_start3A_75 = arith.constant 0 : i32
        %dma_start3A_76 = arith.constant 0 : i32
        %dma_start3A_77 = tpu.memref_slice %arg10[%dma_start3A_75, %dma_start3A_76] : memref<10112x128xf32, #tpu.memory_space<vmem_shared>> -> memref<10112x128xf32, #tpu.memory_space<vmem_shared>>
        tpu.enqueue_indirect_dma source(%dma_start3A_71 : memref<128x128xf32, #tpu.memory_space<vmem>>) target(%dma_start3A_77 : memref<10112x128xf32, #tpu.memory_space<vmem_shared>>) offsets(%dma_start3A_74 : memref<128xi32, #tpu.memory_space<vmem>>) semaphore(%run_scoped3A_67 : memref<!tpu.dma_semaphore, #tpu.memory_space<semaphore_mem>>) {add = true}
        %dma_wait3A_78 = arith.constant 0 : i32
        %dma_wait3A_79 = arith.constant 0 : i32
        %dma_wait3A_80 = tpu.memref_slice %arg9[%run_scoped3A_65, %dma_wait3A_78, %dma_wait3A_79] : memref<2x128x128xf32, #tpu.memory_space<vmem>> -> memref<1x128x128xf32, #tpu.memory_space<vmem>>
        %dma_wait3A_81 = tpu.memref_squeeze %dma_wait3A_80 : memref<1x128x128xf32, #tpu.memory_space<vmem>> -> memref<128x128xf32, #tpu.memory_space<vmem>>
        %dma_wait3A_82 = arith.constant 0 : i32
        %dma_wait3A_83 = tpu.memref_slice %arg8[%run_scoped3A_66, %dma_wait3A_82] : memref<32x128xi32, #tpu.memory_space<vmem>> -> memref<1x128xi32, #tpu.memory_space<vmem>>
        %dma_wait3A_84 = tpu.memref_squeeze %dma_wait3A_83 : memref<1x128xi32, #tpu.memory_space<vmem>> -> memref<128xi32, #tpu.memory_space<vmem>>
        %dma_wait3A_85 = arith.constant 0 : i32
        %dma_wait3A_86 = arith.constant 0 : i32
        %dma_wait3A_87 = tpu.memref_slice %arg10[%dma_wait3A_85, %dma_wait3A_86] : memref<10112x128xf32, #tpu.memory_space<vmem_shared>> -> memref<10112x128xf32, #tpu.memory_space<vmem_shared>>
        tpu.wait_indirect_dma semaphore(%run_scoped3A_67 : memref<!tpu.dma_semaphore, #tpu.memory_space<semaphore_mem>>) src(%dma_wait3A_81 : memref<128x128xf32, #tpu.memory_space<vmem>>) dst(%dma_wait3A_87 : memref<10112x128xf32, #tpu.memory_space<vmem_shared>>)
        tpu.yield
      }) : () -> ()
    } else {
    }
    %barrier3A_8 = arith.constant 0 : index
    tpu.barrier barrier_id(%barrier3A_8)
    %mul3A_9 = arith.constant 632 : i32
    %mul3A_10 = arith.muli %arg1, %mul3A_9 : i32
    %mul3A_11 = arith.constant 632 : i32
    %mul3A_12 = arith.muli %arg1, %mul3A_11 : i32
    "tpu.region"() ({
      %run_scoped3A = tpu.sem_alloc : memref<!tpu.dma_semaphore, #tpu.memory_space<semaphore_mem>>
      %dma_start3A = arith.constant 0 : i32
      %dma_start3A_13 = arith.constant 0 : i32
      %dma_start3A_14 = tpu.memref_slice %arg6[%arg0, %dma_start3A, %dma_start3A_13] : memref<2x10112x128xf32, #tpu.memory_space<hbm>> -> memref<1x10112x128xf32, #tpu.memory_space<hbm>>
      %dma_start3A_15 = tpu.memref_squeeze %dma_start3A_14 : memref<1x10112x128xf32, #tpu.memory_space<hbm>> -> memref<10112x128xf32, #tpu.memory_space<hbm>>
      %dma_start3A_16 = arith.constant 0 : i32
      %dma_start3A_17 = tpu.memref_slice %dma_start3A_15[%mul3A_12, %dma_start3A_16] : memref<10112x128xf32, #tpu.memory_space<hbm>> -> memref<632x128xf32, #tpu.memory_space<hbm>>
      %dma_start3A_18 = arith.constant 0 : i32
      %dma_start3A_19 = tpu.memref_slice %arg10[%mul3A_10, %dma_start3A_18] : memref<10112x128xf32, #tpu.memory_space<vmem_shared>> -> memref<632x128xf32, #tpu.memory_space<vmem_shared>>
      tpu.enqueue_dma source(%dma_start3A_19 : memref<632x128xf32, #tpu.memory_space<vmem_shared>>) target(%dma_start3A_17 : memref<632x128xf32, #tpu.memory_space<hbm>>) target_semaphore(%run_scoped3A : memref<!tpu.dma_semaphore, #tpu.memory_space<semaphore_mem>>)
      %dma_wait3A = arith.constant 0 : i32
      %dma_wait3A_20 = arith.constant 0 : i32
      %dma_wait3A_21 = tpu.memref_slice %arg6[%arg0, %dma_wait3A, %dma_wait3A_20] : memref<2x10112x128xf32, #tpu.memory_space<hbm>> -> memref<1x10112x128xf32, #tpu.memory_space<hbm>>
      %dma_wait3A_22 = tpu.memref_squeeze %dma_wait3A_21 : memref<1x10112x128xf32, #tpu.memory_space<hbm>> -> memref<10112x128xf32, #tpu.memory_space<hbm>>
      %dma_wait3A_23 = arith.constant 0 : i32
      %dma_wait3A_24 = tpu.memref_slice %dma_wait3A_22[%mul3A_12, %dma_wait3A_23] : memref<10112x128xf32, #tpu.memory_space<hbm>> -> memref<632x128xf32, #tpu.memory_space<hbm>>
      %dma_wait3A_25 = arith.constant 0 : i32
      %dma_wait3A_26 = tpu.memref_slice %arg10[%mul3A_10, %dma_wait3A_25] : memref<10112x128xf32, #tpu.memory_space<vmem_shared>> -> memref<632x128xf32, #tpu.memory_space<vmem_shared>>
      tpu.wait_dma2 semaphore(%run_scoped3A : memref<!tpu.dma_semaphore, #tpu.memory_space<semaphore_mem>>) src(%dma_wait3A_26 : memref<632x128xf32, #tpu.memory_space<vmem_shared>>) dst(%dma_wait3A_24 : memref<632x128xf32, #tpu.memory_space<hbm>>)
      tpu.yield
    }) : () -> ()
    return
  }
}

#map = affine_map<(d0, d1) -> (0, 0)>
#map1 = affine_map<(d0, d1) -> (0, 0, 0)>
module attributes {stable_mosaic.version = 14 : i64} {
  func.func @_agg_kernel(%arg0: i32, %arg1: i32, %arg2: memref<10000x128xf32, #tpu.memory_space<hbm>>, %arg3: memref<16x160x128xi32, #tpu.memory_space<hbm>>, %arg4: memref<16x160x128xi32, #tpu.memory_space<hbm>>, %arg5: memref<632x128xf32, #tpu.memory_space<hbm>>, %arg6: memref<2x10112x128xf32, #tpu.memory_space<hbm>>, %arg7: memref<32x128xi32, #tpu.memory_space<vmem>>, %arg8: memref<32x128xi32, #tpu.memory_space<vmem>>, %arg9: memref<2x128x128xf32, #tpu.memory_space<vmem>>, %arg10: memref<10112x128xf32, #tpu.memory_space<vmem_shared>>, %arg11: memref<!tpu.dma_semaphore, #tpu.memory_space<semaphore_mem>>, %arg12: memref<!tpu.dma_semaphore, #tpu.memory_space<semaphore_mem>>) attributes {dimension_semantics = [#tpu.dimension_semantics<core_parallel>, #tpu.dimension_semantics<subcore_parallel>], iteration_bounds = array<i64: 2, 16>, scalar_prefetch = 0 : i64, scratch_operands = 6 : i64, tpu.core_type = #tpu.core_type<sc_vector_subcore>, window_params = [{transform_indices = #map}, {transform_indices = #map1}, {transform_indices = #map1}, {transform_indices = #map}, {transform_indices = #map1}]} {
    %mul3A = arith.constant 632 : i32
    %mul3A_0 = arith.muli %arg1, %mul3A : i32
    "tpu.region"() ({
      %run_scoped3A = tpu.sem_alloc : memref<!tpu.dma_semaphore, #tpu.memory_space<semaphore_mem>>
      %dma_start3A = arith.constant 0 : i32
      %dma_start3A_13 = tpu.memref_slice %arg10[%mul3A_0, %dma_start3A] : memref<10112x128xf32, #tpu.memory_space<vmem_shared>> -> memref<632x128xf32, #tpu.memory_space<vmem_shared>>
      tpu.enqueue_dma source(%arg5 : memref<632x128xf32, #tpu.memory_space<hbm>>) target(%dma_start3A_13 : memref<632x128xf32, #tpu.memory_space<vmem_shared>>) target_semaphore(%run_scoped3A : memref<!tpu.dma_semaphore, #tpu.memory_space<semaphore_mem>>)
      %dma_wait3A = arith.constant 0 : i32
      %dma_wait3A_14 = tpu.memref_slice %arg10[%mul3A_0, %dma_wait3A] : memref<10112x128xf32, #tpu.memory_space<vmem_shared>> -> memref<632x128xf32, #tpu.memory_space<vmem_shared>>
      tpu.wait_dma2 semaphore(%run_scoped3A : memref<!tpu.dma_semaphore, #tpu.memory_space<semaphore_mem>>) src(%arg5 : memref<632x128xf32, #tpu.memory_space<hbm>>) dst(%dma_wait3A_14 : memref<632x128xf32, #tpu.memory_space<vmem_shared>>)
      tpu.yield
    }) : () -> ()
    %barrier3A = arith.constant 0 : index
    tpu.barrier barrier_id(%barrier3A)
    %eq3A = arith.constant 0 : i32
    %eq3A_1 = arith.cmpi eq, %arg0, %eq3A : i32
    %convert_element_type3A = arith.extui %eq3A_1 : i1 to i32
    %cond3A = arith.constant 0 : i32
    %cond3A_2 = arith.cmpi ne, %convert_element_type3A, %cond3A : i32
    scf.if %cond3A_2 {
      "tpu.region"() ({
        %run_scoped3A_241 = tpu.sem_alloc : memref<!tpu.dma_semaphore, #tpu.memory_space<semaphore_mem>>
        %dma_start3A_242 = arith.constant 0 : i32
        %dma_start3A_243 = arith.constant 0 : i32
        %dma_start3A_244 = tpu.memref_slice %arg7[%dma_start3A_242, %dma_start3A_243] : memref<32x128xi32, #tpu.memory_space<vmem>> -> memref<32x128xi32, #tpu.memory_space<vmem>>
        %dma_start3A_245 = arith.constant 0 : i32
        %dma_start3A_246 = arith.constant 0 : i32
        %dma_start3A_247 = tpu.memref_slice %arg3[%arg1, %dma_start3A_245, %dma_start3A_246] : memref<16x160x128xi32, #tpu.memory_space<hbm>> -> memref<1x160x128xi32, #tpu.memory_space<hbm>>
        %dma_start3A_248 = tpu.memref_squeeze %dma_start3A_247 : memref<1x160x128xi32, #tpu.memory_space<hbm>> -> memref<160x128xi32, #tpu.memory_space<hbm>>
        %dma_start3A_249 = arith.constant 0 : i32
        %dma_start3A_250 = arith.constant 0 : i32
        %dma_start3A_251 = tpu.memref_slice %dma_start3A_248[%dma_start3A_249, %dma_start3A_250] : memref<160x128xi32, #tpu.memory_space<hbm>> -> memref<32x128xi32, #tpu.memory_space<hbm>>
        %dma_start3A_252 = arith.constant 0 : i32
        %dma_start3A_253 = arith.constant 0 : i32
        %dma_start3A_254 = tpu.memref_slice %arg7[%dma_start3A_252, %dma_start3A_253] : memref<32x128xi32, #tpu.memory_space<vmem>> -> memref<32x128xi32, #tpu.memory_space<vmem>>
        %dma_start3A_255 = arith.constant 0 : i32
        %dma_start3A_256 = arith.constant 0 : i32
        %dma_start3A_257 = tpu.memref_slice %arg3[%arg1, %dma_start3A_255, %dma_start3A_256] : memref<16x160x128xi32, #tpu.memory_space<hbm>> -> memref<1x160x128xi32, #tpu.memory_space<hbm>>
        %dma_start3A_258 = tpu.memref_squeeze %dma_start3A_257 : memref<1x160x128xi32, #tpu.memory_space<hbm>> -> memref<160x128xi32, #tpu.memory_space<hbm>>
        %dma_start3A_259 = arith.constant 0 : i32
        %dma_start3A_260 = arith.constant 0 : i32
        %dma_start3A_261 = tpu.memref_slice %dma_start3A_258[%dma_start3A_259, %dma_start3A_260] : memref<160x128xi32, #tpu.memory_space<hbm>> -> memref<32x128xi32, #tpu.memory_space<hbm>>
        tpu.enqueue_dma source(%dma_start3A_261 : memref<32x128xi32, #tpu.memory_space<hbm>>) target(%dma_start3A_254 : memref<32x128xi32, #tpu.memory_space<vmem>>) target_semaphore(%run_scoped3A_241 : memref<!tpu.dma_semaphore, #tpu.memory_space<semaphore_mem>>)
        %dma_wait3A_262 = arith.constant 0 : i32
        %dma_wait3A_263 = arith.constant 0 : i32
        %dma_wait3A_264 = tpu.memref_slice %arg7[%dma_wait3A_262, %dma_wait3A_263] : memref<32x128xi32, #tpu.memory_space<vmem>> -> memref<32x128xi32, #tpu.memory_space<vmem>>
        %dma_wait3A_265 = arith.constant 0 : i32
        %dma_wait3A_266 = arith.constant 0 : i32
        %dma_wait3A_267 = tpu.memref_slice %arg3[%arg1, %dma_wait3A_265, %dma_wait3A_266] : memref<16x160x128xi32, #tpu.memory_space<hbm>> -> memref<1x160x128xi32, #tpu.memory_space<hbm>>
        %dma_wait3A_268 = tpu.memref_squeeze %dma_wait3A_267 : memref<1x160x128xi32, #tpu.memory_space<hbm>> -> memref<160x128xi32, #tpu.memory_space<hbm>>
        %dma_wait3A_269 = arith.constant 0 : i32
        %dma_wait3A_270 = arith.constant 0 : i32
        %dma_wait3A_271 = tpu.memref_slice %dma_wait3A_268[%dma_wait3A_269, %dma_wait3A_270] : memref<160x128xi32, #tpu.memory_space<hbm>> -> memref<32x128xi32, #tpu.memory_space<hbm>>
        %dma_wait3A_272 = arith.constant 0 : i32
        %dma_wait3A_273 = arith.constant 0 : i32
        %dma_wait3A_274 = tpu.memref_slice %arg7[%dma_wait3A_272, %dma_wait3A_273] : memref<32x128xi32, #tpu.memory_space<vmem>> -> memref<32x128xi32, #tpu.memory_space<vmem>>
        %dma_wait3A_275 = arith.constant 0 : i32
        %dma_wait3A_276 = arith.constant 0 : i32
        %dma_wait3A_277 = tpu.memref_slice %arg3[%arg1, %dma_wait3A_275, %dma_wait3A_276] : memref<16x160x128xi32, #tpu.memory_space<hbm>> -> memref<1x160x128xi32, #tpu.memory_space<hbm>>
        %dma_wait3A_278 = tpu.memref_squeeze %dma_wait3A_277 : memref<1x160x128xi32, #tpu.memory_space<hbm>> -> memref<160x128xi32, #tpu.memory_space<hbm>>
        %dma_wait3A_279 = arith.constant 0 : i32
        %dma_wait3A_280 = arith.constant 0 : i32
        %dma_wait3A_281 = tpu.memref_slice %dma_wait3A_278[%dma_wait3A_279, %dma_wait3A_280] : memref<160x128xi32, #tpu.memory_space<hbm>> -> memref<32x128xi32, #tpu.memory_space<hbm>>
        tpu.wait_dma2 semaphore(%run_scoped3A_241 : memref<!tpu.dma_semaphore, #tpu.memory_space<semaphore_mem>>) src(%dma_wait3A_281 : memref<32x128xi32, #tpu.memory_space<hbm>>) dst(%dma_wait3A_274 : memref<32x128xi32, #tpu.memory_space<vmem>>)
        tpu.yield
      }) : () -> ()
      "tpu.region"() ({
        %run_scoped3A_241 = tpu.sem_alloc : memref<!tpu.dma_semaphore, #tpu.memory_space<semaphore_mem>>
        %dma_start3A_242 = arith.constant 0 : i32
        %dma_start3A_243 = arith.constant 0 : i32
        %dma_start3A_244 = tpu.memref_slice %arg8[%dma_start3A_242, %dma_start3A_243] : memref<32x128xi32, #tpu.memory_space<vmem>> -> memref<32x128xi32, #tpu.memory_space<vmem>>
        %dma_start3A_245 = arith.constant 0 : i32
        %dma_start3A_246 = arith.constant 0 : i32
        %dma_start3A_247 = tpu.memref_slice %arg4[%arg1, %dma_start3A_245, %dma_start3A_246] : memref<16x160x128xi32, #tpu.memory_space<hbm>> -> memref<1x160x128xi32, #tpu.memory_space<hbm>>
        %dma_start3A_248 = tpu.memref_squeeze %dma_start3A_247 : memref<1x160x128xi32, #tpu.memory_space<hbm>> -> memref<160x128xi32, #tpu.memory_space<hbm>>
        %dma_start3A_249 = arith.constant 0 : i32
        %dma_start3A_250 = arith.constant 0 : i32
        %dma_start3A_251 = tpu.memref_slice %dma_start3A_248[%dma_start3A_249, %dma_start3A_250] : memref<160x128xi32, #tpu.memory_space<hbm>> -> memref<32x128xi32, #tpu.memory_space<hbm>>
        %dma_start3A_252 = arith.constant 0 : i32
        %dma_start3A_253 = arith.constant 0 : i32
        %dma_start3A_254 = tpu.memref_slice %arg8[%dma_start3A_252, %dma_start3A_253] : memref<32x128xi32, #tpu.memory_space<vmem>> -> memref<32x128xi32, #tpu.memory_space<vmem>>
        %dma_start3A_255 = arith.constant 0 : i32
        %dma_start3A_256 = arith.constant 0 : i32
        %dma_start3A_257 = tpu.memref_slice %arg4[%arg1, %dma_start3A_255, %dma_start3A_256] : memref<16x160x128xi32, #tpu.memory_space<hbm>> -> memref<1x160x128xi32, #tpu.memory_space<hbm>>
        %dma_start3A_258 = tpu.memref_squeeze %dma_start3A_257 : memref<1x160x128xi32, #tpu.memory_space<hbm>> -> memref<160x128xi32, #tpu.memory_space<hbm>>
        %dma_start3A_259 = arith.constant 0 : i32
        %dma_start3A_260 = arith.constant 0 : i32
        %dma_start3A_261 = tpu.memref_slice %dma_start3A_258[%dma_start3A_259, %dma_start3A_260] : memref<160x128xi32, #tpu.memory_space<hbm>> -> memref<32x128xi32, #tpu.memory_space<hbm>>
        tpu.enqueue_dma source(%dma_start3A_261 : memref<32x128xi32, #tpu.memory_space<hbm>>) target(%dma_start3A_254 : memref<32x128xi32, #tpu.memory_space<vmem>>) target_semaphore(%run_scoped3A_241 : memref<!tpu.dma_semaphore, #tpu.memory_space<semaphore_mem>>)
        %dma_wait3A_262 = arith.constant 0 : i32
        %dma_wait3A_263 = arith.constant 0 : i32
        %dma_wait3A_264 = tpu.memref_slice %arg8[%dma_wait3A_262, %dma_wait3A_263] : memref<32x128xi32, #tpu.memory_space<vmem>> -> memref<32x128xi32, #tpu.memory_space<vmem>>
        %dma_wait3A_265 = arith.constant 0 : i32
        %dma_wait3A_266 = arith.constant 0 : i32
        %dma_wait3A_267 = tpu.memref_slice %arg4[%arg1, %dma_wait3A_265, %dma_wait3A_266] : memref<16x160x128xi32, #tpu.memory_space<hbm>> -> memref<1x160x128xi32, #tpu.memory_space<hbm>>
        %dma_wait3A_268 = tpu.memref_squeeze %dma_wait3A_267 : memref<1x160x128xi32, #tpu.memory_space<hbm>> -> memref<160x128xi32, #tpu.memory_space<hbm>>
        %dma_wait3A_269 = arith.constant 0 : i32
        %dma_wait3A_270 = arith.constant 0 : i32
        %dma_wait3A_271 = tpu.memref_slice %dma_wait3A_268[%dma_wait3A_269, %dma_wait3A_270] : memref<160x128xi32, #tpu.memory_space<hbm>> -> memref<32x128xi32, #tpu.memory_space<hbm>>
        %dma_wait3A_272 = arith.constant 0 : i32
        %dma_wait3A_273 = arith.constant 0 : i32
        %dma_wait3A_274 = tpu.memref_slice %arg8[%dma_wait3A_272, %dma_wait3A_273] : memref<32x128xi32, #tpu.memory_space<vmem>> -> memref<32x128xi32, #tpu.memory_space<vmem>>
        %dma_wait3A_275 = arith.constant 0 : i32
        %dma_wait3A_276 = arith.constant 0 : i32
        %dma_wait3A_277 = tpu.memref_slice %arg4[%arg1, %dma_wait3A_275, %dma_wait3A_276] : memref<16x160x128xi32, #tpu.memory_space<hbm>> -> memref<1x160x128xi32, #tpu.memory_space<hbm>>
        %dma_wait3A_278 = tpu.memref_squeeze %dma_wait3A_277 : memref<1x160x128xi32, #tpu.memory_space<hbm>> -> memref<160x128xi32, #tpu.memory_space<hbm>>
        %dma_wait3A_279 = arith.constant 0 : i32
        %dma_wait3A_280 = arith.constant 0 : i32
        %dma_wait3A_281 = tpu.memref_slice %dma_wait3A_278[%dma_wait3A_279, %dma_wait3A_280] : memref<160x128xi32, #tpu.memory_space<hbm>> -> memref<32x128xi32, #tpu.memory_space<hbm>>
        tpu.wait_dma2 semaphore(%run_scoped3A_241 : memref<!tpu.dma_semaphore, #tpu.memory_space<semaphore_mem>>) src(%dma_wait3A_281 : memref<32x128xi32, #tpu.memory_space<hbm>>) dst(%dma_wait3A_274 : memref<32x128xi32, #tpu.memory_space<vmem>>)
        tpu.yield
      }) : () -> ()
      %dma_start3A = arith.constant 0 : i32
      %dma_start3A_13 = arith.constant 0 : i32
      %dma_start3A_14 = arith.constant 0 : i32
      %dma_start3A_15 = arith.constant 0 : i32
      %dma_start3A_16 = tpu.memref_slice %arg9[%dma_start3A_13, %dma_start3A_14, %dma_start3A_15] : memref<2x128x128xf32, #tpu.memory_space<vmem>> -> memref<1x128x128xf32, #tpu.memory_space<vmem>>
      %dma_start3A_17 = tpu.memref_squeeze %dma_start3A_16 : memref<1x128x128xf32, #tpu.memory_space<vmem>> -> memref<128x128xf32, #tpu.memory_space<vmem>>
      %dma_start3A_18 = arith.constant 0 : i32
      %dma_start3A_19 = tpu.memref_slice %arg7[%dma_start3A, %dma_start3A_18] : memref<32x128xi32, #tpu.memory_space<vmem>> -> memref<1x128xi32, #tpu.memory_space<vmem>>
      %dma_start3A_20 = tpu.memref_squeeze %dma_start3A_19 : memref<1x128xi32, #tpu.memory_space<vmem>> -> memref<128xi32, #tpu.memory_space<vmem>>
      %dma_start3A_21 = arith.constant 0 : i32
      %dma_start3A_22 = arith.constant 0 : i32
      %dma_start3A_23 = tpu.memref_slice %arg2[%dma_start3A_21, %dma_start3A_22] : memref<10000x128xf32, #tpu.memory_space<hbm>> -> memref<10000x128xf32, #tpu.memory_space<hbm>>
      tpu.enqueue_indirect_dma source(%dma_start3A_23 : memref<10000x128xf32, #tpu.memory_space<hbm>>) target(%dma_start3A_17 : memref<128x128xf32, #tpu.memory_space<vmem>>) offsets(%dma_start3A_20 : memref<128xi32, #tpu.memory_space<vmem>>) semaphore(%arg11 : memref<!tpu.dma_semaphore, #tpu.memory_space<semaphore_mem>>)
      %dma_start3A_24 = arith.constant 1 : i32
      %dma_start3A_25 = arith.constant 1 : i32
      %dma_start3A_26 = arith.constant 0 : i32
      %dma_start3A_27 = arith.constant 0 : i32
      %dma_start3A_28 = tpu.memref_slice %arg9[%dma_start3A_25, %dma_start3A_26, %dma_start3A_27] : memref<2x128x128xf32, #tpu.memory_space<vmem>> -> memref<1x128x128xf32, #tpu.memory_space<vmem>>
      %dma_start3A_29 = tpu.memref_squeeze %dma_start3A_28 : memref<1x128x128xf32, #tpu.memory_space<vmem>> -> memref<128x128xf32, #tpu.memory_space<vmem>>
      %dma_start3A_30 = arith.constant 0 : i32
      %dma_start3A_31 = tpu.memref_slice %arg7[%dma_start3A_24, %dma_start3A_30] : memref<32x128xi32, #tpu.memory_space<vmem>> -> memref<1x128xi32, #tpu.memory_space<vmem>>
      %dma_start3A_32 = tpu.memref_squeeze %dma_start3A_31 : memref<1x128xi32, #tpu.memory_space<vmem>> -> memref<128xi32, #tpu.memory_space<vmem>>
      %dma_start3A_33 = arith.constant 0 : i32
      %dma_start3A_34 = arith.constant 0 : i32
      %dma_start3A_35 = tpu.memref_slice %arg2[%dma_start3A_33, %dma_start3A_34] : memref<10000x128xf32, #tpu.memory_space<hbm>> -> memref<10000x128xf32, #tpu.memory_space<hbm>>
      tpu.enqueue_indirect_dma source(%dma_start3A_35 : memref<10000x128xf32, #tpu.memory_space<hbm>>) target(%dma_start3A_29 : memref<128x128xf32, #tpu.memory_space<vmem>>) offsets(%dma_start3A_32 : memref<128xi32, #tpu.memory_space<vmem>>) semaphore(%arg12 : memref<!tpu.dma_semaphore, #tpu.memory_space<semaphore_mem>>)
      %scan3A = arith.constant 0 : i32
      %scan3A_36 = arith.constant 0 : i32
      %scan3A_37 = arith.constant 15 : i32
      %scan3A_38 = arith.addi %scan3A_36, %scan3A_37 : i32
      %scan3A_39 = arith.constant 1 : i32
      scf.for %scan3A_241 = %scan3A_36 to %scan3A_38 step %scan3A_39  : i32 {
        %mul3A_242 = arith.constant 2 : i32
        %mul3A_243 = arith.muli %mul3A_242, %scan3A_241 : i32
        %dma_wait3A_244 = arith.constant 0 : i32
        %dma_wait3A_245 = arith.constant 0 : i32
        %dma_wait3A_246 = arith.constant 0 : i32
        %dma_wait3A_247 = tpu.memref_slice %arg9[%dma_wait3A_244, %dma_wait3A_245, %dma_wait3A_246] : memref<2x128x128xf32, #tpu.memory_space<vmem>> -> memref<1x128x128xf32, #tpu.memory_space<vmem>>
        %dma_wait3A_248 = tpu.memref_squeeze %dma_wait3A_247 : memref<1x128x128xf32, #tpu.memory_space<vmem>> -> memref<128x128xf32, #tpu.memory_space<vmem>>
        %dma_wait3A_249 = arith.constant 0 : i32
        %dma_wait3A_250 = tpu.memref_slice %arg7[%mul3A_243, %dma_wait3A_249] : memref<32x128xi32, #tpu.memory_space<vmem>> -> memref<1x128xi32, #tpu.memory_space<vmem>>
        %dma_wait3A_251 = tpu.memref_squeeze %dma_wait3A_250 : memref<1x128xi32, #tpu.memory_space<vmem>> -> memref<128xi32, #tpu.memory_space<vmem>>
        %dma_wait3A_252 = arith.constant 0 : i32
        %dma_wait3A_253 = arith.constant 0 : i32
        %dma_wait3A_254 = tpu.memref_slice %arg2[%dma_wait3A_252, %dma_wait3A_253] : memref<10000x128xf32, #tpu.memory_space<hbm>> -> memref<10000x128xf32, #tpu.memory_space<hbm>>
        tpu.wait_indirect_dma semaphore(%arg11 : memref<!tpu.dma_semaphore, #tpu.memory_space<semaphore_mem>>) src(%dma_wait3A_254 : memref<10000x128xf32, #tpu.memory_space<hbm>>) dst(%dma_wait3A_248 : memref<128x128xf32, #tpu.memory_space<vmem>>)
        %run_scoped3A_255 = arith.constant 0 : i32
        "tpu.region"() ({
          %run_scoped3A_297 = tpu.sem_alloc : memref<!tpu.dma_semaphore, #tpu.memory_space<semaphore_mem>>
          %dma_start3A_298 = arith.constant 0 : i32
          %dma_start3A_299 = arith.constant 0 : i32
          %dma_start3A_300 = tpu.memref_slice %arg9[%run_scoped3A_255, %dma_start3A_298, %dma_start3A_299] : memref<2x128x128xf32, #tpu.memory_space<vmem>> -> memref<1x128x128xf32, #tpu.memory_space<vmem>>
          %dma_start3A_301 = tpu.memref_squeeze %dma_start3A_300 : memref<1x128x128xf32, #tpu.memory_space<vmem>> -> memref<128x128xf32, #tpu.memory_space<vmem>>
          %dma_start3A_302 = arith.constant 0 : i32
          %dma_start3A_303 = tpu.memref_slice %arg8[%mul3A_243, %dma_start3A_302] : memref<32x128xi32, #tpu.memory_space<vmem>> -> memref<1x128xi32, #tpu.memory_space<vmem>>
          %dma_start3A_304 = tpu.memref_squeeze %dma_start3A_303 : memref<1x128xi32, #tpu.memory_space<vmem>> -> memref<128xi32, #tpu.memory_space<vmem>>
          %dma_start3A_305 = arith.constant 0 : i32
          %dma_start3A_306 = arith.constant 0 : i32
          %dma_start3A_307 = tpu.memref_slice %arg10[%dma_start3A_305, %dma_start3A_306] : memref<10112x128xf32, #tpu.memory_space<vmem_shared>> -> memref<10112x128xf32, #tpu.memory_space<vmem_shared>>
          tpu.enqueue_indirect_dma source(%dma_start3A_301 : memref<128x128xf32, #tpu.memory_space<vmem>>) target(%dma_start3A_307 : memref<10112x128xf32, #tpu.memory_space<vmem_shared>>) offsets(%dma_start3A_304 : memref<128xi32, #tpu.memory_space<vmem>>) semaphore(%run_scoped3A_297 : memref<!tpu.dma_semaphore, #tpu.memory_space<semaphore_mem>>) {add = true}
          %dma_wait3A_308 = arith.constant 0 : i32
          %dma_wait3A_309 = arith.constant 0 : i32
          %dma_wait3A_310 = tpu.memref_slice %arg9[%run_scoped3A_255, %dma_wait3A_308, %dma_wait3A_309] : memref<2x128x128xf32, #tpu.memory_space<vmem>> -> memref<1x128x128xf32, #tpu.memory_space<vmem>>
          %dma_wait3A_311 = tpu.memref_squeeze %dma_wait3A_310 : memref<1x128x128xf32, #tpu.memory_space<vmem>> -> memref<128x128xf32, #tpu.memory_space<vmem>>
          %dma_wait3A_312 = arith.constant 0 : i32
          %dma_wait3A_313 = tpu.memref_slice %arg8[%mul3A_243, %dma_wait3A_312] : memref<32x128xi32, #tpu.memory_space<vmem>> -> memref<1x128xi32, #tpu.memory_space<vmem>>
          %dma_wait3A_314 = tpu.memref_squeeze %dma_wait3A_313 : memref<1x128xi32, #tpu.memory_space<vmem>> -> memref<128xi32, #tpu.memory_space<vmem>>
          %dma_wait3A_315 = arith.constant 0 : i32
          %dma_wait3A_316 = arith.constant 0 : i32
          %dma_wait3A_317 = tpu.memref_slice %arg10[%dma_wait3A_315, %dma_wait3A_316] : memref<10112x128xf32, #tpu.memory_space<vmem_shared>> -> memref<10112x128xf32, #tpu.memory_space<vmem_shared>>
          tpu.wait_indirect_dma semaphore(%run_scoped3A_297 : memref<!tpu.dma_semaphore, #tpu.memory_space<semaphore_mem>>) src(%dma_wait3A_311 : memref<128x128xf32, #tpu.memory_space<vmem>>) dst(%dma_wait3A_317 : memref<10112x128xf32, #tpu.memory_space<vmem_shared>>)
          tpu.yield
        }) : () -> ()
        %add3A = arith.constant 2 : i32
        %add3A_256 = arith.addi %mul3A_243, %add3A : i32
        %dma_start3A_257 = arith.constant 0 : i32
        %dma_start3A_258 = arith.constant 0 : i32
        %dma_start3A_259 = arith.constant 0 : i32
        %dma_start3A_260 = tpu.memref_slice %arg9[%dma_start3A_257, %dma_start3A_258, %dma_start3A_259] : memref<2x128x128xf32, #tpu.memory_space<vmem>> -> memref<1x128x128xf32, #tpu.memory_space<vmem>>
        %dma_start3A_261 = tpu.memref_squeeze %dma_start3A_260 : memref<1x128x128xf32, #tpu.memory_space<vmem>> -> memref<128x128xf32, #tpu.memory_space<vmem>>
        %dma_start3A_262 = arith.constant 0 : i32
        %dma_start3A_263 = tpu.memref_slice %arg7[%add3A_256, %dma_start3A_262] : memref<32x128xi32, #tpu.memory_space<vmem>> -> memref<1x128xi32, #tpu.memory_space<vmem>>
        %dma_start3A_264 = tpu.memref_squeeze %dma_start3A_263 : memref<1x128xi32, #tpu.memory_space<vmem>> -> memref<128xi32, #tpu.memory_space<vmem>>
        %dma_start3A_265 = arith.constant 0 : i32
        %dma_start3A_266 = arith.constant 0 : i32
        %dma_start3A_267 = tpu.memref_slice %arg2[%dma_start3A_265, %dma_start3A_266] : memref<10000x128xf32, #tpu.memory_space<hbm>> -> memref<10000x128xf32, #tpu.memory_space<hbm>>
        tpu.enqueue_indirect_dma source(%dma_start3A_267 : memref<10000x128xf32, #tpu.memory_space<hbm>>) target(%dma_start3A_261 : memref<128x128xf32, #tpu.memory_space<vmem>>) offsets(%dma_start3A_264 : memref<128xi32, #tpu.memory_space<vmem>>) semaphore(%arg11 : memref<!tpu.dma_semaphore, #tpu.memory_space<semaphore_mem>>)
        %add3A_268 = arith.constant 1 : i32
        %add3A_269 = arith.addi %mul3A_243, %add3A_268 : i32
        %dma_wait3A_270 = arith.constant 1 : i32
        %dma_wait3A_271 = arith.constant 0 : i32
        %dma_wait3A_272 = arith.constant 0 : i32
        %dma_wait3A_273 = tpu.memref_slice %arg9[%dma_wait3A_270, %dma_wait3A_271, %dma_wait3A_272] : memref<2x128x128xf32, #tpu.memory_space<vmem>> -> memref<1x128x128xf32, #tpu.memory_space<vmem>>
        %dma_wait3A_274 = tpu.memref_squeeze %dma_wait3A_273 : memref<1x128x128xf32, #tpu.memory_space<vmem>> -> memref<128x128xf32, #tpu.memory_space<vmem>>
        %dma_wait3A_275 = arith.constant 0 : i32
        %dma_wait3A_276 = tpu.memref_slice %arg7[%add3A_269, %dma_wait3A_275] : memref<32x128xi32, #tpu.memory_space<vmem>> -> memref<1x128xi32, #tpu.memory_space<vmem>>
        %dma_wait3A_277 = tpu.memref_squeeze %dma_wait3A_276 : memref<1x128xi32, #tpu.memory_space<vmem>> -> memref<128xi32, #tpu.memory_space<vmem>>
        %dma_wait3A_278 = arith.constant 0 : i32
        %dma_wait3A_279 = arith.constant 0 : i32
        %dma_wait3A_280 = tpu.memref_slice %arg2[%dma_wait3A_278, %dma_wait3A_279] : memref<10000x128xf32, #tpu.memory_space<hbm>> -> memref<10000x128xf32, #tpu.memory_space<hbm>>
        tpu.wait_indirect_dma semaphore(%arg12 : memref<!tpu.dma_semaphore, #tpu.memory_space<semaphore_mem>>) src(%dma_wait3A_280 : memref<10000x128xf32, #tpu.memory_space<hbm>>) dst(%dma_wait3A_274 : memref<128x128xf32, #tpu.memory_space<vmem>>)
        %add3A_281 = arith.constant 1 : i32
        %add3A_282 = arith.addi %mul3A_243, %add3A_281 : i32
        %run_scoped3A_283 = arith.constant 1 : i32
        "tpu.region"() ({
          %run_scoped3A_297 = tpu.sem_alloc : memref<!tpu.dma_semaphore, #tpu.memory_space<semaphore_mem>>
          %dma_start3A_298 = arith.constant 0 : i32
          %dma_start3A_299 = arith.constant 0 : i32
          %dma_start3A_300 = tpu.memref_slice %arg9[%run_scoped3A_283, %dma_start3A_298, %dma_start3A_299] : memref<2x128x128xf32, #tpu.memory_space<vmem>> -> memref<1x128x128xf32, #tpu.memory_space<vmem>>
          %dma_start3A_301 = tpu.memref_squeeze %dma_start3A_300 : memref<1x128x128xf32, #tpu.memory_space<vmem>> -> memref<128x128xf32, #tpu.memory_space<vmem>>
          %dma_start3A_302 = arith.constant 0 : i32
          %dma_start3A_303 = tpu.memref_slice %arg8[%add3A_282, %dma_start3A_302] : memref<32x128xi32, #tpu.memory_space<vmem>> -> memref<1x128xi32, #tpu.memory_space<vmem>>
          %dma_start3A_304 = tpu.memref_squeeze %dma_start3A_303 : memref<1x128xi32, #tpu.memory_space<vmem>> -> memref<128xi32, #tpu.memory_space<vmem>>
          %dma_start3A_305 = arith.constant 0 : i32
          %dma_start3A_306 = arith.constant 0 : i32
          %dma_start3A_307 = tpu.memref_slice %arg10[%dma_start3A_305, %dma_start3A_306] : memref<10112x128xf32, #tpu.memory_space<vmem_shared>> -> memref<10112x128xf32, #tpu.memory_space<vmem_shared>>
          tpu.enqueue_indirect_dma source(%dma_start3A_301 : memref<128x128xf32, #tpu.memory_space<vmem>>) target(%dma_start3A_307 : memref<10112x128xf32, #tpu.memory_space<vmem_shared>>) offsets(%dma_start3A_304 : memref<128xi32, #tpu.memory_space<vmem>>) semaphore(%run_scoped3A_297 : memref<!tpu.dma_semaphore, #tpu.memory_space<semaphore_mem>>) {add = true}
          %dma_wait3A_308 = arith.constant 0 : i32
          %dma_wait3A_309 = arith.constant 0 : i32
          %dma_wait3A_310 = tpu.memref_slice %arg9[%run_scoped3A_283, %dma_wait3A_308, %dma_wait3A_309] : memref<2x128x128xf32, #tpu.memory_space<vmem>> -> memref<1x128x128xf32, #tpu.memory_space<vmem>>
          %dma_wait3A_311 = tpu.memref_squeeze %dma_wait3A_310 : memref<1x128x128xf32, #tpu.memory_space<vmem>> -> memref<128x128xf32, #tpu.memory_space<vmem>>
          %dma_wait3A_312 = arith.constant 0 : i32
          %dma_wait3A_313 = tpu.memref_slice %arg8[%add3A_282, %dma_wait3A_312] : memref<32x128xi32, #tpu.memory_space<vmem>> -> memref<1x128xi32, #tpu.memory_space<vmem>>
          %dma_wait3A_314 = tpu.memref_squeeze %dma_wait3A_313 : memref<1x128xi32, #tpu.memory_space<vmem>> -> memref<128xi32, #tpu.memory_space<vmem>>
          %dma_wait3A_315 = arith.constant 0 : i32
          %dma_wait3A_316 = arith.constant 0 : i32
          %dma_wait3A_317 = tpu.memref_slice %arg10[%dma_wait3A_315, %dma_wait3A_316] : memref<10112x128xf32, #tpu.memory_space<vmem_shared>> -> memref<10112x128xf32, #tpu.memory_space<vmem_shared>>
          tpu.wait_indirect_dma semaphore(%run_scoped3A_297 : memref<!tpu.dma_semaphore, #tpu.memory_space<semaphore_mem>>) src(%dma_wait3A_311 : memref<128x128xf32, #tpu.memory_space<vmem>>) dst(%dma_wait3A_317 : memref<10112x128xf32, #tpu.memory_space<vmem_shared>>)
          tpu.yield
        }) : () -> ()
        %add3A_284 = arith.constant 3 : i32
        %add3A_285 = arith.addi %mul3A_243, %add3A_284 : i32
        %dma_start3A_286 = arith.constant 1 : i32
        %dma_start3A_287 = arith.constant 0 : i32
        %dma_start3A_288 = arith.constant 0 : i32
        %dma_start3A_289 = tpu.memref_slice %arg9[%dma_start3A_286, %dma_start3A_287, %dma_start3A_288] : memref<2x128x128xf32, #tpu.memory_space<vmem>> -> memref<1x128x128xf32, #tpu.memory_space<vmem>>
        %dma_start3A_290 = tpu.memref_squeeze %dma_start3A_289 : memref<1x128x128xf32, #tpu.memory_space<vmem>> -> memref<128x128xf32, #tpu.memory_space<vmem>>
        %dma_start3A_291 = arith.constant 0 : i32
        %dma_start3A_292 = tpu.memref_slice %arg7[%add3A_285, %dma_start3A_291] : memref<32x128xi32, #tpu.memory_space<vmem>> -> memref<1x128xi32, #tpu.memory_space<vmem>>
        %dma_start3A_293 = tpu.memref_squeeze %dma_start3A_292 : memref<1x128xi32, #tpu.memory_space<vmem>> -> memref<128xi32, #tpu.memory_space<vmem>>
        %dma_start3A_294 = arith.constant 0 : i32
        %dma_start3A_295 = arith.constant 0 : i32
        %dma_start3A_296 = tpu.memref_slice %arg2[%dma_start3A_294, %dma_start3A_295] : memref<10000x128xf32, #tpu.memory_space<hbm>> -> memref<10000x128xf32, #tpu.memory_space<hbm>>
        tpu.enqueue_indirect_dma source(%dma_start3A_296 : memref<10000x128xf32, #tpu.memory_space<hbm>>) target(%dma_start3A_290 : memref<128x128xf32, #tpu.memory_space<vmem>>) offsets(%dma_start3A_293 : memref<128xi32, #tpu.memory_space<vmem>>) semaphore(%arg12 : memref<!tpu.dma_semaphore, #tpu.memory_space<semaphore_mem>>)
      }
      %scan3A_40 = arith.constant 15 : i32
      %dma_wait3A = arith.constant 30 : i32
      %dma_wait3A_41 = arith.constant 0 : i32
      %dma_wait3A_42 = arith.constant 0 : i32
      %dma_wait3A_43 = arith.constant 0 : i32
      %dma_wait3A_44 = tpu.memref_slice %arg9[%dma_wait3A_41, %dma_wait3A_42, %dma_wait3A_43] : memref<2x128x128xf32, #tpu.memory_space<vmem>> -> memref<1x128x128xf32, #tpu.memory_space<vmem>>
      %dma_wait3A_45 = tpu.memref_squeeze %dma_wait3A_44 : memref<1x128x128xf32, #tpu.memory_space<vmem>> -> memref<128x128xf32, #tpu.memory_space<vmem>>
      %dma_wait3A_46 = arith.constant 0 : i32
      %dma_wait3A_47 = tpu.memref_slice %arg7[%dma_wait3A, %dma_wait3A_46] : memref<32x128xi32, #tpu.memory_space<vmem>> -> memref<1x128xi32, #tpu.memory_space<vmem>>
      %dma_wait3A_48 = tpu.memref_squeeze %dma_wait3A_47 : memref<1x128xi32, #tpu.memory_space<vmem>> -> memref<128xi32, #tpu.memory_space<vmem>>
      %dma_wait3A_49 = arith.constant 0 : i32
      %dma_wait3A_50 = arith.constant 0 : i32
      %dma_wait3A_51 = tpu.memref_slice %arg2[%dma_wait3A_49, %dma_wait3A_50] : memref<10000x128xf32, #tpu.memory_space<hbm>> -> memref<10000x128xf32, #tpu.memory_space<hbm>>
      tpu.wait_indirect_dma semaphore(%arg11 : memref<!tpu.dma_semaphore, #tpu.memory_space<semaphore_mem>>) src(%dma_wait3A_51 : memref<10000x128xf32, #tpu.memory_space<hbm>>) dst(%dma_wait3A_45 : memref<128x128xf32, #tpu.memory_space<vmem>>)
      %run_scoped3A = arith.constant 0 : i32
      %run_scoped3A_52 = arith.constant 30 : i32
      "tpu.region"() ({
        %run_scoped3A_241 = tpu.sem_alloc : memref<!tpu.dma_semaphore, #tpu.memory_space<semaphore_mem>>
        %dma_start3A_242 = arith.constant 0 : i32
        %dma_start3A_243 = arith.constant 0 : i32
        %dma_start3A_244 = tpu.memref_slice %arg9[%run_scoped3A, %dma_start3A_242, %dma_start3A_243] : memref<2x128x128xf32, #tpu.memory_space<vmem>> -> memref<1x128x128xf32, #tpu.memory_space<vmem>>
        %dma_start3A_245 = tpu.memref_squeeze %dma_start3A_244 : memref<1x128x128xf32, #tpu.memory_space<vmem>> -> memref<128x128xf32, #tpu.memory_space<vmem>>
        %dma_start3A_246 = arith.constant 0 : i32
        %dma_start3A_247 = tpu.memref_slice %arg8[%run_scoped3A_52, %dma_start3A_246] : memref<32x128xi32, #tpu.memory_space<vmem>> -> memref<1x128xi32, #tpu.memory_space<vmem>>
        %dma_start3A_248 = tpu.memref_squeeze %dma_start3A_247 : memref<1x128xi32, #tpu.memory_space<vmem>> -> memref<128xi32, #tpu.memory_space<vmem>>
        %dma_start3A_249 = arith.constant 0 : i32
        %dma_start3A_250 = arith.constant 0 : i32
        %dma_start3A_251 = tpu.memref_slice %arg10[%dma_start3A_249, %dma_start3A_250] : memref<10112x128xf32, #tpu.memory_space<vmem_shared>> -> memref<10112x128xf32, #tpu.memory_space<vmem_shared>>
        tpu.enqueue_indirect_dma source(%dma_start3A_245 : memref<128x128xf32, #tpu.memory_space<vmem>>) target(%dma_start3A_251 : memref<10112x128xf32, #tpu.memory_space<vmem_shared>>) offsets(%dma_start3A_248 : memref<128xi32, #tpu.memory_space<vmem>>) semaphore(%run_scoped3A_241 : memref<!tpu.dma_semaphore, #tpu.memory_space<semaphore_mem>>) {add = true}
        %dma_wait3A_252 = arith.constant 0 : i32
        %dma_wait3A_253 = arith.constant 0 : i32
        %dma_wait3A_254 = tpu.memref_slice %arg9[%run_scoped3A, %dma_wait3A_252, %dma_wait3A_253] : memref<2x128x128xf32, #tpu.memory_space<vmem>> -> memref<1x128x128xf32, #tpu.memory_space<vmem>>
        %dma_wait3A_255 = tpu.memref_squeeze %dma_wait3A_254 : memref<1x128x128xf32, #tpu.memory_space<vmem>> -> memref<128x128xf32, #tpu.memory_space<vmem>>
        %dma_wait3A_256 = arith.constant 0 : i32
        %dma_wait3A_257 = tpu.memref_slice %arg8[%run_scoped3A_52, %dma_wait3A_256] : memref<32x128xi32, #tpu.memory_space<vmem>> -> memref<1x128xi32, #tpu.memory_space<vmem>>
        %dma_wait3A_258 = tpu.memref_squeeze %dma_wait3A_257 : memref<1x128xi32, #tpu.memory_space<vmem>> -> memref<128xi32, #tpu.memory_space<vmem>>
        %dma_wait3A_259 = arith.constant 0 : i32
        %dma_wait3A_260 = arith.constant 0 : i32
        %dma_wait3A_261 = tpu.memref_slice %arg10[%dma_wait3A_259, %dma_wait3A_260] : memref<10112x128xf32, #tpu.memory_space<vmem_shared>> -> memref<10112x128xf32, #tpu.memory_space<vmem_shared>>
        tpu.wait_indirect_dma semaphore(%run_scoped3A_241 : memref<!tpu.dma_semaphore, #tpu.memory_space<semaphore_mem>>) src(%dma_wait3A_255 : memref<128x128xf32, #tpu.memory_space<vmem>>) dst(%dma_wait3A_261 : memref<10112x128xf32, #tpu.memory_space<vmem_shared>>)
        tpu.yield
      }) : () -> ()
      %dma_wait3A_53 = arith.constant 31 : i32
      %dma_wait3A_54 = arith.constant 1 : i32
      %dma_wait3A_55 = arith.constant 0 : i32
      %dma_wait3A_56 = arith.constant 0 : i32
      %dma_wait3A_57 = tpu.memref_slice %arg9[%dma_wait3A_54, %dma_wait3A_55, %dma_wait3A_56] : memref<2x128x128xf32, #tpu.memory_space<vmem>> -> memref<1x128x128xf32, #tpu.memory_space<vmem>>
      %dma_wait3A_58 = tpu.memref_squeeze %dma_wait3A_57 : memref<1x128x128xf32, #tpu.memory_space<vmem>> -> memref<128x128xf32, #tpu.memory_space<vmem>>
      %dma_wait3A_59 = arith.constant 0 : i32
      %dma_wait3A_60 = tpu.memref_slice %arg7[%dma_wait3A_53, %dma_wait3A_59] : memref<32x128xi32, #tpu.memory_space<vmem>> -> memref<1x128xi32, #tpu.memory_space<vmem>>
      %dma_wait3A_61 = tpu.memref_squeeze %dma_wait3A_60 : memref<1x128xi32, #tpu.memory_space<vmem>> -> memref<128xi32, #tpu.memory_space<vmem>>
      %dma_wait3A_62 = arith.constant 0 : i32
      %dma_wait3A_63 = arith.constant 0 : i32
      %dma_wait3A_64 = tpu.memref_slice %arg2[%dma_wait3A_62, %dma_wait3A_63] : memref<10000x128xf32, #tpu.memory_space<hbm>> -> memref<10000x128xf32, #tpu.memory_space<hbm>>
      tpu.wait_indirect_dma semaphore(%arg12 : memref<!tpu.dma_semaphore, #tpu.memory_space<semaphore_mem>>) src(%dma_wait3A_64 : memref<10000x128xf32, #tpu.memory_space<hbm>>) dst(%dma_wait3A_58 : memref<128x128xf32, #tpu.memory_space<vmem>>)
      %run_scoped3A_65 = arith.constant 1 : i32
      %run_scoped3A_66 = arith.constant 31 : i32
      "tpu.region"() ({
        %run_scoped3A_241 = tpu.sem_alloc : memref<!tpu.dma_semaphore, #tpu.memory_space<semaphore_mem>>
        %dma_start3A_242 = arith.constant 0 : i32
        %dma_start3A_243 = arith.constant 0 : i32
        %dma_start3A_244 = tpu.memref_slice %arg9[%run_scoped3A_65, %dma_start3A_242, %dma_start3A_243] : memref<2x128x128xf32, #tpu.memory_space<vmem>> -> memref<1x128x128xf32, #tpu.memory_space<vmem>>
        %dma_start3A_245 = tpu.memref_squeeze %dma_start3A_244 : memref<1x128x128xf32, #tpu.memory_space<vmem>> -> memref<128x128xf32, #tpu.memory_space<vmem>>
        %dma_start3A_246 = arith.constant 0 : i32
        %dma_start3A_247 = tpu.memref_slice %arg8[%run_scoped3A_66, %dma_start3A_246] : memref<32x128xi32, #tpu.memory_space<vmem>> -> memref<1x128xi32, #tpu.memory_space<vmem>>
        %dma_start3A_248 = tpu.memref_squeeze %dma_start3A_247 : memref<1x128xi32, #tpu.memory_space<vmem>> -> memref<128xi32, #tpu.memory_space<vmem>>
        %dma_start3A_249 = arith.constant 0 : i32
        %dma_start3A_250 = arith.constant 0 : i32
        %dma_start3A_251 = tpu.memref_slice %arg10[%dma_start3A_249, %dma_start3A_250] : memref<10112x128xf32, #tpu.memory_space<vmem_shared>> -> memref<10112x128xf32, #tpu.memory_space<vmem_shared>>
        tpu.enqueue_indirect_dma source(%dma_start3A_245 : memref<128x128xf32, #tpu.memory_space<vmem>>) target(%dma_start3A_251 : memref<10112x128xf32, #tpu.memory_space<vmem_shared>>) offsets(%dma_start3A_248 : memref<128xi32, #tpu.memory_space<vmem>>) semaphore(%run_scoped3A_241 : memref<!tpu.dma_semaphore, #tpu.memory_space<semaphore_mem>>) {add = true}
        %dma_wait3A_252 = arith.constant 0 : i32
        %dma_wait3A_253 = arith.constant 0 : i32
        %dma_wait3A_254 = tpu.memref_slice %arg9[%run_scoped3A_65, %dma_wait3A_252, %dma_wait3A_253] : memref<2x128x128xf32, #tpu.memory_space<vmem>> -> memref<1x128x128xf32, #tpu.memory_space<vmem>>
        %dma_wait3A_255 = tpu.memref_squeeze %dma_wait3A_254 : memref<1x128x128xf32, #tpu.memory_space<vmem>> -> memref<128x128xf32, #tpu.memory_space<vmem>>
        %dma_wait3A_256 = arith.constant 0 : i32
        %dma_wait3A_257 = tpu.memref_slice %arg8[%run_scoped3A_66, %dma_wait3A_256] : memref<32x128xi32, #tpu.memory_space<vmem>> -> memref<1x128xi32, #tpu.memory_space<vmem>>
        %dma_wait3A_258 = tpu.memref_squeeze %dma_wait3A_257 : memref<1x128xi32, #tpu.memory_space<vmem>> -> memref<128xi32, #tpu.memory_space<vmem>>
        %dma_wait3A_259 = arith.constant 0 : i32
        %dma_wait3A_260 = arith.constant 0 : i32
        %dma_wait3A_261 = tpu.memref_slice %arg10[%dma_wait3A_259, %dma_wait3A_260] : memref<10112x128xf32, #tpu.memory_space<vmem_shared>> -> memref<10112x128xf32, #tpu.memory_space<vmem_shared>>
        tpu.wait_indirect_dma semaphore(%run_scoped3A_241 : memref<!tpu.dma_semaphore, #tpu.memory_space<semaphore_mem>>) src(%dma_wait3A_255 : memref<128x128xf32, #tpu.memory_space<vmem>>) dst(%dma_wait3A_261 : memref<10112x128xf32, #tpu.memory_space<vmem_shared>>)
        tpu.yield
      }) : () -> ()
      "tpu.region"() ({
        %run_scoped3A_241 = tpu.sem_alloc : memref<!tpu.dma_semaphore, #tpu.memory_space<semaphore_mem>>
        %dma_start3A_242 = arith.constant 0 : i32
        %dma_start3A_243 = arith.constant 0 : i32
        %dma_start3A_244 = tpu.memref_slice %arg7[%dma_start3A_242, %dma_start3A_243] : memref<32x128xi32, #tpu.memory_space<vmem>> -> memref<32x128xi32, #tpu.memory_space<vmem>>
        %dma_start3A_245 = arith.constant 0 : i32
        %dma_start3A_246 = arith.constant 0 : i32
        %dma_start3A_247 = tpu.memref_slice %arg3[%arg1, %dma_start3A_245, %dma_start3A_246] : memref<16x160x128xi32, #tpu.memory_space<hbm>> -> memref<1x160x128xi32, #tpu.memory_space<hbm>>
        %dma_start3A_248 = tpu.memref_squeeze %dma_start3A_247 : memref<1x160x128xi32, #tpu.memory_space<hbm>> -> memref<160x128xi32, #tpu.memory_space<hbm>>
        %dma_start3A_249 = arith.constant 32 : i32
        %dma_start3A_250 = arith.constant 0 : i32
        %dma_start3A_251 = tpu.memref_slice %dma_start3A_248[%dma_start3A_249, %dma_start3A_250] : memref<160x128xi32, #tpu.memory_space<hbm>> -> memref<32x128xi32, #tpu.memory_space<hbm>>
        %dma_start3A_252 = arith.constant 0 : i32
        %dma_start3A_253 = arith.constant 0 : i32
        %dma_start3A_254 = tpu.memref_slice %arg7[%dma_start3A_252, %dma_start3A_253] : memref<32x128xi32, #tpu.memory_space<vmem>> -> memref<32x128xi32, #tpu.memory_space<vmem>>
        %dma_start3A_255 = arith.constant 0 : i32
        %dma_start3A_256 = arith.constant 0 : i32
        %dma_start3A_257 = tpu.memref_slice %arg3[%arg1, %dma_start3A_255, %dma_start3A_256] : memref<16x160x128xi32, #tpu.memory_space<hbm>> -> memref<1x160x128xi32, #tpu.memory_space<hbm>>
        %dma_start3A_258 = tpu.memref_squeeze %dma_start3A_257 : memref<1x160x128xi32, #tpu.memory_space<hbm>> -> memref<160x128xi32, #tpu.memory_space<hbm>>
        %dma_start3A_259 = arith.constant 32 : i32
        %dma_start3A_260 = arith.constant 0 : i32
        %dma_start3A_261 = tpu.memref_slice %dma_start3A_258[%dma_start3A_259, %dma_start3A_260] : memref<160x128xi32, #tpu.memory_space<hbm>> -> memref<32x128xi32, #tpu.memory_space<hbm>>
        tpu.enqueue_dma source(%dma_start3A_261 : memref<32x128xi32, #tpu.memory_space<hbm>>) target(%dma_start3A_254 : memref<32x128xi32, #tpu.memory_space<vmem>>) target_semaphore(%run_scoped3A_241 : memref<!tpu.dma_semaphore, #tpu.memory_space<semaphore_mem>>)
        %dma_wait3A_262 = arith.constant 0 : i32
        %dma_wait3A_263 = arith.constant 0 : i32
        %dma_wait3A_264 = tpu.memref_slice %arg7[%dma_wait3A_262, %dma_wait3A_263] : memref<32x128xi32, #tpu.memory_space<vmem>> -> memref<32x128xi32, #tpu.memory_space<vmem>>
        %dma_wait3A_265 = arith.constant 0 : i32
        %dma_wait3A_266 = arith.constant 0 : i32
        %dma_wait3A_267 = tpu.memref_slice %arg3[%arg1, %dma_wait3A_265, %dma_wait3A_266] : memref<16x160x128xi32, #tpu.memory_space<hbm>> -> memref<1x160x128xi32, #tpu.memory_space<hbm>>
        %dma_wait3A_268 = tpu.memref_squeeze %dma_wait3A_267 : memref<1x160x128xi32, #tpu.memory_space<hbm>> -> memref<160x128xi32, #tpu.memory_space<hbm>>
        %dma_wait3A_269 = arith.constant 32 : i32
        %dma_wait3A_270 = arith.constant 0 : i32
        %dma_wait3A_271 = tpu.memref_slice %dma_wait3A_268[%dma_wait3A_269, %dma_wait3A_270] : memref<160x128xi32, #tpu.memory_space<hbm>> -> memref<32x128xi32, #tpu.memory_space<hbm>>
        %dma_wait3A_272 = arith.constant 0 : i32
        %dma_wait3A_273 = arith.constant 0 : i32
        %dma_wait3A_274 = tpu.memref_slice %arg7[%dma_wait3A_272, %dma_wait3A_273] : memref<32x128xi32, #tpu.memory_space<vmem>> -> memref<32x128xi32, #tpu.memory_space<vmem>>
        %dma_wait3A_275 = arith.constant 0 : i32
        %dma_wait3A_276 = arith.constant 0 : i32
        %dma_wait3A_277 = tpu.memref_slice %arg3[%arg1, %dma_wait3A_275, %dma_wait3A_276] : memref<16x160x128xi32, #tpu.memory_space<hbm>> -> memref<1x160x128xi32, #tpu.memory_space<hbm>>
        %dma_wait3A_278 = tpu.memref_squeeze %dma_wait3A_277 : memref<1x160x128xi32, #tpu.memory_space<hbm>> -> memref<160x128xi32, #tpu.memory_space<hbm>>
        %dma_wait3A_279 = arith.constant 32 : i32
        %dma_wait3A_280 = arith.constant 0 : i32
        %dma_wait3A_281 = tpu.memref_slice %dma_wait3A_278[%dma_wait3A_279, %dma_wait3A_280] : memref<160x128xi32, #tpu.memory_space<hbm>> -> memref<32x128xi32, #tpu.memory_space<hbm>>
        tpu.wait_dma2 semaphore(%run_scoped3A_241 : memref<!tpu.dma_semaphore, #tpu.memory_space<semaphore_mem>>) src(%dma_wait3A_281 : memref<32x128xi32, #tpu.memory_space<hbm>>) dst(%dma_wait3A_274 : memref<32x128xi32, #tpu.memory_space<vmem>>)
        tpu.yield
      }) : () -> ()
      "tpu.region"() ({
        %run_scoped3A_241 = tpu.sem_alloc : memref<!tpu.dma_semaphore, #tpu.memory_space<semaphore_mem>>
        %dma_start3A_242 = arith.constant 0 : i32
        %dma_start3A_243 = arith.constant 0 : i32
        %dma_start3A_244 = tpu.memref_slice %arg8[%dma_start3A_242, %dma_start3A_243] : memref<32x128xi32, #tpu.memory_space<vmem>> -> memref<32x128xi32, #tpu.memory_space<vmem>>
        %dma_start3A_245 = arith.constant 0 : i32
        %dma_start3A_246 = arith.constant 0 : i32
        %dma_start3A_247 = tpu.memref_slice %arg4[%arg1, %dma_start3A_245, %dma_start3A_246] : memref<16x160x128xi32, #tpu.memory_space<hbm>> -> memref<1x160x128xi32, #tpu.memory_space<hbm>>
        %dma_start3A_248 = tpu.memref_squeeze %dma_start3A_247 : memref<1x160x128xi32, #tpu.memory_space<hbm>> -> memref<160x128xi32, #tpu.memory_space<hbm>>
        %dma_start3A_249 = arith.constant 32 : i32
        %dma_start3A_250 = arith.constant 0 : i32
        %dma_start3A_251 = tpu.memref_slice %dma_start3A_248[%dma_start3A_249, %dma_start3A_250] : memref<160x128xi32, #tpu.memory_space<hbm>> -> memref<32x128xi32, #tpu.memory_space<hbm>>
        %dma_start3A_252 = arith.constant 0 : i32
        %dma_start3A_253 = arith.constant 0 : i32
        %dma_start3A_254 = tpu.memref_slice %arg8[%dma_start3A_252, %dma_start3A_253] : memref<32x128xi32, #tpu.memory_space<vmem>> -> memref<32x128xi32, #tpu.memory_space<vmem>>
        %dma_start3A_255 = arith.constant 0 : i32
        %dma_start3A_256 = arith.constant 0 : i32
        %dma_start3A_257 = tpu.memref_slice %arg4[%arg1, %dma_start3A_255, %dma_start3A_256] : memref<16x160x128xi32, #tpu.memory_space<hbm>> -> memref<1x160x128xi32, #tpu.memory_space<hbm>>
        %dma_start3A_258 = tpu.memref_squeeze %dma_start3A_257 : memref<1x160x128xi32, #tpu.memory_space<hbm>> -> memref<160x128xi32, #tpu.memory_space<hbm>>
        %dma_start3A_259 = arith.constant 32 : i32
        %dma_start3A_260 = arith.constant 0 : i32
        %dma_start3A_261 = tpu.memref_slice %dma_start3A_258[%dma_start3A_259, %dma_start3A_260] : memref<160x128xi32, #tpu.memory_space<hbm>> -> memref<32x128xi32, #tpu.memory_space<hbm>>
        tpu.enqueue_dma source(%dma_start3A_261 : memref<32x128xi32, #tpu.memory_space<hbm>>) target(%dma_start3A_254 : memref<32x128xi32, #tpu.memory_space<vmem>>) target_semaphore(%run_scoped3A_241 : memref<!tpu.dma_semaphore, #tpu.memory_space<semaphore_mem>>)
        %dma_wait3A_262 = arith.constant 0 : i32
        %dma_wait3A_263 = arith.constant 0 : i32
        %dma_wait3A_264 = tpu.memref_slice %arg8[%dma_wait3A_262, %dma_wait3A_263] : memref<32x128xi32, #tpu.memory_space<vmem>> -> memref<32x128xi32, #tpu.memory_space<vmem>>
        %dma_wait3A_265 = arith.constant 0 : i32
        %dma_wait3A_266 = arith.constant 0 : i32
        %dma_wait3A_267 = tpu.memref_slice %arg4[%arg1, %dma_wait3A_265, %dma_wait3A_266] : memref<16x160x128xi32, #tpu.memory_space<hbm>> -> memref<1x160x128xi32, #tpu.memory_space<hbm>>
        %dma_wait3A_268 = tpu.memref_squeeze %dma_wait3A_267 : memref<1x160x128xi32, #tpu.memory_space<hbm>> -> memref<160x128xi32, #tpu.memory_space<hbm>>
        %dma_wait3A_269 = arith.constant 32 : i32
        %dma_wait3A_270 = arith.constant 0 : i32
        %dma_wait3A_271 = tpu.memref_slice %dma_wait3A_268[%dma_wait3A_269, %dma_wait3A_270] : memref<160x128xi32, #tpu.memory_space<hbm>> -> memref<32x128xi32, #tpu.memory_space<hbm>>
        %dma_wait3A_272 = arith.constant 0 : i32
        %dma_wait3A_273 = arith.constant 0 : i32
        %dma_wait3A_274 = tpu.memref_slice %arg8[%dma_wait3A_272, %dma_wait3A_273] : memref<32x128xi32, #tpu.memory_space<vmem>> -> memref<32x128xi32, #tpu.memory_space<vmem>>
        %dma_wait3A_275 = arith.constant 0 : i32
        %dma_wait3A_276 = arith.constant 0 : i32
        %dma_wait3A_277 = tpu.memref_slice %arg4[%arg1, %dma_wait3A_275, %dma_wait3A_276] : memref<16x160x128xi32, #tpu.memory_space<hbm>> -> memref<1x160x128xi32, #tpu.memory_space<hbm>>
        %dma_wait3A_278 = tpu.memref_squeeze %dma_wait3A_277 : memref<1x160x128xi32, #tpu.memory_space<hbm>> -> memref<160x128xi32, #tpu.memory_space<hbm>>
        %dma_wait3A_279 = arith.constant 32 : i32
        %dma_wait3A_280 = arith.constant 0 : i32
        %dma_wait3A_281 = tpu.memref_slice %dma_wait3A_278[%dma_wait3A_279, %dma_wait3A_280] : memref<160x128xi32, #tpu.memory_space<hbm>> -> memref<32x128xi32, #tpu.memory_space<hbm>>
        tpu.wait_dma2 semaphore(%run_scoped3A_241 : memref<!tpu.dma_semaphore, #tpu.memory_space<semaphore_mem>>) src(%dma_wait3A_281 : memref<32x128xi32, #tpu.memory_space<hbm>>) dst(%dma_wait3A_274 : memref<32x128xi32, #tpu.memory_space<vmem>>)
        tpu.yield
      }) : () -> ()
      %dma_start3A_67 = arith.constant 0 : i32
      %dma_start3A_68 = arith.constant 0 : i32
      %dma_start3A_69 = arith.constant 0 : i32
      %dma_start3A_70 = arith.constant 0 : i32
      %dma_start3A_71 = tpu.memref_slice %arg9[%dma_start3A_68, %dma_start3A_69, %dma_start3A_70] : memref<2x128x128xf32, #tpu.memory_space<vmem>> -> memref<1x128x128xf32, #tpu.memory_space<vmem>>
      %dma_start3A_72 = tpu.memref_squeeze %dma_start3A_71 : memref<1x128x128xf32, #tpu.memory_space<vmem>> -> memref<128x128xf32, #tpu.memory_space<vmem>>
      %dma_start3A_73 = arith.constant 0 : i32
      %dma_start3A_74 = tpu.memref_slice %arg7[%dma_start3A_67, %dma_start3A_73] : memref<32x128xi32, #tpu.memory_space<vmem>> -> memref<1x128xi32, #tpu.memory_space<vmem>>
      %dma_start3A_75 = tpu.memref_squeeze %dma_start3A_74 : memref<1x128xi32, #tpu.memory_space<vmem>> -> memref<128xi32, #tpu.memory_space<vmem>>
      %dma_start3A_76 = arith.constant 0 : i32
      %dma_start3A_77 = arith.constant 0 : i32
      %dma_start3A_78 = tpu.memref_slice %arg2[%dma_start3A_76, %dma_start3A_77] : memref<10000x128xf32, #tpu.memory_space<hbm>> -> memref<10000x128xf32, #tpu.memory_space<hbm>>
      tpu.enqueue_indirect_dma source(%dma_start3A_78 : memref<10000x128xf32, #tpu.memory_space<hbm>>) target(%dma_start3A_72 : memref<128x128xf32, #tpu.memory_space<vmem>>) offsets(%dma_start3A_75 : memref<128xi32, #tpu.memory_space<vmem>>) semaphore(%arg11 : memref<!tpu.dma_semaphore, #tpu.memory_space<semaphore_mem>>)
      %dma_start3A_79 = arith.constant 1 : i32
      %dma_start3A_80 = arith.constant 1 : i32
      %dma_start3A_81 = arith.constant 0 : i32
      %dma_start3A_82 = arith.constant 0 : i32
      %dma_start3A_83 = tpu.memref_slice %arg9[%dma_start3A_80, %dma_start3A_81, %dma_start3A_82] : memref<2x128x128xf32, #tpu.memory_space<vmem>> -> memref<1x128x128xf32, #tpu.memory_space<vmem>>
      %dma_start3A_84 = tpu.memref_squeeze %dma_start3A_83 : memref<1x128x128xf32, #tpu.memory_space<vmem>> -> memref<128x128xf32, #tpu.memory_space<vmem>>
      %dma_start3A_85 = arith.constant 0 : i32
      %dma_start3A_86 = tpu.memref_slice %arg7[%dma_start3A_79, %dma_start3A_85] : memref<32x128xi32, #tpu.memory_space<vmem>> -> memref<1x128xi32, #tpu.memory_space<vmem>>
      %dma_start3A_87 = tpu.memref_squeeze %dma_start3A_86 : memref<1x128xi32, #tpu.memory_space<vmem>> -> memref<128xi32, #tpu.memory_space<vmem>>
      %dma_start3A_88 = arith.constant 0 : i32
      %dma_start3A_89 = arith.constant 0 : i32
      %dma_start3A_90 = tpu.memref_slice %arg2[%dma_start3A_88, %dma_start3A_89] : memref<10000x128xf32, #tpu.memory_space<hbm>> -> memref<10000x128xf32, #tpu.memory_space<hbm>>
      tpu.enqueue_indirect_dma source(%dma_start3A_90 : memref<10000x128xf32, #tpu.memory_space<hbm>>) target(%dma_start3A_84 : memref<128x128xf32, #tpu.memory_space<vmem>>) offsets(%dma_start3A_87 : memref<128xi32, #tpu.memory_space<vmem>>) semaphore(%arg12 : memref<!tpu.dma_semaphore, #tpu.memory_space<semaphore_mem>>)
      %scan3A_91 = arith.constant 0 : i32
      %scan3A_92 = arith.constant 0 : i32
      %scan3A_93 = arith.constant 15 : i32
      %scan3A_94 = arith.addi %scan3A_92, %scan3A_93 : i32
      %scan3A_95 = arith.constant 1 : i32
      scf.for %scan3A_241 = %scan3A_92 to %scan3A_94 step %scan3A_95  : i32 {
        %mul3A_242 = arith.constant 2 : i32
        %mul3A_243 = arith.muli %mul3A_242, %scan3A_241 : i32
        %dma_wait3A_244 = arith.constant 0 : i32
        %dma_wait3A_245 = arith.constant 0 : i32
        %dma_wait3A_246 = arith.constant 0 : i32
        %dma_wait3A_247 = tpu.memref_slice %arg9[%dma_wait3A_244, %dma_wait3A_245, %dma_wait3A_246] : memref<2x128x128xf32, #tpu.memory_space<vmem>> -> memref<1x128x128xf32, #tpu.memory_space<vmem>>
        %dma_wait3A_248 = tpu.memref_squeeze %dma_wait3A_247 : memref<1x128x128xf32, #tpu.memory_space<vmem>> -> memref<128x128xf32, #tpu.memory_space<vmem>>
        %dma_wait3A_249 = arith.constant 0 : i32
        %dma_wait3A_250 = tpu.memref_slice %arg7[%mul3A_243, %dma_wait3A_249] : memref<32x128xi32, #tpu.memory_space<vmem>> -> memref<1x128xi32, #tpu.memory_space<vmem>>
        %dma_wait3A_251 = tpu.memref_squeeze %dma_wait3A_250 : memref<1x128xi32, #tpu.memory_space<vmem>> -> memref<128xi32, #tpu.memory_space<vmem>>
        %dma_wait3A_252 = arith.constant 0 : i32
        %dma_wait3A_253 = arith.constant 0 : i32
        %dma_wait3A_254 = tpu.memref_slice %arg2[%dma_wait3A_252, %dma_wait3A_253] : memref<10000x128xf32, #tpu.memory_space<hbm>> -> memref<10000x128xf32, #tpu.memory_space<hbm>>
        tpu.wait_indirect_dma semaphore(%arg11 : memref<!tpu.dma_semaphore, #tpu.memory_space<semaphore_mem>>) src(%dma_wait3A_254 : memref<10000x128xf32, #tpu.memory_space<hbm>>) dst(%dma_wait3A_248 : memref<128x128xf32, #tpu.memory_space<vmem>>)
        %run_scoped3A_255 = arith.constant 0 : i32
        "tpu.region"() ({
          %run_scoped3A_297 = tpu.sem_alloc : memref<!tpu.dma_semaphore, #tpu.memory_space<semaphore_mem>>
          %dma_start3A_298 = arith.constant 0 : i32
          %dma_start3A_299 = arith.constant 0 : i32
          %dma_start3A_300 = tpu.memref_slice %arg9[%run_scoped3A_255, %dma_start3A_298, %dma_start3A_299] : memref<2x128x128xf32, #tpu.memory_space<vmem>> -> memref<1x128x128xf32, #tpu.memory_space<vmem>>
          %dma_start3A_301 = tpu.memref_squeeze %dma_start3A_300 : memref<1x128x128xf32, #tpu.memory_space<vmem>> -> memref<128x128xf32, #tpu.memory_space<vmem>>
          %dma_start3A_302 = arith.constant 0 : i32
          %dma_start3A_303 = tpu.memref_slice %arg8[%mul3A_243, %dma_start3A_302] : memref<32x128xi32, #tpu.memory_space<vmem>> -> memref<1x128xi32, #tpu.memory_space<vmem>>
          %dma_start3A_304 = tpu.memref_squeeze %dma_start3A_303 : memref<1x128xi32, #tpu.memory_space<vmem>> -> memref<128xi32, #tpu.memory_space<vmem>>
          %dma_start3A_305 = arith.constant 0 : i32
          %dma_start3A_306 = arith.constant 0 : i32
          %dma_start3A_307 = tpu.memref_slice %arg10[%dma_start3A_305, %dma_start3A_306] : memref<10112x128xf32, #tpu.memory_space<vmem_shared>> -> memref<10112x128xf32, #tpu.memory_space<vmem_shared>>
          tpu.enqueue_indirect_dma source(%dma_start3A_301 : memref<128x128xf32, #tpu.memory_space<vmem>>) target(%dma_start3A_307 : memref<10112x128xf32, #tpu.memory_space<vmem_shared>>) offsets(%dma_start3A_304 : memref<128xi32, #tpu.memory_space<vmem>>) semaphore(%run_scoped3A_297 : memref<!tpu.dma_semaphore, #tpu.memory_space<semaphore_mem>>) {add = true}
          %dma_wait3A_308 = arith.constant 0 : i32
          %dma_wait3A_309 = arith.constant 0 : i32
          %dma_wait3A_310 = tpu.memref_slice %arg9[%run_scoped3A_255, %dma_wait3A_308, %dma_wait3A_309] : memref<2x128x128xf32, #tpu.memory_space<vmem>> -> memref<1x128x128xf32, #tpu.memory_space<vmem>>
          %dma_wait3A_311 = tpu.memref_squeeze %dma_wait3A_310 : memref<1x128x128xf32, #tpu.memory_space<vmem>> -> memref<128x128xf32, #tpu.memory_space<vmem>>
          %dma_wait3A_312 = arith.constant 0 : i32
          %dma_wait3A_313 = tpu.memref_slice %arg8[%mul3A_243, %dma_wait3A_312] : memref<32x128xi32, #tpu.memory_space<vmem>> -> memref<1x128xi32, #tpu.memory_space<vmem>>
          %dma_wait3A_314 = tpu.memref_squeeze %dma_wait3A_313 : memref<1x128xi32, #tpu.memory_space<vmem>> -> memref<128xi32, #tpu.memory_space<vmem>>
          %dma_wait3A_315 = arith.constant 0 : i32
          %dma_wait3A_316 = arith.constant 0 : i32
          %dma_wait3A_317 = tpu.memref_slice %arg10[%dma_wait3A_315, %dma_wait3A_316] : memref<10112x128xf32, #tpu.memory_space<vmem_shared>> -> memref<10112x128xf32, #tpu.memory_space<vmem_shared>>
          tpu.wait_indirect_dma semaphore(%run_scoped3A_297 : memref<!tpu.dma_semaphore, #tpu.memory_space<semaphore_mem>>) src(%dma_wait3A_311 : memref<128x128xf32, #tpu.memory_space<vmem>>) dst(%dma_wait3A_317 : memref<10112x128xf32, #tpu.memory_space<vmem_shared>>)
          tpu.yield
        }) : () -> ()
        %add3A = arith.constant 2 : i32
        %add3A_256 = arith.addi %mul3A_243, %add3A : i32
        %dma_start3A_257 = arith.constant 0 : i32
        %dma_start3A_258 = arith.constant 0 : i32
        %dma_start3A_259 = arith.constant 0 : i32
        %dma_start3A_260 = tpu.memref_slice %arg9[%dma_start3A_257, %dma_start3A_258, %dma_start3A_259] : memref<2x128x128xf32, #tpu.memory_space<vmem>> -> memref<1x128x128xf32, #tpu.memory_space<vmem>>
        %dma_start3A_261 = tpu.memref_squeeze %dma_start3A_260 : memref<1x128x128xf32, #tpu.memory_space<vmem>> -> memref<128x128xf32, #tpu.memory_space<vmem>>
        %dma_start3A_262 = arith.constant 0 : i32
        %dma_start3A_263 = tpu.memref_slice %arg7[%add3A_256, %dma_start3A_262] : memref<32x128xi32, #tpu.memory_space<vmem>> -> memref<1x128xi32, #tpu.memory_space<vmem>>
        %dma_start3A_264 = tpu.memref_squeeze %dma_start3A_263 : memref<1x128xi32, #tpu.memory_space<vmem>> -> memref<128xi32, #tpu.memory_space<vmem>>
        %dma_start3A_265 = arith.constant 0 : i32
        %dma_start3A_266 = arith.constant 0 : i32
        %dma_start3A_267 = tpu.memref_slice %arg2[%dma_start3A_265, %dma_start3A_266] : memref<10000x128xf32, #tpu.memory_space<hbm>> -> memref<10000x128xf32, #tpu.memory_space<hbm>>
        tpu.enqueue_indirect_dma source(%dma_start3A_267 : memref<10000x128xf32, #tpu.memory_space<hbm>>) target(%dma_start3A_261 : memref<128x128xf32, #tpu.memory_space<vmem>>) offsets(%dma_start3A_264 : memref<128xi32, #tpu.memory_space<vmem>>) semaphore(%arg11 : memref<!tpu.dma_semaphore, #tpu.memory_space<semaphore_mem>>)
        %add3A_268 = arith.constant 1 : i32
        %add3A_269 = arith.addi %mul3A_243, %add3A_268 : i32
        %dma_wait3A_270 = arith.constant 1 : i32
        %dma_wait3A_271 = arith.constant 0 : i32
        %dma_wait3A_272 = arith.constant 0 : i32
        %dma_wait3A_273 = tpu.memref_slice %arg9[%dma_wait3A_270, %dma_wait3A_271, %dma_wait3A_272] : memref<2x128x128xf32, #tpu.memory_space<vmem>> -> memref<1x128x128xf32, #tpu.memory_space<vmem>>
        %dma_wait3A_274 = tpu.memref_squeeze %dma_wait3A_273 : memref<1x128x128xf32, #tpu.memory_space<vmem>> -> memref<128x128xf32, #tpu.memory_space<vmem>>
        %dma_wait3A_275 = arith.constant 0 : i32
        %dma_wait3A_276 = tpu.memref_slice %arg7[%add3A_269, %dma_wait3A_275] : memref<32x128xi32, #tpu.memory_space<vmem>> -> memref<1x128xi32, #tpu.memory_space<vmem>>
        %dma_wait3A_277 = tpu.memref_squeeze %dma_wait3A_276 : memref<1x128xi32, #tpu.memory_space<vmem>> -> memref<128xi32, #tpu.memory_space<vmem>>
        %dma_wait3A_278 = arith.constant 0 : i32
        %dma_wait3A_279 = arith.constant 0 : i32
        %dma_wait3A_280 = tpu.memref_slice %arg2[%dma_wait3A_278, %dma_wait3A_279] : memref<10000x128xf32, #tpu.memory_space<hbm>> -> memref<10000x128xf32, #tpu.memory_space<hbm>>
        tpu.wait_indirect_dma semaphore(%arg12 : memref<!tpu.dma_semaphore, #tpu.memory_space<semaphore_mem>>) src(%dma_wait3A_280 : memref<10000x128xf32, #tpu.memory_space<hbm>>) dst(%dma_wait3A_274 : memref<128x128xf32, #tpu.memory_space<vmem>>)
        %add3A_281 = arith.constant 1 : i32
        %add3A_282 = arith.addi %mul3A_243, %add3A_281 : i32
        %run_scoped3A_283 = arith.constant 1 : i32
        "tpu.region"() ({
          %run_scoped3A_297 = tpu.sem_alloc : memref<!tpu.dma_semaphore, #tpu.memory_space<semaphore_mem>>
          %dma_start3A_298 = arith.constant 0 : i32
          %dma_start3A_299 = arith.constant 0 : i32
          %dma_start3A_300 = tpu.memref_slice %arg9[%run_scoped3A_283, %dma_start3A_298, %dma_start3A_299] : memref<2x128x128xf32, #tpu.memory_space<vmem>> -> memref<1x128x128xf32, #tpu.memory_space<vmem>>
          %dma_start3A_301 = tpu.memref_squeeze %dma_start3A_300 : memref<1x128x128xf32, #tpu.memory_space<vmem>> -> memref<128x128xf32, #tpu.memory_space<vmem>>
          %dma_start3A_302 = arith.constant 0 : i32
          %dma_start3A_303 = tpu.memref_slice %arg8[%add3A_282, %dma_start3A_302] : memref<32x128xi32, #tpu.memory_space<vmem>> -> memref<1x128xi32, #tpu.memory_space<vmem>>
          %dma_start3A_304 = tpu.memref_squeeze %dma_start3A_303 : memref<1x128xi32, #tpu.memory_space<vmem>> -> memref<128xi32, #tpu.memory_space<vmem>>
          %dma_start3A_305 = arith.constant 0 : i32
          %dma_start3A_306 = arith.constant 0 : i32
          %dma_start3A_307 = tpu.memref_slice %arg10[%dma_start3A_305, %dma_start3A_306] : memref<10112x128xf32, #tpu.memory_space<vmem_shared>> -> memref<10112x128xf32, #tpu.memory_space<vmem_shared>>
          tpu.enqueue_indirect_dma source(%dma_start3A_301 : memref<128x128xf32, #tpu.memory_space<vmem>>) target(%dma_start3A_307 : memref<10112x128xf32, #tpu.memory_space<vmem_shared>>) offsets(%dma_start3A_304 : memref<128xi32, #tpu.memory_space<vmem>>) semaphore(%run_scoped3A_297 : memref<!tpu.dma_semaphore, #tpu.memory_space<semaphore_mem>>) {add = true}
          %dma_wait3A_308 = arith.constant 0 : i32
          %dma_wait3A_309 = arith.constant 0 : i32
          %dma_wait3A_310 = tpu.memref_slice %arg9[%run_scoped3A_283, %dma_wait3A_308, %dma_wait3A_309] : memref<2x128x128xf32, #tpu.memory_space<vmem>> -> memref<1x128x128xf32, #tpu.memory_space<vmem>>
          %dma_wait3A_311 = tpu.memref_squeeze %dma_wait3A_310 : memref<1x128x128xf32, #tpu.memory_space<vmem>> -> memref<128x128xf32, #tpu.memory_space<vmem>>
          %dma_wait3A_312 = arith.constant 0 : i32
          %dma_wait3A_313 = tpu.memref_slice %arg8[%add3A_282, %dma_wait3A_312] : memref<32x128xi32, #tpu.memory_space<vmem>> -> memref<1x128xi32, #tpu.memory_space<vmem>>
          %dma_wait3A_314 = tpu.memref_squeeze %dma_wait3A_313 : memref<1x128xi32, #tpu.memory_space<vmem>> -> memref<128xi32, #tpu.memory_space<vmem>>
          %dma_wait3A_315 = arith.constant 0 : i32
          %dma_wait3A_316 = arith.constant 0 : i32
          %dma_wait3A_317 = tpu.memref_slice %arg10[%dma_wait3A_315, %dma_wait3A_316] : memref<10112x128xf32, #tpu.memory_space<vmem_shared>> -> memref<10112x128xf32, #tpu.memory_space<vmem_shared>>
          tpu.wait_indirect_dma semaphore(%run_scoped3A_297 : memref<!tpu.dma_semaphore, #tpu.memory_space<semaphore_mem>>) src(%dma_wait3A_311 : memref<128x128xf32, #tpu.memory_space<vmem>>) dst(%dma_wait3A_317 : memref<10112x128xf32, #tpu.memory_space<vmem_shared>>)
          tpu.yield
        }) : () -> ()
        %add3A_284 = arith.constant 3 : i32
        %add3A_285 = arith.addi %mul3A_243, %add3A_284 : i32
        %dma_start3A_286 = arith.constant 1 : i32
        %dma_start3A_287 = arith.constant 0 : i32
        %dma_start3A_288 = arith.constant 0 : i32
        %dma_start3A_289 = tpu.memref_slice %arg9[%dma_start3A_286, %dma_start3A_287, %dma_start3A_288] : memref<2x128x128xf32, #tpu.memory_space<vmem>> -> memref<1x128x128xf32, #tpu.memory_space<vmem>>
        %dma_start3A_290 = tpu.memref_squeeze %dma_start3A_289 : memref<1x128x128xf32, #tpu.memory_space<vmem>> -> memref<128x128xf32, #tpu.memory_space<vmem>>
        %dma_start3A_291 = arith.constant 0 : i32
        %dma_start3A_292 = tpu.memref_slice %arg7[%add3A_285, %dma_start3A_291] : memref<32x128xi32, #tpu.memory_space<vmem>> -> memref<1x128xi32, #tpu.memory_space<vmem>>
        %dma_start3A_293 = tpu.memref_squeeze %dma_start3A_292 : memref<1x128xi32, #tpu.memory_space<vmem>> -> memref<128xi32, #tpu.memory_space<vmem>>
        %dma_start3A_294 = arith.constant 0 : i32
        %dma_start3A_295 = arith.constant 0 : i32
        %dma_start3A_296 = tpu.memref_slice %arg2[%dma_start3A_294, %dma_start3A_295] : memref<10000x128xf32, #tpu.memory_space<hbm>> -> memref<10000x128xf32, #tpu.memory_space<hbm>>
        tpu.enqueue_indirect_dma source(%dma_start3A_296 : memref<10000x128xf32, #tpu.memory_space<hbm>>) target(%dma_start3A_290 : memref<128x128xf32, #tpu.memory_space<vmem>>) offsets(%dma_start3A_293 : memref<128xi32, #tpu.memory_space<vmem>>) semaphore(%arg12 : memref<!tpu.dma_semaphore, #tpu.memory_space<semaphore_mem>>)
      }
      %scan3A_96 = arith.constant 15 : i32
      %dma_wait3A_97 = arith.constant 30 : i32
      %dma_wait3A_98 = arith.constant 0 : i32
      %dma_wait3A_99 = arith.constant 0 : i32
      %dma_wait3A_100 = arith.constant 0 : i32
      %dma_wait3A_101 = tpu.memref_slice %arg9[%dma_wait3A_98, %dma_wait3A_99, %dma_wait3A_100] : memref<2x128x128xf32, #tpu.memory_space<vmem>> -> memref<1x128x128xf32, #tpu.memory_space<vmem>>
      %dma_wait3A_102 = tpu.memref_squeeze %dma_wait3A_101 : memref<1x128x128xf32, #tpu.memory_space<vmem>> -> memref<128x128xf32, #tpu.memory_space<vmem>>
      %dma_wait3A_103 = arith.constant 0 : i32
      %dma_wait3A_104 = tpu.memref_slice %arg7[%dma_wait3A_97, %dma_wait3A_103] : memref<32x128xi32, #tpu.memory_space<vmem>> -> memref<1x128xi32, #tpu.memory_space<vmem>>
      %dma_wait3A_105 = tpu.memref_squeeze %dma_wait3A_104 : memref<1x128xi32, #tpu.memory_space<vmem>> -> memref<128xi32, #tpu.memory_space<vmem>>
      %dma_wait3A_106 = arith.constant 0 : i32
      %dma_wait3A_107 = arith.constant 0 : i32
      %dma_wait3A_108 = tpu.memref_slice %arg2[%dma_wait3A_106, %dma_wait3A_107] : memref<10000x128xf32, #tpu.memory_space<hbm>> -> memref<10000x128xf32, #tpu.memory_space<hbm>>
      tpu.wait_indirect_dma semaphore(%arg11 : memref<!tpu.dma_semaphore, #tpu.memory_space<semaphore_mem>>) src(%dma_wait3A_108 : memref<10000x128xf32, #tpu.memory_space<hbm>>) dst(%dma_wait3A_102 : memref<128x128xf32, #tpu.memory_space<vmem>>)
      %run_scoped3A_109 = arith.constant 0 : i32
      %run_scoped3A_110 = arith.constant 30 : i32
      "tpu.region"() ({
        %run_scoped3A_241 = tpu.sem_alloc : memref<!tpu.dma_semaphore, #tpu.memory_space<semaphore_mem>>
        %dma_start3A_242 = arith.constant 0 : i32
        %dma_start3A_243 = arith.constant 0 : i32
        %dma_start3A_244 = tpu.memref_slice %arg9[%run_scoped3A_109, %dma_start3A_242, %dma_start3A_243] : memref<2x128x128xf32, #tpu.memory_space<vmem>> -> memref<1x128x128xf32, #tpu.memory_space<vmem>>
        %dma_start3A_245 = tpu.memref_squeeze %dma_start3A_244 : memref<1x128x128xf32, #tpu.memory_space<vmem>> -> memref<128x128xf32, #tpu.memory_space<vmem>>
        %dma_start3A_246 = arith.constant 0 : i32
        %dma_start3A_247 = tpu.memref_slice %arg8[%run_scoped3A_110, %dma_start3A_246] : memref<32x128xi32, #tpu.memory_space<vmem>> -> memref<1x128xi32, #tpu.memory_space<vmem>>
        %dma_start3A_248 = tpu.memref_squeeze %dma_start3A_247 : memref<1x128xi32, #tpu.memory_space<vmem>> -> memref<128xi32, #tpu.memory_space<vmem>>
        %dma_start3A_249 = arith.constant 0 : i32
        %dma_start3A_250 = arith.constant 0 : i32
        %dma_start3A_251 = tpu.memref_slice %arg10[%dma_start3A_249, %dma_start3A_250] : memref<10112x128xf32, #tpu.memory_space<vmem_shared>> -> memref<10112x128xf32, #tpu.memory_space<vmem_shared>>
        tpu.enqueue_indirect_dma source(%dma_start3A_245 : memref<128x128xf32, #tpu.memory_space<vmem>>) target(%dma_start3A_251 : memref<10112x128xf32, #tpu.memory_space<vmem_shared>>) offsets(%dma_start3A_248 : memref<128xi32, #tpu.memory_space<vmem>>) semaphore(%run_scoped3A_241 : memref<!tpu.dma_semaphore, #tpu.memory_space<semaphore_mem>>) {add = true}
        %dma_wait3A_252 = arith.constant 0 : i32
        %dma_wait3A_253 = arith.constant 0 : i32
        %dma_wait3A_254 = tpu.memref_slice %arg9[%run_scoped3A_109, %dma_wait3A_252, %dma_wait3A_253] : memref<2x128x128xf32, #tpu.memory_space<vmem>> -> memref<1x128x128xf32, #tpu.memory_space<vmem>>
        %dma_wait3A_255 = tpu.memref_squeeze %dma_wait3A_254 : memref<1x128x128xf32, #tpu.memory_space<vmem>> -> memref<128x128xf32, #tpu.memory_space<vmem>>
        %dma_wait3A_256 = arith.constant 0 : i32
        %dma_wait3A_257 = tpu.memref_slice %arg8[%run_scoped3A_110, %dma_wait3A_256] : memref<32x128xi32, #tpu.memory_space<vmem>> -> memref<1x128xi32, #tpu.memory_space<vmem>>
        %dma_wait3A_258 = tpu.memref_squeeze %dma_wait3A_257 : memref<1x128xi32, #tpu.memory_space<vmem>> -> memref<128xi32, #tpu.memory_space<vmem>>
        %dma_wait3A_259 = arith.constant 0 : i32
        %dma_wait3A_260 = arith.constant 0 : i32
        %dma_wait3A_261 = tpu.memref_slice %arg10[%dma_wait3A_259, %dma_wait3A_260] : memref<10112x128xf32, #tpu.memory_space<vmem_shared>> -> memref<10112x128xf32, #tpu.memory_space<vmem_shared>>
        tpu.wait_indirect_dma semaphore(%run_scoped3A_241 : memref<!tpu.dma_semaphore, #tpu.memory_space<semaphore_mem>>) src(%dma_wait3A_255 : memref<128x128xf32, #tpu.memory_space<vmem>>) dst(%dma_wait3A_261 : memref<10112x128xf32, #tpu.memory_space<vmem_shared>>)
        tpu.yield
      }) : () -> ()
      %dma_wait3A_111 = arith.constant 31 : i32
      %dma_wait3A_112 = arith.constant 1 : i32
      %dma_wait3A_113 = arith.constant 0 : i32
      %dma_wait3A_114 = arith.constant 0 : i32
      %dma_wait3A_115 = tpu.memref_slice %arg9[%dma_wait3A_112, %dma_wait3A_113, %dma_wait3A_114] : memref<2x128x128xf32, #tpu.memory_space<vmem>> -> memref<1x128x128xf32, #tpu.memory_space<vmem>>
      %dma_wait3A_116 = tpu.memref_squeeze %dma_wait3A_115 : memref<1x128x128xf32, #tpu.memory_space<vmem>> -> memref<128x128xf32, #tpu.memory_space<vmem>>
      %dma_wait3A_117 = arith.constant 0 : i32
      %dma_wait3A_118 = tpu.memref_slice %arg7[%dma_wait3A_111, %dma_wait3A_117] : memref<32x128xi32, #tpu.memory_space<vmem>> -> memref<1x128xi32, #tpu.memory_space<vmem>>
      %dma_wait3A_119 = tpu.memref_squeeze %dma_wait3A_118 : memref<1x128xi32, #tpu.memory_space<vmem>> -> memref<128xi32, #tpu.memory_space<vmem>>
      %dma_wait3A_120 = arith.constant 0 : i32
      %dma_wait3A_121 = arith.constant 0 : i32
      %dma_wait3A_122 = tpu.memref_slice %arg2[%dma_wait3A_120, %dma_wait3A_121] : memref<10000x128xf32, #tpu.memory_space<hbm>> -> memref<10000x128xf32, #tpu.memory_space<hbm>>
      tpu.wait_indirect_dma semaphore(%arg12 : memref<!tpu.dma_semaphore, #tpu.memory_space<semaphore_mem>>) src(%dma_wait3A_122 : memref<10000x128xf32, #tpu.memory_space<hbm>>) dst(%dma_wait3A_116 : memref<128x128xf32, #tpu.memory_space<vmem>>)
      %run_scoped3A_123 = arith.constant 1 : i32
      %run_scoped3A_124 = arith.constant 31 : i32
      "tpu.region"() ({
        %run_scoped3A_241 = tpu.sem_alloc : memref<!tpu.dma_semaphore, #tpu.memory_space<semaphore_mem>>
        %dma_start3A_242 = arith.constant 0 : i32
        %dma_start3A_243 = arith.constant 0 : i32
        %dma_start3A_244 = tpu.memref_slice %arg9[%run_scoped3A_123, %dma_start3A_242, %dma_start3A_243] : memref<2x128x128xf32, #tpu.memory_space<vmem>> -> memref<1x128x128xf32, #tpu.memory_space<vmem>>
        %dma_start3A_245 = tpu.memref_squeeze %dma_start3A_244 : memref<1x128x128xf32, #tpu.memory_space<vmem>> -> memref<128x128xf32, #tpu.memory_space<vmem>>
        %dma_start3A_246 = arith.constant 0 : i32
        %dma_start3A_247 = tpu.memref_slice %arg8[%run_scoped3A_124, %dma_start3A_246] : memref<32x128xi32, #tpu.memory_space<vmem>> -> memref<1x128xi32, #tpu.memory_space<vmem>>
        %dma_start3A_248 = tpu.memref_squeeze %dma_start3A_247 : memref<1x128xi32, #tpu.memory_space<vmem>> -> memref<128xi32, #tpu.memory_space<vmem>>
        %dma_start3A_249 = arith.constant 0 : i32
        %dma_start3A_250 = arith.constant 0 : i32
        %dma_start3A_251 = tpu.memref_slice %arg10[%dma_start3A_249, %dma_start3A_250] : memref<10112x128xf32, #tpu.memory_space<vmem_shared>> -> memref<10112x128xf32, #tpu.memory_space<vmem_shared>>
        tpu.enqueue_indirect_dma source(%dma_start3A_245 : memref<128x128xf32, #tpu.memory_space<vmem>>) target(%dma_start3A_251 : memref<10112x128xf32, #tpu.memory_space<vmem_shared>>) offsets(%dma_start3A_248 : memref<128xi32, #tpu.memory_space<vmem>>) semaphore(%run_scoped3A_241 : memref<!tpu.dma_semaphore, #tpu.memory_space<semaphore_mem>>) {add = true}
        %dma_wait3A_252 = arith.constant 0 : i32
        %dma_wait3A_253 = arith.constant 0 : i32
        %dma_wait3A_254 = tpu.memref_slice %arg9[%run_scoped3A_123, %dma_wait3A_252, %dma_wait3A_253] : memref<2x128x128xf32, #tpu.memory_space<vmem>> -> memref<1x128x128xf32, #tpu.memory_space<vmem>>
        %dma_wait3A_255 = tpu.memref_squeeze %dma_wait3A_254 : memref<1x128x128xf32, #tpu.memory_space<vmem>> -> memref<128x128xf32, #tpu.memory_space<vmem>>
        %dma_wait3A_256 = arith.constant 0 : i32
        %dma_wait3A_257 = tpu.memref_slice %arg8[%run_scoped3A_124, %dma_wait3A_256] : memref<32x128xi32, #tpu.memory_space<vmem>> -> memref<1x128xi32, #tpu.memory_space<vmem>>
        %dma_wait3A_258 = tpu.memref_squeeze %dma_wait3A_257 : memref<1x128xi32, #tpu.memory_space<vmem>> -> memref<128xi32, #tpu.memory_space<vmem>>
        %dma_wait3A_259 = arith.constant 0 : i32
        %dma_wait3A_260 = arith.constant 0 : i32
        %dma_wait3A_261 = tpu.memref_slice %arg10[%dma_wait3A_259, %dma_wait3A_260] : memref<10112x128xf32, #tpu.memory_space<vmem_shared>> -> memref<10112x128xf32, #tpu.memory_space<vmem_shared>>
        tpu.wait_indirect_dma semaphore(%run_scoped3A_241 : memref<!tpu.dma_semaphore, #tpu.memory_space<semaphore_mem>>) src(%dma_wait3A_255 : memref<128x128xf32, #tpu.memory_space<vmem>>) dst(%dma_wait3A_261 : memref<10112x128xf32, #tpu.memory_space<vmem_shared>>)
        tpu.yield
      }) : () -> ()
      "tpu.region"() ({
        %run_scoped3A_241 = tpu.sem_alloc : memref<!tpu.dma_semaphore, #tpu.memory_space<semaphore_mem>>
        %dma_start3A_242 = arith.constant 0 : i32
        %dma_start3A_243 = arith.constant 0 : i32
        %dma_start3A_244 = tpu.memref_slice %arg7[%dma_start3A_242, %dma_start3A_243] : memref<32x128xi32, #tpu.memory_space<vmem>> -> memref<32x128xi32, #tpu.memory_space<vmem>>
        %dma_start3A_245 = arith.constant 0 : i32
        %dma_start3A_246 = arith.constant 0 : i32
        %dma_start3A_247 = tpu.memref_slice %arg3[%arg1, %dma_start3A_245, %dma_start3A_246] : memref<16x160x128xi32, #tpu.memory_space<hbm>> -> memref<1x160x128xi32, #tpu.memory_space<hbm>>
        %dma_start3A_248 = tpu.memref_squeeze %dma_start3A_247 : memref<1x160x128xi32, #tpu.memory_space<hbm>> -> memref<160x128xi32, #tpu.memory_space<hbm>>
        %dma_start3A_249 = arith.constant 64 : i32
        %dma_start3A_250 = arith.constant 0 : i32
        %dma_start3A_251 = tpu.memref_slice %dma_start3A_248[%dma_start3A_249, %dma_start3A_250] : memref<160x128xi32, #tpu.memory_space<hbm>> -> memref<32x128xi32, #tpu.memory_space<hbm>>
        %dma_start3A_252 = arith.constant 0 : i32
        %dma_start3A_253 = arith.constant 0 : i32
        %dma_start3A_254 = tpu.memref_slice %arg7[%dma_start3A_252, %dma_start3A_253] : memref<32x128xi32, #tpu.memory_space<vmem>> -> memref<32x128xi32, #tpu.memory_space<vmem>>
        %dma_start3A_255 = arith.constant 0 : i32
        %dma_start3A_256 = arith.constant 0 : i32
        %dma_start3A_257 = tpu.memref_slice %arg3[%arg1, %dma_start3A_255, %dma_start3A_256] : memref<16x160x128xi32, #tpu.memory_space<hbm>> -> memref<1x160x128xi32, #tpu.memory_space<hbm>>
        %dma_start3A_258 = tpu.memref_squeeze %dma_start3A_257 : memref<1x160x128xi32, #tpu.memory_space<hbm>> -> memref<160x128xi32, #tpu.memory_space<hbm>>
        %dma_start3A_259 = arith.constant 64 : i32
        %dma_start3A_260 = arith.constant 0 : i32
        %dma_start3A_261 = tpu.memref_slice %dma_start3A_258[%dma_start3A_259, %dma_start3A_260] : memref<160x128xi32, #tpu.memory_space<hbm>> -> memref<32x128xi32, #tpu.memory_space<hbm>>
        tpu.enqueue_dma source(%dma_start3A_261 : memref<32x128xi32, #tpu.memory_space<hbm>>) target(%dma_start3A_254 : memref<32x128xi32, #tpu.memory_space<vmem>>) target_semaphore(%run_scoped3A_241 : memref<!tpu.dma_semaphore, #tpu.memory_space<semaphore_mem>>)
        %dma_wait3A_262 = arith.constant 0 : i32
        %dma_wait3A_263 = arith.constant 0 : i32
        %dma_wait3A_264 = tpu.memref_slice %arg7[%dma_wait3A_262, %dma_wait3A_263] : memref<32x128xi32, #tpu.memory_space<vmem>> -> memref<32x128xi32, #tpu.memory_space<vmem>>
        %dma_wait3A_265 = arith.constant 0 : i32
        %dma_wait3A_266 = arith.constant 0 : i32
        %dma_wait3A_267 = tpu.memref_slice %arg3[%arg1, %dma_wait3A_265, %dma_wait3A_266] : memref<16x160x128xi32, #tpu.memory_space<hbm>> -> memref<1x160x128xi32, #tpu.memory_space<hbm>>
        %dma_wait3A_268 = tpu.memref_squeeze %dma_wait3A_267 : memref<1x160x128xi32, #tpu.memory_space<hbm>> -> memref<160x128xi32, #tpu.memory_space<hbm>>
        %dma_wait3A_269 = arith.constant 64 : i32
        %dma_wait3A_270 = arith.constant 0 : i32
        %dma_wait3A_271 = tpu.memref_slice %dma_wait3A_268[%dma_wait3A_269, %dma_wait3A_270] : memref<160x128xi32, #tpu.memory_space<hbm>> -> memref<32x128xi32, #tpu.memory_space<hbm>>
        %dma_wait3A_272 = arith.constant 0 : i32
        %dma_wait3A_273 = arith.constant 0 : i32
        %dma_wait3A_274 = tpu.memref_slice %arg7[%dma_wait3A_272, %dma_wait3A_273] : memref<32x128xi32, #tpu.memory_space<vmem>> -> memref<32x128xi32, #tpu.memory_space<vmem>>
        %dma_wait3A_275 = arith.constant 0 : i32
        %dma_wait3A_276 = arith.constant 0 : i32
        %dma_wait3A_277 = tpu.memref_slice %arg3[%arg1, %dma_wait3A_275, %dma_wait3A_276] : memref<16x160x128xi32, #tpu.memory_space<hbm>> -> memref<1x160x128xi32, #tpu.memory_space<hbm>>
        %dma_wait3A_278 = tpu.memref_squeeze %dma_wait3A_277 : memref<1x160x128xi32, #tpu.memory_space<hbm>> -> memref<160x128xi32, #tpu.memory_space<hbm>>
        %dma_wait3A_279 = arith.constant 64 : i32
        %dma_wait3A_280 = arith.constant 0 : i32
        %dma_wait3A_281 = tpu.memref_slice %dma_wait3A_278[%dma_wait3A_279, %dma_wait3A_280] : memref<160x128xi32, #tpu.memory_space<hbm>> -> memref<32x128xi32, #tpu.memory_space<hbm>>
        tpu.wait_dma2 semaphore(%run_scoped3A_241 : memref<!tpu.dma_semaphore, #tpu.memory_space<semaphore_mem>>) src(%dma_wait3A_281 : memref<32x128xi32, #tpu.memory_space<hbm>>) dst(%dma_wait3A_274 : memref<32x128xi32, #tpu.memory_space<vmem>>)
        tpu.yield
      }) : () -> ()
      "tpu.region"() ({
        %run_scoped3A_241 = tpu.sem_alloc : memref<!tpu.dma_semaphore, #tpu.memory_space<semaphore_mem>>
        %dma_start3A_242 = arith.constant 0 : i32
        %dma_start3A_243 = arith.constant 0 : i32
        %dma_start3A_244 = tpu.memref_slice %arg8[%dma_start3A_242, %dma_start3A_243] : memref<32x128xi32, #tpu.memory_space<vmem>> -> memref<32x128xi32, #tpu.memory_space<vmem>>
        %dma_start3A_245 = arith.constant 0 : i32
        %dma_start3A_246 = arith.constant 0 : i32
        %dma_start3A_247 = tpu.memref_slice %arg4[%arg1, %dma_start3A_245, %dma_start3A_246] : memref<16x160x128xi32, #tpu.memory_space<hbm>> -> memref<1x160x128xi32, #tpu.memory_space<hbm>>
        %dma_start3A_248 = tpu.memref_squeeze %dma_start3A_247 : memref<1x160x128xi32, #tpu.memory_space<hbm>> -> memref<160x128xi32, #tpu.memory_space<hbm>>
        %dma_start3A_249 = arith.constant 64 : i32
        %dma_start3A_250 = arith.constant 0 : i32
        %dma_start3A_251 = tpu.memref_slice %dma_start3A_248[%dma_start3A_249, %dma_start3A_250] : memref<160x128xi32, #tpu.memory_space<hbm>> -> memref<32x128xi32, #tpu.memory_space<hbm>>
        %dma_start3A_252 = arith.constant 0 : i32
        %dma_start3A_253 = arith.constant 0 : i32
        %dma_start3A_254 = tpu.memref_slice %arg8[%dma_start3A_252, %dma_start3A_253] : memref<32x128xi32, #tpu.memory_space<vmem>> -> memref<32x128xi32, #tpu.memory_space<vmem>>
        %dma_start3A_255 = arith.constant 0 : i32
        %dma_start3A_256 = arith.constant 0 : i32
        %dma_start3A_257 = tpu.memref_slice %arg4[%arg1, %dma_start3A_255, %dma_start3A_256] : memref<16x160x128xi32, #tpu.memory_space<hbm>> -> memref<1x160x128xi32, #tpu.memory_space<hbm>>
        %dma_start3A_258 = tpu.memref_squeeze %dma_start3A_257 : memref<1x160x128xi32, #tpu.memory_space<hbm>> -> memref<160x128xi32, #tpu.memory_space<hbm>>
        %dma_start3A_259 = arith.constant 64 : i32
        %dma_start3A_260 = arith.constant 0 : i32
        %dma_start3A_261 = tpu.memref_slice %dma_start3A_258[%dma_start3A_259, %dma_start3A_260] : memref<160x128xi32, #tpu.memory_space<hbm>> -> memref<32x128xi32, #tpu.memory_space<hbm>>
        tpu.enqueue_dma source(%dma_start3A_261 : memref<32x128xi32, #tpu.memory_space<hbm>>) target(%dma_start3A_254 : memref<32x128xi32, #tpu.memory_space<vmem>>) target_semaphore(%run_scoped3A_241 : memref<!tpu.dma_semaphore, #tpu.memory_space<semaphore_mem>>)
        %dma_wait3A_262 = arith.constant 0 : i32
        %dma_wait3A_263 = arith.constant 0 : i32
        %dma_wait3A_264 = tpu.memref_slice %arg8[%dma_wait3A_262, %dma_wait3A_263] : memref<32x128xi32, #tpu.memory_space<vmem>> -> memref<32x128xi32, #tpu.memory_space<vmem>>
        %dma_wait3A_265 = arith.constant 0 : i32
        %dma_wait3A_266 = arith.constant 0 : i32
        %dma_wait3A_267 = tpu.memref_slice %arg4[%arg1, %dma_wait3A_265, %dma_wait3A_266] : memref<16x160x128xi32, #tpu.memory_space<hbm>> -> memref<1x160x128xi32, #tpu.memory_space<hbm>>
        %dma_wait3A_268 = tpu.memref_squeeze %dma_wait3A_267 : memref<1x160x128xi32, #tpu.memory_space<hbm>> -> memref<160x128xi32, #tpu.memory_space<hbm>>
        %dma_wait3A_269 = arith.constant 64 : i32
        %dma_wait3A_270 = arith.constant 0 : i32
        %dma_wait3A_271 = tpu.memref_slice %dma_wait3A_268[%dma_wait3A_269, %dma_wait3A_270] : memref<160x128xi32, #tpu.memory_space<hbm>> -> memref<32x128xi32, #tpu.memory_space<hbm>>
        %dma_wait3A_272 = arith.constant 0 : i32
        %dma_wait3A_273 = arith.constant 0 : i32
        %dma_wait3A_274 = tpu.memref_slice %arg8[%dma_wait3A_272, %dma_wait3A_273] : memref<32x128xi32, #tpu.memory_space<vmem>> -> memref<32x128xi32, #tpu.memory_space<vmem>>
        %dma_wait3A_275 = arith.constant 0 : i32
        %dma_wait3A_276 = arith.constant 0 : i32
        %dma_wait3A_277 = tpu.memref_slice %arg4[%arg1, %dma_wait3A_275, %dma_wait3A_276] : memref<16x160x128xi32, #tpu.memory_space<hbm>> -> memref<1x160x128xi32, #tpu.memory_space<hbm>>
        %dma_wait3A_278 = tpu.memref_squeeze %dma_wait3A_277 : memref<1x160x128xi32, #tpu.memory_space<hbm>> -> memref<160x128xi32, #tpu.memory_space<hbm>>
        %dma_wait3A_279 = arith.constant 64 : i32
        %dma_wait3A_280 = arith.constant 0 : i32
        %dma_wait3A_281 = tpu.memref_slice %dma_wait3A_278[%dma_wait3A_279, %dma_wait3A_280] : memref<160x128xi32, #tpu.memory_space<hbm>> -> memref<32x128xi32, #tpu.memory_space<hbm>>
        tpu.wait_dma2 semaphore(%run_scoped3A_241 : memref<!tpu.dma_semaphore, #tpu.memory_space<semaphore_mem>>) src(%dma_wait3A_281 : memref<32x128xi32, #tpu.memory_space<hbm>>) dst(%dma_wait3A_274 : memref<32x128xi32, #tpu.memory_space<vmem>>)
        tpu.yield
      }) : () -> ()
      %dma_start3A_125 = arith.constant 0 : i32
      %dma_start3A_126 = arith.constant 0 : i32
      %dma_start3A_127 = arith.constant 0 : i32
      %dma_start3A_128 = arith.constant 0 : i32
      %dma_start3A_129 = tpu.memref_slice %arg9[%dma_start3A_126, %dma_start3A_127, %dma_start3A_128] : memref<2x128x128xf32, #tpu.memory_space<vmem>> -> memref<1x128x128xf32, #tpu.memory_space<vmem>>
      %dma_start3A_130 = tpu.memref_squeeze %dma_start3A_129 : memref<1x128x128xf32, #tpu.memory_space<vmem>> -> memref<128x128xf32, #tpu.memory_space<vmem>>
      %dma_start3A_131 = arith.constant 0 : i32
      %dma_start3A_132 = tpu.memref_slice %arg7[%dma_start3A_125, %dma_start3A_131] : memref<32x128xi32, #tpu.memory_space<vmem>> -> memref<1x128xi32, #tpu.memory_space<vmem>>
      %dma_start3A_133 = tpu.memref_squeeze %dma_start3A_132 : memref<1x128xi32, #tpu.memory_space<vmem>> -> memref<128xi32, #tpu.memory_space<vmem>>
      %dma_start3A_134 = arith.constant 0 : i32
      %dma_start3A_135 = arith.constant 0 : i32
      %dma_start3A_136 = tpu.memref_slice %arg2[%dma_start3A_134, %dma_start3A_135] : memref<10000x128xf32, #tpu.memory_space<hbm>> -> memref<10000x128xf32, #tpu.memory_space<hbm>>
      tpu.enqueue_indirect_dma source(%dma_start3A_136 : memref<10000x128xf32, #tpu.memory_space<hbm>>) target(%dma_start3A_130 : memref<128x128xf32, #tpu.memory_space<vmem>>) offsets(%dma_start3A_133 : memref<128xi32, #tpu.memory_space<vmem>>) semaphore(%arg11 : memref<!tpu.dma_semaphore, #tpu.memory_space<semaphore_mem>>)
      %dma_start3A_137 = arith.constant 1 : i32
      %dma_start3A_138 = arith.constant 1 : i32
      %dma_start3A_139 = arith.constant 0 : i32
      %dma_start3A_140 = arith.constant 0 : i32
      %dma_start3A_141 = tpu.memref_slice %arg9[%dma_start3A_138, %dma_start3A_139, %dma_start3A_140] : memref<2x128x128xf32, #tpu.memory_space<vmem>> -> memref<1x128x128xf32, #tpu.memory_space<vmem>>
      %dma_start3A_142 = tpu.memref_squeeze %dma_start3A_141 : memref<1x128x128xf32, #tpu.memory_space<vmem>> -> memref<128x128xf32, #tpu.memory_space<vmem>>
      %dma_start3A_143 = arith.constant 0 : i32
      %dma_start3A_144 = tpu.memref_slice %arg7[%dma_start3A_137, %dma_start3A_143] : memref<32x128xi32, #tpu.memory_space<vmem>> -> memref<1x128xi32, #tpu.memory_space<vmem>>
      %dma_start3A_145 = tpu.memref_squeeze %dma_start3A_144 : memref<1x128xi32, #tpu.memory_space<vmem>> -> memref<128xi32, #tpu.memory_space<vmem>>
      %dma_start3A_146 = arith.constant 0 : i32
      %dma_start3A_147 = arith.constant 0 : i32
      %dma_start3A_148 = tpu.memref_slice %arg2[%dma_start3A_146, %dma_start3A_147] : memref<10000x128xf32, #tpu.memory_space<hbm>> -> memref<10000x128xf32, #tpu.memory_space<hbm>>
      tpu.enqueue_indirect_dma source(%dma_start3A_148 : memref<10000x128xf32, #tpu.memory_space<hbm>>) target(%dma_start3A_142 : memref<128x128xf32, #tpu.memory_space<vmem>>) offsets(%dma_start3A_145 : memref<128xi32, #tpu.memory_space<vmem>>) semaphore(%arg12 : memref<!tpu.dma_semaphore, #tpu.memory_space<semaphore_mem>>)
      %scan3A_149 = arith.constant 0 : i32
      %scan3A_150 = arith.constant 0 : i32
      %scan3A_151 = arith.constant 15 : i32
      %scan3A_152 = arith.addi %scan3A_150, %scan3A_151 : i32
      %scan3A_153 = arith.constant 1 : i32
      scf.for %scan3A_241 = %scan3A_150 to %scan3A_152 step %scan3A_153  : i32 {
        %mul3A_242 = arith.constant 2 : i32
        %mul3A_243 = arith.muli %mul3A_242, %scan3A_241 : i32
        %dma_wait3A_244 = arith.constant 0 : i32
        %dma_wait3A_245 = arith.constant 0 : i32
        %dma_wait3A_246 = arith.constant 0 : i32
        %dma_wait3A_247 = tpu.memref_slice %arg9[%dma_wait3A_244, %dma_wait3A_245, %dma_wait3A_246] : memref<2x128x128xf32, #tpu.memory_space<vmem>> -> memref<1x128x128xf32, #tpu.memory_space<vmem>>
        %dma_wait3A_248 = tpu.memref_squeeze %dma_wait3A_247 : memref<1x128x128xf32, #tpu.memory_space<vmem>> -> memref<128x128xf32, #tpu.memory_space<vmem>>
        %dma_wait3A_249 = arith.constant 0 : i32
        %dma_wait3A_250 = tpu.memref_slice %arg7[%mul3A_243, %dma_wait3A_249] : memref<32x128xi32, #tpu.memory_space<vmem>> -> memref<1x128xi32, #tpu.memory_space<vmem>>
        %dma_wait3A_251 = tpu.memref_squeeze %dma_wait3A_250 : memref<1x128xi32, #tpu.memory_space<vmem>> -> memref<128xi32, #tpu.memory_space<vmem>>
        %dma_wait3A_252 = arith.constant 0 : i32
        %dma_wait3A_253 = arith.constant 0 : i32
        %dma_wait3A_254 = tpu.memref_slice %arg2[%dma_wait3A_252, %dma_wait3A_253] : memref<10000x128xf32, #tpu.memory_space<hbm>> -> memref<10000x128xf32, #tpu.memory_space<hbm>>
        tpu.wait_indirect_dma semaphore(%arg11 : memref<!tpu.dma_semaphore, #tpu.memory_space<semaphore_mem>>) src(%dma_wait3A_254 : memref<10000x128xf32, #tpu.memory_space<hbm>>) dst(%dma_wait3A_248 : memref<128x128xf32, #tpu.memory_space<vmem>>)
        %run_scoped3A_255 = arith.constant 0 : i32
        "tpu.region"() ({
          %run_scoped3A_297 = tpu.sem_alloc : memref<!tpu.dma_semaphore, #tpu.memory_space<semaphore_mem>>
          %dma_start3A_298 = arith.constant 0 : i32
          %dma_start3A_299 = arith.constant 0 : i32
          %dma_start3A_300 = tpu.memref_slice %arg9[%run_scoped3A_255, %dma_start3A_298, %dma_start3A_299] : memref<2x128x128xf32, #tpu.memory_space<vmem>> -> memref<1x128x128xf32, #tpu.memory_space<vmem>>
          %dma_start3A_301 = tpu.memref_squeeze %dma_start3A_300 : memref<1x128x128xf32, #tpu.memory_space<vmem>> -> memref<128x128xf32, #tpu.memory_space<vmem>>
          %dma_start3A_302 = arith.constant 0 : i32
          %dma_start3A_303 = tpu.memref_slice %arg8[%mul3A_243, %dma_start3A_302] : memref<32x128xi32, #tpu.memory_space<vmem>> -> memref<1x128xi32, #tpu.memory_space<vmem>>
          %dma_start3A_304 = tpu.memref_squeeze %dma_start3A_303 : memref<1x128xi32, #tpu.memory_space<vmem>> -> memref<128xi32, #tpu.memory_space<vmem>>
          %dma_start3A_305 = arith.constant 0 : i32
          %dma_start3A_306 = arith.constant 0 : i32
          %dma_start3A_307 = tpu.memref_slice %arg10[%dma_start3A_305, %dma_start3A_306] : memref<10112x128xf32, #tpu.memory_space<vmem_shared>> -> memref<10112x128xf32, #tpu.memory_space<vmem_shared>>
          tpu.enqueue_indirect_dma source(%dma_start3A_301 : memref<128x128xf32, #tpu.memory_space<vmem>>) target(%dma_start3A_307 : memref<10112x128xf32, #tpu.memory_space<vmem_shared>>) offsets(%dma_start3A_304 : memref<128xi32, #tpu.memory_space<vmem>>) semaphore(%run_scoped3A_297 : memref<!tpu.dma_semaphore, #tpu.memory_space<semaphore_mem>>) {add = true}
          %dma_wait3A_308 = arith.constant 0 : i32
          %dma_wait3A_309 = arith.constant 0 : i32
          %dma_wait3A_310 = tpu.memref_slice %arg9[%run_scoped3A_255, %dma_wait3A_308, %dma_wait3A_309] : memref<2x128x128xf32, #tpu.memory_space<vmem>> -> memref<1x128x128xf32, #tpu.memory_space<vmem>>
          %dma_wait3A_311 = tpu.memref_squeeze %dma_wait3A_310 : memref<1x128x128xf32, #tpu.memory_space<vmem>> -> memref<128x128xf32, #tpu.memory_space<vmem>>
          %dma_wait3A_312 = arith.constant 0 : i32
          %dma_wait3A_313 = tpu.memref_slice %arg8[%mul3A_243, %dma_wait3A_312] : memref<32x128xi32, #tpu.memory_space<vmem>> -> memref<1x128xi32, #tpu.memory_space<vmem>>
          %dma_wait3A_314 = tpu.memref_squeeze %dma_wait3A_313 : memref<1x128xi32, #tpu.memory_space<vmem>> -> memref<128xi32, #tpu.memory_space<vmem>>
          %dma_wait3A_315 = arith.constant 0 : i32
          %dma_wait3A_316 = arith.constant 0 : i32
          %dma_wait3A_317 = tpu.memref_slice %arg10[%dma_wait3A_315, %dma_wait3A_316] : memref<10112x128xf32, #tpu.memory_space<vmem_shared>> -> memref<10112x128xf32, #tpu.memory_space<vmem_shared>>
          tpu.wait_indirect_dma semaphore(%run_scoped3A_297 : memref<!tpu.dma_semaphore, #tpu.memory_space<semaphore_mem>>) src(%dma_wait3A_311 : memref<128x128xf32, #tpu.memory_space<vmem>>) dst(%dma_wait3A_317 : memref<10112x128xf32, #tpu.memory_space<vmem_shared>>)
          tpu.yield
        }) : () -> ()
        %add3A = arith.constant 2 : i32
        %add3A_256 = arith.addi %mul3A_243, %add3A : i32
        %dma_start3A_257 = arith.constant 0 : i32
        %dma_start3A_258 = arith.constant 0 : i32
        %dma_start3A_259 = arith.constant 0 : i32
        %dma_start3A_260 = tpu.memref_slice %arg9[%dma_start3A_257, %dma_start3A_258, %dma_start3A_259] : memref<2x128x128xf32, #tpu.memory_space<vmem>> -> memref<1x128x128xf32, #tpu.memory_space<vmem>>
        %dma_start3A_261 = tpu.memref_squeeze %dma_start3A_260 : memref<1x128x128xf32, #tpu.memory_space<vmem>> -> memref<128x128xf32, #tpu.memory_space<vmem>>
        %dma_start3A_262 = arith.constant 0 : i32
        %dma_start3A_263 = tpu.memref_slice %arg7[%add3A_256, %dma_start3A_262] : memref<32x128xi32, #tpu.memory_space<vmem>> -> memref<1x128xi32, #tpu.memory_space<vmem>>
        %dma_start3A_264 = tpu.memref_squeeze %dma_start3A_263 : memref<1x128xi32, #tpu.memory_space<vmem>> -> memref<128xi32, #tpu.memory_space<vmem>>
        %dma_start3A_265 = arith.constant 0 : i32
        %dma_start3A_266 = arith.constant 0 : i32
        %dma_start3A_267 = tpu.memref_slice %arg2[%dma_start3A_265, %dma_start3A_266] : memref<10000x128xf32, #tpu.memory_space<hbm>> -> memref<10000x128xf32, #tpu.memory_space<hbm>>
        tpu.enqueue_indirect_dma source(%dma_start3A_267 : memref<10000x128xf32, #tpu.memory_space<hbm>>) target(%dma_start3A_261 : memref<128x128xf32, #tpu.memory_space<vmem>>) offsets(%dma_start3A_264 : memref<128xi32, #tpu.memory_space<vmem>>) semaphore(%arg11 : memref<!tpu.dma_semaphore, #tpu.memory_space<semaphore_mem>>)
        %add3A_268 = arith.constant 1 : i32
        %add3A_269 = arith.addi %mul3A_243, %add3A_268 : i32
        %dma_wait3A_270 = arith.constant 1 : i32
        %dma_wait3A_271 = arith.constant 0 : i32
        %dma_wait3A_272 = arith.constant 0 : i32
        %dma_wait3A_273 = tpu.memref_slice %arg9[%dma_wait3A_270, %dma_wait3A_271, %dma_wait3A_272] : memref<2x128x128xf32, #tpu.memory_space<vmem>> -> memref<1x128x128xf32, #tpu.memory_space<vmem>>
        %dma_wait3A_274 = tpu.memref_squeeze %dma_wait3A_273 : memref<1x128x128xf32, #tpu.memory_space<vmem>> -> memref<128x128xf32, #tpu.memory_space<vmem>>
        %dma_wait3A_275 = arith.constant 0 : i32
        %dma_wait3A_276 = tpu.memref_slice %arg7[%add3A_269, %dma_wait3A_275] : memref<32x128xi32, #tpu.memory_space<vmem>> -> memref<1x128xi32, #tpu.memory_space<vmem>>
        %dma_wait3A_277 = tpu.memref_squeeze %dma_wait3A_276 : memref<1x128xi32, #tpu.memory_space<vmem>> -> memref<128xi32, #tpu.memory_space<vmem>>
        %dma_wait3A_278 = arith.constant 0 : i32
        %dma_wait3A_279 = arith.constant 0 : i32
        %dma_wait3A_280 = tpu.memref_slice %arg2[%dma_wait3A_278, %dma_wait3A_279] : memref<10000x128xf32, #tpu.memory_space<hbm>> -> memref<10000x128xf32, #tpu.memory_space<hbm>>
        tpu.wait_indirect_dma semaphore(%arg12 : memref<!tpu.dma_semaphore, #tpu.memory_space<semaphore_mem>>) src(%dma_wait3A_280 : memref<10000x128xf32, #tpu.memory_space<hbm>>) dst(%dma_wait3A_274 : memref<128x128xf32, #tpu.memory_space<vmem>>)
        %add3A_281 = arith.constant 1 : i32
        %add3A_282 = arith.addi %mul3A_243, %add3A_281 : i32
        %run_scoped3A_283 = arith.constant 1 : i32
        "tpu.region"() ({
          %run_scoped3A_297 = tpu.sem_alloc : memref<!tpu.dma_semaphore, #tpu.memory_space<semaphore_mem>>
          %dma_start3A_298 = arith.constant 0 : i32
          %dma_start3A_299 = arith.constant 0 : i32
          %dma_start3A_300 = tpu.memref_slice %arg9[%run_scoped3A_283, %dma_start3A_298, %dma_start3A_299] : memref<2x128x128xf32, #tpu.memory_space<vmem>> -> memref<1x128x128xf32, #tpu.memory_space<vmem>>
          %dma_start3A_301 = tpu.memref_squeeze %dma_start3A_300 : memref<1x128x128xf32, #tpu.memory_space<vmem>> -> memref<128x128xf32, #tpu.memory_space<vmem>>
          %dma_start3A_302 = arith.constant 0 : i32
          %dma_start3A_303 = tpu.memref_slice %arg8[%add3A_282, %dma_start3A_302] : memref<32x128xi32, #tpu.memory_space<vmem>> -> memref<1x128xi32, #tpu.memory_space<vmem>>
          %dma_start3A_304 = tpu.memref_squeeze %dma_start3A_303 : memref<1x128xi32, #tpu.memory_space<vmem>> -> memref<128xi32, #tpu.memory_space<vmem>>
          %dma_start3A_305 = arith.constant 0 : i32
          %dma_start3A_306 = arith.constant 0 : i32
          %dma_start3A_307 = tpu.memref_slice %arg10[%dma_start3A_305, %dma_start3A_306] : memref<10112x128xf32, #tpu.memory_space<vmem_shared>> -> memref<10112x128xf32, #tpu.memory_space<vmem_shared>>
          tpu.enqueue_indirect_dma source(%dma_start3A_301 : memref<128x128xf32, #tpu.memory_space<vmem>>) target(%dma_start3A_307 : memref<10112x128xf32, #tpu.memory_space<vmem_shared>>) offsets(%dma_start3A_304 : memref<128xi32, #tpu.memory_space<vmem>>) semaphore(%run_scoped3A_297 : memref<!tpu.dma_semaphore, #tpu.memory_space<semaphore_mem>>) {add = true}
          %dma_wait3A_308 = arith.constant 0 : i32
          %dma_wait3A_309 = arith.constant 0 : i32
          %dma_wait3A_310 = tpu.memref_slice %arg9[%run_scoped3A_283, %dma_wait3A_308, %dma_wait3A_309] : memref<2x128x128xf32, #tpu.memory_space<vmem>> -> memref<1x128x128xf32, #tpu.memory_space<vmem>>
          %dma_wait3A_311 = tpu.memref_squeeze %dma_wait3A_310 : memref<1x128x128xf32, #tpu.memory_space<vmem>> -> memref<128x128xf32, #tpu.memory_space<vmem>>
          %dma_wait3A_312 = arith.constant 0 : i32
          %dma_wait3A_313 = tpu.memref_slice %arg8[%add3A_282, %dma_wait3A_312] : memref<32x128xi32, #tpu.memory_space<vmem>> -> memref<1x128xi32, #tpu.memory_space<vmem>>
          %dma_wait3A_314 = tpu.memref_squeeze %dma_wait3A_313 : memref<1x128xi32, #tpu.memory_space<vmem>> -> memref<128xi32, #tpu.memory_space<vmem>>
          %dma_wait3A_315 = arith.constant 0 : i32
          %dma_wait3A_316 = arith.constant 0 : i32
          %dma_wait3A_317 = tpu.memref_slice %arg10[%dma_wait3A_315, %dma_wait3A_316] : memref<10112x128xf32, #tpu.memory_space<vmem_shared>> -> memref<10112x128xf32, #tpu.memory_space<vmem_shared>>
          tpu.wait_indirect_dma semaphore(%run_scoped3A_297 : memref<!tpu.dma_semaphore, #tpu.memory_space<semaphore_mem>>) src(%dma_wait3A_311 : memref<128x128xf32, #tpu.memory_space<vmem>>) dst(%dma_wait3A_317 : memref<10112x128xf32, #tpu.memory_space<vmem_shared>>)
          tpu.yield
        }) : () -> ()
        %add3A_284 = arith.constant 3 : i32
        %add3A_285 = arith.addi %mul3A_243, %add3A_284 : i32
        %dma_start3A_286 = arith.constant 1 : i32
        %dma_start3A_287 = arith.constant 0 : i32
        %dma_start3A_288 = arith.constant 0 : i32
        %dma_start3A_289 = tpu.memref_slice %arg9[%dma_start3A_286, %dma_start3A_287, %dma_start3A_288] : memref<2x128x128xf32, #tpu.memory_space<vmem>> -> memref<1x128x128xf32, #tpu.memory_space<vmem>>
        %dma_start3A_290 = tpu.memref_squeeze %dma_start3A_289 : memref<1x128x128xf32, #tpu.memory_space<vmem>> -> memref<128x128xf32, #tpu.memory_space<vmem>>
        %dma_start3A_291 = arith.constant 0 : i32
        %dma_start3A_292 = tpu.memref_slice %arg7[%add3A_285, %dma_start3A_291] : memref<32x128xi32, #tpu.memory_space<vmem>> -> memref<1x128xi32, #tpu.memory_space<vmem>>
        %dma_start3A_293 = tpu.memref_squeeze %dma_start3A_292 : memref<1x128xi32, #tpu.memory_space<vmem>> -> memref<128xi32, #tpu.memory_space<vmem>>
        %dma_start3A_294 = arith.constant 0 : i32
        %dma_start3A_295 = arith.constant 0 : i32
        %dma_start3A_296 = tpu.memref_slice %arg2[%dma_start3A_294, %dma_start3A_295] : memref<10000x128xf32, #tpu.memory_space<hbm>> -> memref<10000x128xf32, #tpu.memory_space<hbm>>
        tpu.enqueue_indirect_dma source(%dma_start3A_296 : memref<10000x128xf32, #tpu.memory_space<hbm>>) target(%dma_start3A_290 : memref<128x128xf32, #tpu.memory_space<vmem>>) offsets(%dma_start3A_293 : memref<128xi32, #tpu.memory_space<vmem>>) semaphore(%arg12 : memref<!tpu.dma_semaphore, #tpu.memory_space<semaphore_mem>>)
      }
      %scan3A_154 = arith.constant 15 : i32
      %dma_wait3A_155 = arith.constant 30 : i32
      %dma_wait3A_156 = arith.constant 0 : i32
      %dma_wait3A_157 = arith.constant 0 : i32
      %dma_wait3A_158 = arith.constant 0 : i32
      %dma_wait3A_159 = tpu.memref_slice %arg9[%dma_wait3A_156, %dma_wait3A_157, %dma_wait3A_158] : memref<2x128x128xf32, #tpu.memory_space<vmem>> -> memref<1x128x128xf32, #tpu.memory_space<vmem>>
      %dma_wait3A_160 = tpu.memref_squeeze %dma_wait3A_159 : memref<1x128x128xf32, #tpu.memory_space<vmem>> -> memref<128x128xf32, #tpu.memory_space<vmem>>
      %dma_wait3A_161 = arith.constant 0 : i32
      %dma_wait3A_162 = tpu.memref_slice %arg7[%dma_wait3A_155, %dma_wait3A_161] : memref<32x128xi32, #tpu.memory_space<vmem>> -> memref<1x128xi32, #tpu.memory_space<vmem>>
      %dma_wait3A_163 = tpu.memref_squeeze %dma_wait3A_162 : memref<1x128xi32, #tpu.memory_space<vmem>> -> memref<128xi32, #tpu.memory_space<vmem>>
      %dma_wait3A_164 = arith.constant 0 : i32
      %dma_wait3A_165 = arith.constant 0 : i32
      %dma_wait3A_166 = tpu.memref_slice %arg2[%dma_wait3A_164, %dma_wait3A_165] : memref<10000x128xf32, #tpu.memory_space<hbm>> -> memref<10000x128xf32, #tpu.memory_space<hbm>>
      tpu.wait_indirect_dma semaphore(%arg11 : memref<!tpu.dma_semaphore, #tpu.memory_space<semaphore_mem>>) src(%dma_wait3A_166 : memref<10000x128xf32, #tpu.memory_space<hbm>>) dst(%dma_wait3A_160 : memref<128x128xf32, #tpu.memory_space<vmem>>)
      %run_scoped3A_167 = arith.constant 0 : i32
      %run_scoped3A_168 = arith.constant 30 : i32
      "tpu.region"() ({
        %run_scoped3A_241 = tpu.sem_alloc : memref<!tpu.dma_semaphore, #tpu.memory_space<semaphore_mem>>
        %dma_start3A_242 = arith.constant 0 : i32
        %dma_start3A_243 = arith.constant 0 : i32
        %dma_start3A_244 = tpu.memref_slice %arg9[%run_scoped3A_167, %dma_start3A_242, %dma_start3A_243] : memref<2x128x128xf32, #tpu.memory_space<vmem>> -> memref<1x128x128xf32, #tpu.memory_space<vmem>>
        %dma_start3A_245 = tpu.memref_squeeze %dma_start3A_244 : memref<1x128x128xf32, #tpu.memory_space<vmem>> -> memref<128x128xf32, #tpu.memory_space<vmem>>
        %dma_start3A_246 = arith.constant 0 : i32
        %dma_start3A_247 = tpu.memref_slice %arg8[%run_scoped3A_168, %dma_start3A_246] : memref<32x128xi32, #tpu.memory_space<vmem>> -> memref<1x128xi32, #tpu.memory_space<vmem>>
        %dma_start3A_248 = tpu.memref_squeeze %dma_start3A_247 : memref<1x128xi32, #tpu.memory_space<vmem>> -> memref<128xi32, #tpu.memory_space<vmem>>
        %dma_start3A_249 = arith.constant 0 : i32
        %dma_start3A_250 = arith.constant 0 : i32
        %dma_start3A_251 = tpu.memref_slice %arg10[%dma_start3A_249, %dma_start3A_250] : memref<10112x128xf32, #tpu.memory_space<vmem_shared>> -> memref<10112x128xf32, #tpu.memory_space<vmem_shared>>
        tpu.enqueue_indirect_dma source(%dma_start3A_245 : memref<128x128xf32, #tpu.memory_space<vmem>>) target(%dma_start3A_251 : memref<10112x128xf32, #tpu.memory_space<vmem_shared>>) offsets(%dma_start3A_248 : memref<128xi32, #tpu.memory_space<vmem>>) semaphore(%run_scoped3A_241 : memref<!tpu.dma_semaphore, #tpu.memory_space<semaphore_mem>>) {add = true}
        %dma_wait3A_252 = arith.constant 0 : i32
        %dma_wait3A_253 = arith.constant 0 : i32
        %dma_wait3A_254 = tpu.memref_slice %arg9[%run_scoped3A_167, %dma_wait3A_252, %dma_wait3A_253] : memref<2x128x128xf32, #tpu.memory_space<vmem>> -> memref<1x128x128xf32, #tpu.memory_space<vmem>>
        %dma_wait3A_255 = tpu.memref_squeeze %dma_wait3A_254 : memref<1x128x128xf32, #tpu.memory_space<vmem>> -> memref<128x128xf32, #tpu.memory_space<vmem>>
        %dma_wait3A_256 = arith.constant 0 : i32
        %dma_wait3A_257 = tpu.memref_slice %arg8[%run_scoped3A_168, %dma_wait3A_256] : memref<32x128xi32, #tpu.memory_space<vmem>> -> memref<1x128xi32, #tpu.memory_space<vmem>>
        %dma_wait3A_258 = tpu.memref_squeeze %dma_wait3A_257 : memref<1x128xi32, #tpu.memory_space<vmem>> -> memref<128xi32, #tpu.memory_space<vmem>>
        %dma_wait3A_259 = arith.constant 0 : i32
        %dma_wait3A_260 = arith.constant 0 : i32
        %dma_wait3A_261 = tpu.memref_slice %arg10[%dma_wait3A_259, %dma_wait3A_260] : memref<10112x128xf32, #tpu.memory_space<vmem_shared>> -> memref<10112x128xf32, #tpu.memory_space<vmem_shared>>
        tpu.wait_indirect_dma semaphore(%run_scoped3A_241 : memref<!tpu.dma_semaphore, #tpu.memory_space<semaphore_mem>>) src(%dma_wait3A_255 : memref<128x128xf32, #tpu.memory_space<vmem>>) dst(%dma_wait3A_261 : memref<10112x128xf32, #tpu.memory_space<vmem_shared>>)
        tpu.yield
      }) : () -> ()
      %dma_wait3A_169 = arith.constant 31 : i32
      %dma_wait3A_170 = arith.constant 1 : i32
      %dma_wait3A_171 = arith.constant 0 : i32
      %dma_wait3A_172 = arith.constant 0 : i32
      %dma_wait3A_173 = tpu.memref_slice %arg9[%dma_wait3A_170, %dma_wait3A_171, %dma_wait3A_172] : memref<2x128x128xf32, #tpu.memory_space<vmem>> -> memref<1x128x128xf32, #tpu.memory_space<vmem>>
      %dma_wait3A_174 = tpu.memref_squeeze %dma_wait3A_173 : memref<1x128x128xf32, #tpu.memory_space<vmem>> -> memref<128x128xf32, #tpu.memory_space<vmem>>
      %dma_wait3A_175 = arith.constant 0 : i32
      %dma_wait3A_176 = tpu.memref_slice %arg7[%dma_wait3A_169, %dma_wait3A_175] : memref<32x128xi32, #tpu.memory_space<vmem>> -> memref<1x128xi32, #tpu.memory_space<vmem>>
      %dma_wait3A_177 = tpu.memref_squeeze %dma_wait3A_176 : memref<1x128xi32, #tpu.memory_space<vmem>> -> memref<128xi32, #tpu.memory_space<vmem>>
      %dma_wait3A_178 = arith.constant 0 : i32
      %dma_wait3A_179 = arith.constant 0 : i32
      %dma_wait3A_180 = tpu.memref_slice %arg2[%dma_wait3A_178, %dma_wait3A_179] : memref<10000x128xf32, #tpu.memory_space<hbm>> -> memref<10000x128xf32, #tpu.memory_space<hbm>>
      tpu.wait_indirect_dma semaphore(%arg12 : memref<!tpu.dma_semaphore, #tpu.memory_space<semaphore_mem>>) src(%dma_wait3A_180 : memref<10000x128xf32, #tpu.memory_space<hbm>>) dst(%dma_wait3A_174 : memref<128x128xf32, #tpu.memory_space<vmem>>)
      %run_scoped3A_181 = arith.constant 1 : i32
      %run_scoped3A_182 = arith.constant 31 : i32
      "tpu.region"() ({
        %run_scoped3A_241 = tpu.sem_alloc : memref<!tpu.dma_semaphore, #tpu.memory_space<semaphore_mem>>
        %dma_start3A_242 = arith.constant 0 : i32
        %dma_start3A_243 = arith.constant 0 : i32
        %dma_start3A_244 = tpu.memref_slice %arg9[%run_scoped3A_181, %dma_start3A_242, %dma_start3A_243] : memref<2x128x128xf32, #tpu.memory_space<vmem>> -> memref<1x128x128xf32, #tpu.memory_space<vmem>>
        %dma_start3A_245 = tpu.memref_squeeze %dma_start3A_244 : memref<1x128x128xf32, #tpu.memory_space<vmem>> -> memref<128x128xf32, #tpu.memory_space<vmem>>
        %dma_start3A_246 = arith.constant 0 : i32
        %dma_start3A_247 = tpu.memref_slice %arg8[%run_scoped3A_182, %dma_start3A_246] : memref<32x128xi32, #tpu.memory_space<vmem>> -> memref<1x128xi32, #tpu.memory_space<vmem>>
        %dma_start3A_248 = tpu.memref_squeeze %dma_start3A_247 : memref<1x128xi32, #tpu.memory_space<vmem>> -> memref<128xi32, #tpu.memory_space<vmem>>
        %dma_start3A_249 = arith.constant 0 : i32
        %dma_start3A_250 = arith.constant 0 : i32
        %dma_start3A_251 = tpu.memref_slice %arg10[%dma_start3A_249, %dma_start3A_250] : memref<10112x128xf32, #tpu.memory_space<vmem_shared>> -> memref<10112x128xf32, #tpu.memory_space<vmem_shared>>
        tpu.enqueue_indirect_dma source(%dma_start3A_245 : memref<128x128xf32, #tpu.memory_space<vmem>>) target(%dma_start3A_251 : memref<10112x128xf32, #tpu.memory_space<vmem_shared>>) offsets(%dma_start3A_248 : memref<128xi32, #tpu.memory_space<vmem>>) semaphore(%run_scoped3A_241 : memref<!tpu.dma_semaphore, #tpu.memory_space<semaphore_mem>>) {add = true}
        %dma_wait3A_252 = arith.constant 0 : i32
        %dma_wait3A_253 = arith.constant 0 : i32
        %dma_wait3A_254 = tpu.memref_slice %arg9[%run_scoped3A_181, %dma_wait3A_252, %dma_wait3A_253] : memref<2x128x128xf32, #tpu.memory_space<vmem>> -> memref<1x128x128xf32, #tpu.memory_space<vmem>>
        %dma_wait3A_255 = tpu.memref_squeeze %dma_wait3A_254 : memref<1x128x128xf32, #tpu.memory_space<vmem>> -> memref<128x128xf32, #tpu.memory_space<vmem>>
        %dma_wait3A_256 = arith.constant 0 : i32
        %dma_wait3A_257 = tpu.memref_slice %arg8[%run_scoped3A_182, %dma_wait3A_256] : memref<32x128xi32, #tpu.memory_space<vmem>> -> memref<1x128xi32, #tpu.memory_space<vmem>>
        %dma_wait3A_258 = tpu.memref_squeeze %dma_wait3A_257 : memref<1x128xi32, #tpu.memory_space<vmem>> -> memref<128xi32, #tpu.memory_space<vmem>>
        %dma_wait3A_259 = arith.constant 0 : i32
        %dma_wait3A_260 = arith.constant 0 : i32
        %dma_wait3A_261 = tpu.memref_slice %arg10[%dma_wait3A_259, %dma_wait3A_260] : memref<10112x128xf32, #tpu.memory_space<vmem_shared>> -> memref<10112x128xf32, #tpu.memory_space<vmem_shared>>
        tpu.wait_indirect_dma semaphore(%run_scoped3A_241 : memref<!tpu.dma_semaphore, #tpu.memory_space<semaphore_mem>>) src(%dma_wait3A_255 : memref<128x128xf32, #tpu.memory_space<vmem>>) dst(%dma_wait3A_261 : memref<10112x128xf32, #tpu.memory_space<vmem_shared>>)
        tpu.yield
      }) : () -> ()
      "tpu.region"() ({
        %run_scoped3A_241 = tpu.sem_alloc : memref<!tpu.dma_semaphore, #tpu.memory_space<semaphore_mem>>
        %dma_start3A_242 = arith.constant 0 : i32
        %dma_start3A_243 = arith.constant 0 : i32
        %dma_start3A_244 = tpu.memref_slice %arg7[%dma_start3A_242, %dma_start3A_243] : memref<32x128xi32, #tpu.memory_space<vmem>> -> memref<32x128xi32, #tpu.memory_space<vmem>>
        %dma_start3A_245 = arith.constant 0 : i32
        %dma_start3A_246 = arith.constant 0 : i32
        %dma_start3A_247 = tpu.memref_slice %arg3[%arg1, %dma_start3A_245, %dma_start3A_246] : memref<16x160x128xi32, #tpu.memory_space<hbm>> -> memref<1x160x128xi32, #tpu.memory_space<hbm>>
        %dma_start3A_248 = tpu.memref_squeeze %dma_start3A_247 : memref<1x160x128xi32, #tpu.memory_space<hbm>> -> memref<160x128xi32, #tpu.memory_space<hbm>>
        %dma_start3A_249 = arith.constant 96 : i32
        %dma_start3A_250 = arith.constant 0 : i32
        %dma_start3A_251 = tpu.memref_slice %dma_start3A_248[%dma_start3A_249, %dma_start3A_250] : memref<160x128xi32, #tpu.memory_space<hbm>> -> memref<32x128xi32, #tpu.memory_space<hbm>>
        %dma_start3A_252 = arith.constant 0 : i32
        %dma_start3A_253 = arith.constant 0 : i32
        %dma_start3A_254 = tpu.memref_slice %arg7[%dma_start3A_252, %dma_start3A_253] : memref<32x128xi32, #tpu.memory_space<vmem>> -> memref<32x128xi32, #tpu.memory_space<vmem>>
        %dma_start3A_255 = arith.constant 0 : i32
        %dma_start3A_256 = arith.constant 0 : i32
        %dma_start3A_257 = tpu.memref_slice %arg3[%arg1, %dma_start3A_255, %dma_start3A_256] : memref<16x160x128xi32, #tpu.memory_space<hbm>> -> memref<1x160x128xi32, #tpu.memory_space<hbm>>
        %dma_start3A_258 = tpu.memref_squeeze %dma_start3A_257 : memref<1x160x128xi32, #tpu.memory_space<hbm>> -> memref<160x128xi32, #tpu.memory_space<hbm>>
        %dma_start3A_259 = arith.constant 96 : i32
        %dma_start3A_260 = arith.constant 0 : i32
        %dma_start3A_261 = tpu.memref_slice %dma_start3A_258[%dma_start3A_259, %dma_start3A_260] : memref<160x128xi32, #tpu.memory_space<hbm>> -> memref<32x128xi32, #tpu.memory_space<hbm>>
        tpu.enqueue_dma source(%dma_start3A_261 : memref<32x128xi32, #tpu.memory_space<hbm>>) target(%dma_start3A_254 : memref<32x128xi32, #tpu.memory_space<vmem>>) target_semaphore(%run_scoped3A_241 : memref<!tpu.dma_semaphore, #tpu.memory_space<semaphore_mem>>)
        %dma_wait3A_262 = arith.constant 0 : i32
        %dma_wait3A_263 = arith.constant 0 : i32
        %dma_wait3A_264 = tpu.memref_slice %arg7[%dma_wait3A_262, %dma_wait3A_263] : memref<32x128xi32, #tpu.memory_space<vmem>> -> memref<32x128xi32, #tpu.memory_space<vmem>>
        %dma_wait3A_265 = arith.constant 0 : i32
        %dma_wait3A_266 = arith.constant 0 : i32
        %dma_wait3A_267 = tpu.memref_slice %arg3[%arg1, %dma_wait3A_265, %dma_wait3A_266] : memref<16x160x128xi32, #tpu.memory_space<hbm>> -> memref<1x160x128xi32, #tpu.memory_space<hbm>>
        %dma_wait3A_268 = tpu.memref_squeeze %dma_wait3A_267 : memref<1x160x128xi32, #tpu.memory_space<hbm>> -> memref<160x128xi32, #tpu.memory_space<hbm>>
        %dma_wait3A_269 = arith.constant 96 : i32
        %dma_wait3A_270 = arith.constant 0 : i32
        %dma_wait3A_271 = tpu.memref_slice %dma_wait3A_268[%dma_wait3A_269, %dma_wait3A_270] : memref<160x128xi32, #tpu.memory_space<hbm>> -> memref<32x128xi32, #tpu.memory_space<hbm>>
        %dma_wait3A_272 = arith.constant 0 : i32
        %dma_wait3A_273 = arith.constant 0 : i32
        %dma_wait3A_274 = tpu.memref_slice %arg7[%dma_wait3A_272, %dma_wait3A_273] : memref<32x128xi32, #tpu.memory_space<vmem>> -> memref<32x128xi32, #tpu.memory_space<vmem>>
        %dma_wait3A_275 = arith.constant 0 : i32
        %dma_wait3A_276 = arith.constant 0 : i32
        %dma_wait3A_277 = tpu.memref_slice %arg3[%arg1, %dma_wait3A_275, %dma_wait3A_276] : memref<16x160x128xi32, #tpu.memory_space<hbm>> -> memref<1x160x128xi32, #tpu.memory_space<hbm>>
        %dma_wait3A_278 = tpu.memref_squeeze %dma_wait3A_277 : memref<1x160x128xi32, #tpu.memory_space<hbm>> -> memref<160x128xi32, #tpu.memory_space<hbm>>
        %dma_wait3A_279 = arith.constant 96 : i32
        %dma_wait3A_280 = arith.constant 0 : i32
        %dma_wait3A_281 = tpu.memref_slice %dma_wait3A_278[%dma_wait3A_279, %dma_wait3A_280] : memref<160x128xi32, #tpu.memory_space<hbm>> -> memref<32x128xi32, #tpu.memory_space<hbm>>
        tpu.wait_dma2 semaphore(%run_scoped3A_241 : memref<!tpu.dma_semaphore, #tpu.memory_space<semaphore_mem>>) src(%dma_wait3A_281 : memref<32x128xi32, #tpu.memory_space<hbm>>) dst(%dma_wait3A_274 : memref<32x128xi32, #tpu.memory_space<vmem>>)
        tpu.yield
      }) : () -> ()
      "tpu.region"() ({
        %run_scoped3A_241 = tpu.sem_alloc : memref<!tpu.dma_semaphore, #tpu.memory_space<semaphore_mem>>
        %dma_start3A_242 = arith.constant 0 : i32
        %dma_start3A_243 = arith.constant 0 : i32
        %dma_start3A_244 = tpu.memref_slice %arg8[%dma_start3A_242, %dma_start3A_243] : memref<32x128xi32, #tpu.memory_space<vmem>> -> memref<32x128xi32, #tpu.memory_space<vmem>>
        %dma_start3A_245 = arith.constant 0 : i32
        %dma_start3A_246 = arith.constant 0 : i32
        %dma_start3A_247 = tpu.memref_slice %arg4[%arg1, %dma_start3A_245, %dma_start3A_246] : memref<16x160x128xi32, #tpu.memory_space<hbm>> -> memref<1x160x128xi32, #tpu.memory_space<hbm>>
        %dma_start3A_248 = tpu.memref_squeeze %dma_start3A_247 : memref<1x160x128xi32, #tpu.memory_space<hbm>> -> memref<160x128xi32, #tpu.memory_space<hbm>>
        %dma_start3A_249 = arith.constant 96 : i32
        %dma_start3A_250 = arith.constant 0 : i32
        %dma_start3A_251 = tpu.memref_slice %dma_start3A_248[%dma_start3A_249, %dma_start3A_250] : memref<160x128xi32, #tpu.memory_space<hbm>> -> memref<32x128xi32, #tpu.memory_space<hbm>>
        %dma_start3A_252 = arith.constant 0 : i32
        %dma_start3A_253 = arith.constant 0 : i32
        %dma_start3A_254 = tpu.memref_slice %arg8[%dma_start3A_252, %dma_start3A_253] : memref<32x128xi32, #tpu.memory_space<vmem>> -> memref<32x128xi32, #tpu.memory_space<vmem>>
        %dma_start3A_255 = arith.constant 0 : i32
        %dma_start3A_256 = arith.constant 0 : i32
        %dma_start3A_257 = tpu.memref_slice %arg4[%arg1, %dma_start3A_255, %dma_start3A_256] : memref<16x160x128xi32, #tpu.memory_space<hbm>> -> memref<1x160x128xi32, #tpu.memory_space<hbm>>
        %dma_start3A_258 = tpu.memref_squeeze %dma_start3A_257 : memref<1x160x128xi32, #tpu.memory_space<hbm>> -> memref<160x128xi32, #tpu.memory_space<hbm>>
        %dma_start3A_259 = arith.constant 96 : i32
        %dma_start3A_260 = arith.constant 0 : i32
        %dma_start3A_261 = tpu.memref_slice %dma_start3A_258[%dma_start3A_259, %dma_start3A_260] : memref<160x128xi32, #tpu.memory_space<hbm>> -> memref<32x128xi32, #tpu.memory_space<hbm>>
        tpu.enqueue_dma source(%dma_start3A_261 : memref<32x128xi32, #tpu.memory_space<hbm>>) target(%dma_start3A_254 : memref<32x128xi32, #tpu.memory_space<vmem>>) target_semaphore(%run_scoped3A_241 : memref<!tpu.dma_semaphore, #tpu.memory_space<semaphore_mem>>)
        %dma_wait3A_262 = arith.constant 0 : i32
        %dma_wait3A_263 = arith.constant 0 : i32
        %dma_wait3A_264 = tpu.memref_slice %arg8[%dma_wait3A_262, %dma_wait3A_263] : memref<32x128xi32, #tpu.memory_space<vmem>> -> memref<32x128xi32, #tpu.memory_space<vmem>>
        %dma_wait3A_265 = arith.constant 0 : i32
        %dma_wait3A_266 = arith.constant 0 : i32
        %dma_wait3A_267 = tpu.memref_slice %arg4[%arg1, %dma_wait3A_265, %dma_wait3A_266] : memref<16x160x128xi32, #tpu.memory_space<hbm>> -> memref<1x160x128xi32, #tpu.memory_space<hbm>>
        %dma_wait3A_268 = tpu.memref_squeeze %dma_wait3A_267 : memref<1x160x128xi32, #tpu.memory_space<hbm>> -> memref<160x128xi32, #tpu.memory_space<hbm>>
        %dma_wait3A_269 = arith.constant 96 : i32
        %dma_wait3A_270 = arith.constant 0 : i32
        %dma_wait3A_271 = tpu.memref_slice %dma_wait3A_268[%dma_wait3A_269, %dma_wait3A_270] : memref<160x128xi32, #tpu.memory_space<hbm>> -> memref<32x128xi32, #tpu.memory_space<hbm>>
        %dma_wait3A_272 = arith.constant 0 : i32
        %dma_wait3A_273 = arith.constant 0 : i32
        %dma_wait3A_274 = tpu.memref_slice %arg8[%dma_wait3A_272, %dma_wait3A_273] : memref<32x128xi32, #tpu.memory_space<vmem>> -> memref<32x128xi32, #tpu.memory_space<vmem>>
        %dma_wait3A_275 = arith.constant 0 : i32
        %dma_wait3A_276 = arith.constant 0 : i32
        %dma_wait3A_277 = tpu.memref_slice %arg4[%arg1, %dma_wait3A_275, %dma_wait3A_276] : memref<16x160x128xi32, #tpu.memory_space<hbm>> -> memref<1x160x128xi32, #tpu.memory_space<hbm>>
        %dma_wait3A_278 = tpu.memref_squeeze %dma_wait3A_277 : memref<1x160x128xi32, #tpu.memory_space<hbm>> -> memref<160x128xi32, #tpu.memory_space<hbm>>
        %dma_wait3A_279 = arith.constant 96 : i32
        %dma_wait3A_280 = arith.constant 0 : i32
        %dma_wait3A_281 = tpu.memref_slice %dma_wait3A_278[%dma_wait3A_279, %dma_wait3A_280] : memref<160x128xi32, #tpu.memory_space<hbm>> -> memref<32x128xi32, #tpu.memory_space<hbm>>
        tpu.wait_dma2 semaphore(%run_scoped3A_241 : memref<!tpu.dma_semaphore, #tpu.memory_space<semaphore_mem>>) src(%dma_wait3A_281 : memref<32x128xi32, #tpu.memory_space<hbm>>) dst(%dma_wait3A_274 : memref<32x128xi32, #tpu.memory_space<vmem>>)
        tpu.yield
      }) : () -> ()
      %dma_start3A_183 = arith.constant 0 : i32
      %dma_start3A_184 = arith.constant 0 : i32
      %dma_start3A_185 = arith.constant 0 : i32
      %dma_start3A_186 = arith.constant 0 : i32
      %dma_start3A_187 = tpu.memref_slice %arg9[%dma_start3A_184, %dma_start3A_185, %dma_start3A_186] : memref<2x128x128xf32, #tpu.memory_space<vmem>> -> memref<1x128x128xf32, #tpu.memory_space<vmem>>
      %dma_start3A_188 = tpu.memref_squeeze %dma_start3A_187 : memref<1x128x128xf32, #tpu.memory_space<vmem>> -> memref<128x128xf32, #tpu.memory_space<vmem>>
      %dma_start3A_189 = arith.constant 0 : i32
      %dma_start3A_190 = tpu.memref_slice %arg7[%dma_start3A_183, %dma_start3A_189] : memref<32x128xi32, #tpu.memory_space<vmem>> -> memref<1x128xi32, #tpu.memory_space<vmem>>
      %dma_start3A_191 = tpu.memref_squeeze %dma_start3A_190 : memref<1x128xi32, #tpu.memory_space<vmem>> -> memref<128xi32, #tpu.memory_space<vmem>>
      %dma_start3A_192 = arith.constant 0 : i32
      %dma_start3A_193 = arith.constant 0 : i32
      %dma_start3A_194 = tpu.memref_slice %arg2[%dma_start3A_192, %dma_start3A_193] : memref<10000x128xf32, #tpu.memory_space<hbm>> -> memref<10000x128xf32, #tpu.memory_space<hbm>>
      tpu.enqueue_indirect_dma source(%dma_start3A_194 : memref<10000x128xf32, #tpu.memory_space<hbm>>) target(%dma_start3A_188 : memref<128x128xf32, #tpu.memory_space<vmem>>) offsets(%dma_start3A_191 : memref<128xi32, #tpu.memory_space<vmem>>) semaphore(%arg11 : memref<!tpu.dma_semaphore, #tpu.memory_space<semaphore_mem>>)
      %dma_start3A_195 = arith.constant 1 : i32
      %dma_start3A_196 = arith.constant 1 : i32
      %dma_start3A_197 = arith.constant 0 : i32
      %dma_start3A_198 = arith.constant 0 : i32
      %dma_start3A_199 = tpu.memref_slice %arg9[%dma_start3A_196, %dma_start3A_197, %dma_start3A_198] : memref<2x128x128xf32, #tpu.memory_space<vmem>> -> memref<1x128x128xf32, #tpu.memory_space<vmem>>
      %dma_start3A_200 = tpu.memref_squeeze %dma_start3A_199 : memref<1x128x128xf32, #tpu.memory_space<vmem>> -> memref<128x128xf32, #tpu.memory_space<vmem>>
      %dma_start3A_201 = arith.constant 0 : i32
      %dma_start3A_202 = tpu.memref_slice %arg7[%dma_start3A_195, %dma_start3A_201] : memref<32x128xi32, #tpu.memory_space<vmem>> -> memref<1x128xi32, #tpu.memory_space<vmem>>
      %dma_start3A_203 = tpu.memref_squeeze %dma_start3A_202 : memref<1x128xi32, #tpu.memory_space<vmem>> -> memref<128xi32, #tpu.memory_space<vmem>>
      %dma_start3A_204 = arith.constant 0 : i32
      %dma_start3A_205 = arith.constant 0 : i32
      %dma_start3A_206 = tpu.memref_slice %arg2[%dma_start3A_204, %dma_start3A_205] : memref<10000x128xf32, #tpu.memory_space<hbm>> -> memref<10000x128xf32, #tpu.memory_space<hbm>>
      tpu.enqueue_indirect_dma source(%dma_start3A_206 : memref<10000x128xf32, #tpu.memory_space<hbm>>) target(%dma_start3A_200 : memref<128x128xf32, #tpu.memory_space<vmem>>) offsets(%dma_start3A_203 : memref<128xi32, #tpu.memory_space<vmem>>) semaphore(%arg12 : memref<!tpu.dma_semaphore, #tpu.memory_space<semaphore_mem>>)
      %scan3A_207 = arith.constant 0 : i32
      %scan3A_208 = arith.constant 0 : i32
      %scan3A_209 = arith.constant 15 : i32
      %scan3A_210 = arith.addi %scan3A_208, %scan3A_209 : i32
      %scan3A_211 = arith.constant 1 : i32
      scf.for %scan3A_241 = %scan3A_208 to %scan3A_210 step %scan3A_211  : i32 {
        %mul3A_242 = arith.constant 2 : i32
        %mul3A_243 = arith.muli %mul3A_242, %scan3A_241 : i32
        %dma_wait3A_244 = arith.constant 0 : i32
        %dma_wait3A_245 = arith.constant 0 : i32
        %dma_wait3A_246 = arith.constant 0 : i32
        %dma_wait3A_247 = tpu.memref_slice %arg9[%dma_wait3A_244, %dma_wait3A_245, %dma_wait3A_246] : memref<2x128x128xf32, #tpu.memory_space<vmem>> -> memref<1x128x128xf32, #tpu.memory_space<vmem>>
        %dma_wait3A_248 = tpu.memref_squeeze %dma_wait3A_247 : memref<1x128x128xf32, #tpu.memory_space<vmem>> -> memref<128x128xf32, #tpu.memory_space<vmem>>
        %dma_wait3A_249 = arith.constant 0 : i32
        %dma_wait3A_250 = tpu.memref_slice %arg7[%mul3A_243, %dma_wait3A_249] : memref<32x128xi32, #tpu.memory_space<vmem>> -> memref<1x128xi32, #tpu.memory_space<vmem>>
        %dma_wait3A_251 = tpu.memref_squeeze %dma_wait3A_250 : memref<1x128xi32, #tpu.memory_space<vmem>> -> memref<128xi32, #tpu.memory_space<vmem>>
        %dma_wait3A_252 = arith.constant 0 : i32
        %dma_wait3A_253 = arith.constant 0 : i32
        %dma_wait3A_254 = tpu.memref_slice %arg2[%dma_wait3A_252, %dma_wait3A_253] : memref<10000x128xf32, #tpu.memory_space<hbm>> -> memref<10000x128xf32, #tpu.memory_space<hbm>>
        tpu.wait_indirect_dma semaphore(%arg11 : memref<!tpu.dma_semaphore, #tpu.memory_space<semaphore_mem>>) src(%dma_wait3A_254 : memref<10000x128xf32, #tpu.memory_space<hbm>>) dst(%dma_wait3A_248 : memref<128x128xf32, #tpu.memory_space<vmem>>)
        %run_scoped3A_255 = arith.constant 0 : i32
        "tpu.region"() ({
          %run_scoped3A_297 = tpu.sem_alloc : memref<!tpu.dma_semaphore, #tpu.memory_space<semaphore_mem>>
          %dma_start3A_298 = arith.constant 0 : i32
          %dma_start3A_299 = arith.constant 0 : i32
          %dma_start3A_300 = tpu.memref_slice %arg9[%run_scoped3A_255, %dma_start3A_298, %dma_start3A_299] : memref<2x128x128xf32, #tpu.memory_space<vmem>> -> memref<1x128x128xf32, #tpu.memory_space<vmem>>
          %dma_start3A_301 = tpu.memref_squeeze %dma_start3A_300 : memref<1x128x128xf32, #tpu.memory_space<vmem>> -> memref<128x128xf32, #tpu.memory_space<vmem>>
          %dma_start3A_302 = arith.constant 0 : i32
          %dma_start3A_303 = tpu.memref_slice %arg8[%mul3A_243, %dma_start3A_302] : memref<32x128xi32, #tpu.memory_space<vmem>> -> memref<1x128xi32, #tpu.memory_space<vmem>>
          %dma_start3A_304 = tpu.memref_squeeze %dma_start3A_303 : memref<1x128xi32, #tpu.memory_space<vmem>> -> memref<128xi32, #tpu.memory_space<vmem>>
          %dma_start3A_305 = arith.constant 0 : i32
          %dma_start3A_306 = arith.constant 0 : i32
          %dma_start3A_307 = tpu.memref_slice %arg10[%dma_start3A_305, %dma_start3A_306] : memref<10112x128xf32, #tpu.memory_space<vmem_shared>> -> memref<10112x128xf32, #tpu.memory_space<vmem_shared>>
          tpu.enqueue_indirect_dma source(%dma_start3A_301 : memref<128x128xf32, #tpu.memory_space<vmem>>) target(%dma_start3A_307 : memref<10112x128xf32, #tpu.memory_space<vmem_shared>>) offsets(%dma_start3A_304 : memref<128xi32, #tpu.memory_space<vmem>>) semaphore(%run_scoped3A_297 : memref<!tpu.dma_semaphore, #tpu.memory_space<semaphore_mem>>) {add = true}
          %dma_wait3A_308 = arith.constant 0 : i32
          %dma_wait3A_309 = arith.constant 0 : i32
          %dma_wait3A_310 = tpu.memref_slice %arg9[%run_scoped3A_255, %dma_wait3A_308, %dma_wait3A_309] : memref<2x128x128xf32, #tpu.memory_space<vmem>> -> memref<1x128x128xf32, #tpu.memory_space<vmem>>
          %dma_wait3A_311 = tpu.memref_squeeze %dma_wait3A_310 : memref<1x128x128xf32, #tpu.memory_space<vmem>> -> memref<128x128xf32, #tpu.memory_space<vmem>>
          %dma_wait3A_312 = arith.constant 0 : i32
          %dma_wait3A_313 = tpu.memref_slice %arg8[%mul3A_243, %dma_wait3A_312] : memref<32x128xi32, #tpu.memory_space<vmem>> -> memref<1x128xi32, #tpu.memory_space<vmem>>
          %dma_wait3A_314 = tpu.memref_squeeze %dma_wait3A_313 : memref<1x128xi32, #tpu.memory_space<vmem>> -> memref<128xi32, #tpu.memory_space<vmem>>
          %dma_wait3A_315 = arith.constant 0 : i32
          %dma_wait3A_316 = arith.constant 0 : i32
          %dma_wait3A_317 = tpu.memref_slice %arg10[%dma_wait3A_315, %dma_wait3A_316] : memref<10112x128xf32, #tpu.memory_space<vmem_shared>> -> memref<10112x128xf32, #tpu.memory_space<vmem_shared>>
          tpu.wait_indirect_dma semaphore(%run_scoped3A_297 : memref<!tpu.dma_semaphore, #tpu.memory_space<semaphore_mem>>) src(%dma_wait3A_311 : memref<128x128xf32, #tpu.memory_space<vmem>>) dst(%dma_wait3A_317 : memref<10112x128xf32, #tpu.memory_space<vmem_shared>>)
          tpu.yield
        }) : () -> ()
        %add3A = arith.constant 2 : i32
        %add3A_256 = arith.addi %mul3A_243, %add3A : i32
        %dma_start3A_257 = arith.constant 0 : i32
        %dma_start3A_258 = arith.constant 0 : i32
        %dma_start3A_259 = arith.constant 0 : i32
        %dma_start3A_260 = tpu.memref_slice %arg9[%dma_start3A_257, %dma_start3A_258, %dma_start3A_259] : memref<2x128x128xf32, #tpu.memory_space<vmem>> -> memref<1x128x128xf32, #tpu.memory_space<vmem>>
        %dma_start3A_261 = tpu.memref_squeeze %dma_start3A_260 : memref<1x128x128xf32, #tpu.memory_space<vmem>> -> memref<128x128xf32, #tpu.memory_space<vmem>>
        %dma_start3A_262 = arith.constant 0 : i32
        %dma_start3A_263 = tpu.memref_slice %arg7[%add3A_256, %dma_start3A_262] : memref<32x128xi32, #tpu.memory_space<vmem>> -> memref<1x128xi32, #tpu.memory_space<vmem>>
        %dma_start3A_264 = tpu.memref_squeeze %dma_start3A_263 : memref<1x128xi32, #tpu.memory_space<vmem>> -> memref<128xi32, #tpu.memory_space<vmem>>
        %dma_start3A_265 = arith.constant 0 : i32
        %dma_start3A_266 = arith.constant 0 : i32
        %dma_start3A_267 = tpu.memref_slice %arg2[%dma_start3A_265, %dma_start3A_266] : memref<10000x128xf32, #tpu.memory_space<hbm>> -> memref<10000x128xf32, #tpu.memory_space<hbm>>
        tpu.enqueue_indirect_dma source(%dma_start3A_267 : memref<10000x128xf32, #tpu.memory_space<hbm>>) target(%dma_start3A_261 : memref<128x128xf32, #tpu.memory_space<vmem>>) offsets(%dma_start3A_264 : memref<128xi32, #tpu.memory_space<vmem>>) semaphore(%arg11 : memref<!tpu.dma_semaphore, #tpu.memory_space<semaphore_mem>>)
        %add3A_268 = arith.constant 1 : i32
        %add3A_269 = arith.addi %mul3A_243, %add3A_268 : i32
        %dma_wait3A_270 = arith.constant 1 : i32
        %dma_wait3A_271 = arith.constant 0 : i32
        %dma_wait3A_272 = arith.constant 0 : i32
        %dma_wait3A_273 = tpu.memref_slice %arg9[%dma_wait3A_270, %dma_wait3A_271, %dma_wait3A_272] : memref<2x128x128xf32, #tpu.memory_space<vmem>> -> memref<1x128x128xf32, #tpu.memory_space<vmem>>
        %dma_wait3A_274 = tpu.memref_squeeze %dma_wait3A_273 : memref<1x128x128xf32, #tpu.memory_space<vmem>> -> memref<128x128xf32, #tpu.memory_space<vmem>>
        %dma_wait3A_275 = arith.constant 0 : i32
        %dma_wait3A_276 = tpu.memref_slice %arg7[%add3A_269, %dma_wait3A_275] : memref<32x128xi32, #tpu.memory_space<vmem>> -> memref<1x128xi32, #tpu.memory_space<vmem>>
        %dma_wait3A_277 = tpu.memref_squeeze %dma_wait3A_276 : memref<1x128xi32, #tpu.memory_space<vmem>> -> memref<128xi32, #tpu.memory_space<vmem>>
        %dma_wait3A_278 = arith.constant 0 : i32
        %dma_wait3A_279 = arith.constant 0 : i32
        %dma_wait3A_280 = tpu.memref_slice %arg2[%dma_wait3A_278, %dma_wait3A_279] : memref<10000x128xf32, #tpu.memory_space<hbm>> -> memref<10000x128xf32, #tpu.memory_space<hbm>>
        tpu.wait_indirect_dma semaphore(%arg12 : memref<!tpu.dma_semaphore, #tpu.memory_space<semaphore_mem>>) src(%dma_wait3A_280 : memref<10000x128xf32, #tpu.memory_space<hbm>>) dst(%dma_wait3A_274 : memref<128x128xf32, #tpu.memory_space<vmem>>)
        %add3A_281 = arith.constant 1 : i32
        %add3A_282 = arith.addi %mul3A_243, %add3A_281 : i32
        %run_scoped3A_283 = arith.constant 1 : i32
        "tpu.region"() ({
          %run_scoped3A_297 = tpu.sem_alloc : memref<!tpu.dma_semaphore, #tpu.memory_space<semaphore_mem>>
          %dma_start3A_298 = arith.constant 0 : i32
          %dma_start3A_299 = arith.constant 0 : i32
          %dma_start3A_300 = tpu.memref_slice %arg9[%run_scoped3A_283, %dma_start3A_298, %dma_start3A_299] : memref<2x128x128xf32, #tpu.memory_space<vmem>> -> memref<1x128x128xf32, #tpu.memory_space<vmem>>
          %dma_start3A_301 = tpu.memref_squeeze %dma_start3A_300 : memref<1x128x128xf32, #tpu.memory_space<vmem>> -> memref<128x128xf32, #tpu.memory_space<vmem>>
          %dma_start3A_302 = arith.constant 0 : i32
          %dma_start3A_303 = tpu.memref_slice %arg8[%add3A_282, %dma_start3A_302] : memref<32x128xi32, #tpu.memory_space<vmem>> -> memref<1x128xi32, #tpu.memory_space<vmem>>
          %dma_start3A_304 = tpu.memref_squeeze %dma_start3A_303 : memref<1x128xi32, #tpu.memory_space<vmem>> -> memref<128xi32, #tpu.memory_space<vmem>>
          %dma_start3A_305 = arith.constant 0 : i32
          %dma_start3A_306 = arith.constant 0 : i32
          %dma_start3A_307 = tpu.memref_slice %arg10[%dma_start3A_305, %dma_start3A_306] : memref<10112x128xf32, #tpu.memory_space<vmem_shared>> -> memref<10112x128xf32, #tpu.memory_space<vmem_shared>>
          tpu.enqueue_indirect_dma source(%dma_start3A_301 : memref<128x128xf32, #tpu.memory_space<vmem>>) target(%dma_start3A_307 : memref<10112x128xf32, #tpu.memory_space<vmem_shared>>) offsets(%dma_start3A_304 : memref<128xi32, #tpu.memory_space<vmem>>) semaphore(%run_scoped3A_297 : memref<!tpu.dma_semaphore, #tpu.memory_space<semaphore_mem>>) {add = true}
          %dma_wait3A_308 = arith.constant 0 : i32
          %dma_wait3A_309 = arith.constant 0 : i32
          %dma_wait3A_310 = tpu.memref_slice %arg9[%run_scoped3A_283, %dma_wait3A_308, %dma_wait3A_309] : memref<2x128x128xf32, #tpu.memory_space<vmem>> -> memref<1x128x128xf32, #tpu.memory_space<vmem>>
          %dma_wait3A_311 = tpu.memref_squeeze %dma_wait3A_310 : memref<1x128x128xf32, #tpu.memory_space<vmem>> -> memref<128x128xf32, #tpu.memory_space<vmem>>
          %dma_wait3A_312 = arith.constant 0 : i32
          %dma_wait3A_313 = tpu.memref_slice %arg8[%add3A_282, %dma_wait3A_312] : memref<32x128xi32, #tpu.memory_space<vmem>> -> memref<1x128xi32, #tpu.memory_space<vmem>>
          %dma_wait3A_314 = tpu.memref_squeeze %dma_wait3A_313 : memref<1x128xi32, #tpu.memory_space<vmem>> -> memref<128xi32, #tpu.memory_space<vmem>>
          %dma_wait3A_315 = arith.constant 0 : i32
          %dma_wait3A_316 = arith.constant 0 : i32
          %dma_wait3A_317 = tpu.memref_slice %arg10[%dma_wait3A_315, %dma_wait3A_316] : memref<10112x128xf32, #tpu.memory_space<vmem_shared>> -> memref<10112x128xf32, #tpu.memory_space<vmem_shared>>
          tpu.wait_indirect_dma semaphore(%run_scoped3A_297 : memref<!tpu.dma_semaphore, #tpu.memory_space<semaphore_mem>>) src(%dma_wait3A_311 : memref<128x128xf32, #tpu.memory_space<vmem>>) dst(%dma_wait3A_317 : memref<10112x128xf32, #tpu.memory_space<vmem_shared>>)
          tpu.yield
        }) : () -> ()
        %add3A_284 = arith.constant 3 : i32
        %add3A_285 = arith.addi %mul3A_243, %add3A_284 : i32
        %dma_start3A_286 = arith.constant 1 : i32
        %dma_start3A_287 = arith.constant 0 : i32
        %dma_start3A_288 = arith.constant 0 : i32
        %dma_start3A_289 = tpu.memref_slice %arg9[%dma_start3A_286, %dma_start3A_287, %dma_start3A_288] : memref<2x128x128xf32, #tpu.memory_space<vmem>> -> memref<1x128x128xf32, #tpu.memory_space<vmem>>
        %dma_start3A_290 = tpu.memref_squeeze %dma_start3A_289 : memref<1x128x128xf32, #tpu.memory_space<vmem>> -> memref<128x128xf32, #tpu.memory_space<vmem>>
        %dma_start3A_291 = arith.constant 0 : i32
        %dma_start3A_292 = tpu.memref_slice %arg7[%add3A_285, %dma_start3A_291] : memref<32x128xi32, #tpu.memory_space<vmem>> -> memref<1x128xi32, #tpu.memory_space<vmem>>
        %dma_start3A_293 = tpu.memref_squeeze %dma_start3A_292 : memref<1x128xi32, #tpu.memory_space<vmem>> -> memref<128xi32, #tpu.memory_space<vmem>>
        %dma_start3A_294 = arith.constant 0 : i32
        %dma_start3A_295 = arith.constant 0 : i32
        %dma_start3A_296 = tpu.memref_slice %arg2[%dma_start3A_294, %dma_start3A_295] : memref<10000x128xf32, #tpu.memory_space<hbm>> -> memref<10000x128xf32, #tpu.memory_space<hbm>>
        tpu.enqueue_indirect_dma source(%dma_start3A_296 : memref<10000x128xf32, #tpu.memory_space<hbm>>) target(%dma_start3A_290 : memref<128x128xf32, #tpu.memory_space<vmem>>) offsets(%dma_start3A_293 : memref<128xi32, #tpu.memory_space<vmem>>) semaphore(%arg12 : memref<!tpu.dma_semaphore, #tpu.memory_space<semaphore_mem>>)
      }
      %scan3A_212 = arith.constant 15 : i32
      %dma_wait3A_213 = arith.constant 30 : i32
      %dma_wait3A_214 = arith.constant 0 : i32
      %dma_wait3A_215 = arith.constant 0 : i32
      %dma_wait3A_216 = arith.constant 0 : i32
      %dma_wait3A_217 = tpu.memref_slice %arg9[%dma_wait3A_214, %dma_wait3A_215, %dma_wait3A_216] : memref<2x128x128xf32, #tpu.memory_space<vmem>> -> memref<1x128x128xf32, #tpu.memory_space<vmem>>
      %dma_wait3A_218 = tpu.memref_squeeze %dma_wait3A_217 : memref<1x128x128xf32, #tpu.memory_space<vmem>> -> memref<128x128xf32, #tpu.memory_space<vmem>>
      %dma_wait3A_219 = arith.constant 0 : i32
      %dma_wait3A_220 = tpu.memref_slice %arg7[%dma_wait3A_213, %dma_wait3A_219] : memref<32x128xi32, #tpu.memory_space<vmem>> -> memref<1x128xi32, #tpu.memory_space<vmem>>
      %dma_wait3A_221 = tpu.memref_squeeze %dma_wait3A_220 : memref<1x128xi32, #tpu.memory_space<vmem>> -> memref<128xi32, #tpu.memory_space<vmem>>
      %dma_wait3A_222 = arith.constant 0 : i32
      %dma_wait3A_223 = arith.constant 0 : i32
      %dma_wait3A_224 = tpu.memref_slice %arg2[%dma_wait3A_222, %dma_wait3A_223] : memref<10000x128xf32, #tpu.memory_space<hbm>> -> memref<10000x128xf32, #tpu.memory_space<hbm>>
      tpu.wait_indirect_dma semaphore(%arg11 : memref<!tpu.dma_semaphore, #tpu.memory_space<semaphore_mem>>) src(%dma_wait3A_224 : memref<10000x128xf32, #tpu.memory_space<hbm>>) dst(%dma_wait3A_218 : memref<128x128xf32, #tpu.memory_space<vmem>>)
      %run_scoped3A_225 = arith.constant 0 : i32
      %run_scoped3A_226 = arith.constant 30 : i32
      "tpu.region"() ({
        %run_scoped3A_241 = tpu.sem_alloc : memref<!tpu.dma_semaphore, #tpu.memory_space<semaphore_mem>>
        %dma_start3A_242 = arith.constant 0 : i32
        %dma_start3A_243 = arith.constant 0 : i32
        %dma_start3A_244 = tpu.memref_slice %arg9[%run_scoped3A_225, %dma_start3A_242, %dma_start3A_243] : memref<2x128x128xf32, #tpu.memory_space<vmem>> -> memref<1x128x128xf32, #tpu.memory_space<vmem>>
        %dma_start3A_245 = tpu.memref_squeeze %dma_start3A_244 : memref<1x128x128xf32, #tpu.memory_space<vmem>> -> memref<128x128xf32, #tpu.memory_space<vmem>>
        %dma_start3A_246 = arith.constant 0 : i32
        %dma_start3A_247 = tpu.memref_slice %arg8[%run_scoped3A_226, %dma_start3A_246] : memref<32x128xi32, #tpu.memory_space<vmem>> -> memref<1x128xi32, #tpu.memory_space<vmem>>
        %dma_start3A_248 = tpu.memref_squeeze %dma_start3A_247 : memref<1x128xi32, #tpu.memory_space<vmem>> -> memref<128xi32, #tpu.memory_space<vmem>>
        %dma_start3A_249 = arith.constant 0 : i32
        %dma_start3A_250 = arith.constant 0 : i32
        %dma_start3A_251 = tpu.memref_slice %arg10[%dma_start3A_249, %dma_start3A_250] : memref<10112x128xf32, #tpu.memory_space<vmem_shared>> -> memref<10112x128xf32, #tpu.memory_space<vmem_shared>>
        tpu.enqueue_indirect_dma source(%dma_start3A_245 : memref<128x128xf32, #tpu.memory_space<vmem>>) target(%dma_start3A_251 : memref<10112x128xf32, #tpu.memory_space<vmem_shared>>) offsets(%dma_start3A_248 : memref<128xi32, #tpu.memory_space<vmem>>) semaphore(%run_scoped3A_241 : memref<!tpu.dma_semaphore, #tpu.memory_space<semaphore_mem>>) {add = true}
        %dma_wait3A_252 = arith.constant 0 : i32
        %dma_wait3A_253 = arith.constant 0 : i32
        %dma_wait3A_254 = tpu.memref_slice %arg9[%run_scoped3A_225, %dma_wait3A_252, %dma_wait3A_253] : memref<2x128x128xf32, #tpu.memory_space<vmem>> -> memref<1x128x128xf32, #tpu.memory_space<vmem>>
        %dma_wait3A_255 = tpu.memref_squeeze %dma_wait3A_254 : memref<1x128x128xf32, #tpu.memory_space<vmem>> -> memref<128x128xf32, #tpu.memory_space<vmem>>
        %dma_wait3A_256 = arith.constant 0 : i32
        %dma_wait3A_257 = tpu.memref_slice %arg8[%run_scoped3A_226, %dma_wait3A_256] : memref<32x128xi32, #tpu.memory_space<vmem>> -> memref<1x128xi32, #tpu.memory_space<vmem>>
        %dma_wait3A_258 = tpu.memref_squeeze %dma_wait3A_257 : memref<1x128xi32, #tpu.memory_space<vmem>> -> memref<128xi32, #tpu.memory_space<vmem>>
        %dma_wait3A_259 = arith.constant 0 : i32
        %dma_wait3A_260 = arith.constant 0 : i32
        %dma_wait3A_261 = tpu.memref_slice %arg10[%dma_wait3A_259, %dma_wait3A_260] : memref<10112x128xf32, #tpu.memory_space<vmem_shared>> -> memref<10112x128xf32, #tpu.memory_space<vmem_shared>>
        tpu.wait_indirect_dma semaphore(%run_scoped3A_241 : memref<!tpu.dma_semaphore, #tpu.memory_space<semaphore_mem>>) src(%dma_wait3A_255 : memref<128x128xf32, #tpu.memory_space<vmem>>) dst(%dma_wait3A_261 : memref<10112x128xf32, #tpu.memory_space<vmem_shared>>)
        tpu.yield
      }) : () -> ()
      %dma_wait3A_227 = arith.constant 31 : i32
      %dma_wait3A_228 = arith.constant 1 : i32
      %dma_wait3A_229 = arith.constant 0 : i32
      %dma_wait3A_230 = arith.constant 0 : i32
      %dma_wait3A_231 = tpu.memref_slice %arg9[%dma_wait3A_228, %dma_wait3A_229, %dma_wait3A_230] : memref<2x128x128xf32, #tpu.memory_space<vmem>> -> memref<1x128x128xf32, #tpu.memory_space<vmem>>
      %dma_wait3A_232 = tpu.memref_squeeze %dma_wait3A_231 : memref<1x128x128xf32, #tpu.memory_space<vmem>> -> memref<128x128xf32, #tpu.memory_space<vmem>>
      %dma_wait3A_233 = arith.constant 0 : i32
      %dma_wait3A_234 = tpu.memref_slice %arg7[%dma_wait3A_227, %dma_wait3A_233] : memref<32x128xi32, #tpu.memory_space<vmem>> -> memref<1x128xi32, #tpu.memory_space<vmem>>
      %dma_wait3A_235 = tpu.memref_squeeze %dma_wait3A_234 : memref<1x128xi32, #tpu.memory_space<vmem>> -> memref<128xi32, #tpu.memory_space<vmem>>
      %dma_wait3A_236 = arith.constant 0 : i32
      %dma_wait3A_237 = arith.constant 0 : i32
      %dma_wait3A_238 = tpu.memref_slice %arg2[%dma_wait3A_236, %dma_wait3A_237] : memref<10000x128xf32, #tpu.memory_space<hbm>> -> memref<10000x128xf32, #tpu.memory_space<hbm>>
      tpu.wait_indirect_dma semaphore(%arg12 : memref<!tpu.dma_semaphore, #tpu.memory_space<semaphore_mem>>) src(%dma_wait3A_238 : memref<10000x128xf32, #tpu.memory_space<hbm>>) dst(%dma_wait3A_232 : memref<128x128xf32, #tpu.memory_space<vmem>>)
      %run_scoped3A_239 = arith.constant 1 : i32
      %run_scoped3A_240 = arith.constant 31 : i32
      "tpu.region"() ({
        %run_scoped3A_241 = tpu.sem_alloc : memref<!tpu.dma_semaphore, #tpu.memory_space<semaphore_mem>>
        %dma_start3A_242 = arith.constant 0 : i32
        %dma_start3A_243 = arith.constant 0 : i32
        %dma_start3A_244 = tpu.memref_slice %arg9[%run_scoped3A_239, %dma_start3A_242, %dma_start3A_243] : memref<2x128x128xf32, #tpu.memory_space<vmem>> -> memref<1x128x128xf32, #tpu.memory_space<vmem>>
        %dma_start3A_245 = tpu.memref_squeeze %dma_start3A_244 : memref<1x128x128xf32, #tpu.memory_space<vmem>> -> memref<128x128xf32, #tpu.memory_space<vmem>>
        %dma_start3A_246 = arith.constant 0 : i32
        %dma_start3A_247 = tpu.memref_slice %arg8[%run_scoped3A_240, %dma_start3A_246] : memref<32x128xi32, #tpu.memory_space<vmem>> -> memref<1x128xi32, #tpu.memory_space<vmem>>
        %dma_start3A_248 = tpu.memref_squeeze %dma_start3A_247 : memref<1x128xi32, #tpu.memory_space<vmem>> -> memref<128xi32, #tpu.memory_space<vmem>>
        %dma_start3A_249 = arith.constant 0 : i32
        %dma_start3A_250 = arith.constant 0 : i32
        %dma_start3A_251 = tpu.memref_slice %arg10[%dma_start3A_249, %dma_start3A_250] : memref<10112x128xf32, #tpu.memory_space<vmem_shared>> -> memref<10112x128xf32, #tpu.memory_space<vmem_shared>>
        tpu.enqueue_indirect_dma source(%dma_start3A_245 : memref<128x128xf32, #tpu.memory_space<vmem>>) target(%dma_start3A_251 : memref<10112x128xf32, #tpu.memory_space<vmem_shared>>) offsets(%dma_start3A_248 : memref<128xi32, #tpu.memory_space<vmem>>) semaphore(%run_scoped3A_241 : memref<!tpu.dma_semaphore, #tpu.memory_space<semaphore_mem>>) {add = true}
        %dma_wait3A_252 = arith.constant 0 : i32
        %dma_wait3A_253 = arith.constant 0 : i32
        %dma_wait3A_254 = tpu.memref_slice %arg9[%run_scoped3A_239, %dma_wait3A_252, %dma_wait3A_253] : memref<2x128x128xf32, #tpu.memory_space<vmem>> -> memref<1x128x128xf32, #tpu.memory_space<vmem>>
        %dma_wait3A_255 = tpu.memref_squeeze %dma_wait3A_254 : memref<1x128x128xf32, #tpu.memory_space<vmem>> -> memref<128x128xf32, #tpu.memory_space<vmem>>
        %dma_wait3A_256 = arith.constant 0 : i32
        %dma_wait3A_257 = tpu.memref_slice %arg8[%run_scoped3A_240, %dma_wait3A_256] : memref<32x128xi32, #tpu.memory_space<vmem>> -> memref<1x128xi32, #tpu.memory_space<vmem>>
        %dma_wait3A_258 = tpu.memref_squeeze %dma_wait3A_257 : memref<1x128xi32, #tpu.memory_space<vmem>> -> memref<128xi32, #tpu.memory_space<vmem>>
        %dma_wait3A_259 = arith.constant 0 : i32
        %dma_wait3A_260 = arith.constant 0 : i32
        %dma_wait3A_261 = tpu.memref_slice %arg10[%dma_wait3A_259, %dma_wait3A_260] : memref<10112x128xf32, #tpu.memory_space<vmem_shared>> -> memref<10112x128xf32, #tpu.memory_space<vmem_shared>>
        tpu.wait_indirect_dma semaphore(%run_scoped3A_241 : memref<!tpu.dma_semaphore, #tpu.memory_space<semaphore_mem>>) src(%dma_wait3A_255 : memref<128x128xf32, #tpu.memory_space<vmem>>) dst(%dma_wait3A_261 : memref<10112x128xf32, #tpu.memory_space<vmem_shared>>)
        tpu.yield
      }) : () -> ()
    } else {
    }
    %eq3A_3 = arith.constant 1 : i32
    %eq3A_4 = arith.cmpi eq, %arg0, %eq3A_3 : i32
    %convert_element_type3A_5 = arith.extui %eq3A_4 : i1 to i32
    %cond3A_6 = arith.constant 0 : i32
    %cond3A_7 = arith.cmpi ne, %convert_element_type3A_5, %cond3A_6 : i32
    scf.if %cond3A_7 {
      "tpu.region"() ({
        %run_scoped3A_67 = tpu.sem_alloc : memref<!tpu.dma_semaphore, #tpu.memory_space<semaphore_mem>>
        %dma_start3A_68 = arith.constant 0 : i32
        %dma_start3A_69 = arith.constant 0 : i32
        %dma_start3A_70 = tpu.memref_slice %arg7[%dma_start3A_68, %dma_start3A_69] : memref<32x128xi32, #tpu.memory_space<vmem>> -> memref<32x128xi32, #tpu.memory_space<vmem>>
        %dma_start3A_71 = arith.constant 0 : i32
        %dma_start3A_72 = arith.constant 0 : i32
        %dma_start3A_73 = tpu.memref_slice %arg3[%arg1, %dma_start3A_71, %dma_start3A_72] : memref<16x160x128xi32, #tpu.memory_space<hbm>> -> memref<1x160x128xi32, #tpu.memory_space<hbm>>
        %dma_start3A_74 = tpu.memref_squeeze %dma_start3A_73 : memref<1x160x128xi32, #tpu.memory_space<hbm>> -> memref<160x128xi32, #tpu.memory_space<hbm>>
        %dma_start3A_75 = arith.constant 128 : i32
        %dma_start3A_76 = arith.constant 0 : i32
        %dma_start3A_77 = tpu.memref_slice %dma_start3A_74[%dma_start3A_75, %dma_start3A_76] : memref<160x128xi32, #tpu.memory_space<hbm>> -> memref<32x128xi32, #tpu.memory_space<hbm>>
        %dma_start3A_78 = arith.constant 0 : i32
        %dma_start3A_79 = arith.constant 0 : i32
        %dma_start3A_80 = tpu.memref_slice %arg7[%dma_start3A_78, %dma_start3A_79] : memref<32x128xi32, #tpu.memory_space<vmem>> -> memref<32x128xi32, #tpu.memory_space<vmem>>
        %dma_start3A_81 = arith.constant 0 : i32
        %dma_start3A_82 = arith.constant 0 : i32
        %dma_start3A_83 = tpu.memref_slice %arg3[%arg1, %dma_start3A_81, %dma_start3A_82] : memref<16x160x128xi32, #tpu.memory_space<hbm>> -> memref<1x160x128xi32, #tpu.memory_space<hbm>>
        %dma_start3A_84 = tpu.memref_squeeze %dma_start3A_83 : memref<1x160x128xi32, #tpu.memory_space<hbm>> -> memref<160x128xi32, #tpu.memory_space<hbm>>
        %dma_start3A_85 = arith.constant 128 : i32
        %dma_start3A_86 = arith.constant 0 : i32
        %dma_start3A_87 = tpu.memref_slice %dma_start3A_84[%dma_start3A_85, %dma_start3A_86] : memref<160x128xi32, #tpu.memory_space<hbm>> -> memref<32x128xi32, #tpu.memory_space<hbm>>
        tpu.enqueue_dma source(%dma_start3A_87 : memref<32x128xi32, #tpu.memory_space<hbm>>) target(%dma_start3A_80 : memref<32x128xi32, #tpu.memory_space<vmem>>) target_semaphore(%run_scoped3A_67 : memref<!tpu.dma_semaphore, #tpu.memory_space<semaphore_mem>>)
        %dma_wait3A_88 = arith.constant 0 : i32
        %dma_wait3A_89 = arith.constant 0 : i32
        %dma_wait3A_90 = tpu.memref_slice %arg7[%dma_wait3A_88, %dma_wait3A_89] : memref<32x128xi32, #tpu.memory_space<vmem>> -> memref<32x128xi32, #tpu.memory_space<vmem>>
        %dma_wait3A_91 = arith.constant 0 : i32
        %dma_wait3A_92 = arith.constant 0 : i32
        %dma_wait3A_93 = tpu.memref_slice %arg3[%arg1, %dma_wait3A_91, %dma_wait3A_92] : memref<16x160x128xi32, #tpu.memory_space<hbm>> -> memref<1x160x128xi32, #tpu.memory_space<hbm>>
        %dma_wait3A_94 = tpu.memref_squeeze %dma_wait3A_93 : memref<1x160x128xi32, #tpu.memory_space<hbm>> -> memref<160x128xi32, #tpu.memory_space<hbm>>
        %dma_wait3A_95 = arith.constant 128 : i32
        %dma_wait3A_96 = arith.constant 0 : i32
        %dma_wait3A_97 = tpu.memref_slice %dma_wait3A_94[%dma_wait3A_95, %dma_wait3A_96] : memref<160x128xi32, #tpu.memory_space<hbm>> -> memref<32x128xi32, #tpu.memory_space<hbm>>
        %dma_wait3A_98 = arith.constant 0 : i32
        %dma_wait3A_99 = arith.constant 0 : i32
        %dma_wait3A_100 = tpu.memref_slice %arg7[%dma_wait3A_98, %dma_wait3A_99] : memref<32x128xi32, #tpu.memory_space<vmem>> -> memref<32x128xi32, #tpu.memory_space<vmem>>
        %dma_wait3A_101 = arith.constant 0 : i32
        %dma_wait3A_102 = arith.constant 0 : i32
        %dma_wait3A_103 = tpu.memref_slice %arg3[%arg1, %dma_wait3A_101, %dma_wait3A_102] : memref<16x160x128xi32, #tpu.memory_space<hbm>> -> memref<1x160x128xi32, #tpu.memory_space<hbm>>
        %dma_wait3A_104 = tpu.memref_squeeze %dma_wait3A_103 : memref<1x160x128xi32, #tpu.memory_space<hbm>> -> memref<160x128xi32, #tpu.memory_space<hbm>>
        %dma_wait3A_105 = arith.constant 128 : i32
        %dma_wait3A_106 = arith.constant 0 : i32
        %dma_wait3A_107 = tpu.memref_slice %dma_wait3A_104[%dma_wait3A_105, %dma_wait3A_106] : memref<160x128xi32, #tpu.memory_space<hbm>> -> memref<32x128xi32, #tpu.memory_space<hbm>>
        tpu.wait_dma2 semaphore(%run_scoped3A_67 : memref<!tpu.dma_semaphore, #tpu.memory_space<semaphore_mem>>) src(%dma_wait3A_107 : memref<32x128xi32, #tpu.memory_space<hbm>>) dst(%dma_wait3A_100 : memref<32x128xi32, #tpu.memory_space<vmem>>)
        tpu.yield
      }) : () -> ()
      "tpu.region"() ({
        %run_scoped3A_67 = tpu.sem_alloc : memref<!tpu.dma_semaphore, #tpu.memory_space<semaphore_mem>>
        %dma_start3A_68 = arith.constant 0 : i32
        %dma_start3A_69 = arith.constant 0 : i32
        %dma_start3A_70 = tpu.memref_slice %arg8[%dma_start3A_68, %dma_start3A_69] : memref<32x128xi32, #tpu.memory_space<vmem>> -> memref<32x128xi32, #tpu.memory_space<vmem>>
        %dma_start3A_71 = arith.constant 0 : i32
        %dma_start3A_72 = arith.constant 0 : i32
        %dma_start3A_73 = tpu.memref_slice %arg4[%arg1, %dma_start3A_71, %dma_start3A_72] : memref<16x160x128xi32, #tpu.memory_space<hbm>> -> memref<1x160x128xi32, #tpu.memory_space<hbm>>
        %dma_start3A_74 = tpu.memref_squeeze %dma_start3A_73 : memref<1x160x128xi32, #tpu.memory_space<hbm>> -> memref<160x128xi32, #tpu.memory_space<hbm>>
        %dma_start3A_75 = arith.constant 128 : i32
        %dma_start3A_76 = arith.constant 0 : i32
        %dma_start3A_77 = tpu.memref_slice %dma_start3A_74[%dma_start3A_75, %dma_start3A_76] : memref<160x128xi32, #tpu.memory_space<hbm>> -> memref<32x128xi32, #tpu.memory_space<hbm>>
        %dma_start3A_78 = arith.constant 0 : i32
        %dma_start3A_79 = arith.constant 0 : i32
        %dma_start3A_80 = tpu.memref_slice %arg8[%dma_start3A_78, %dma_start3A_79] : memref<32x128xi32, #tpu.memory_space<vmem>> -> memref<32x128xi32, #tpu.memory_space<vmem>>
        %dma_start3A_81 = arith.constant 0 : i32
        %dma_start3A_82 = arith.constant 0 : i32
        %dma_start3A_83 = tpu.memref_slice %arg4[%arg1, %dma_start3A_81, %dma_start3A_82] : memref<16x160x128xi32, #tpu.memory_space<hbm>> -> memref<1x160x128xi32, #tpu.memory_space<hbm>>
        %dma_start3A_84 = tpu.memref_squeeze %dma_start3A_83 : memref<1x160x128xi32, #tpu.memory_space<hbm>> -> memref<160x128xi32, #tpu.memory_space<hbm>>
        %dma_start3A_85 = arith.constant 128 : i32
        %dma_start3A_86 = arith.constant 0 : i32
        %dma_start3A_87 = tpu.memref_slice %dma_start3A_84[%dma_start3A_85, %dma_start3A_86] : memref<160x128xi32, #tpu.memory_space<hbm>> -> memref<32x128xi32, #tpu.memory_space<hbm>>
        tpu.enqueue_dma source(%dma_start3A_87 : memref<32x128xi32, #tpu.memory_space<hbm>>) target(%dma_start3A_80 : memref<32x128xi32, #tpu.memory_space<vmem>>) target_semaphore(%run_scoped3A_67 : memref<!tpu.dma_semaphore, #tpu.memory_space<semaphore_mem>>)
        %dma_wait3A_88 = arith.constant 0 : i32
        %dma_wait3A_89 = arith.constant 0 : i32
        %dma_wait3A_90 = tpu.memref_slice %arg8[%dma_wait3A_88, %dma_wait3A_89] : memref<32x128xi32, #tpu.memory_space<vmem>> -> memref<32x128xi32, #tpu.memory_space<vmem>>
        %dma_wait3A_91 = arith.constant 0 : i32
        %dma_wait3A_92 = arith.constant 0 : i32
        %dma_wait3A_93 = tpu.memref_slice %arg4[%arg1, %dma_wait3A_91, %dma_wait3A_92] : memref<16x160x128xi32, #tpu.memory_space<hbm>> -> memref<1x160x128xi32, #tpu.memory_space<hbm>>
        %dma_wait3A_94 = tpu.memref_squeeze %dma_wait3A_93 : memref<1x160x128xi32, #tpu.memory_space<hbm>> -> memref<160x128xi32, #tpu.memory_space<hbm>>
        %dma_wait3A_95 = arith.constant 128 : i32
        %dma_wait3A_96 = arith.constant 0 : i32
        %dma_wait3A_97 = tpu.memref_slice %dma_wait3A_94[%dma_wait3A_95, %dma_wait3A_96] : memref<160x128xi32, #tpu.memory_space<hbm>> -> memref<32x128xi32, #tpu.memory_space<hbm>>
        %dma_wait3A_98 = arith.constant 0 : i32
        %dma_wait3A_99 = arith.constant 0 : i32
        %dma_wait3A_100 = tpu.memref_slice %arg8[%dma_wait3A_98, %dma_wait3A_99] : memref<32x128xi32, #tpu.memory_space<vmem>> -> memref<32x128xi32, #tpu.memory_space<vmem>>
        %dma_wait3A_101 = arith.constant 0 : i32
        %dma_wait3A_102 = arith.constant 0 : i32
        %dma_wait3A_103 = tpu.memref_slice %arg4[%arg1, %dma_wait3A_101, %dma_wait3A_102] : memref<16x160x128xi32, #tpu.memory_space<hbm>> -> memref<1x160x128xi32, #tpu.memory_space<hbm>>
        %dma_wait3A_104 = tpu.memref_squeeze %dma_wait3A_103 : memref<1x160x128xi32, #tpu.memory_space<hbm>> -> memref<160x128xi32, #tpu.memory_space<hbm>>
        %dma_wait3A_105 = arith.constant 128 : i32
        %dma_wait3A_106 = arith.constant 0 : i32
        %dma_wait3A_107 = tpu.memref_slice %dma_wait3A_104[%dma_wait3A_105, %dma_wait3A_106] : memref<160x128xi32, #tpu.memory_space<hbm>> -> memref<32x128xi32, #tpu.memory_space<hbm>>
        tpu.wait_dma2 semaphore(%run_scoped3A_67 : memref<!tpu.dma_semaphore, #tpu.memory_space<semaphore_mem>>) src(%dma_wait3A_107 : memref<32x128xi32, #tpu.memory_space<hbm>>) dst(%dma_wait3A_100 : memref<32x128xi32, #tpu.memory_space<vmem>>)
        tpu.yield
      }) : () -> ()
      %dma_start3A = arith.constant 0 : i32
      %dma_start3A_13 = arith.constant 0 : i32
      %dma_start3A_14 = arith.constant 0 : i32
      %dma_start3A_15 = arith.constant 0 : i32
      %dma_start3A_16 = tpu.memref_slice %arg9[%dma_start3A_13, %dma_start3A_14, %dma_start3A_15] : memref<2x128x128xf32, #tpu.memory_space<vmem>> -> memref<1x128x128xf32, #tpu.memory_space<vmem>>
      %dma_start3A_17 = tpu.memref_squeeze %dma_start3A_16 : memref<1x128x128xf32, #tpu.memory_space<vmem>> -> memref<128x128xf32, #tpu.memory_space<vmem>>
      %dma_start3A_18 = arith.constant 0 : i32
      %dma_start3A_19 = tpu.memref_slice %arg7[%dma_start3A, %dma_start3A_18] : memref<32x128xi32, #tpu.memory_space<vmem>> -> memref<1x128xi32, #tpu.memory_space<vmem>>
      %dma_start3A_20 = tpu.memref_squeeze %dma_start3A_19 : memref<1x128xi32, #tpu.memory_space<vmem>> -> memref<128xi32, #tpu.memory_space<vmem>>
      %dma_start3A_21 = arith.constant 0 : i32
      %dma_start3A_22 = arith.constant 0 : i32
      %dma_start3A_23 = tpu.memref_slice %arg2[%dma_start3A_21, %dma_start3A_22] : memref<10000x128xf32, #tpu.memory_space<hbm>> -> memref<10000x128xf32, #tpu.memory_space<hbm>>
      tpu.enqueue_indirect_dma source(%dma_start3A_23 : memref<10000x128xf32, #tpu.memory_space<hbm>>) target(%dma_start3A_17 : memref<128x128xf32, #tpu.memory_space<vmem>>) offsets(%dma_start3A_20 : memref<128xi32, #tpu.memory_space<vmem>>) semaphore(%arg11 : memref<!tpu.dma_semaphore, #tpu.memory_space<semaphore_mem>>)
      %dma_start3A_24 = arith.constant 1 : i32
      %dma_start3A_25 = arith.constant 1 : i32
      %dma_start3A_26 = arith.constant 0 : i32
      %dma_start3A_27 = arith.constant 0 : i32
      %dma_start3A_28 = tpu.memref_slice %arg9[%dma_start3A_25, %dma_start3A_26, %dma_start3A_27] : memref<2x128x128xf32, #tpu.memory_space<vmem>> -> memref<1x128x128xf32, #tpu.memory_space<vmem>>
      %dma_start3A_29 = tpu.memref_squeeze %dma_start3A_28 : memref<1x128x128xf32, #tpu.memory_space<vmem>> -> memref<128x128xf32, #tpu.memory_space<vmem>>
      %dma_start3A_30 = arith.constant 0 : i32
      %dma_start3A_31 = tpu.memref_slice %arg7[%dma_start3A_24, %dma_start3A_30] : memref<32x128xi32, #tpu.memory_space<vmem>> -> memref<1x128xi32, #tpu.memory_space<vmem>>
      %dma_start3A_32 = tpu.memref_squeeze %dma_start3A_31 : memref<1x128xi32, #tpu.memory_space<vmem>> -> memref<128xi32, #tpu.memory_space<vmem>>
      %dma_start3A_33 = arith.constant 0 : i32
      %dma_start3A_34 = arith.constant 0 : i32
      %dma_start3A_35 = tpu.memref_slice %arg2[%dma_start3A_33, %dma_start3A_34] : memref<10000x128xf32, #tpu.memory_space<hbm>> -> memref<10000x128xf32, #tpu.memory_space<hbm>>
      tpu.enqueue_indirect_dma source(%dma_start3A_35 : memref<10000x128xf32, #tpu.memory_space<hbm>>) target(%dma_start3A_29 : memref<128x128xf32, #tpu.memory_space<vmem>>) offsets(%dma_start3A_32 : memref<128xi32, #tpu.memory_space<vmem>>) semaphore(%arg12 : memref<!tpu.dma_semaphore, #tpu.memory_space<semaphore_mem>>)
      %scan3A = arith.constant 0 : i32
      %scan3A_36 = arith.constant 0 : i32
      %scan3A_37 = arith.constant 15 : i32
      %scan3A_38 = arith.addi %scan3A_36, %scan3A_37 : i32
      %scan3A_39 = arith.constant 1 : i32
      scf.for %scan3A_67 = %scan3A_36 to %scan3A_38 step %scan3A_39  : i32 {
        %mul3A_68 = arith.constant 2 : i32
        %mul3A_69 = arith.muli %mul3A_68, %scan3A_67 : i32
        %dma_wait3A_70 = arith.constant 0 : i32
        %dma_wait3A_71 = arith.constant 0 : i32
        %dma_wait3A_72 = arith.constant 0 : i32
        %dma_wait3A_73 = tpu.memref_slice %arg9[%dma_wait3A_70, %dma_wait3A_71, %dma_wait3A_72] : memref<2x128x128xf32, #tpu.memory_space<vmem>> -> memref<1x128x128xf32, #tpu.memory_space<vmem>>
        %dma_wait3A_74 = tpu.memref_squeeze %dma_wait3A_73 : memref<1x128x128xf32, #tpu.memory_space<vmem>> -> memref<128x128xf32, #tpu.memory_space<vmem>>
        %dma_wait3A_75 = arith.constant 0 : i32
        %dma_wait3A_76 = tpu.memref_slice %arg7[%mul3A_69, %dma_wait3A_75] : memref<32x128xi32, #tpu.memory_space<vmem>> -> memref<1x128xi32, #tpu.memory_space<vmem>>
        %dma_wait3A_77 = tpu.memref_squeeze %dma_wait3A_76 : memref<1x128xi32, #tpu.memory_space<vmem>> -> memref<128xi32, #tpu.memory_space<vmem>>
        %dma_wait3A_78 = arith.constant 0 : i32
        %dma_wait3A_79 = arith.constant 0 : i32
        %dma_wait3A_80 = tpu.memref_slice %arg2[%dma_wait3A_78, %dma_wait3A_79] : memref<10000x128xf32, #tpu.memory_space<hbm>> -> memref<10000x128xf32, #tpu.memory_space<hbm>>
        tpu.wait_indirect_dma semaphore(%arg11 : memref<!tpu.dma_semaphore, #tpu.memory_space<semaphore_mem>>) src(%dma_wait3A_80 : memref<10000x128xf32, #tpu.memory_space<hbm>>) dst(%dma_wait3A_74 : memref<128x128xf32, #tpu.memory_space<vmem>>)
        %run_scoped3A_81 = arith.constant 0 : i32
        "tpu.region"() ({
          %run_scoped3A_123 = tpu.sem_alloc : memref<!tpu.dma_semaphore, #tpu.memory_space<semaphore_mem>>
          %dma_start3A_124 = arith.constant 0 : i32
          %dma_start3A_125 = arith.constant 0 : i32
          %dma_start3A_126 = tpu.memref_slice %arg9[%run_scoped3A_81, %dma_start3A_124, %dma_start3A_125] : memref<2x128x128xf32, #tpu.memory_space<vmem>> -> memref<1x128x128xf32, #tpu.memory_space<vmem>>
          %dma_start3A_127 = tpu.memref_squeeze %dma_start3A_126 : memref<1x128x128xf32, #tpu.memory_space<vmem>> -> memref<128x128xf32, #tpu.memory_space<vmem>>
          %dma_start3A_128 = arith.constant 0 : i32
          %dma_start3A_129 = tpu.memref_slice %arg8[%mul3A_69, %dma_start3A_128] : memref<32x128xi32, #tpu.memory_space<vmem>> -> memref<1x128xi32, #tpu.memory_space<vmem>>
          %dma_start3A_130 = tpu.memref_squeeze %dma_start3A_129 : memref<1x128xi32, #tpu.memory_space<vmem>> -> memref<128xi32, #tpu.memory_space<vmem>>
          %dma_start3A_131 = arith.constant 0 : i32
          %dma_start3A_132 = arith.constant 0 : i32
          %dma_start3A_133 = tpu.memref_slice %arg10[%dma_start3A_131, %dma_start3A_132] : memref<10112x128xf32, #tpu.memory_space<vmem_shared>> -> memref<10112x128xf32, #tpu.memory_space<vmem_shared>>
          tpu.enqueue_indirect_dma source(%dma_start3A_127 : memref<128x128xf32, #tpu.memory_space<vmem>>) target(%dma_start3A_133 : memref<10112x128xf32, #tpu.memory_space<vmem_shared>>) offsets(%dma_start3A_130 : memref<128xi32, #tpu.memory_space<vmem>>) semaphore(%run_scoped3A_123 : memref<!tpu.dma_semaphore, #tpu.memory_space<semaphore_mem>>) {add = true}
          %dma_wait3A_134 = arith.constant 0 : i32
          %dma_wait3A_135 = arith.constant 0 : i32
          %dma_wait3A_136 = tpu.memref_slice %arg9[%run_scoped3A_81, %dma_wait3A_134, %dma_wait3A_135] : memref<2x128x128xf32, #tpu.memory_space<vmem>> -> memref<1x128x128xf32, #tpu.memory_space<vmem>>
          %dma_wait3A_137 = tpu.memref_squeeze %dma_wait3A_136 : memref<1x128x128xf32, #tpu.memory_space<vmem>> -> memref<128x128xf32, #tpu.memory_space<vmem>>
          %dma_wait3A_138 = arith.constant 0 : i32
          %dma_wait3A_139 = tpu.memref_slice %arg8[%mul3A_69, %dma_wait3A_138] : memref<32x128xi32, #tpu.memory_space<vmem>> -> memref<1x128xi32, #tpu.memory_space<vmem>>
          %dma_wait3A_140 = tpu.memref_squeeze %dma_wait3A_139 : memref<1x128xi32, #tpu.memory_space<vmem>> -> memref<128xi32, #tpu.memory_space<vmem>>
          %dma_wait3A_141 = arith.constant 0 : i32
          %dma_wait3A_142 = arith.constant 0 : i32
          %dma_wait3A_143 = tpu.memref_slice %arg10[%dma_wait3A_141, %dma_wait3A_142] : memref<10112x128xf32, #tpu.memory_space<vmem_shared>> -> memref<10112x128xf32, #tpu.memory_space<vmem_shared>>
          tpu.wait_indirect_dma semaphore(%run_scoped3A_123 : memref<!tpu.dma_semaphore, #tpu.memory_space<semaphore_mem>>) src(%dma_wait3A_137 : memref<128x128xf32, #tpu.memory_space<vmem>>) dst(%dma_wait3A_143 : memref<10112x128xf32, #tpu.memory_space<vmem_shared>>)
          tpu.yield
        }) : () -> ()
        %add3A = arith.constant 2 : i32
        %add3A_82 = arith.addi %mul3A_69, %add3A : i32
        %dma_start3A_83 = arith.constant 0 : i32
        %dma_start3A_84 = arith.constant 0 : i32
        %dma_start3A_85 = arith.constant 0 : i32
        %dma_start3A_86 = tpu.memref_slice %arg9[%dma_start3A_83, %dma_start3A_84, %dma_start3A_85] : memref<2x128x128xf32, #tpu.memory_space<vmem>> -> memref<1x128x128xf32, #tpu.memory_space<vmem>>
        %dma_start3A_87 = tpu.memref_squeeze %dma_start3A_86 : memref<1x128x128xf32, #tpu.memory_space<vmem>> -> memref<128x128xf32, #tpu.memory_space<vmem>>
        %dma_start3A_88 = arith.constant 0 : i32
        %dma_start3A_89 = tpu.memref_slice %arg7[%add3A_82, %dma_start3A_88] : memref<32x128xi32, #tpu.memory_space<vmem>> -> memref<1x128xi32, #tpu.memory_space<vmem>>
        %dma_start3A_90 = tpu.memref_squeeze %dma_start3A_89 : memref<1x128xi32, #tpu.memory_space<vmem>> -> memref<128xi32, #tpu.memory_space<vmem>>
        %dma_start3A_91 = arith.constant 0 : i32
        %dma_start3A_92 = arith.constant 0 : i32
        %dma_start3A_93 = tpu.memref_slice %arg2[%dma_start3A_91, %dma_start3A_92] : memref<10000x128xf32, #tpu.memory_space<hbm>> -> memref<10000x128xf32, #tpu.memory_space<hbm>>
        tpu.enqueue_indirect_dma source(%dma_start3A_93 : memref<10000x128xf32, #tpu.memory_space<hbm>>) target(%dma_start3A_87 : memref<128x128xf32, #tpu.memory_space<vmem>>) offsets(%dma_start3A_90 : memref<128xi32, #tpu.memory_space<vmem>>) semaphore(%arg11 : memref<!tpu.dma_semaphore, #tpu.memory_space<semaphore_mem>>)
        %add3A_94 = arith.constant 1 : i32
        %add3A_95 = arith.addi %mul3A_69, %add3A_94 : i32
        %dma_wait3A_96 = arith.constant 1 : i32
        %dma_wait3A_97 = arith.constant 0 : i32
        %dma_wait3A_98 = arith.constant 0 : i32
        %dma_wait3A_99 = tpu.memref_slice %arg9[%dma_wait3A_96, %dma_wait3A_97, %dma_wait3A_98] : memref<2x128x128xf32, #tpu.memory_space<vmem>> -> memref<1x128x128xf32, #tpu.memory_space<vmem>>
        %dma_wait3A_100 = tpu.memref_squeeze %dma_wait3A_99 : memref<1x128x128xf32, #tpu.memory_space<vmem>> -> memref<128x128xf32, #tpu.memory_space<vmem>>
        %dma_wait3A_101 = arith.constant 0 : i32
        %dma_wait3A_102 = tpu.memref_slice %arg7[%add3A_95, %dma_wait3A_101] : memref<32x128xi32, #tpu.memory_space<vmem>> -> memref<1x128xi32, #tpu.memory_space<vmem>>
        %dma_wait3A_103 = tpu.memref_squeeze %dma_wait3A_102 : memref<1x128xi32, #tpu.memory_space<vmem>> -> memref<128xi32, #tpu.memory_space<vmem>>
        %dma_wait3A_104 = arith.constant 0 : i32
        %dma_wait3A_105 = arith.constant 0 : i32
        %dma_wait3A_106 = tpu.memref_slice %arg2[%dma_wait3A_104, %dma_wait3A_105] : memref<10000x128xf32, #tpu.memory_space<hbm>> -> memref<10000x128xf32, #tpu.memory_space<hbm>>
        tpu.wait_indirect_dma semaphore(%arg12 : memref<!tpu.dma_semaphore, #tpu.memory_space<semaphore_mem>>) src(%dma_wait3A_106 : memref<10000x128xf32, #tpu.memory_space<hbm>>) dst(%dma_wait3A_100 : memref<128x128xf32, #tpu.memory_space<vmem>>)
        %add3A_107 = arith.constant 1 : i32
        %add3A_108 = arith.addi %mul3A_69, %add3A_107 : i32
        %run_scoped3A_109 = arith.constant 1 : i32
        "tpu.region"() ({
          %run_scoped3A_123 = tpu.sem_alloc : memref<!tpu.dma_semaphore, #tpu.memory_space<semaphore_mem>>
          %dma_start3A_124 = arith.constant 0 : i32
          %dma_start3A_125 = arith.constant 0 : i32
          %dma_start3A_126 = tpu.memref_slice %arg9[%run_scoped3A_109, %dma_start3A_124, %dma_start3A_125] : memref<2x128x128xf32, #tpu.memory_space<vmem>> -> memref<1x128x128xf32, #tpu.memory_space<vmem>>
          %dma_start3A_127 = tpu.memref_squeeze %dma_start3A_126 : memref<1x128x128xf32, #tpu.memory_space<vmem>> -> memref<128x128xf32, #tpu.memory_space<vmem>>
          %dma_start3A_128 = arith.constant 0 : i32
          %dma_start3A_129 = tpu.memref_slice %arg8[%add3A_108, %dma_start3A_128] : memref<32x128xi32, #tpu.memory_space<vmem>> -> memref<1x128xi32, #tpu.memory_space<vmem>>
          %dma_start3A_130 = tpu.memref_squeeze %dma_start3A_129 : memref<1x128xi32, #tpu.memory_space<vmem>> -> memref<128xi32, #tpu.memory_space<vmem>>
          %dma_start3A_131 = arith.constant 0 : i32
          %dma_start3A_132 = arith.constant 0 : i32
          %dma_start3A_133 = tpu.memref_slice %arg10[%dma_start3A_131, %dma_start3A_132] : memref<10112x128xf32, #tpu.memory_space<vmem_shared>> -> memref<10112x128xf32, #tpu.memory_space<vmem_shared>>
          tpu.enqueue_indirect_dma source(%dma_start3A_127 : memref<128x128xf32, #tpu.memory_space<vmem>>) target(%dma_start3A_133 : memref<10112x128xf32, #tpu.memory_space<vmem_shared>>) offsets(%dma_start3A_130 : memref<128xi32, #tpu.memory_space<vmem>>) semaphore(%run_scoped3A_123 : memref<!tpu.dma_semaphore, #tpu.memory_space<semaphore_mem>>) {add = true}
          %dma_wait3A_134 = arith.constant 0 : i32
          %dma_wait3A_135 = arith.constant 0 : i32
          %dma_wait3A_136 = tpu.memref_slice %arg9[%run_scoped3A_109, %dma_wait3A_134, %dma_wait3A_135] : memref<2x128x128xf32, #tpu.memory_space<vmem>> -> memref<1x128x128xf32, #tpu.memory_space<vmem>>
          %dma_wait3A_137 = tpu.memref_squeeze %dma_wait3A_136 : memref<1x128x128xf32, #tpu.memory_space<vmem>> -> memref<128x128xf32, #tpu.memory_space<vmem>>
          %dma_wait3A_138 = arith.constant 0 : i32
          %dma_wait3A_139 = tpu.memref_slice %arg8[%add3A_108, %dma_wait3A_138] : memref<32x128xi32, #tpu.memory_space<vmem>> -> memref<1x128xi32, #tpu.memory_space<vmem>>
          %dma_wait3A_140 = tpu.memref_squeeze %dma_wait3A_139 : memref<1x128xi32, #tpu.memory_space<vmem>> -> memref<128xi32, #tpu.memory_space<vmem>>
          %dma_wait3A_141 = arith.constant 0 : i32
          %dma_wait3A_142 = arith.constant 0 : i32
          %dma_wait3A_143 = tpu.memref_slice %arg10[%dma_wait3A_141, %dma_wait3A_142] : memref<10112x128xf32, #tpu.memory_space<vmem_shared>> -> memref<10112x128xf32, #tpu.memory_space<vmem_shared>>
          tpu.wait_indirect_dma semaphore(%run_scoped3A_123 : memref<!tpu.dma_semaphore, #tpu.memory_space<semaphore_mem>>) src(%dma_wait3A_137 : memref<128x128xf32, #tpu.memory_space<vmem>>) dst(%dma_wait3A_143 : memref<10112x128xf32, #tpu.memory_space<vmem_shared>>)
          tpu.yield
        }) : () -> ()
        %add3A_110 = arith.constant 3 : i32
        %add3A_111 = arith.addi %mul3A_69, %add3A_110 : i32
        %dma_start3A_112 = arith.constant 1 : i32
        %dma_start3A_113 = arith.constant 0 : i32
        %dma_start3A_114 = arith.constant 0 : i32
        %dma_start3A_115 = tpu.memref_slice %arg9[%dma_start3A_112, %dma_start3A_113, %dma_start3A_114] : memref<2x128x128xf32, #tpu.memory_space<vmem>> -> memref<1x128x128xf32, #tpu.memory_space<vmem>>
        %dma_start3A_116 = tpu.memref_squeeze %dma_start3A_115 : memref<1x128x128xf32, #tpu.memory_space<vmem>> -> memref<128x128xf32, #tpu.memory_space<vmem>>
        %dma_start3A_117 = arith.constant 0 : i32
        %dma_start3A_118 = tpu.memref_slice %arg7[%add3A_111, %dma_start3A_117] : memref<32x128xi32, #tpu.memory_space<vmem>> -> memref<1x128xi32, #tpu.memory_space<vmem>>
        %dma_start3A_119 = tpu.memref_squeeze %dma_start3A_118 : memref<1x128xi32, #tpu.memory_space<vmem>> -> memref<128xi32, #tpu.memory_space<vmem>>
        %dma_start3A_120 = arith.constant 0 : i32
        %dma_start3A_121 = arith.constant 0 : i32
        %dma_start3A_122 = tpu.memref_slice %arg2[%dma_start3A_120, %dma_start3A_121] : memref<10000x128xf32, #tpu.memory_space<hbm>> -> memref<10000x128xf32, #tpu.memory_space<hbm>>
        tpu.enqueue_indirect_dma source(%dma_start3A_122 : memref<10000x128xf32, #tpu.memory_space<hbm>>) target(%dma_start3A_116 : memref<128x128xf32, #tpu.memory_space<vmem>>) offsets(%dma_start3A_119 : memref<128xi32, #tpu.memory_space<vmem>>) semaphore(%arg12 : memref<!tpu.dma_semaphore, #tpu.memory_space<semaphore_mem>>)
      }
      %scan3A_40 = arith.constant 15 : i32
      %dma_wait3A = arith.constant 30 : i32
      %dma_wait3A_41 = arith.constant 0 : i32
      %dma_wait3A_42 = arith.constant 0 : i32
      %dma_wait3A_43 = arith.constant 0 : i32
      %dma_wait3A_44 = tpu.memref_slice %arg9[%dma_wait3A_41, %dma_wait3A_42, %dma_wait3A_43] : memref<2x128x128xf32, #tpu.memory_space<vmem>> -> memref<1x128x128xf32, #tpu.memory_space<vmem>>
      %dma_wait3A_45 = tpu.memref_squeeze %dma_wait3A_44 : memref<1x128x128xf32, #tpu.memory_space<vmem>> -> memref<128x128xf32, #tpu.memory_space<vmem>>
      %dma_wait3A_46 = arith.constant 0 : i32
      %dma_wait3A_47 = tpu.memref_slice %arg7[%dma_wait3A, %dma_wait3A_46] : memref<32x128xi32, #tpu.memory_space<vmem>> -> memref<1x128xi32, #tpu.memory_space<vmem>>
      %dma_wait3A_48 = tpu.memref_squeeze %dma_wait3A_47 : memref<1x128xi32, #tpu.memory_space<vmem>> -> memref<128xi32, #tpu.memory_space<vmem>>
      %dma_wait3A_49 = arith.constant 0 : i32
      %dma_wait3A_50 = arith.constant 0 : i32
      %dma_wait3A_51 = tpu.memref_slice %arg2[%dma_wait3A_49, %dma_wait3A_50] : memref<10000x128xf32, #tpu.memory_space<hbm>> -> memref<10000x128xf32, #tpu.memory_space<hbm>>
      tpu.wait_indirect_dma semaphore(%arg11 : memref<!tpu.dma_semaphore, #tpu.memory_space<semaphore_mem>>) src(%dma_wait3A_51 : memref<10000x128xf32, #tpu.memory_space<hbm>>) dst(%dma_wait3A_45 : memref<128x128xf32, #tpu.memory_space<vmem>>)
      %run_scoped3A = arith.constant 0 : i32
      %run_scoped3A_52 = arith.constant 30 : i32
      "tpu.region"() ({
        %run_scoped3A_67 = tpu.sem_alloc : memref<!tpu.dma_semaphore, #tpu.memory_space<semaphore_mem>>
        %dma_start3A_68 = arith.constant 0 : i32
        %dma_start3A_69 = arith.constant 0 : i32
        %dma_start3A_70 = tpu.memref_slice %arg9[%run_scoped3A, %dma_start3A_68, %dma_start3A_69] : memref<2x128x128xf32, #tpu.memory_space<vmem>> -> memref<1x128x128xf32, #tpu.memory_space<vmem>>
        %dma_start3A_71 = tpu.memref_squeeze %dma_start3A_70 : memref<1x128x128xf32, #tpu.memory_space<vmem>> -> memref<128x128xf32, #tpu.memory_space<vmem>>
        %dma_start3A_72 = arith.constant 0 : i32
        %dma_start3A_73 = tpu.memref_slice %arg8[%run_scoped3A_52, %dma_start3A_72] : memref<32x128xi32, #tpu.memory_space<vmem>> -> memref<1x128xi32, #tpu.memory_space<vmem>>
        %dma_start3A_74 = tpu.memref_squeeze %dma_start3A_73 : memref<1x128xi32, #tpu.memory_space<vmem>> -> memref<128xi32, #tpu.memory_space<vmem>>
        %dma_start3A_75 = arith.constant 0 : i32
        %dma_start3A_76 = arith.constant 0 : i32
        %dma_start3A_77 = tpu.memref_slice %arg10[%dma_start3A_75, %dma_start3A_76] : memref<10112x128xf32, #tpu.memory_space<vmem_shared>> -> memref<10112x128xf32, #tpu.memory_space<vmem_shared>>
        tpu.enqueue_indirect_dma source(%dma_start3A_71 : memref<128x128xf32, #tpu.memory_space<vmem>>) target(%dma_start3A_77 : memref<10112x128xf32, #tpu.memory_space<vmem_shared>>) offsets(%dma_start3A_74 : memref<128xi32, #tpu.memory_space<vmem>>) semaphore(%run_scoped3A_67 : memref<!tpu.dma_semaphore, #tpu.memory_space<semaphore_mem>>) {add = true}
        %dma_wait3A_78 = arith.constant 0 : i32
        %dma_wait3A_79 = arith.constant 0 : i32
        %dma_wait3A_80 = tpu.memref_slice %arg9[%run_scoped3A, %dma_wait3A_78, %dma_wait3A_79] : memref<2x128x128xf32, #tpu.memory_space<vmem>> -> memref<1x128x128xf32, #tpu.memory_space<vmem>>
        %dma_wait3A_81 = tpu.memref_squeeze %dma_wait3A_80 : memref<1x128x128xf32, #tpu.memory_space<vmem>> -> memref<128x128xf32, #tpu.memory_space<vmem>>
        %dma_wait3A_82 = arith.constant 0 : i32
        %dma_wait3A_83 = tpu.memref_slice %arg8[%run_scoped3A_52, %dma_wait3A_82] : memref<32x128xi32, #tpu.memory_space<vmem>> -> memref<1x128xi32, #tpu.memory_space<vmem>>
        %dma_wait3A_84 = tpu.memref_squeeze %dma_wait3A_83 : memref<1x128xi32, #tpu.memory_space<vmem>> -> memref<128xi32, #tpu.memory_space<vmem>>
        %dma_wait3A_85 = arith.constant 0 : i32
        %dma_wait3A_86 = arith.constant 0 : i32
        %dma_wait3A_87 = tpu.memref_slice %arg10[%dma_wait3A_85, %dma_wait3A_86] : memref<10112x128xf32, #tpu.memory_space<vmem_shared>> -> memref<10112x128xf32, #tpu.memory_space<vmem_shared>>
        tpu.wait_indirect_dma semaphore(%run_scoped3A_67 : memref<!tpu.dma_semaphore, #tpu.memory_space<semaphore_mem>>) src(%dma_wait3A_81 : memref<128x128xf32, #tpu.memory_space<vmem>>) dst(%dma_wait3A_87 : memref<10112x128xf32, #tpu.memory_space<vmem_shared>>)
        tpu.yield
      }) : () -> ()
      %dma_wait3A_53 = arith.constant 31 : i32
      %dma_wait3A_54 = arith.constant 1 : i32
      %dma_wait3A_55 = arith.constant 0 : i32
      %dma_wait3A_56 = arith.constant 0 : i32
      %dma_wait3A_57 = tpu.memref_slice %arg9[%dma_wait3A_54, %dma_wait3A_55, %dma_wait3A_56] : memref<2x128x128xf32, #tpu.memory_space<vmem>> -> memref<1x128x128xf32, #tpu.memory_space<vmem>>
      %dma_wait3A_58 = tpu.memref_squeeze %dma_wait3A_57 : memref<1x128x128xf32, #tpu.memory_space<vmem>> -> memref<128x128xf32, #tpu.memory_space<vmem>>
      %dma_wait3A_59 = arith.constant 0 : i32
      %dma_wait3A_60 = tpu.memref_slice %arg7[%dma_wait3A_53, %dma_wait3A_59] : memref<32x128xi32, #tpu.memory_space<vmem>> -> memref<1x128xi32, #tpu.memory_space<vmem>>
      %dma_wait3A_61 = tpu.memref_squeeze %dma_wait3A_60 : memref<1x128xi32, #tpu.memory_space<vmem>> -> memref<128xi32, #tpu.memory_space<vmem>>
      %dma_wait3A_62 = arith.constant 0 : i32
      %dma_wait3A_63 = arith.constant 0 : i32
      %dma_wait3A_64 = tpu.memref_slice %arg2[%dma_wait3A_62, %dma_wait3A_63] : memref<10000x128xf32, #tpu.memory_space<hbm>> -> memref<10000x128xf32, #tpu.memory_space<hbm>>
      tpu.wait_indirect_dma semaphore(%arg12 : memref<!tpu.dma_semaphore, #tpu.memory_space<semaphore_mem>>) src(%dma_wait3A_64 : memref<10000x128xf32, #tpu.memory_space<hbm>>) dst(%dma_wait3A_58 : memref<128x128xf32, #tpu.memory_space<vmem>>)
      %run_scoped3A_65 = arith.constant 1 : i32
      %run_scoped3A_66 = arith.constant 31 : i32
      "tpu.region"() ({
        %run_scoped3A_67 = tpu.sem_alloc : memref<!tpu.dma_semaphore, #tpu.memory_space<semaphore_mem>>
        %dma_start3A_68 = arith.constant 0 : i32
        %dma_start3A_69 = arith.constant 0 : i32
        %dma_start3A_70 = tpu.memref_slice %arg9[%run_scoped3A_65, %dma_start3A_68, %dma_start3A_69] : memref<2x128x128xf32, #tpu.memory_space<vmem>> -> memref<1x128x128xf32, #tpu.memory_space<vmem>>
        %dma_start3A_71 = tpu.memref_squeeze %dma_start3A_70 : memref<1x128x128xf32, #tpu.memory_space<vmem>> -> memref<128x128xf32, #tpu.memory_space<vmem>>
        %dma_start3A_72 = arith.constant 0 : i32
        %dma_start3A_73 = tpu.memref_slice %arg8[%run_scoped3A_66, %dma_start3A_72] : memref<32x128xi32, #tpu.memory_space<vmem>> -> memref<1x128xi32, #tpu.memory_space<vmem>>
        %dma_start3A_74 = tpu.memref_squeeze %dma_start3A_73 : memref<1x128xi32, #tpu.memory_space<vmem>> -> memref<128xi32, #tpu.memory_space<vmem>>
        %dma_start3A_75 = arith.constant 0 : i32
        %dma_start3A_76 = arith.constant 0 : i32
        %dma_start3A_77 = tpu.memref_slice %arg10[%dma_start3A_75, %dma_start3A_76] : memref<10112x128xf32, #tpu.memory_space<vmem_shared>> -> memref<10112x128xf32, #tpu.memory_space<vmem_shared>>
        tpu.enqueue_indirect_dma source(%dma_start3A_71 : memref<128x128xf32, #tpu.memory_space<vmem>>) target(%dma_start3A_77 : memref<10112x128xf32, #tpu.memory_space<vmem_shared>>) offsets(%dma_start3A_74 : memref<128xi32, #tpu.memory_space<vmem>>) semaphore(%run_scoped3A_67 : memref<!tpu.dma_semaphore, #tpu.memory_space<semaphore_mem>>) {add = true}
        %dma_wait3A_78 = arith.constant 0 : i32
        %dma_wait3A_79 = arith.constant 0 : i32
        %dma_wait3A_80 = tpu.memref_slice %arg9[%run_scoped3A_65, %dma_wait3A_78, %dma_wait3A_79] : memref<2x128x128xf32, #tpu.memory_space<vmem>> -> memref<1x128x128xf32, #tpu.memory_space<vmem>>
        %dma_wait3A_81 = tpu.memref_squeeze %dma_wait3A_80 : memref<1x128x128xf32, #tpu.memory_space<vmem>> -> memref<128x128xf32, #tpu.memory_space<vmem>>
        %dma_wait3A_82 = arith.constant 0 : i32
        %dma_wait3A_83 = tpu.memref_slice %arg8[%run_scoped3A_66, %dma_wait3A_82] : memref<32x128xi32, #tpu.memory_space<vmem>> -> memref<1x128xi32, #tpu.memory_space<vmem>>
        %dma_wait3A_84 = tpu.memref_squeeze %dma_wait3A_83 : memref<1x128xi32, #tpu.memory_space<vmem>> -> memref<128xi32, #tpu.memory_space<vmem>>
        %dma_wait3A_85 = arith.constant 0 : i32
        %dma_wait3A_86 = arith.constant 0 : i32
        %dma_wait3A_87 = tpu.memref_slice %arg10[%dma_wait3A_85, %dma_wait3A_86] : memref<10112x128xf32, #tpu.memory_space<vmem_shared>> -> memref<10112x128xf32, #tpu.memory_space<vmem_shared>>
        tpu.wait_indirect_dma semaphore(%run_scoped3A_67 : memref<!tpu.dma_semaphore, #tpu.memory_space<semaphore_mem>>) src(%dma_wait3A_81 : memref<128x128xf32, #tpu.memory_space<vmem>>) dst(%dma_wait3A_87 : memref<10112x128xf32, #tpu.memory_space<vmem_shared>>)
        tpu.yield
      }) : () -> ()
    } else {
    }
    %barrier3A_8 = arith.constant 0 : index
    tpu.barrier barrier_id(%barrier3A_8)
    %mul3A_9 = arith.constant 632 : i32
    %mul3A_10 = arith.muli %arg1, %mul3A_9 : i32
    %mul3A_11 = arith.constant 632 : i32
    %mul3A_12 = arith.muli %arg1, %mul3A_11 : i32
    "tpu.region"() ({
      %run_scoped3A = tpu.sem_alloc : memref<!tpu.dma_semaphore, #tpu.memory_space<semaphore_mem>>
      %dma_start3A = arith.constant 0 : i32
      %dma_start3A_13 = arith.constant 0 : i32
      %dma_start3A_14 = tpu.memref_slice %arg6[%arg0, %dma_start3A, %dma_start3A_13] : memref<2x10112x128xf32, #tpu.memory_space<hbm>> -> memref<1x10112x128xf32, #tpu.memory_space<hbm>>
      %dma_start3A_15 = tpu.memref_squeeze %dma_start3A_14 : memref<1x10112x128xf32, #tpu.memory_space<hbm>> -> memref<10112x128xf32, #tpu.memory_space<hbm>>
      %dma_start3A_16 = arith.constant 0 : i32
      %dma_start3A_17 = tpu.memref_slice %dma_start3A_15[%mul3A_12, %dma_start3A_16] : memref<10112x128xf32, #tpu.memory_space<hbm>> -> memref<632x128xf32, #tpu.memory_space<hbm>>
      %dma_start3A_18 = arith.constant 0 : i32
      %dma_start3A_19 = tpu.memref_slice %arg10[%mul3A_10, %dma_start3A_18] : memref<10112x128xf32, #tpu.memory_space<vmem_shared>> -> memref<632x128xf32, #tpu.memory_space<vmem_shared>>
      tpu.enqueue_dma source(%dma_start3A_19 : memref<632x128xf32, #tpu.memory_space<vmem_shared>>) target(%dma_start3A_17 : memref<632x128xf32, #tpu.memory_space<hbm>>) target_semaphore(%run_scoped3A : memref<!tpu.dma_semaphore, #tpu.memory_space<semaphore_mem>>)
      %dma_wait3A = arith.constant 0 : i32
      %dma_wait3A_20 = arith.constant 0 : i32
      %dma_wait3A_21 = tpu.memref_slice %arg6[%arg0, %dma_wait3A, %dma_wait3A_20] : memref<2x10112x128xf32, #tpu.memory_space<hbm>> -> memref<1x10112x128xf32, #tpu.memory_space<hbm>>
      %dma_wait3A_22 = tpu.memref_squeeze %dma_wait3A_21 : memref<1x10112x128xf32, #tpu.memory_space<hbm>> -> memref<10112x128xf32, #tpu.memory_space<hbm>>
      %dma_wait3A_23 = arith.constant 0 : i32
      %dma_wait3A_24 = tpu.memref_slice %dma_wait3A_22[%mul3A_12, %dma_wait3A_23] : memref<10112x128xf32, #tpu.memory_space<hbm>> -> memref<632x128xf32, #tpu.memory_space<hbm>>
      %dma_wait3A_25 = arith.constant 0 : i32
      %dma_wait3A_26 = tpu.memref_slice %arg10[%mul3A_10, %dma_wait3A_25] : memref<10112x128xf32, #tpu.memory_space<vmem_shared>> -> memref<632x128xf32, #tpu.memory_space<vmem_shared>>
      tpu.wait_dma2 semaphore(%run_scoped3A : memref<!tpu.dma_semaphore, #tpu.memory_space<semaphore_mem>>) src(%dma_wait3A_26 : memref<632x128xf32, #tpu.memory_space<vmem_shared>>) dst(%dma_wait3A_24 : memref<632x128xf32, #tpu.memory_space<hbm>>)
      tpu.yield
    }) : () -> ()
    return
  }
}

module attributes {stable_mosaic.version = 14 : i64} {
  func.func @_tc1_body(%arg0: memref<10000x128xf32, #tpu.memory_space<vmem>>, %arg1: memref<128x128xf32, #tpu.memory_space<vmem>>, %arg2: memref<10112x32xf32, #tpu.memory_space<vmem>>, %arg3: memref<10000x128xf32, #tpu.memory_space<vmem>>, %arg4: memref<10000x1xf32, #tpu.memory_space<vmem>>) attributes {dimension_semantics = [], scalar_prefetch = 0 : i64, scratch_operands = 0 : i64, tpu.core_type = #tpu.core_type<tc>} {
    %get3A = arith.constant 0 : index
    %get3A_0 = arith.constant 0 : index
    %get3A_1 = vector.load %arg2[%get3A, %get3A_0] : memref<10112x32xf32, #tpu.memory_space<vmem>>, vector<10112x32xf32>
    %broadcast_in_dim3A = arith.constant 1.000000e+00 : f32
    %broadcast_in_dim3A_2 = vector.broadcast %broadcast_in_dim3A : f32 to vector<32x1xf32>
    %dot_general3A = arith.constant dense<0.000000e+00> : vector<10112x1xf32>
    %dot_general3A_3 = tpu.matmul %get3A_1, %broadcast_in_dim3A_2, %dot_general3A {dimension_numbers = #tpu.dot_dimension_numbers<[1], [0], [0], [1], [0, 0, 1, 1], [], []>, transpose_lhs_hint = false} : vector<10112x32xf32>, vector<32x1xf32>, vector<10112x1xf32> -> vector<10112x1xf32>
    %slice3A = vector.extract_strided_slice %dot_general3A_3 {offsets = [0, 0], sizes = [10000, 1], strides = [1, 1]} : vector<10112x1xf32> to vector<10000x1xf32>
    %add3A = arith.constant 1.000000e+00 : f32
    %add3A_4 = vector.broadcast %add3A : f32 to vector<10000x1xf32>
    %add3A_5 = arith.addf %slice3A, %add3A_4 : vector<10000x1xf32>
    %rsqrt3A = math.rsqrt %add3A_5 : vector<10000x1xf32>
    %get3A_6 = arith.constant 0 : index
    %get3A_7 = arith.constant 0 : index
    %get3A_8 = vector.load %arg0[%get3A_6, %get3A_7] : memref<10000x128xf32, #tpu.memory_space<vmem>>, vector<10000x128xf32>
    %get3A_9 = arith.constant 0 : index
    %get3A_10 = arith.constant 0 : index
    %get3A_11 = vector.load %arg1[%get3A_9, %get3A_10] : memref<128x128xf32, #tpu.memory_space<vmem>>, vector<128x128xf32>
    %dot_general3A_12 = arith.constant dense<0.000000e+00> : vector<10000x128xf32>
    %dot_general3A_13 = tpu.matmul %get3A_8, %get3A_11, %dot_general3A_12 {dimension_numbers = #tpu.dot_dimension_numbers<[1], [1], [0], [0], [0, 0, 1, 0], [], []>, transpose_lhs_hint = false} : vector<10000x128xf32>, vector<128x128xf32>, vector<10000x128xf32> -> vector<10000x128xf32>
    %mul3A = vector.broadcast %rsqrt3A : vector<10000x1xf32> to vector<10000x128xf32>
    %mul3A_14 = arith.mulf %mul3A, %dot_general3A_13 : vector<10000x128xf32>
    %swap3A = arith.constant 0 : index
    %swap3A_15 = arith.constant 0 : index
    %swap3A_16 = vector.load %arg3[%swap3A, %swap3A_15] : memref<10000x128xf32, #tpu.memory_space<vmem>>, vector<10000x128xf32>
    tpu.vector_store %arg3[%swap3A, %swap3A_15], %mul3A_14 {strides = array<i32>} : memref<10000x128xf32, #tpu.memory_space<vmem>>, vector<10000x128xf32>,
    %swap3A_17 = arith.constant 0 : index
    %swap3A_18 = arith.constant 0 : index
    %swap3A_19 = vector.load %arg4[%swap3A_17, %swap3A_18] : memref<10000x1xf32, #tpu.memory_space<vmem>>, vector<10000x1xf32>
    tpu.vector_store %arg4[%swap3A_17, %swap3A_18], %rsqrt3A {strides = array<i32>} : memref<10000x1xf32, #tpu.memory_space<vmem>>, vector<10000x1xf32>,
    return
  }
}

module attributes {stable_mosaic.version = 14 : i64} {
  func.func @_tc_mid_body(%arg0: memref<2x10112x128xf32, #tpu.memory_space<vmem>>, %arg1: memref<10000x128xf32, #tpu.memory_space<vmem>>, %arg2: memref<10000x1xf32, #tpu.memory_space<vmem>>, %arg3: memref<1x128xf32, #tpu.memory_space<vmem>>, %arg4: memref<1x128xf32, #tpu.memory_space<vmem>>, %arg5: memref<1x128xf32, #tpu.memory_space<vmem>>, %arg6: memref<1x1xf32, #tpu.memory_space<vmem>>, %arg7: memref<128x128xf32, #tpu.memory_space<vmem>>, %arg8: memref<10000x128xf32, #tpu.memory_space<vmem>>) attributes {dimension_semantics = [], scalar_prefetch = 0 : i64, scratch_operands = 0 : i64, tpu.core_type = #tpu.core_type<tc>} {
    %get3A = arith.constant 0 : index
    %get3A_0 = arith.constant 0 : index
    %get3A_1 = vector.load %arg2[%get3A, %get3A_0] : memref<10000x1xf32, #tpu.memory_space<vmem>>, vector<10000x1xf32>
    %get3A_2 = arith.constant 0 : index
    %get3A_3 = arith.constant 0 : index
    %get3A_4 = arith.constant 0 : index
    %get3A_5 = vector.load %arg0[%get3A_2, %get3A_3, %get3A_4] : memref<2x10112x128xf32, #tpu.memory_space<vmem>>, vector<1x10000x128xf32>
    %get3A_6 = vector.shape_cast %get3A_5 : vector<1x10000x128xf32> to vector<10000x128xf32>
    %get3A_7 = arith.constant 1 : index
    %get3A_8 = arith.constant 0 : index
    %get3A_9 = arith.constant 0 : index
    %get3A_10 = vector.load %arg0[%get3A_7, %get3A_8, %get3A_9] : memref<2x10112x128xf32, #tpu.memory_space<vmem>>, vector<1x10000x128xf32>
    %get3A_11 = vector.shape_cast %get3A_10 : vector<1x10000x128xf32> to vector<10000x128xf32>
    %add3A = arith.addf %get3A_6, %get3A_11 : vector<10000x128xf32>
    %get3A_12 = arith.constant 0 : index
    %get3A_13 = arith.constant 0 : index
    %get3A_14 = vector.load %arg1[%get3A_12, %get3A_13] : memref<10000x128xf32, #tpu.memory_space<vmem>>, vector<10000x128xf32>
    %add3A_15 = arith.addf %add3A, %get3A_14 : vector<10000x128xf32>
    %mul3A = vector.broadcast %get3A_1 : vector<10000x1xf32> to vector<10000x128xf32>
    %mul3A_16 = arith.mulf %mul3A, %add3A_15 : vector<10000x128xf32>
    %get3A_17 = arith.constant 0 : index
    %get3A_18 = arith.constant 0 : index
    %get3A_19 = vector.load %arg3[%get3A_17, %get3A_18] : memref<1x128xf32, #tpu.memory_space<vmem>>, vector<1x128xf32>
    %add3A_20 = vector.broadcast %get3A_19 : vector<1x128xf32> to vector<10000x128xf32>
    %add3A_21 = arith.addf %mul3A_16, %add3A_20 : vector<10000x128xf32>
    %reduce_sum3A = arith.constant dense<0.000000e+00> : vector<128xf32>
    %reduce_sum3A_22 = vector.multi_reduction <add>, %add3A_21, %reduce_sum3A [0] : vector<10000x128xf32> to vector<128xf32>
    %broadcast_in_dim3A = vector.shape_cast %reduce_sum3A_22 : vector<128xf32> to vector<1x128xf32>
    %div3A = arith.constant 1.000000e+04 : f32
    %div3A_23 = vector.broadcast %div3A : f32 to vector<1x128xf32>
    %div3A_24 = arith.divf %broadcast_in_dim3A, %div3A_23 : vector<1x128xf32>
    %sub3A = vector.broadcast %div3A_24 : vector<1x128xf32> to vector<10000x128xf32>
    %sub3A_25 = arith.subf %add3A_21, %sub3A : vector<10000x128xf32>
    %integer_pow3A = arith.mulf %sub3A_25, %sub3A_25 : vector<10000x128xf32>
    %reduce_sum3A_26 = arith.constant dense<0.000000e+00> : vector<128xf32>
    %reduce_sum3A_27 = vector.multi_reduction <add>, %integer_pow3A, %reduce_sum3A_26 [0] : vector<10000x128xf32> to vector<128xf32>
    %broadcast_in_dim3A_28 = vector.shape_cast %reduce_sum3A_27 : vector<128xf32> to vector<1x128xf32>
    %div3A_29 = arith.constant 1.000000e+04 : f32
    %div3A_30 = vector.broadcast %div3A_29 : f32 to vector<1x128xf32>
    %div3A_31 = arith.divf %broadcast_in_dim3A_28, %div3A_30 : vector<1x128xf32>
    %get3A_32 = arith.constant 0 : index
    %get3A_33 = arith.constant 0 : index
    %get3A_34 = vector.load %arg4[%get3A_32, %get3A_33] : memref<1x128xf32, #tpu.memory_space<vmem>>, vector<1x128xf32>
    %sub3A_35 = vector.broadcast %div3A_24 : vector<1x128xf32> to vector<10000x128xf32>
    %sub3A_36 = arith.subf %add3A_21, %sub3A_35 : vector<10000x128xf32>
    %mul3A_37 = vector.broadcast %get3A_34 : vector<1x128xf32> to vector<10000x128xf32>
    %mul3A_38 = arith.mulf %mul3A_37, %sub3A_36 : vector<10000x128xf32>
    %add3A_39 = arith.constant 9.99999974E-6 : f32
    %add3A_40 = vector.broadcast %add3A_39 : f32 to vector<1x128xf32>
    %add3A_41 = arith.addf %div3A_31, %add3A_40 : vector<1x128xf32>
    %rsqrt3A = math.rsqrt %add3A_41 : vector<1x128xf32>
    %mul3A_42 = vector.broadcast %rsqrt3A : vector<1x128xf32> to vector<10000x128xf32>
    %mul3A_43 = arith.mulf %mul3A_38, %mul3A_42 : vector<10000x128xf32>
    %get3A_44 = arith.constant 0 : index
    %get3A_45 = arith.constant 0 : index
    %get3A_46 = vector.load %arg5[%get3A_44, %get3A_45] : memref<1x128xf32, #tpu.memory_space<vmem>>, vector<1x128xf32>
    %add3A_47 = vector.broadcast %get3A_46 : vector<1x128xf32> to vector<10000x128xf32>
    %add3A_48 = arith.addf %mul3A_43, %add3A_47 : vector<10000x128xf32>
    %ge3A = arith.constant 0.000000e+00 : f32
    %ge3A_49 = vector.broadcast %ge3A : f32 to vector<10000x128xf32>
    %ge3A_50 = arith.cmpf oge, %add3A_48, %ge3A_49 : vector<10000x128xf32>
    %get3A_51 = arith.constant 0 : index
    %get3A_52 = arith.constant 0 : index
    %get3A_53 = vector.load %arg6[%get3A_51, %get3A_52] : memref<1x1xf32, #tpu.memory_space<vmem>>, vector<1x1xf32>
    %get3A_54 = vector.extract %get3A_53[0, 0] : f32 from vector<1x1xf32>
    %mul3A_55 = vector.broadcast %get3A_54 : f32 to vector<10000x128xf32>
    %mul3A_56 = arith.mulf %mul3A_55, %add3A_48 : vector<10000x128xf32>
    %select_n3A = arith.select %ge3A_50, %add3A_48, %mul3A_56 : vector<10000x128xi1>, vector<10000x128xf32>
    %get3A_57 = arith.constant 0 : index
    %get3A_58 = arith.constant 0 : index
    %get3A_59 = vector.load %arg7[%get3A_57, %get3A_58] : memref<128x128xf32, #tpu.memory_space<vmem>>, vector<128x128xf32>
    %dot_general3A = arith.constant dense<0.000000e+00> : vector<10000x128xf32>
    %dot_general3A_60 = tpu.matmul %select_n3A, %get3A_59, %dot_general3A {dimension_numbers = #tpu.dot_dimension_numbers<[1], [1], [0], [0], [0, 0, 1, 0], [], []>, transpose_lhs_hint = false} : vector<10000x128xf32>, vector<128x128xf32>, vector<10000x128xf32> -> vector<10000x128xf32>
    %mul3A_61 = vector.broadcast %get3A_1 : vector<10000x1xf32> to vector<10000x128xf32>
    %mul3A_62 = arith.mulf %mul3A_61, %dot_general3A_60 : vector<10000x128xf32>
    %swap3A = arith.constant 0 : index
    %swap3A_63 = arith.constant 0 : index
    %swap3A_64 = vector.load %arg8[%swap3A, %swap3A_63] : memref<10000x128xf32, #tpu.memory_space<vmem>>, vector<10000x128xf32>
    tpu.vector_store %arg8[%swap3A, %swap3A_63], %mul3A_62 {strides = array<i32>} : memref<10000x128xf32, #tpu.memory_space<vmem>>, vector<10000x128xf32>,
    return
  }
}

module attributes {stable_mosaic.version = 14 : i64} {
  func.func @_tc_final_body(%arg0: memref<2x10112x128xf32, #tpu.memory_space<vmem>>, %arg1: memref<10000x128xf32, #tpu.memory_space<vmem>>, %arg2: memref<10000x1xf32, #tpu.memory_space<vmem>>, %arg3: memref<1x128xf32, #tpu.memory_space<vmem>>, %arg4: memref<1x128xf32, #tpu.memory_space<vmem>>, %arg5: memref<1x128xf32, #tpu.memory_space<vmem>>, %arg6: memref<1x1xf32, #tpu.memory_space<vmem>>, %arg7: memref<10000x128xf32, #tpu.memory_space<vmem>>) attributes {dimension_semantics = [], scalar_prefetch = 0 : i64, scratch_operands = 0 : i64, tpu.core_type = #tpu.core_type<tc>} {
    %get3A = arith.constant 0 : index
    %get3A_0 = arith.constant 0 : index
    %get3A_1 = vector.load %arg2[%get3A, %get3A_0] : memref<10000x1xf32, #tpu.memory_space<vmem>>, vector<10000x1xf32>
    %get3A_2 = arith.constant 0 : index
    %get3A_3 = arith.constant 0 : index
    %get3A_4 = arith.constant 0 : index
    %get3A_5 = vector.load %arg0[%get3A_2, %get3A_3, %get3A_4] : memref<2x10112x128xf32, #tpu.memory_space<vmem>>, vector<1x10000x128xf32>
    %get3A_6 = vector.shape_cast %get3A_5 : vector<1x10000x128xf32> to vector<10000x128xf32>
    %get3A_7 = arith.constant 1 : index
    %get3A_8 = arith.constant 0 : index
    %get3A_9 = arith.constant 0 : index
    %get3A_10 = vector.load %arg0[%get3A_7, %get3A_8, %get3A_9] : memref<2x10112x128xf32, #tpu.memory_space<vmem>>, vector<1x10000x128xf32>
    %get3A_11 = vector.shape_cast %get3A_10 : vector<1x10000x128xf32> to vector<10000x128xf32>
    %add3A = arith.addf %get3A_6, %get3A_11 : vector<10000x128xf32>
    %get3A_12 = arith.constant 0 : index
    %get3A_13 = arith.constant 0 : index
    %get3A_14 = vector.load %arg1[%get3A_12, %get3A_13] : memref<10000x128xf32, #tpu.memory_space<vmem>>, vector<10000x128xf32>
    %add3A_15 = arith.addf %add3A, %get3A_14 : vector<10000x128xf32>
    %mul3A = vector.broadcast %get3A_1 : vector<10000x1xf32> to vector<10000x128xf32>
    %mul3A_16 = arith.mulf %mul3A, %add3A_15 : vector<10000x128xf32>
    %get3A_17 = arith.constant 0 : index
    %get3A_18 = arith.constant 0 : index
    %get3A_19 = vector.load %arg3[%get3A_17, %get3A_18] : memref<1x128xf32, #tpu.memory_space<vmem>>, vector<1x128xf32>
    %add3A_20 = vector.broadcast %get3A_19 : vector<1x128xf32> to vector<10000x128xf32>
    %add3A_21 = arith.addf %mul3A_16, %add3A_20 : vector<10000x128xf32>
    %reduce_sum3A = arith.constant dense<0.000000e+00> : vector<128xf32>
    %reduce_sum3A_22 = vector.multi_reduction <add>, %add3A_21, %reduce_sum3A [0] : vector<10000x128xf32> to vector<128xf32>
    %broadcast_in_dim3A = vector.shape_cast %reduce_sum3A_22 : vector<128xf32> to vector<1x128xf32>
    %div3A = arith.constant 1.000000e+04 : f32
    %div3A_23 = vector.broadcast %div3A : f32 to vector<1x128xf32>
    %div3A_24 = arith.divf %broadcast_in_dim3A, %div3A_23 : vector<1x128xf32>
    %sub3A = vector.broadcast %div3A_24 : vector<1x128xf32> to vector<10000x128xf32>
    %sub3A_25 = arith.subf %add3A_21, %sub3A : vector<10000x128xf32>
    %integer_pow3A = arith.mulf %sub3A_25, %sub3A_25 : vector<10000x128xf32>
    %reduce_sum3A_26 = arith.constant dense<0.000000e+00> : vector<128xf32>
    %reduce_sum3A_27 = vector.multi_reduction <add>, %integer_pow3A, %reduce_sum3A_26 [0] : vector<10000x128xf32> to vector<128xf32>
    %broadcast_in_dim3A_28 = vector.shape_cast %reduce_sum3A_27 : vector<128xf32> to vector<1x128xf32>
    %div3A_29 = arith.constant 1.000000e+04 : f32
    %div3A_30 = vector.broadcast %div3A_29 : f32 to vector<1x128xf32>
    %div3A_31 = arith.divf %broadcast_in_dim3A_28, %div3A_30 : vector<1x128xf32>
    %get3A_32 = arith.constant 0 : index
    %get3A_33 = arith.constant 0 : index
    %get3A_34 = vector.load %arg4[%get3A_32, %get3A_33] : memref<1x128xf32, #tpu.memory_space<vmem>>, vector<1x128xf32>
    %sub3A_35 = vector.broadcast %div3A_24 : vector<1x128xf32> to vector<10000x128xf32>
    %sub3A_36 = arith.subf %add3A_21, %sub3A_35 : vector<10000x128xf32>
    %mul3A_37 = vector.broadcast %get3A_34 : vector<1x128xf32> to vector<10000x128xf32>
    %mul3A_38 = arith.mulf %mul3A_37, %sub3A_36 : vector<10000x128xf32>
    %add3A_39 = arith.constant 9.99999974E-6 : f32
    %add3A_40 = vector.broadcast %add3A_39 : f32 to vector<1x128xf32>
    %add3A_41 = arith.addf %div3A_31, %add3A_40 : vector<1x128xf32>
    %rsqrt3A = math.rsqrt %add3A_41 : vector<1x128xf32>
    %mul3A_42 = vector.broadcast %rsqrt3A : vector<1x128xf32> to vector<10000x128xf32>
    %mul3A_43 = arith.mulf %mul3A_38, %mul3A_42 : vector<10000x128xf32>
    %get3A_44 = arith.constant 0 : index
    %get3A_45 = arith.constant 0 : index
    %get3A_46 = vector.load %arg5[%get3A_44, %get3A_45] : memref<1x128xf32, #tpu.memory_space<vmem>>, vector<1x128xf32>
    %add3A_47 = vector.broadcast %get3A_46 : vector<1x128xf32> to vector<10000x128xf32>
    %add3A_48 = arith.addf %mul3A_43, %add3A_47 : vector<10000x128xf32>
    %ge3A = arith.constant 0.000000e+00 : f32
    %ge3A_49 = vector.broadcast %ge3A : f32 to vector<10000x128xf32>
    %ge3A_50 = arith.cmpf oge, %add3A_48, %ge3A_49 : vector<10000x128xf32>
    %get3A_51 = arith.constant 0 : index
    %get3A_52 = arith.constant 0 : index
    %get3A_53 = vector.load %arg6[%get3A_51, %get3A_52] : memref<1x1xf32, #tpu.memory_space<vmem>>, vector<1x1xf32>
    %get3A_54 = vector.extract %get3A_53[0, 0] : f32 from vector<1x1xf32>
    %mul3A_55 = vector.broadcast %get3A_54 : f32 to vector<10000x128xf32>
    %mul3A_56 = arith.mulf %mul3A_55, %add3A_48 : vector<10000x128xf32>
    %select_n3A = arith.select %ge3A_50, %add3A_48, %mul3A_56 : vector<10000x128xi1>, vector<10000x128xf32>
    %swap3A = arith.constant 0 : index
    %swap3A_57 = arith.constant 0 : index
    %swap3A_58 = vector.load %arg7[%swap3A, %swap3A_57] : memref<10000x128xf32, #tpu.memory_space<vmem>>, vector<10000x128xf32>
    tpu.vector_store %arg7[%swap3A, %swap3A_57], %select_n3A {strides = array<i32>} : memref<10000x128xf32, #tpu.memory_space<vmem>>, vector<10000x128xf32>,
    return
  }
}

</mosaic_0001>

<sc_bundles>
// kernel: kernel.11.cloned.1.call-start
scs
__scs_entry_jumppad:
0x0: {  	(pc) =	sbr.rel $0x88, $3  }
0x1: {  	(tag) =	ssettag $0x0;
	lr =	simm.s32 $0x1  }
0x2: {  	[smem:$0x3F95] =	sst lr;
	_ =	strace $0xD0000000  }
0x3: {  	_ = 	snop  }
0x4: {  	_ = 	snop  }
0x5: {  	_ = 	snop  }
0x6: {  	_ = 	snop  }
0x7: {  	_ = 	snop  }
__scs_overlays_trampoline_lowered:
0x8: {  	[smem:$0x3FA4] =	sst s0  }
0x9: {  	[smem:$0x3FA5] =	sst s1  }
0xa: {  	[smem:$0x3FA6] =	sst s2  }
0xb: {  	[smem:$0x3FA7] =	sst s3  }
0xc: {  	[smem:$0x3FA8] =	sst s4  }
0xd: {  	[smem:$0x3FA9] =	sst s5  }
0xe: {  	[smem:$0x3FAA] =	sst s6  }
0xf: {  	[smem:$0x3FAB] =	sst s7  }
0x10: {  	[smem:$0x3FAC] =	sst s8  }
0x11: {  	[smem:$0x3FAD] =	sst s9;
	s0 =	simm.s32 @!p0 $0x0  }
0x12: {  	s1 =	sld [smem:$0x3F93];
	s0 =	simm.s32 @p0 $0x1  }
0x13: {  	[smem:$0x3FAE] =	sst s0;
	s0 =	simm.s32 @!p1 $0x0  }
0x14: {  	s2 =	sld [smem:$0x3F92];
	s0 =	simm.s32 @p1 $0x1  }
0x15: {  	[smem:$0x3FAF] =	sst s0;
	s0 =	simm.s32 @!p2 $0x0  }
0x16: {  	s3 =	sld [smem:$0x3FDB];
	s0 =	simm.s32 @p2 $0x1  }
0x17: {  	s4 =	simm.s32 $0x1BF5;
	[smem:$0x3FB1] =	sst s0  }
0x18: {  	s0 =	sld [smem:$0x3F94];
	_ =	swait.ge [sflag:s4], $0x0  }
0x19: {  	s7 =	sld [smem:$0x3F95]  }
0x1a: {  	s8 =	sadd.s32 $0xFFFFE003, lr  }
0x1b: {  	s9 =	sadd.s32 $0xFFFFFEF7, lr;
	s5 =	simm.s32 $0xFFFFFFFF;
	p2 =	slt.u32 s8, $0xFFFFF086  }
0x1c: {  	p1 =	slt.u32 s9, $0xF7A;
	s5 =	simm.s32 @!p2 $0x0  }
0x1d: {  	s5 =	simm.s32 @p1 $0x1;
	p0 =	seq.s32 s7, s2  }
0x1e: {  	s7 =	smul.u32 @!p0 $0xF7A, s2;
	p2 =	seq.s32 @!p0 s5, $0x0  }
0x1f: {  	s9 =	smul.u32 $0xF7A, s1;
	s8 =	simm.s32 @!p0 $0x1BF5;
	p2 =	por !p2, p0  }
0x20: {  	[sflag:s8] =	ssyncset.s32 @!p0 $0xFFFFF086;
	s6 =	sadd.s32 @!p0 s3, s7;
	s7 =	simm.s32 @!p0 $0x108  }
0x21: {  	s3 =	sadd.s32 s3, s9;
	s6 =	sadd.s32 @!p0 $0x88, s6;
	s7 =	simm.s32 @p2 $0x1082  }
0x22: {  	[simem:s7], [sflag:s8] =	dma.local @!p0 [hbm:s6], $0xF7A  }
0x23: {  	s9 =	sor.u32 $0xD0000000, s2;
	s6 =	simm.s32 $0x108;
	_ =	swait.ge @!p0 [sflag:s8], $0x0  }
0x24: {  	s3 =	sadd.s32 $0x88, s3;
	s6 =	simm.s32 @!p1 $0x1082;
	[sflag:s4] =	ssyncset.s32 $0xFFFFF086  }
0x25: {  	[simem:s6], [sflag:s4] =	dma.local [hbm:s3], $0xF7A  }
0x26: {  	[smem:$0x3F95] =	sst s1;
	(tag) =	ssettag s2;
	_ =	strace s9  }
0x27: {  	s1 =	sld [smem:$0x3FA5]  }
0x28: {  	s2 =	sld [smem:$0x3FA6]  }
0x29: {  	s4 =	sld [smem:$0x3FA8]  }
0x2a: {  	p0 =	seq.s32 s5, $0x0;
	s5 =	sld [smem:$0x3FA9]  }
0x2b: {  	s6 =	sld [smem:$0x3FAA]  }
0x2c: {  	s7 =	sld [smem:$0x3FAB]  }
0x2d: {  	s3 =	simm.s32 $0x108;
	s8 =	sld [smem:$0x3FAC]  }
0x2e: {  	s3 =	simm.s32 @!p0 $0x1082;
	s9 =	sld [smem:$0x3FAD]  }
0x2f: {  	lr =	sadd.s32 s0, s3;
	s0 =	sld [smem:$0x3FA4]  }
0x30: {  	s3 =	sld [smem:$0x3FA7]  }
0x31: {  	[smem:$0x3FB0] =	sst s10  }
0x32: {  	s10 =	sld [smem:$0x3FAE];
	_ =	sdelay $0x3  }
0x33: {  	p0 =	seq.s32 s10, $0x1;
	s10 =	sld [smem:$0x3FB0];
	_ =	sdelay $0x3  }
0x34: {  	[smem:$0x3FB0] =	sst s10  }
0x35: {  	s10 =	sld [smem:$0x3FAF];
	_ =	sdelay $0x3  }
0x36: {  	p1 =	seq.s32 s10, $0x1;
	s10 =	sld [smem:$0x3FB0];
	_ =	sdelay $0x3  }
0x37: {  	[smem:$0x3FB0] =	sst s10  }
0x38: {  	s10 =	sld [smem:$0x3FB1]  }
0x39: {  	_ = 	snop;
	(pc) =	sbr.ind lr, $3  }
0x3a: {  	_ = 	snop  }
0x3b: {  	_ = 	snop  }
0x3c: {  	p2 =	seq.s32 s10, $0x1;
	s10 =	sld [smem:$0x3FB0]  }
0x3d: {  	_ =	shalt  }
0x3e: {  	_ =	shalt  }
0x3f: {  	_ =	shalt  }
0x40: {  	_ =	shalt  }
0x41: {  	_ =	shalt  }
0x42: {  	_ =	shalt  }
0x43: {  	_ =	shalt  }
0x44: {  	_ =	shalt  }
0x45: {  	_ =	shalt  }
0x46: {  	_ =	shalt  }
0x47: {  	_ =	shalt  }
0x48: {  	_ =	shalt  }
0x49: {  	_ =	shalt  }
0x4a: {  	_ =	shalt  }
0x4b: {  	_ =	shalt  }
0x4c: {  	_ =	shalt  }
0x4d: {  	_ =	shalt  }
0x4e: {  	_ =	shalt  }
0x4f: {  	_ =	shalt  }
0x50: {  	_ =	shalt  }
0x51: {  	_ =	shalt  }
0x52: {  	_ =	shalt  }
0x53: {  	_ =	shalt  }
0x54: {  	_ =	shalt  }
0x55: {  	_ =	shalt  }
0x56: {  	_ =	shalt  }
0x57: {  	_ =	shalt  }
0x58: {  	_ =	shalt  }
0x59: {  	_ =	shalt  }
0x5a: {  	_ =	shalt  }
0x5b: {  	_ =	shalt  }
0x5c: {  	_ =	shalt  }
0x5d: {  	_ =	shalt  }
0x5e: {  	_ =	shalt  }
0x5f: {  	_ =	shalt  }
0x60: {  	_ =	shalt  }
0x61: {  	_ =	shalt  }
0x62: {  	_ =	shalt  }
0x63: {  	_ =	shalt  }
0x64: {  	_ =	shalt  }
0x65: {  	_ =	shalt  }
0x66: {  	_ =	shalt  }
0x67: {  	_ =	shalt  }
0x68: {  	_ =	shalt  }
0x69: {  	_ =	shalt  }
0x6a: {  	_ =	shalt  }
0x6b: {  	_ =	shalt  }
0x6c: {  	_ =	shalt  }
0x6d: {  	_ =	shalt  }
0x6e: {  	_ =	shalt  }
0x6f: {  	_ =	shalt  }
0x70: {  	_ =	shalt  }
0x71: {  	_ =	shalt  }
0x72: {  	_ =	shalt  }
0x73: {  	_ =	shalt  }
0x74: {  	_ =	shalt  }
0x75: {  	_ =	shalt  }
0x76: {  	_ =	shalt  }
0x77: {  	_ =	shalt  }
0x78: {  	_ =	shalt  }
0x79: {  	_ =	shalt  }
0x7a: {  	_ =	shalt  }
0x7b: {  	_ =	shalt  }
0x7c: {  	_ =	shalt  }
0x7d: {  	_ =	shalt  }
0x7e: {  	_ =	shalt  }
0x7f: {  	_ =	shalt  }
0x80: {  	_ =	shalt  }
0x81: {  	_ =	shalt  }
0x82: {  	_ =	shalt  }
0x83: {  	_ =	shalt  }
0x84: {  	_ =	shalt  }
0x85: {  	_ =	shalt  }
0x86: {  	_ =	shalt  }
0x87: {  	_ =	shalt  }
.Lfunc_end0:
.L_simem_size_0:
called_computation.1_lowered:
.L_overlay_start_0:
0x88: {  	s2 =	sld [smem:$0x3FD9]  }
0x89: {  	s3 =	sld [smem:$0x3FFE];
	_ =	sdelay $0x1  }
0x8a: {  	s1 =	srdreg.scid  }
0x8b: {  	s0 =	sand.u32 $0x1, s1  }
0x8c: {  	s17 =	sshll.u32 s0, $0xA;
	s2 =	sadd.s32 s3, s2  }
0x8d: {  	s2 =	sadd.s32 s2, s17  }
0x8e: {  	[smem:$0x3FBC] =	sst s2  }
0x8f: {  	_ = 	snop  }
0x90: {  	s2 =	sld [smem:$0x3FD0];
	(tm) =	ssettm $0x1  }
0x91: {  	s18 =	sld [smem:$0x3FFB];
	_ =	sdelay $0x3  }
0x92: {  	_ =	strace s18  }
0x93: {  	s3 =	sld [smem:$0x3FFC];
	_ =	sdelay $0x3  }
0x94: {  	_ =	strace s3  }
0x95: {  	s3 =	sld [smem:$0x3FFD];
	_ =	sdelay $0x3  }
0x96: {  	_ =	strace s3  }
0x97: {  	_ =	strace $0x8FFFFFFF  }
0x98: {  	s19 =	sld [smem:$0x3FDB];
	_ =	sdelay $0x1  }
0x99: {  	s4 =	simm.s32 $_scs_section_size  }
0x9a: {  	s5 =	simm.s32 $_size__tile_overlayer_lowered;
	s6 =	simm.s32 $_tile_overlayer_lowered  }
0x9b: {  	s22 =	simm.s32 $0x1BFF;
	s21 =	sshll.u32 s6, $0x1;
	s3 =	sadd.s32 s4, s19  }
0x9c: {  	s7 =	simm.s32 $0x0;
	s20 =	sshll.u32 s5, $0x1;
	s5 =	sadd.s32 s21, s3  }
0x9d: {  	[timem:s7], [sflag:s22] =	dma.local [hbm:s5], s20  }
0x9e: {  	_ =	swait.ge [sflag:s22], s20  }
0x9f: {  	s4 =	ssub.s32 $0x0, s20;
	[sflag:s22] =	ssyncset.done $0x0  }
0xa0: {  	[sflag:s22] =	ssyncadd.s32 s4;
	_ =	sdelay $0x1  }
0xa1: {  	s23 =	simm.s32 $0x1B8B  }
0xa2: {  	_ =	swait.ge [sflag:s23], $0x1  }
0xa3: {  	[sflag:s23] =	ssyncset.done $0x0  }
0xa4: {  	s25 =	simm.s32 $0x1B8E;
	s24 =	sld [smem:$0x3FFE];
	[sflag:s23] =	ssyncadd.s32 $0xFFFFFFFF  }
0xa5: {  	s26 =	simm.s32 $execute0_lowered;
	[smem:$0x3FD2] =	sst s25  }
0xa6: {  	s5 =	sshll.u32 s26, $0x1;
	_ =	strace $0x80000049;
	[dreg:$0x1] =	wrdreg $0xFFFFFFFF  }
0xa7: {  	s28 =	simm.s32 $_size_execute0_lowered;
	s3 =	sadd.s32 s3, s5;
	[dreg:$0x0] =	wrdreg $0x0  }
0xa8: {  	s5 =	sshll.u32 s28, $0x1;
	[dreg:$0x2] =	wrdreg s3  }
0xa9: {  	[dreg:$0x3] =	wrdreg s5  }
0xaa: {  	[dreg:$0x4] =	wrdreg $0xC0  }
0xab: {  	_ =	task [dreg:s7], $0x5FFFF  }
0xac: {  	[dreg:$0x1] =	wrdreg $0xFFFFFFFF  }
0xad: {  	[dreg:$0x0] =	wrdreg $0x60  }
0xae: {  	[dreg:$0x2] =	wrdreg s2  }
0xaf: {  	[dreg:$0x3] =	wrdreg s24  }
0xb0: {  	[dreg:$0x4] =	wrdreg $0xA0000  }
0xb1: {  	[dreg:$0x5] =	wrdreg $0x9  }
0xb2: {  	_ =	task.clear_ibuf [dreg:s7], $0x6FFFF;
	_ =	strace $0x90000049  }
0xb3: {  	s29 =	simm.s32 $0x9;
	_ =	strace $0x8000004B  }
0xb4: {  	_ =	swait.ge [sflag:s29], $0x1  }
0xb5: {  	[sflag:s29] =	ssyncadd.s32 $0xFFFFFFFF  }
0xb6: {  	_ =	strace $0x9000004B  }
0xb7: {  	_ =	sfence  }
0xb8: {  	s30 =	sld [smem:$0x0];
	_ =	sdelay $0x2  }
0xb9: {  	s31 =	sshll.u32 s1, $0xD;
	s1 =	sshrl.u32 s1, $0x2  }
0xba: {  	s3 =	sand.u32 $0x4000, s31;
	s1 =	sadd.s32 s1, s30  }
0xbb: {  	s0 =	sor.u32 s3, s0;
	s1 =	sshll.u32 s1, $0x11  }
0xbc: {  	s0 =	sor.u32 s1, s0  }
0xbd: {  	s0 =	sadd.s32 $0x8F2B, s0  }
0xbe: {  	[sflag:s0] =	ssyncadd.remote.s32 $0x1  }
0xbf: {  	_ =	sfence.sel $0xFFFF  }
0xc0: {  	[dreg:$0x0] =	wrdreg $0xFFFFFFFF;
	(pc) =	sbr.abs _section_cstart, $3  }
0xc1: {  	[dreg:$0x1] =	wrdreg $0xFFFFFFFF  }
0xc2: {  	_ =	task.clear_ibuf [dreg:s7], $0x2FFFF;
	_ =	strace $0x9FFFFFFF  }
0xc3: {  	(tm) =	ssettm $0x7FFFFFFF  }
tec
execute0_lowered:
.L_overlay_start_1:
0x0: {  	(tag) =	ssettag $0x1  }
0x1: {  	s2 =	rddreg [dreg:$0x0]  }
0x2: {  	s6 =	rddreg [dreg:$0x1]  }
0x3: {  	s3 =	rddreg [dreg:$0x2]  }
0x4: {  	s0 =	rddreg [dreg:$0x3]  }
0x5: {  	s1 =	stileid.u32;
	s5 =	srdreg.scid  }
0x6: {  	s4 =	simm.s32 $0x0;
	s14 =	simm.s32 $0x1000;
	s15 =	simm.s32 $0x80  }
0x7: {  	s16 =	simm.s32 $0x2000;
	s17 =	simm.s32 $0x6000;
	s18 =	simm.s32 $0x1  }
0x8: {  	s19 =	simm.s32 $0x2;
	s20 =	simm.s32 $0x1F00;
	s7 =	smul.u32 $0xA00, s1  }
0x9: {  	s21 =	simm.s32 $0x1F80;
	s8 =	sand.u32 $0x1, s5;
	s30 =	smul.u32 $0x4F000, s1  }
0xa: {  	[smem:$0x7FF] =	sst s4;
	s5 =	sadd.s32 $0x16E00, s6;
	s23 =	smul.u32 $0x2780, s1  }
0xb: {  	s12 =	sshll.u32 s1, $0x6;
	s9 =	smul.u32 $0x27800, s8;
	_ =	strace $0x8000004A  }
0xc: {  	s31 =	ssub.s32 $0x2, s8;
	p0 =	seq.s32 s8, $0x1;
	s10 =	sadd.s32 s7, s6  }
0xd: {  	s11 =	sshrl.u32 s31, $0x1;
	s7 =	sshrl.u32 s30, $0x2;
	s9 =	sadd.s32 s9, s6  }
.Ltmp0:
0xe: {  	s11 =	ssub.s32 s31, s11;
	s13 =	sadd.s32 s7, s3;
	(pc) =	sbr.rel .LBB2_1-.Ltmp0, $4  }
0xf: {  	s6 =	sor.u32 $0x1C03, s12;
	s7 =	sadd.s32 $0xCE00, s10;
	s8 =	sadd.s32 $0x2E00, s10  }
0x10: {  	s22 =	sadd.s32 $0x19600, s9;
	s9 =	smax.u32 s11, $0x1;
	s10 =	sshrl.u32 s13, $0x3  }
0x11: {  	s11 =	simm.s32 $0x3;
	s12 =	sadd.s32 $0x800, s7;
	s13 =	sadd.s32 $0x800, s8  }
0x12: {  	s24 =	sadd.s32 $0x200, s8;
	s22 =	sadd.s32 s23, s22;
	s23 =	sadd.s32 $0x200, s7  }
.LBB2_13:
0x13: {  	[tilespmem:s17], [sflag:$0x2] =	stream.indirect.gather [hbm4b:s2+s15], $0x80, s26, s15, $0xb8;
	[tilespmem:$0x1DC00] =	vst v63  }
.LBB2_14:
0x14: {  	_ =	swait.ge [sflag:s18], $0x4000  }
0x15: {  	[sflag:s18] =	ssyncset.done $0x0  }
0x16: {  	[sflag:s18] =	ssyncadd.s32 $0xFFFFC000  }
0x17: {  	[spmem:s3] =	stream.indirect.scatter.add.f32 [tilespmem:s16], [sflag:$0x3], $0x80, s20, s15, $0xb8;
	[tilespmem:$0x1DC00] =	vst v63  }
0x18: {  	_ =	swait.ge [sflag:s11], $0x4000  }
0x19: {  	[sflag:s11] =	ssyncset.done $0x0  }
0x1a: {  	[sflag:s11] =	ssyncadd.s32 $0xFFFFC000  }
0x1b: {  	_ =	swait.ge [sflag:s19], $0x4000  }
0x1c: {  	[sflag:s19] =	ssyncset.done $0x0  }
0x1d: {  	[sflag:s19] =	ssyncadd.s32 $0xFFFFC000  }
0x1e: {  	[spmem:s3] =	stream.indirect.scatter.add.f32 [tilespmem:s17], [sflag:$0x3], $0x80, s21, s15, $0xb8;
	[tilespmem:$0x1DC00] =	vst v63  }
0x1f: {  	_ =	swait.ge [sflag:s11], $0x4000  }
0x20: {  	s4 =	sadd.s32 $0x1, s4;
	[sflag:s11] =	ssyncset.done $0x0  }
0x21: {  	p1 =	sne.s32 s4, s9;
	[sflag:s11] =	ssyncadd.s32 $0xFFFFC000  }
.Ltmp1:
0x22: {  	[bflag:$0x0] =	sbarrier.arrive $0xFFFF;
	(pc) =	sbr.rel @!p1 .LBB2_15-.Ltmp1, $4  }
0x23: {  	[hbm:s22], [sflag:s6] =	dma.local [spmem:s10], $0x2780  }
0x24: {  	_ =	swait.ge [sflag:s11], $0x2780  }
0x25: {  	[sflag:s11] =	ssyncset.done $0x0  }
0x26: {  	[sflag:s11] =	ssyncadd.s32 $0xFFFFD880  }
.LBB2_1:
0x27: {  	[spmem:s10], [sflag:s6] =	dma.local [hbm:s5], $0x2780  }
.Ltmp2:
0x28: {  	_ =	swait.ge [sflag:s11], $0x2780;
	(pc) =	sbr.rel @!p0 .LBB2_2-.Ltmp2, $4  }
0x29: {  	[sflag:s11] =	ssyncset.done $0x0  }
0x2a: {  	[sflag:s11] =	ssyncadd.s32 $0xFFFFD880  }
0x2b: {  	[bflag:$0x0] =	sbarrier.arrive $0xFFFF  }
0x2c: {  	s25 =	simm.s32 $0x0  }
0x2d: {  	[tilespmem:s25], [sflag:$0x3] =	stream.linear.gather [hbm4b:s12+s25], $0x1000, $0x38;
	[tilespmem:$0x1DC00] =	vst v63  }
0x2e: {  	_ =	swait.ge [sflag:s11], $0x1000  }
0x2f: {  	[sflag:s11] =	ssyncset.done $0x0  }
0x30: {  	[sflag:s11] =	ssyncadd.s32 $0xFFFFF000  }
0x31: {  	[tilespmem:s14], [sflag:$0x3] =	stream.linear.gather [hbm4b:s13+s25], $0x1000, $0x38;
	[tilespmem:$0x1DC00] =	vst v63  }
0x32: {  	_ =	swait.ge [sflag:s11], $0x1000  }
0x33: {  	[sflag:s11] =	ssyncset.done $0x0  }
0x34: {  	[sflag:s11] =	ssyncadd.s32 $0xFFFFF000  }
0x35: {  	[tilespmem:s16], [sflag:$0x1] =	stream.indirect.gather [hbm4b:s2+s15], $0x80, s25, s15, $0xb8;
	[tilespmem:$0x1DC00] =	vst v63  }
0x36: {  	_ = 	snop  }
0x37: {  	[tilespmem:s17], [sflag:$0x2] =	stream.indirect.gather [hbm4b:s2+s15], $0x80, s15, s15, $0xb8;
	[tilespmem:$0x1DC00] =	vst v63  }
0x38: {  	_ =	swait.ge [sflag:s18], $0x4000  }
0x39: {  	[sflag:s18] =	ssyncset.done $0x0  }
0x3a: {  	s29 =	simm.s32 $0x1000;
	[sflag:s18] =	ssyncadd.s32 $0xFFFFC000  }
0x3b: {  	[spmem:s3] =	stream.indirect.scatter.add.f32 [tilespmem:s16], [sflag:$0x3], $0x80, s29, s15, $0xb8;
	[tilespmem:$0x1DC00] =	vst v63  }
0x3c: {  	_ =	swait.ge [sflag:s11], $0x4000  }
0x3d: {  	[sflag:s11] =	ssyncset.done $0x0  }
0x3e: {  	s30 =	simm.s32 $0x100;
	[sflag:s11] =	ssyncadd.s32 $0xFFFFC000  }
0x3f: {  	[tilespmem:s16], [sflag:$0x1] =	stream.indirect.gather [hbm4b:s2+s15], $0x80, s30, s15, $0xb8;
	[tilespmem:$0x1DC00] =	vst v63  }
0x40: {  	_ =	swait.ge [sflag:s19], $0x4000  }
0x41: {  	[sflag:s19] =	ssyncset.done $0x0  }
0x42: {  	s31 =	simm.s32 $0x1080;
	[sflag:s19] =	ssyncadd.s32 $0xFFFFC000  }
0x43: {  	[spmem:s3] =	stream.indirect.scatter.add.f32 [tilespmem:s17], [sflag:$0x3], $0x80, s31, s15, $0xb8;
	[tilespmem:$0x1DC00] =	vst v63  }
0x44: {  	_ =	swait.ge [sflag:s11], $0x4000  }
0x45: {  	[sflag:s11] =	ssyncset.done $0x0  }
0x46: {  	s26 =	simm.s32 $0x180;
	s25 =	simm.s32 $0x400;
	[sflag:s11] =	ssyncadd.s32 $0xFFFFC000  }
.LBB2_12:
0x47: {  	[tilespmem:s17], [sflag:$0x2] =	stream.indirect.gather [hbm4b:s2+s15], $0x80, s26, s15, $0xb8;
	[tilespmem:$0x1DC00] =	vst v63  }
0x48: {  	s26 =	smov.u32 s25  }
0x49: {  	p1 =	sne.s32 s25, $0x3800;
	s25 =	sadd.s32 $0x400, s25;
	_ =	swait.ge [sflag:s18], $0x4000  }
0x4a: {  	s26 =	sshra.s32 s26, $0x2;
	[sflag:s18] =	ssyncset.done $0x0  }
0x4b: {  	s28 =	sadd.s32 $0x1000, s26;
	[sflag:s18] =	ssyncadd.s32 $0xFFFFC000  }
0x4c: {  	[spmem:s3] =	stream.indirect.scatter.add.f32 [tilespmem:s16], [sflag:$0x3], $0x80, s28, s15, $0xb8;
	[tilespmem:$0x1DC00] =	vst v63  }
0x4d: {  	_ =	swait.ge [sflag:s11], $0x4000  }
0x4e: {  	[sflag:s11] =	ssyncset.done $0x0  }
0x4f: {  	s28 =	sadd.s32 $0x100, s26;
	[sflag:s11] =	ssyncadd.s32 $0xFFFFC000  }
0x50: {  	[tilespmem:s16], [sflag:$0x1] =	stream.indirect.gather [hbm4b:s2+s15], $0x80, s28, s15, $0xb8;
	[tilespmem:$0x1DC00] =	vst v63  }
0x51: {  	_ =	swait.ge [sflag:s19], $0x4000  }
0x52: {  	[sflag:s19] =	ssyncset.done $0x0  }
.Ltmp3:
0x53: {  	s28 =	sadd.s32 $0x1080, s26;
	[sflag:s19] =	ssyncadd.s32 $0xFFFFC000;
	(pc) =	sbr.rel @p1 .LBB2_12-.Ltmp3, $4  }
0x54: {  	[spmem:s3] =	stream.indirect.scatter.add.f32 [tilespmem:s17], [sflag:$0x3], $0x80, s28, s15, $0xb8;
	[tilespmem:$0x1DC00] =	vst v63  }
0x55: {  	_ =	swait.ge [sflag:s11], $0x4000  }
0x56: {  	[sflag:s11] =	ssyncset.done $0x0  }
0x57: {  	s26 =	sadd.s32 $0x180, s26;
	[sflag:s11] =	ssyncadd.s32 $0xFFFFC000  }
.Ltmp4:
0x58: {  	_ = 	snop;
	(pc) =	sbr.rel .LBB2_13-.Ltmp4, $1  }
0x59: {  	_ =	sdelay $0x3  }
.LBB2_2:
0x5a: {  	[tilespmem:s25], [sflag:$0x3] =	stream.linear.gather [hbm4b:s7+s25], $0x1000, $0x38;
	[tilespmem:$0x1DC00] =	vst v63  }
0x5b: {  	_ =	swait.ge [sflag:s11], $0x1000  }
0x5c: {  	[sflag:s11] =	ssyncset.done $0x0  }
0x5d: {  	[sflag:s11] =	ssyncadd.s32 $0xFFFFF000  }
0x5e: {  	[tilespmem:s14], [sflag:$0x3] =	stream.linear.gather [hbm4b:s8+s25], $0x1000, $0x38;
	[tilespmem:$0x1DC00] =	vst v63  }
0x5f: {  	_ =	swait.ge [sflag:s11], $0x1000  }
0x60: {  	[sflag:s11] =	ssyncset.done $0x0  }
0x61: {  	[sflag:s11] =	ssyncadd.s32 $0xFFFFF000  }
0x62: {  	[tilespmem:s16], [sflag:$0x1] =	stream.indirect.gather [hbm4b:s2+s15], $0x80, s25, s15, $0xb8;
	[tilespmem:$0x1DC00] =	vst v63  }
0x63: {  	_ = 	snop  }
0x64: {  	[tilespmem:s17], [sflag:$0x2] =	stream.indirect.gather [hbm4b:s2+s15], $0x80, s15, s15, $0xb8;
	[tilespmem:$0x1DC00] =	vst v63  }
0x65: {  	_ =	swait.ge [sflag:s18], $0x4000  }
0x66: {  	[sflag:s18] =	ssyncset.done $0x0  }
0x67: {  	s29 =	simm.s32 $0x1000;
	[sflag:s18] =	ssyncadd.s32 $0xFFFFC000  }
0x68: {  	[spmem:s3] =	stream.indirect.scatter.add.f32 [tilespmem:s16], [sflag:$0x3], $0x80, s29, s15, $0xb8;
	[tilespmem:$0x1DC00] =	vst v63  }
0x69: {  	_ =	swait.ge [sflag:s11], $0x4000  }
0x6a: {  	[sflag:s11] =	ssyncset.done $0x0  }
0x6b: {  	s30 =	simm.s32 $0x100;
	[sflag:s11] =	ssyncadd.s32 $0xFFFFC000  }
0x6c: {  	[tilespmem:s16], [sflag:$0x1] =	stream.indirect.gather [hbm4b:s2+s15], $0x80, s30, s15, $0xb8;
	[tilespmem:$0x1DC00] =	vst v63  }
0x6d: {  	_ =	swait.ge [sflag:s19], $0x4000  }
0x6e: {  	[sflag:s19] =	ssyncset.done $0x0  }
0x6f: {  	s31 =	simm.s32 $0x1080;
	[sflag:s19] =	ssyncadd.s32 $0xFFFFC000  }
0x70: {  	[spmem:s3] =	stream.indirect.scatter.add.f32 [tilespmem:s17], [sflag:$0x3], $0x80, s31, s15, $0xb8;
	[tilespmem:$0x1DC00] =	vst v63  }
0x71: {  	_ =	swait.ge [sflag:s11], $0x4000  }
0x72: {  	[sflag:s11] =	ssyncset.done $0x0  }
0x73: {  	s26 =	simm.s32 $0x180;
	s25 =	simm.s32 $0x400;
	[sflag:s11] =	ssyncadd.s32 $0xFFFFC000  }
.LBB2_3:
0x74: {  	[tilespmem:s17], [sflag:$0x2] =	stream.indirect.gather [hbm4b:s2+s15], $0x80, s26, s15, $0xb8;
	[tilespmem:$0x1DC00] =	vst v63  }
0x75: {  	s26 =	smov.u32 s25  }
0x76: {  	p1 =	sne.s32 s25, $0x3800;
	s25 =	sadd.s32 $0x400, s25;
	_ =	swait.ge [sflag:s18], $0x4000  }
0x77: {  	s26 =	sshra.s32 s26, $0x2;
	[sflag:s18] =	ssyncset.done $0x0  }
0x78: {  	s28 =	sadd.s32 $0x1000, s26;
	[sflag:s18] =	ssyncadd.s32 $0xFFFFC000  }
0x79: {  	[spmem:s3] =	stream.indirect.scatter.add.f32 [tilespmem:s16], [sflag:$0x3], $0x80, s28, s15, $0xb8;
	[tilespmem:$0x1DC00] =	vst v63  }
0x7a: {  	_ =	swait.ge [sflag:s11], $0x4000  }
0x7b: {  	[sflag:s11] =	ssyncset.done $0x0  }
0x7c: {  	s28 =	sadd.s32 $0x100, s26;
	[sflag:s11] =	ssyncadd.s32 $0xFFFFC000  }
0x7d: {  	[tilespmem:s16], [sflag:$0x1] =	stream.indirect.gather [hbm4b:s2+s15], $0x80, s28, s15, $0xb8;
	[tilespmem:$0x1DC00] =	vst v63  }
0x7e: {  	_ =	swait.ge [sflag:s19], $0x4000  }
0x7f: {  	[sflag:s19] =	ssyncset.done $0x0  }
.Ltmp5:
0x80: {  	s28 =	sadd.s32 $0x1080, s26;
	[sflag:s19] =	ssyncadd.s32 $0xFFFFC000;
	(pc) =	sbr.rel @p1 .LBB2_3-.Ltmp5, $4  }
0x81: {  	[spmem:s3] =	stream.indirect.scatter.add.f32 [tilespmem:s17], [sflag:$0x3], $0x80, s28, s15, $0xb8;
	[tilespmem:$0x1DC00] =	vst v63  }
0x82: {  	_ =	swait.ge [sflag:s11], $0x4000  }
0x83: {  	[sflag:s11] =	ssyncset.done $0x0  }
0x84: {  	s26 =	sadd.s32 $0x180, s26;
	[sflag:s11] =	ssyncadd.s32 $0xFFFFC000  }
0x85: {  	[tilespmem:s17], [sflag:$0x2] =	stream.indirect.gather [hbm4b:s2+s15], $0x80, s26, s15, $0xb8;
	[tilespmem:$0x1DC00] =	vst v63  }
0x86: {  	_ =	swait.ge [sflag:s18], $0x4000  }
0x87: {  	[sflag:s18] =	ssyncset.done $0x0  }
0x88: {  	[sflag:s18] =	ssyncadd.s32 $0xFFFFC000  }
0x89: {  	[spmem:s3] =	stream.indirect.scatter.add.f32 [tilespmem:s16], [sflag:$0x3], $0x80, s20, s15, $0xb8;
	[tilespmem:$0x1DC00] =	vst v63  }
0x8a: {  	_ =	swait.ge [sflag:s11], $0x4000  }
0x8b: {  	[sflag:s11] =	ssyncset.done $0x0  }
0x8c: {  	[sflag:s11] =	ssyncadd.s32 $0xFFFFC000  }
0x8d: {  	_ =	swait.ge [sflag:s19], $0x4000  }
0x8e: {  	[sflag:s19] =	ssyncset.done $0x0  }
0x8f: {  	[sflag:s19] =	ssyncadd.s32 $0xFFFFC000  }
0x90: {  	[spmem:s3] =	stream.indirect.scatter.add.f32 [tilespmem:s17], [sflag:$0x3], $0x80, s21, s15, $0xb8;
	[tilespmem:$0x1DC00] =	vst v63  }
0x91: {  	_ =	swait.ge [sflag:s11], $0x4000  }
0x92: {  	[sflag:s11] =	ssyncset.done $0x0  }
0x93: {  	s25 =	simm.s32 $0x0;
	[sflag:s11] =	ssyncadd.s32 $0xFFFFC000  }
0x94: {  	[tilespmem:s25], [sflag:$0x3] =	stream.linear.gather [hbm4b:s23+s25], $0x1000, $0x38;
	[tilespmem:$0x1DC00] =	vst v63  }
0x95: {  	_ =	swait.ge [sflag:s11], $0x1000  }
0x96: {  	[sflag:s11] =	ssyncset.done $0x0  }
0x97: {  	[sflag:s11] =	ssyncadd.s32 $0xFFFFF000  }
0x98: {  	[tilespmem:s14], [sflag:$0x3] =	stream.linear.gather [hbm4b:s24+s25], $0x1000, $0x38;
	[tilespmem:$0x1DC00] =	vst v63  }
0x99: {  	_ =	swait.ge [sflag:s11], $0x1000  }
0x9a: {  	[sflag:s11] =	ssyncset.done $0x0  }
0x9b: {  	[sflag:s11] =	ssyncadd.s32 $0xFFFFF000  }
0x9c: {  	[tilespmem:s16], [sflag:$0x1] =	stream.indirect.gather [hbm4b:s2+s15], $0x80, s25, s15, $0xb8;
	[tilespmem:$0x1DC00] =	vst v63  }
0x9d: {  	_ = 	snop  }
0x9e: {  	[tilespmem:s17], [sflag:$0x2] =	stream.indirect.gather [hbm4b:s2+s15], $0x80, s15, s15, $0xb8;
	[tilespmem:$0x1DC00] =	vst v63  }
0x9f: {  	_ =	swait.ge [sflag:s18], $0x4000  }
0xa0: {  	[sflag:s18] =	ssyncset.done $0x0  }
0xa1: {  	s29 =	simm.s32 $0x1000;
	[sflag:s18] =	ssyncadd.s32 $0xFFFFC000  }
0xa2: {  	[spmem:s3] =	stream.indirect.scatter.add.f32 [tilespmem:s16], [sflag:$0x3], $0x80, s29, s15, $0xb8;
	[tilespmem:$0x1DC00] =	vst v63  }
0xa3: {  	_ =	swait.ge [sflag:s11], $0x4000  }
0xa4: {  	[sflag:s11] =	ssyncset.done $0x0  }
0xa5: {  	s30 =	simm.s32 $0x100;
	[sflag:s11] =	ssyncadd.s32 $0xFFFFC000  }
0xa6: {  	[tilespmem:s16], [sflag:$0x1] =	stream.indirect.gather [hbm4b:s2+s15], $0x80, s30, s15, $0xb8;
	[tilespmem:$0x1DC00] =	vst v63  }
0xa7: {  	_ =	swait.ge [sflag:s19], $0x4000  }
0xa8: {  	[sflag:s19] =	ssyncset.done $0x0  }
0xa9: {  	s31 =	simm.s32 $0x1080;
	[sflag:s19] =	ssyncadd.s32 $0xFFFFC000  }
0xaa: {  	[spmem:s3] =	stream.indirect.scatter.add.f32 [tilespmem:s17], [sflag:$0x3], $0x80, s31, s15, $0xb8;
	[tilespmem:$0x1DC00] =	vst v63  }
0xab: {  	_ =	swait.ge [sflag:s11], $0x4000  }
0xac: {  	[sflag:s11] =	ssyncset.done $0x0  }
0xad: {  	s26 =	simm.s32 $0x180;
	s25 =	simm.s32 $0x400;
	[sflag:s11] =	ssyncadd.s32 $0xFFFFC000  }
.LBB2_5:
0xae: {  	[tilespmem:s17], [sflag:$0x2] =	stream.indirect.gather [hbm4b:s2+s15], $0x80, s26, s15, $0xb8;
	[tilespmem:$0x1DC00] =	vst v63  }
0xaf: {  	s26 =	smov.u32 s25  }
0xb0: {  	p1 =	sne.s32 s25, $0x3800;
	s25 =	sadd.s32 $0x400, s25;
	_ =	swait.ge [sflag:s18], $0x4000  }
0xb1: {  	s26 =	sshra.s32 s26, $0x2;
	[sflag:s18] =	ssyncset.done $0x0  }
0xb2: {  	s28 =	sadd.s32 $0x1000, s26;
	[sflag:s18] =	ssyncadd.s32 $0xFFFFC000  }
0xb3: {  	[spmem:s3] =	stream.indirect.scatter.add.f32 [tilespmem:s16], [sflag:$0x3], $0x80, s28, s15, $0xb8;
	[tilespmem:$0x1DC00] =	vst v63  }
0xb4: {  	_ =	swait.ge [sflag:s11], $0x4000  }
0xb5: {  	[sflag:s11] =	ssyncset.done $0x0  }
0xb6: {  	s28 =	sadd.s32 $0x100, s26;
	[sflag:s11] =	ssyncadd.s32 $0xFFFFC000  }
0xb7: {  	[tilespmem:s16], [sflag:$0x1] =	stream.indirect.gather [hbm4b:s2+s15], $0x80, s28, s15, $0xb8;
	[tilespmem:$0x1DC00] =	vst v63  }
0xb8: {  	_ =	swait.ge [sflag:s19], $0x4000  }
0xb9: {  	[sflag:s19] =	ssyncset.done $0x0  }
.Ltmp6:
0xba: {  	s28 =	sadd.s32 $0x1080, s26;
	[sflag:s19] =	ssyncadd.s32 $0xFFFFC000;
	(pc) =	sbr.rel @p1 .LBB2_5-.Ltmp6, $4  }
0xbb: {  	[spmem:s3] =	stream.indirect.scatter.add.f32 [tilespmem:s17], [sflag:$0x3], $0x80, s28, s15, $0xb8;
	[tilespmem:$0x1DC00] =	vst v63  }
0xbc: {  	_ =	swait.ge [sflag:s11], $0x4000  }
0xbd: {  	[sflag:s11] =	ssyncset.done $0x0  }
0xbe: {  	s26 =	sadd.s32 $0x180, s26;
	[sflag:s11] =	ssyncadd.s32 $0xFFFFC000  }
0xbf: {  	[tilespmem:s17], [sflag:$0x2] =	stream.indirect.gather [hbm4b:s2+s15], $0x80, s26, s15, $0xb8;
	[tilespmem:$0x1DC00] =	vst v63  }
0xc0: {  	_ =	swait.ge [sflag:s18], $0x4000  }
0xc1: {  	[sflag:s18] =	ssyncset.done $0x0  }
0xc2: {  	[sflag:s18] =	ssyncadd.s32 $0xFFFFC000  }
0xc3: {  	[spmem:s3] =	stream.indirect.scatter.add.f32 [tilespmem:s16], [sflag:$0x3], $0x80, s20, s15, $0xb8;
	[tilespmem:$0x1DC00] =	vst v63  }
0xc4: {  	_ =	swait.ge [sflag:s11], $0x4000  }
0xc5: {  	[sflag:s11] =	ssyncset.done $0x0  }
0xc6: {  	[sflag:s11] =	ssyncadd.s32 $0xFFFFC000  }
0xc7: {  	_ =	swait.ge [sflag:s19], $0x4000  }
0xc8: {  	[sflag:s19] =	ssyncset.done $0x0  }
0xc9: {  	[sflag:s19] =	ssyncadd.s32 $0xFFFFC000  }
0xca: {  	[spmem:s3] =	stream.indirect.scatter.add.f32 [tilespmem:s17], [sflag:$0x3], $0x80, s21, s15, $0xb8;
	[tilespmem:$0x1DC00] =	vst v63  }
0xcb: {  	_ =	swait.ge [sflag:s11], $0x4000  }
0xcc: {  	[sflag:s11] =	ssyncset.done $0x0  }
0xcd: {  	s25 =	sadd.s32 $0x400, s7;
	s31 =	simm.s32 $0x0;
	[sflag:s11] =	ssyncadd.s32 $0xFFFFC000  }
0xce: {  	[tilespmem:s31], [sflag:$0x3] =	stream.linear.gather [hbm4b:s25+s31], $0x1000, $0x38;
	[tilespmem:$0x1DC00] =	vst v63  }
0xcf: {  	_ =	swait.ge [sflag:s11], $0x1000  }
0xd0: {  	[sflag:s11] =	ssyncset.done $0x0  }
0xd1: {  	s28 =	sadd.s32 $0x400, s8;
	[sflag:s11] =	ssyncadd.s32 $0xFFFFF000  }
0xd2: {  	[tilespmem:s14], [sflag:$0x3] =	stream.linear.gather [hbm4b:s28+s31], $0x1000, $0x38;
	[tilespmem:$0x1DC00] =	vst v63  }
0xd3: {  	_ =	swait.ge [sflag:s11], $0x1000  }
0xd4: {  	[sflag:s11] =	ssyncset.done $0x0  }
0xd5: {  	[sflag:s11] =	ssyncadd.s32 $0xFFFFF000  }
0xd6: {  	[tilespmem:s16], [sflag:$0x1] =	stream.indirect.gather [hbm4b:s2+s15], $0x80, s31, s15, $0xb8;
	[tilespmem:$0x1DC00] =	vst v63  }
0xd7: {  	_ = 	snop  }
0xd8: {  	[tilespmem:s17], [sflag:$0x2] =	stream.indirect.gather [hbm4b:s2+s15], $0x80, s15, s15, $0xb8;
	[tilespmem:$0x1DC00] =	vst v63  }
0xd9: {  	_ =	swait.ge [sflag:s18], $0x4000  }
0xda: {  	[sflag:s18] =	ssyncset.done $0x0  }
0xdb: {  	s29 =	simm.s32 $0x1000;
	[sflag:s18] =	ssyncadd.s32 $0xFFFFC000  }
0xdc: {  	[spmem:s3] =	stream.indirect.scatter.add.f32 [tilespmem:s16], [sflag:$0x3], $0x80, s29, s15, $0xb8;
	[tilespmem:$0x1DC00] =	vst v63  }
0xdd: {  	_ =	swait.ge [sflag:s11], $0x4000  }
0xde: {  	[sflag:s11] =	ssyncset.done $0x0  }
0xdf: {  	s30 =	simm.s32 $0x100;
	[sflag:s11] =	ssyncadd.s32 $0xFFFFC000  }
0xe0: {  	[tilespmem:s16], [sflag:$0x1] =	stream.indirect.gather [hbm4b:s2+s15], $0x80, s30, s15, $0xb8;
	[tilespmem:$0x1DC00] =	vst v63  }
0xe1: {  	_ =	swait.ge [sflag:s19], $0x4000  }
0xe2: {  	[sflag:s19] =	ssyncset.done $0x0  }
0xe3: {  	s31 =	simm.s32 $0x1080;
	[sflag:s19] =	ssyncadd.s32 $0xFFFFC000  }
0xe4: {  	[spmem:s3] =	stream.indirect.scatter.add.f32 [tilespmem:s17], [sflag:$0x3], $0x80, s31, s15, $0xb8;
	[tilespmem:$0x1DC00] =	vst v63  }
0xe5: {  	_ =	swait.ge [sflag:s11], $0x4000  }
0xe6: {  	[sflag:s11] =	ssyncset.done $0x0  }
0xe7: {  	s26 =	simm.s32 $0x180;
	s25 =	simm.s32 $0x400;
	[sflag:s11] =	ssyncadd.s32 $0xFFFFC000  }
.LBB2_7:
0xe8: {  	[tilespmem:s17], [sflag:$0x2] =	stream.indirect.gather [hbm4b:s2+s15], $0x80, s26, s15, $0xb8;
	[tilespmem:$0x1DC00] =	vst v63  }
0xe9: {  	s26 =	smov.u32 s25  }
0xea: {  	p1 =	sne.s32 s25, $0x3800;
	s25 =	sadd.s32 $0x400, s25;
	_ =	swait.ge [sflag:s18], $0x4000  }
0xeb: {  	s26 =	sshra.s32 s26, $0x2;
	[sflag:s18] =	ssyncset.done $0x0  }
0xec: {  	s28 =	sadd.s32 $0x1000, s26;
	[sflag:s18] =	ssyncadd.s32 $0xFFFFC000  }
0xed: {  	[spmem:s3] =	stream.indirect.scatter.add.f32 [tilespmem:s16], [sflag:$0x3], $0x80, s28, s15, $0xb8;
	[tilespmem:$0x1DC00] =	vst v63  }
0xee: {  	_ =	swait.ge [sflag:s11], $0x4000  }
0xef: {  	[sflag:s11] =	ssyncset.done $0x0  }
0xf0: {  	s28 =	sadd.s32 $0x100, s26;
	[sflag:s11] =	ssyncadd.s32 $0xFFFFC000  }
0xf1: {  	[tilespmem:s16], [sflag:$0x1] =	stream.indirect.gather [hbm4b:s2+s15], $0x80, s28, s15, $0xb8;
	[tilespmem:$0x1DC00] =	vst v63  }
0xf2: {  	_ =	swait.ge [sflag:s19], $0x4000  }
0xf3: {  	[sflag:s19] =	ssyncset.done $0x0  }
.Ltmp7:
0xf4: {  	s28 =	sadd.s32 $0x1080, s26;
	[sflag:s19] =	ssyncadd.s32 $0xFFFFC000;
	(pc) =	sbr.rel @p1 .LBB2_7-.Ltmp7, $4  }
0xf5: {  	[spmem:s3] =	stream.indirect.scatter.add.f32 [tilespmem:s17], [sflag:$0x3], $0x80, s28, s15, $0xb8;
	[tilespmem:$0x1DC00] =	vst v63  }
0xf6: {  	_ =	swait.ge [sflag:s11], $0x4000  }
0xf7: {  	[sflag:s11] =	ssyncset.done $0x0  }
0xf8: {  	s26 =	sadd.s32 $0x180, s26;
	[sflag:s11] =	ssyncadd.s32 $0xFFFFC000  }
0xf9: {  	[tilespmem:s17], [sflag:$0x2] =	stream.indirect.gather [hbm4b:s2+s15], $0x80, s26, s15, $0xb8;
	[tilespmem:$0x1DC00] =	vst v63  }
0xfa: {  	_ =	swait.ge [sflag:s18], $0x4000  }
0xfb: {  	[sflag:s18] =	ssyncset.done $0x0  }
0xfc: {  	[sflag:s18] =	ssyncadd.s32 $0xFFFFC000  }
0xfd: {  	[spmem:s3] =	stream.indirect.scatter.add.f32 [tilespmem:s16], [sflag:$0x3], $0x80, s20, s15, $0xb8;
	[tilespmem:$0x1DC00] =	vst v63  }
0xfe: {  	_ =	swait.ge [sflag:s11], $0x4000  }
0xff: {  	[sflag:s11] =	ssyncset.done $0x0  }
0x100: {  	[sflag:s11] =	ssyncadd.s32 $0xFFFFC000  }
0x101: {  	_ =	swait.ge [sflag:s19], $0x4000  }
0x102: {  	[sflag:s19] =	ssyncset.done $0x0  }
0x103: {  	[sflag:s19] =	ssyncadd.s32 $0xFFFFC000  }
0x104: {  	[spmem:s3] =	stream.indirect.scatter.add.f32 [tilespmem:s17], [sflag:$0x3], $0x80, s21, s15, $0xb8;
	[tilespmem:$0x1DC00] =	vst v63  }
0x105: {  	_ =	swait.ge [sflag:s11], $0x4000  }
0x106: {  	[sflag:s11] =	ssyncset.done $0x0  }
0x107: {  	s25 =	sadd.s32 $0x600, s7;
	s31 =	simm.s32 $0x0;
	[sflag:s11] =	ssyncadd.s32 $0xFFFFC000  }
0x108: {  	[tilespmem:s31], [sflag:$0x3] =	stream.linear.gather [hbm4b:s25+s31], $0x1000, $0x38;
	[tilespmem:$0x1DC00] =	vst v63  }
0x109: {  	_ =	swait.ge [sflag:s11], $0x1000  }
0x10a: {  	[sflag:s11] =	ssyncset.done $0x0  }
0x10b: {  	s28 =	sadd.s32 $0x600, s8;
	[sflag:s11] =	ssyncadd.s32 $0xFFFFF000  }
0x10c: {  	[tilespmem:s14], [sflag:$0x3] =	stream.linear.gather [hbm4b:s28+s31], $0x1000, $0x38;
	[tilespmem:$0x1DC00] =	vst v63  }
0x10d: {  	_ =	swait.ge [sflag:s11], $0x1000  }
0x10e: {  	[sflag:s11] =	ssyncset.done $0x0  }
0x10f: {  	[sflag:s11] =	ssyncadd.s32 $0xFFFFF000  }
0x110: {  	[tilespmem:s16], [sflag:$0x1] =	stream.indirect.gather [hbm4b:s2+s15], $0x80, s31, s15, $0xb8;
	[tilespmem:$0x1DC00] =	vst v63  }
0x111: {  	_ = 	snop  }
0x112: {  	[tilespmem:s17], [sflag:$0x2] =	stream.indirect.gather [hbm4b:s2+s15], $0x80, s15, s15, $0xb8;
	[tilespmem:$0x1DC00] =	vst v63  }
0x113: {  	_ =	swait.ge [sflag:s18], $0x4000  }
0x114: {  	[sflag:s18] =	ssyncset.done $0x0  }
0x115: {  	s29 =	simm.s32 $0x1000;
	[sflag:s18] =	ssyncadd.s32 $0xFFFFC000  }
0x116: {  	[spmem:s3] =	stream.indirect.scatter.add.f32 [tilespmem:s16], [sflag:$0x3], $0x80, s29, s15, $0xb8;
	[tilespmem:$0x1DC00] =	vst v63  }
0x117: {  	_ =	swait.ge [sflag:s11], $0x4000  }
0x118: {  	[sflag:s11] =	ssyncset.done $0x0  }
0x119: {  	s30 =	simm.s32 $0x100;
	[sflag:s11] =	ssyncadd.s32 $0xFFFFC000  }
0x11a: {  	[tilespmem:s16], [sflag:$0x1] =	stream.indirect.gather [hbm4b:s2+s15], $0x80, s30, s15, $0xb8;
	[tilespmem:$0x1DC00] =	vst v63  }
0x11b: {  	_ =	swait.ge [sflag:s19], $0x4000  }
0x11c: {  	[sflag:s19] =	ssyncset.done $0x0  }
0x11d: {  	s31 =	simm.s32 $0x1080;
	[sflag:s19] =	ssyncadd.s32 $0xFFFFC000  }
0x11e: {  	[spmem:s3] =	stream.indirect.scatter.add.f32 [tilespmem:s17], [sflag:$0x3], $0x80, s31, s15, $0xb8;
	[tilespmem:$0x1DC00] =	vst v63  }
0x11f: {  	_ =	swait.ge [sflag:s11], $0x4000  }
0x120: {  	[sflag:s11] =	ssyncset.done $0x0  }
0x121: {  	s26 =	simm.s32 $0x180;
	s25 =	simm.s32 $0x400;
	[sflag:s11] =	ssyncadd.s32 $0xFFFFC000  }
.LBB2_9:
0x122: {  	[tilespmem:s17], [sflag:$0x2] =	stream.indirect.gather [hbm4b:s2+s15], $0x80, s26, s15, $0xb8;
	[tilespmem:$0x1DC00] =	vst v63  }
0x123: {  	s26 =	smov.u32 s25  }
0x124: {  	p1 =	seq.s32 s25, $0x3800;
	s25 =	sadd.s32 $0x400, s25;
	_ =	swait.ge [sflag:s18], $0x4000  }
0x125: {  	s26 =	sshra.s32 s26, $0x2;
	[sflag:s18] =	ssyncset.done $0x0  }
0x126: {  	s28 =	sadd.s32 $0x1000, s26;
	[sflag:s18] =	ssyncadd.s32 $0xFFFFC000  }
0x127: {  	[spmem:s3] =	stream.indirect.scatter.add.f32 [tilespmem:s16], [sflag:$0x3], $0x80, s28, s15, $0xb8;
	[tilespmem:$0x1DC00] =	vst v63  }
0x128: {  	_ =	swait.ge [sflag:s11], $0x4000  }
0x129: {  	[sflag:s11] =	ssyncset.done $0x0  }
0x12a: {  	s28 =	sadd.s32 $0x100, s26;
	[sflag:s11] =	ssyncadd.s32 $0xFFFFC000  }
0x12b: {  	[tilespmem:s16], [sflag:$0x1] =	stream.indirect.gather [hbm4b:s2+s15], $0x80, s28, s15, $0xb8;
	[tilespmem:$0x1DC00] =	vst v63  }
0x12c: {  	_ =	swait.ge [sflag:s19], $0x4000  }
0x12d: {  	[sflag:s19] =	ssyncset.done $0x0  }
.Ltmp8:
0x12e: {  	s28 =	sadd.s32 $0x1080, s26;
	[sflag:s19] =	ssyncadd.s32 $0xFFFFC000;
	(pc) =	sbr.rel @!p1 .LBB2_9-.Ltmp8, $4  }
0x12f: {  	[spmem:s3] =	stream.indirect.scatter.add.f32 [tilespmem:s17], [sflag:$0x3], $0x80, s28, s15, $0xb8;
	[tilespmem:$0x1DC00] =	vst v63  }
0x130: {  	_ =	swait.ge [sflag:s11], $0x4000  }
0x131: {  	[sflag:s11] =	ssyncset.done $0x0  }
0x132: {  	s26 =	sadd.s32 $0x180, s26;
	[sflag:s11] =	ssyncadd.s32 $0xFFFFC000  }
.Ltmp9:
0x133: {  	(pc) =	sbr.rel .LBB2_14-.Ltmp9, $2  }
0x134: {  	_ =	sdelay $0x2  }
0x135: {  	[tilespmem:s17], [sflag:$0x2] =	stream.indirect.gather [hbm4b:s2+s15], $0x80, s26, s15, $0xb8;
	[tilespmem:$0x1DC00] =	vst v63  }
.LBB2_15:
0x136: {  	_ =	sfence.sel $0x180000  }
0x137: {  	[bflag:$0x0] =	sbarrier.arrive $0xFFFF  }
0x138: {  	p0 =	sne.s32 s1, $0x0;
	_ =	strace $0x9000004A  }
0x139: {  	s0 =	sadd.s32 @!p0 $0x100000, s0;
	[bflag:$0x2] =	sbarrier.arrive $0xFFFF  }
0x13a: {  	[sflag:s0] =	ssyncadd.tile.s32 @!p0 $0x1;
	_ =	shalt  }
.Lfunc_end2:
_tile_overlayer_lowered:
.L_overlay_start_2:
0x13b: {  	(tag) =	ssettag $0x2  }
0x13c: {  	s0 =	rddreg [dreg:$0x0];
	s2 =	stileid.u32  }
0x13d: {  	s1 =	rddreg [dreg:$0x1];
	p0 =	sne.s32 s2, $0x0  }
0x13e: {  	s3 =	rddreg [dreg:$0x2];
	[bflag:$0x3] =	sbarrier.arrive $0xFFFF;
	s2 =	simm.s32 @!p0 $0x1C03  }
0x13f: {  	[timem:s3], [sflag:s2] =	dma.local @!p0 [hbm:s0], s1  }
0x140: {  	s0 =	simm.s32 @!p0 $0x3  }
0x141: {  	_ =	swait.ge @!p0 [sflag:s0], s1  }
0x142: {  	s1 =	ssub.s32 @!p0 $0x0, s1;
	[sflag:s0] =	ssyncset.done @!p0 $0x0  }
0x143: {  	[sflag:s0] =	ssyncadd.s32 @!p0 s1  }
0x144: {  	[bflag:$0x3] =	sbarrier.arrive $0xFFFF  }
0x145: {  	_ =	shalt  }

// kernel: kernel.14.cloned.1.call-start
scs
__scs_entry_jumppad:
0x0: {  	(pc) =	sbr.rel $0x88, $3  }
0x1: {  	(tag) =	ssettag $0x0;
	lr =	simm.s32 $0x1  }
0x2: {  	[smem:$0x3F95] =	sst lr;
	_ =	strace $0xD0000000  }
0x3: {  	_ = 	snop  }
0x4: {  	_ = 	snop  }
0x5: {  	_ = 	snop  }
0x6: {  	_ = 	snop  }
0x7: {  	_ = 	snop  }
__scs_overlays_trampoline_lowered:
0x8: {  	[smem:$0x3FA4] =	sst s0  }
0x9: {  	[smem:$0x3FA5] =	sst s1  }
0xa: {  	[smem:$0x3FA6] =	sst s2  }
0xb: {  	[smem:$0x3FA7] =	sst s3  }
0xc: {  	[smem:$0x3FA8] =	sst s4  }
0xd: {  	[smem:$0x3FA9] =	sst s5  }
0xe: {  	[smem:$0x3FAA] =	sst s6  }
0xf: {  	[smem:$0x3FAB] =	sst s7  }
0x10: {  	[smem:$0x3FAC] =	sst s8  }
0x11: {  	[smem:$0x3FAD] =	sst s9;
	s0 =	simm.s32 @!p0 $0x0  }
0x12: {  	s1 =	sld [smem:$0x3F93];
	s0 =	simm.s32 @p0 $0x1  }
0x13: {  	[smem:$0x3FAE] =	sst s0;
	s0 =	simm.s32 @!p1 $0x0  }
0x14: {  	s2 =	sld [smem:$0x3F92];
	s0 =	simm.s32 @p1 $0x1  }
0x15: {  	[smem:$0x3FAF] =	sst s0;
	s0 =	simm.s32 @!p2 $0x0  }
0x16: {  	s3 =	sld [smem:$0x3FDB];
	s0 =	simm.s32 @p2 $0x1  }
0x17: {  	s4 =	simm.s32 $0x1BF5;
	[smem:$0x3FB1] =	sst s0  }
0x18: {  	s0 =	sld [smem:$0x3F94];
	_ =	swait.ge [sflag:s4], $0x0  }
0x19: {  	s7 =	sld [smem:$0x3F95]  }
0x1a: {  	s8 =	sadd.s32 $0xFFFFE003, lr  }
0x1b: {  	s9 =	sadd.s32 $0xFFFFFEF7, lr;
	s5 =	simm.s32 $0xFFFFFFFF;
	p2 =	slt.u32 s8, $0xFFFFF086  }
0x1c: {  	p1 =	slt.u32 s9, $0xF7A;
	s5 =	simm.s32 @!p2 $0x0  }
0x1d: {  	s5 =	simm.s32 @p1 $0x1;
	p0 =	seq.s32 s7, s2  }
0x1e: {  	s7 =	smul.u32 @!p0 $0xF7A, s2;
	p2 =	seq.s32 @!p0 s5, $0x0  }
0x1f: {  	s9 =	smul.u32 $0xF7A, s1;
	s8 =	simm.s32 @!p0 $0x1BF5;
	p2 =	por !p2, p0  }
0x20: {  	[sflag:s8] =	ssyncset.s32 @!p0 $0xFFFFF086;
	s6 =	sadd.s32 @!p0 s3, s7;
	s7 =	simm.s32 @!p0 $0x108  }
0x21: {  	s3 =	sadd.s32 s3, s9;
	s6 =	sadd.s32 @!p0 $0x88, s6;
	s7 =	simm.s32 @p2 $0x1082  }
0x22: {  	[simem:s7], [sflag:s8] =	dma.local @!p0 [hbm:s6], $0xF7A  }
0x23: {  	s9 =	sor.u32 $0xD0000000, s2;
	s6 =	simm.s32 $0x108;
	_ =	swait.ge @!p0 [sflag:s8], $0x0  }
0x24: {  	s3 =	sadd.s32 $0x88, s3;
	s6 =	simm.s32 @!p1 $0x1082;
	[sflag:s4] =	ssyncset.s32 $0xFFFFF086  }
0x25: {  	[simem:s6], [sflag:s4] =	dma.local [hbm:s3], $0xF7A  }
0x26: {  	[smem:$0x3F95] =	sst s1;
	(tag) =	ssettag s2;
	_ =	strace s9  }
0x27: {  	s1 =	sld [smem:$0x3FA5]  }
0x28: {  	s2 =	sld [smem:$0x3FA6]  }
0x29: {  	s4 =	sld [smem:$0x3FA8]  }
0x2a: {  	p0 =	seq.s32 s5, $0x0;
	s5 =	sld [smem:$0x3FA9]  }
0x2b: {  	s6 =	sld [smem:$0x3FAA]  }
0x2c: {  	s7 =	sld [smem:$0x3FAB]  }
0x2d: {  	s3 =	simm.s32 $0x108;
	s8 =	sld [smem:$0x3FAC]  }
0x2e: {  	s3 =	simm.s32 @!p0 $0x1082;
	s9 =	sld [smem:$0x3FAD]  }
0x2f: {  	lr =	sadd.s32 s0, s3;
	s0 =	sld [smem:$0x3FA4]  }
0x30: {  	s3 =	sld [smem:$0x3FA7]  }
0x31: {  	[smem:$0x3FB0] =	sst s10  }
0x32: {  	s10 =	sld [smem:$0x3FAE];
	_ =	sdelay $0x3  }
0x33: {  	p0 =	seq.s32 s10, $0x1;
	s10 =	sld [smem:$0x3FB0];
	_ =	sdelay $0x3  }
0x34: {  	[smem:$0x3FB0] =	sst s10  }
0x35: {  	s10 =	sld [smem:$0x3FAF];
	_ =	sdelay $0x3  }
0x36: {  	p1 =	seq.s32 s10, $0x1;
	s10 =	sld [smem:$0x3FB0];
	_ =	sdelay $0x3  }
0x37: {  	[smem:$0x3FB0] =	sst s10  }
0x38: {  	s10 =	sld [smem:$0x3FB1]  }
0x39: {  	_ = 	snop;
	(pc) =	sbr.ind lr, $3  }
0x3a: {  	_ = 	snop  }
0x3b: {  	_ = 	snop  }
0x3c: {  	p2 =	seq.s32 s10, $0x1;
	s10 =	sld [smem:$0x3FB0]  }
0x3d: {  	_ =	shalt  }
0x3e: {  	_ =	shalt  }
0x3f: {  	_ =	shalt  }
0x40: {  	_ =	shalt  }
0x41: {  	_ =	shalt  }
0x42: {  	_ =	shalt  }
0x43: {  	_ =	shalt  }
0x44: {  	_ =	shalt  }
0x45: {  	_ =	shalt  }
0x46: {  	_ =	shalt  }
0x47: {  	_ =	shalt  }
0x48: {  	_ =	shalt  }
0x49: {  	_ =	shalt  }
0x4a: {  	_ =	shalt  }
0x4b: {  	_ =	shalt  }
0x4c: {  	_ =	shalt  }
0x4d: {  	_ =	shalt  }
0x4e: {  	_ =	shalt  }
0x4f: {  	_ =	shalt  }
0x50: {  	_ =	shalt  }
0x51: {  	_ =	shalt  }
0x52: {  	_ =	shalt  }
0x53: {  	_ =	shalt  }
0x54: {  	_ =	shalt  }
0x55: {  	_ =	shalt  }
0x56: {  	_ =	shalt  }
0x57: {  	_ =	shalt  }
0x58: {  	_ =	shalt  }
0x59: {  	_ =	shalt  }
0x5a: {  	_ =	shalt  }
0x5b: {  	_ =	shalt  }
0x5c: {  	_ =	shalt  }
0x5d: {  	_ =	shalt  }
0x5e: {  	_ =	shalt  }
0x5f: {  	_ =	shalt  }
0x60: {  	_ =	shalt  }
0x61: {  	_ =	shalt  }
0x62: {  	_ =	shalt  }
0x63: {  	_ =	shalt  }
0x64: {  	_ =	shalt  }
0x65: {  	_ =	shalt  }
0x66: {  	_ =	shalt  }
0x67: {  	_ =	shalt  }
0x68: {  	_ =	shalt  }
0x69: {  	_ =	shalt  }
0x6a: {  	_ =	shalt  }
0x6b: {  	_ =	shalt  }
0x6c: {  	_ =	shalt  }
0x6d: {  	_ =	shalt  }
0x6e: {  	_ =	shalt  }
0x6f: {  	_ =	shalt  }
0x70: {  	_ =	shalt  }
0x71: {  	_ =	shalt  }
0x72: {  	_ =	shalt  }
0x73: {  	_ =	shalt  }
0x74: {  	_ =	shalt  }
0x75: {  	_ =	shalt  }
0x76: {  	_ =	shalt  }
0x77: {  	_ =	shalt  }
0x78: {  	_ =	shalt  }
0x79: {  	_ =	shalt  }
0x7a: {  	_ =	shalt  }
0x7b: {  	_ =	shalt  }
0x7c: {  	_ =	shalt  }
0x7d: {  	_ =	shalt  }
0x7e: {  	_ =	shalt  }
0x7f: {  	_ =	shalt  }
0x80: {  	_ =	shalt  }
0x81: {  	_ =	shalt  }
0x82: {  	_ =	shalt  }
0x83: {  	_ =	shalt  }
0x84: {  	_ =	shalt  }
0x85: {  	_ =	shalt  }
0x86: {  	_ =	shalt  }
0x87: {  	_ =	shalt  }
.Lfunc_end0:
.L_simem_size_0:
called_computation.2_lowered:
.L_overlay_start_0:
0x88: {  	s2 =	sld [smem:$0x3FD9]  }
0x89: {  	s3 =	sld [smem:$0x3FFE];
	_ =	sdelay $0x1  }
0x8a: {  	s1 =	srdreg.scid  }
0x8b: {  	s0 =	sand.u32 $0x1, s1  }
0x8c: {  	s17 =	sshll.u32 s0, $0xA;
	s2 =	sadd.s32 s3, s2  }
0x8d: {  	s2 =	sadd.s32 s2, s17  }
0x8e: {  	[smem:$0x3FBC] =	sst s2  }
0x8f: {  	_ = 	snop  }
0x90: {  	s2 =	sld [smem:$0x3FD0];
	(tm) =	ssettm $0x1  }
0x91: {  	s18 =	sld [smem:$0x3FFB];
	_ =	sdelay $0x3  }
0x92: {  	_ =	strace s18  }
0x93: {  	s3 =	sld [smem:$0x3FFC];
	_ =	sdelay $0x3  }
0x94: {  	_ =	strace s3  }
0x95: {  	s3 =	sld [smem:$0x3FFD];
	_ =	sdelay $0x3  }
0x96: {  	_ =	strace s3  }
0x97: {  	_ =	strace $0x8FFFFFFF  }
0x98: {  	s19 =	sld [smem:$0x3FDB];
	_ =	sdelay $0x1  }
0x99: {  	s4 =	simm.s32 $_scs_section_size  }
0x9a: {  	s5 =	simm.s32 $_size__tile_overlayer_lowered;
	s6 =	simm.s32 $_tile_overlayer_lowered  }
0x9b: {  	s22 =	simm.s32 $0x1BFF;
	s21 =	sshll.u32 s6, $0x1;
	s3 =	sadd.s32 s4, s19  }
0x9c: {  	s7 =	simm.s32 $0x0;
	s20 =	sshll.u32 s5, $0x1;
	s5 =	sadd.s32 s21, s3  }
0x9d: {  	[timem:s7], [sflag:s22] =	dma.local [hbm:s5], s20  }
0x9e: {  	_ =	swait.ge [sflag:s22], s20  }
0x9f: {  	s4 =	ssub.s32 $0x0, s20;
	[sflag:s22] =	ssyncset.done $0x0  }
0xa0: {  	[sflag:s22] =	ssyncadd.s32 s4;
	_ =	sdelay $0x1  }
0xa1: {  	s23 =	simm.s32 $0x1B8B  }
0xa2: {  	_ =	swait.ge [sflag:s23], $0x1  }
0xa3: {  	[sflag:s23] =	ssyncset.done $0x0  }
0xa4: {  	s25 =	simm.s32 $0x1B8E;
	s24 =	sld [smem:$0x3FFE];
	[sflag:s23] =	ssyncadd.s32 $0xFFFFFFFF  }
0xa5: {  	s26 =	simm.s32 $execute0_lowered;
	[smem:$0x3FD2] =	sst s25  }
0xa6: {  	s5 =	sshll.u32 s26, $0x1;
	_ =	strace $0x8000004C;
	[dreg:$0x1] =	wrdreg $0xFFFFFFFF  }
0xa7: {  	s28 =	simm.s32 $_size_execute0_lowered;
	s3 =	sadd.s32 s3, s5;
	[dreg:$0x0] =	wrdreg $0x0  }
0xa8: {  	s5 =	sshll.u32 s28, $0x1;
	[dreg:$0x2] =	wrdreg s3  }
0xa9: {  	[dreg:$0x3] =	wrdreg s5  }
0xaa: {  	[dreg:$0x4] =	wrdreg $0xC0  }
0xab: {  	_ =	task [dreg:s7], $0x5FFFF  }
0xac: {  	[dreg:$0x1] =	wrdreg $0xFFFFFFFF  }
0xad: {  	[dreg:$0x0] =	wrdreg $0x60  }
0xae: {  	[dreg:$0x2] =	wrdreg s2  }
0xaf: {  	[dreg:$0x3] =	wrdreg s24  }
0xb0: {  	[dreg:$0x4] =	wrdreg $0xA0000  }
0xb1: {  	[dreg:$0x5] =	wrdreg $0x9  }
0xb2: {  	_ =	task.clear_ibuf [dreg:s7], $0x6FFFF;
	_ =	strace $0x9000004C  }
0xb3: {  	s29 =	simm.s32 $0x9;
	_ =	strace $0x8000004E  }
0xb4: {  	_ =	swait.ge [sflag:s29], $0x1  }
0xb5: {  	[sflag:s29] =	ssyncadd.s32 $0xFFFFFFFF  }
0xb6: {  	_ =	strace $0x9000004E  }
0xb7: {  	_ =	sfence  }
0xb8: {  	s30 =	sld [smem:$0x0];
	_ =	sdelay $0x2  }
0xb9: {  	s31 =	sshll.u32 s1, $0xD;
	s1 =	sshrl.u32 s1, $0x2  }
0xba: {  	s3 =	sand.u32 $0x4000, s31;
	s1 =	sadd.s32 s1, s30  }
0xbb: {  	s0 =	sor.u32 s3, s0;
	s1 =	sshll.u32 s1, $0x11  }
0xbc: {  	s0 =	sor.u32 s1, s0  }
0xbd: {  	s0 =	sadd.s32 $0x8F2B, s0  }
0xbe: {  	[sflag:s0] =	ssyncadd.remote.s32 $0x1  }
0xbf: {  	_ =	sfence.sel $0xFFFF  }
0xc0: {  	[dreg:$0x0] =	wrdreg $0xFFFFFFFF;
	(pc) =	sbr.abs _section_cstart, $3  }
0xc1: {  	[dreg:$0x1] =	wrdreg $0xFFFFFFFF  }
0xc2: {  	_ =	task.clear_ibuf [dreg:s7], $0x2FFFF;
	_ =	strace $0x9FFFFFFF  }
0xc3: {  	(tm) =	ssettm $0x7FFFFFFF  }
tec
execute0_lowered:
.L_overlay_start_1:
0x0: {  	(tag) =	ssettag $0x1  }
0x1: {  	s2 =	rddreg [dreg:$0x0]  }
0x2: {  	s6 =	rddreg [dreg:$0x1]  }
0x3: {  	s3 =	rddreg [dreg:$0x2]  }
0x4: {  	s0 =	rddreg [dreg:$0x3]  }
0x5: {  	s1 =	stileid.u32;
	s5 =	srdreg.scid  }
0x6: {  	s4 =	simm.s32 $0x0;
	s14 =	simm.s32 $0x1000;
	s15 =	simm.s32 $0x80  }
0x7: {  	s16 =	simm.s32 $0x2000;
	s17 =	simm.s32 $0x6000;
	s18 =	simm.s32 $0x1  }
0x8: {  	s19 =	simm.s32 $0x2;
	s20 =	simm.s32 $0x1F00;
	s7 =	smul.u32 $0xA00, s1  }
0x9: {  	s21 =	simm.s32 $0x1F80;
	s8 =	sand.u32 $0x1, s5;
	s30 =	smul.u32 $0x4F000, s1  }
0xa: {  	[smem:$0x7FF] =	sst s4;
	s5 =	sadd.s32 $0x16E00, s6;
	s23 =	smul.u32 $0x2780, s1  }
0xb: {  	s12 =	sshll.u32 s1, $0x6;
	s9 =	smul.u32 $0x27800, s8;
	_ =	strace $0x8000004D  }
0xc: {  	s31 =	ssub.s32 $0x2, s8;
	p0 =	seq.s32 s8, $0x1;
	s10 =	sadd.s32 s7, s6  }
0xd: {  	s11 =	sshrl.u32 s31, $0x1;
	s7 =	sshrl.u32 s30, $0x2;
	s9 =	sadd.s32 s9, s6  }
.Ltmp0:
0xe: {  	s11 =	ssub.s32 s31, s11;
	s13 =	sadd.s32 s7, s3;
	(pc) =	sbr.rel .LBB2_1-.Ltmp0, $4  }
0xf: {  	s6 =	sor.u32 $0x1C03, s12;
	s7 =	sadd.s32 $0xCE00, s10;
	s8 =	sadd.s32 $0x2E00, s10  }
0x10: {  	s22 =	sadd.s32 $0x19600, s9;
	s9 =	smax.u32 s11, $0x1;
	s10 =	sshrl.u32 s13, $0x3  }
0x11: {  	s11 =	simm.s32 $0x3;
	s12 =	sadd.s32 $0x800, s7;
	s13 =	sadd.s32 $0x800, s8  }
0x12: {  	s24 =	sadd.s32 $0x200, s8;
	s22 =	sadd.s32 s23, s22;
	s23 =	sadd.s32 $0x200, s7  }
.LBB2_13:
0x13: {  	[tilespmem:s17], [sflag:$0x2] =	stream.indirect.gather [hbm4b:s2+s15], $0x80, s26, s15, $0xb8;
	[tilespmem:$0x1DC00] =	vst v63  }
.LBB2_14:
0x14: {  	_ =	swait.ge [sflag:s18], $0x4000  }
0x15: {  	[sflag:s18] =	ssyncset.done $0x0  }
0x16: {  	[sflag:s18] =	ssyncadd.s32 $0xFFFFC000  }
0x17: {  	[spmem:s3] =	stream.indirect.scatter.add.f32 [tilespmem:s16], [sflag:$0x3], $0x80, s20, s15, $0xb8;
	[tilespmem:$0x1DC00] =	vst v63  }
0x18: {  	_ =	swait.ge [sflag:s11], $0x4000  }
0x19: {  	[sflag:s11] =	ssyncset.done $0x0  }
0x1a: {  	[sflag:s11] =	ssyncadd.s32 $0xFFFFC000  }
0x1b: {  	_ =	swait.ge [sflag:s19], $0x4000  }
0x1c: {  	[sflag:s19] =	ssyncset.done $0x0  }
0x1d: {  	[sflag:s19] =	ssyncadd.s32 $0xFFFFC000  }
0x1e: {  	[spmem:s3] =	stream.indirect.scatter.add.f32 [tilespmem:s17], [sflag:$0x3], $0x80, s21, s15, $0xb8;
	[tilespmem:$0x1DC00] =	vst v63  }
0x1f: {  	_ =	swait.ge [sflag:s11], $0x4000  }
0x20: {  	s4 =	sadd.s32 $0x1, s4;
	[sflag:s11] =	ssyncset.done $0x0  }
0x21: {  	p1 =	sne.s32 s4, s9;
	[sflag:s11] =	ssyncadd.s32 $0xFFFFC000  }
.Ltmp1:
0x22: {  	[bflag:$0x0] =	sbarrier.arrive $0xFFFF;
	(pc) =	sbr.rel @!p1 .LBB2_15-.Ltmp1, $4  }
0x23: {  	[hbm:s22], [sflag:s6] =	dma.local [spmem:s10], $0x2780  }
0x24: {  	_ =	swait.ge [sflag:s11], $0x2780  }
0x25: {  	[sflag:s11] =	ssyncset.done $0x0  }
0x26: {  	[sflag:s11] =	ssyncadd.s32 $0xFFFFD880  }
.LBB2_1:
0x27: {  	[spmem:s10], [sflag:s6] =	dma.local [hbm:s5], $0x2780  }
.Ltmp2:
0x28: {  	_ =	swait.ge [sflag:s11], $0x2780;
	(pc) =	sbr.rel @!p0 .LBB2_2-.Ltmp2, $4  }
0x29: {  	[sflag:s11] =	ssyncset.done $0x0  }
0x2a: {  	[sflag:s11] =	ssyncadd.s32 $0xFFFFD880  }
0x2b: {  	[bflag:$0x0] =	sbarrier.arrive $0xFFFF  }
0x2c: {  	s25 =	simm.s32 $0x0  }
0x2d: {  	[tilespmem:s25], [sflag:$0x3] =	stream.linear.gather [hbm4b:s12+s25], $0x1000, $0x38;
	[tilespmem:$0x1DC00] =	vst v63  }
0x2e: {  	_ =	swait.ge [sflag:s11], $0x1000  }
0x2f: {  	[sflag:s11] =	ssyncset.done $0x0  }
0x30: {  	[sflag:s11] =	ssyncadd.s32 $0xFFFFF000  }
0x31: {  	[tilespmem:s14], [sflag:$0x3] =	stream.linear.gather [hbm4b:s13+s25], $0x1000, $0x38;
	[tilespmem:$0x1DC00] =	vst v63  }
0x32: {  	_ =	swait.ge [sflag:s11], $0x1000  }
0x33: {  	[sflag:s11] =	ssyncset.done $0x0  }
0x34: {  	[sflag:s11] =	ssyncadd.s32 $0xFFFFF000  }
0x35: {  	[tilespmem:s16], [sflag:$0x1] =	stream.indirect.gather [hbm4b:s2+s15], $0x80, s25, s15, $0xb8;
	[tilespmem:$0x1DC00] =	vst v63  }
0x36: {  	_ = 	snop  }
0x37: {  	[tilespmem:s17], [sflag:$0x2] =	stream.indirect.gather [hbm4b:s2+s15], $0x80, s15, s15, $0xb8;
	[tilespmem:$0x1DC00] =	vst v63  }
0x38: {  	_ =	swait.ge [sflag:s18], $0x4000  }
0x39: {  	[sflag:s18] =	ssyncset.done $0x0  }
0x3a: {  	s29 =	simm.s32 $0x1000;
	[sflag:s18] =	ssyncadd.s32 $0xFFFFC000  }
0x3b: {  	[spmem:s3] =	stream.indirect.scatter.add.f32 [tilespmem:s16], [sflag:$0x3], $0x80, s29, s15, $0xb8;
	[tilespmem:$0x1DC00] =	vst v63  }
0x3c: {  	_ =	swait.ge [sflag:s11], $0x4000  }
0x3d: {  	[sflag:s11] =	ssyncset.done $0x0  }
0x3e: {  	s30 =	simm.s32 $0x100;
	[sflag:s11] =	ssyncadd.s32 $0xFFFFC000  }
0x3f: {  	[tilespmem:s16], [sflag:$0x1] =	stream.indirect.gather [hbm4b:s2+s15], $0x80, s30, s15, $0xb8;
	[tilespmem:$0x1DC00] =	vst v63  }
0x40: {  	_ =	swait.ge [sflag:s19], $0x4000  }
0x41: {  	[sflag:s19] =	ssyncset.done $0x0  }
0x42: {  	s31 =	simm.s32 $0x1080;
	[sflag:s19] =	ssyncadd.s32 $0xFFFFC000  }
0x43: {  	[spmem:s3] =	stream.indirect.scatter.add.f32 [tilespmem:s17], [sflag:$0x3], $0x80, s31, s15, $0xb8;
	[tilespmem:$0x1DC00] =	vst v63  }
0x44: {  	_ =	swait.ge [sflag:s11], $0x4000  }
0x45: {  	[sflag:s11] =	ssyncset.done $0x0  }
0x46: {  	s26 =	simm.s32 $0x180;
	s25 =	simm.s32 $0x400;
	[sflag:s11] =	ssyncadd.s32 $0xFFFFC000  }
.LBB2_12:
0x47: {  	[tilespmem:s17], [sflag:$0x2] =	stream.indirect.gather [hbm4b:s2+s15], $0x80, s26, s15, $0xb8;
	[tilespmem:$0x1DC00] =	vst v63  }
0x48: {  	s26 =	smov.u32 s25  }
0x49: {  	p1 =	sne.s32 s25, $0x3800;
	s25 =	sadd.s32 $0x400, s25;
	_ =	swait.ge [sflag:s18], $0x4000  }
0x4a: {  	s26 =	sshra.s32 s26, $0x2;
	[sflag:s18] =	ssyncset.done $0x0  }
0x4b: {  	s28 =	sadd.s32 $0x1000, s26;
	[sflag:s18] =	ssyncadd.s32 $0xFFFFC000  }
0x4c: {  	[spmem:s3] =	stream.indirect.scatter.add.f32 [tilespmem:s16], [sflag:$0x3], $0x80, s28, s15, $0xb8;
	[tilespmem:$0x1DC00] =	vst v63  }
0x4d: {  	_ =	swait.ge [sflag:s11], $0x4000  }
0x4e: {  	[sflag:s11] =	ssyncset.done $0x0  }
0x4f: {  	s28 =	sadd.s32 $0x100, s26;
	[sflag:s11] =	ssyncadd.s32 $0xFFFFC000  }
0x50: {  	[tilespmem:s16], [sflag:$0x1] =	stream.indirect.gather [hbm4b:s2+s15], $0x80, s28, s15, $0xb8;
	[tilespmem:$0x1DC00] =	vst v63  }
0x51: {  	_ =	swait.ge [sflag:s19], $0x4000  }
0x52: {  	[sflag:s19] =	ssyncset.done $0x0  }
.Ltmp3:
0x53: {  	s28 =	sadd.s32 $0x1080, s26;
	[sflag:s19] =	ssyncadd.s32 $0xFFFFC000;
	(pc) =	sbr.rel @p1 .LBB2_12-.Ltmp3, $4  }
0x54: {  	[spmem:s3] =	stream.indirect.scatter.add.f32 [tilespmem:s17], [sflag:$0x3], $0x80, s28, s15, $0xb8;
	[tilespmem:$0x1DC00] =	vst v63  }
0x55: {  	_ =	swait.ge [sflag:s11], $0x4000  }
0x56: {  	[sflag:s11] =	ssyncset.done $0x0  }
0x57: {  	s26 =	sadd.s32 $0x180, s26;
	[sflag:s11] =	ssyncadd.s32 $0xFFFFC000  }
.Ltmp4:
0x58: {  	_ = 	snop;
	(pc) =	sbr.rel .LBB2_13-.Ltmp4, $1  }
0x59: {  	_ =	sdelay $0x3  }
.LBB2_2:
0x5a: {  	[tilespmem:s25], [sflag:$0x3] =	stream.linear.gather [hbm4b:s7+s25], $0x1000, $0x38;
	[tilespmem:$0x1DC00] =	vst v63  }
0x5b: {  	_ =	swait.ge [sflag:s11], $0x1000  }
0x5c: {  	[sflag:s11] =	ssyncset.done $0x0  }
0x5d: {  	[sflag:s11] =	ssyncadd.s32 $0xFFFFF000  }
0x5e: {  	[tilespmem:s14], [sflag:$0x3] =	stream.linear.gather [hbm4b:s8+s25], $0x1000, $0x38;
	[tilespmem:$0x1DC00] =	vst v63  }
0x5f: {  	_ =	swait.ge [sflag:s11], $0x1000  }
0x60: {  	[sflag:s11] =	ssyncset.done $0x0  }
0x61: {  	[sflag:s11] =	ssyncadd.s32 $0xFFFFF000  }
0x62: {  	[tilespmem:s16], [sflag:$0x1] =	stream.indirect.gather [hbm4b:s2+s15], $0x80, s25, s15, $0xb8;
	[tilespmem:$0x1DC00] =	vst v63  }
0x63: {  	_ = 	snop  }
0x64: {  	[tilespmem:s17], [sflag:$0x2] =	stream.indirect.gather [hbm4b:s2+s15], $0x80, s15, s15, $0xb8;
	[tilespmem:$0x1DC00] =	vst v63  }
0x65: {  	_ =	swait.ge [sflag:s18], $0x4000  }
0x66: {  	[sflag:s18] =	ssyncset.done $0x0  }
0x67: {  	s29 =	simm.s32 $0x1000;
	[sflag:s18] =	ssyncadd.s32 $0xFFFFC000  }
0x68: {  	[spmem:s3] =	stream.indirect.scatter.add.f32 [tilespmem:s16], [sflag:$0x3], $0x80, s29, s15, $0xb8;
	[tilespmem:$0x1DC00] =	vst v63  }
0x69: {  	_ =	swait.ge [sflag:s11], $0x4000  }
0x6a: {  	[sflag:s11] =	ssyncset.done $0x0  }
0x6b: {  	s30 =	simm.s32 $0x100;
	[sflag:s11] =	ssyncadd.s32 $0xFFFFC000  }
0x6c: {  	[tilespmem:s16], [sflag:$0x1] =	stream.indirect.gather [hbm4b:s2+s15], $0x80, s30, s15, $0xb8;
	[tilespmem:$0x1DC00] =	vst v63  }
0x6d: {  	_ =	swait.ge [sflag:s19], $0x4000  }
0x6e: {  	[sflag:s19] =	ssyncset.done $0x0  }
0x6f: {  	s31 =	simm.s32 $0x1080;
	[sflag:s19] =	ssyncadd.s32 $0xFFFFC000  }
0x70: {  	[spmem:s3] =	stream.indirect.scatter.add.f32 [tilespmem:s17], [sflag:$0x3], $0x80, s31, s15, $0xb8;
	[tilespmem:$0x1DC00] =	vst v63  }
0x71: {  	_ =	swait.ge [sflag:s11], $0x4000  }
0x72: {  	[sflag:s11] =	ssyncset.done $0x0  }
0x73: {  	s26 =	simm.s32 $0x180;
	s25 =	simm.s32 $0x400;
	[sflag:s11] =	ssyncadd.s32 $0xFFFFC000  }
.LBB2_3:
0x74: {  	[tilespmem:s17], [sflag:$0x2] =	stream.indirect.gather [hbm4b:s2+s15], $0x80, s26, s15, $0xb8;
	[tilespmem:$0x1DC00] =	vst v63  }
0x75: {  	s26 =	smov.u32 s25  }
0x76: {  	p1 =	sne.s32 s25, $0x3800;
	s25 =	sadd.s32 $0x400, s25;
	_ =	swait.ge [sflag:s18], $0x4000  }
0x77: {  	s26 =	sshra.s32 s26, $0x2;
	[sflag:s18] =	ssyncset.done $0x0  }
0x78: {  	s28 =	sadd.s32 $0x1000, s26;
	[sflag:s18] =	ssyncadd.s32 $0xFFFFC000  }
0x79: {  	[spmem:s3] =	stream.indirect.scatter.add.f32 [tilespmem:s16], [sflag:$0x3], $0x80, s28, s15, $0xb8;
	[tilespmem:$0x1DC00] =	vst v63  }
0x7a: {  	_ =	swait.ge [sflag:s11], $0x4000  }
0x7b: {  	[sflag:s11] =	ssyncset.done $0x0  }
0x7c: {  	s28 =	sadd.s32 $0x100, s26;
	[sflag:s11] =	ssyncadd.s32 $0xFFFFC000  }
0x7d: {  	[tilespmem:s16], [sflag:$0x1] =	stream.indirect.gather [hbm4b:s2+s15], $0x80, s28, s15, $0xb8;
	[tilespmem:$0x1DC00] =	vst v63  }
0x7e: {  	_ =	swait.ge [sflag:s19], $0x4000  }
0x7f: {  	[sflag:s19] =	ssyncset.done $0x0  }
.Ltmp5:
0x80: {  	s28 =	sadd.s32 $0x1080, s26;
	[sflag:s19] =	ssyncadd.s32 $0xFFFFC000;
	(pc) =	sbr.rel @p1 .LBB2_3-.Ltmp5, $4  }
0x81: {  	[spmem:s3] =	stream.indirect.scatter.add.f32 [tilespmem:s17], [sflag:$0x3], $0x80, s28, s15, $0xb8;
	[tilespmem:$0x1DC00] =	vst v63  }
0x82: {  	_ =	swait.ge [sflag:s11], $0x4000  }
0x83: {  	[sflag:s11] =	ssyncset.done $0x0  }
0x84: {  	s26 =	sadd.s32 $0x180, s26;
	[sflag:s11] =	ssyncadd.s32 $0xFFFFC000  }
0x85: {  	[tilespmem:s17], [sflag:$0x2] =	stream.indirect.gather [hbm4b:s2+s15], $0x80, s26, s15, $0xb8;
	[tilespmem:$0x1DC00] =	vst v63  }
0x86: {  	_ =	swait.ge [sflag:s18], $0x4000  }
0x87: {  	[sflag:s18] =	ssyncset.done $0x0  }
0x88: {  	[sflag:s18] =	ssyncadd.s32 $0xFFFFC000  }
0x89: {  	[spmem:s3] =	stream.indirect.scatter.add.f32 [tilespmem:s16], [sflag:$0x3], $0x80, s20, s15, $0xb8;
	[tilespmem:$0x1DC00] =	vst v63  }
0x8a: {  	_ =	swait.ge [sflag:s11], $0x4000  }
0x8b: {  	[sflag:s11] =	ssyncset.done $0x0  }
0x8c: {  	[sflag:s11] =	ssyncadd.s32 $0xFFFFC000  }
0x8d: {  	_ =	swait.ge [sflag:s19], $0x4000  }
0x8e: {  	[sflag:s19] =	ssyncset.done $0x0  }
0x8f: {  	[sflag:s19] =	ssyncadd.s32 $0xFFFFC000  }
0x90: {  	[spmem:s3] =	stream.indirect.scatter.add.f32 [tilespmem:s17], [sflag:$0x3], $0x80, s21, s15, $0xb8;
	[tilespmem:$0x1DC00] =	vst v63  }
0x91: {  	_ =	swait.ge [sflag:s11], $0x4000  }
0x92: {  	[sflag:s11] =	ssyncset.done $0x0  }
0x93: {  	s25 =	simm.s32 $0x0;
	[sflag:s11] =	ssyncadd.s32 $0xFFFFC000  }
0x94: {  	[tilespmem:s25], [sflag:$0x3] =	stream.linear.gather [hbm4b:s23+s25], $0x1000, $0x38;
	[tilespmem:$0x1DC00] =	vst v63  }
0x95: {  	_ =	swait.ge [sflag:s11], $0x1000  }
0x96: {  	[sflag:s11] =	ssyncset.done $0x0  }
0x97: {  	[sflag:s11] =	ssyncadd.s32 $0xFFFFF000  }
0x98: {  	[tilespmem:s14], [sflag:$0x3] =	stream.linear.gather [hbm4b:s24+s25], $0x1000, $0x38;
	[tilespmem:$0x1DC00] =	vst v63  }
0x99: {  	_ =	swait.ge [sflag:s11], $0x1000  }
0x9a: {  	[sflag:s11] =	ssyncset.done $0x0  }
0x9b: {  	[sflag:s11] =	ssyncadd.s32 $0xFFFFF000  }
0x9c: {  	[tilespmem:s16], [sflag:$0x1] =	stream.indirect.gather [hbm4b:s2+s15], $0x80, s25, s15, $0xb8;
	[tilespmem:$0x1DC00] =	vst v63  }
0x9d: {  	_ = 	snop  }
0x9e: {  	[tilespmem:s17], [sflag:$0x2] =	stream.indirect.gather [hbm4b:s2+s15], $0x80, s15, s15, $0xb8;
	[tilespmem:$0x1DC00] =	vst v63  }
0x9f: {  	_ =	swait.ge [sflag:s18], $0x4000  }
0xa0: {  	[sflag:s18] =	ssyncset.done $0x0  }
0xa1: {  	s29 =	simm.s32 $0x1000;
	[sflag:s18] =	ssyncadd.s32 $0xFFFFC000  }
0xa2: {  	[spmem:s3] =	stream.indirect.scatter.add.f32 [tilespmem:s16], [sflag:$0x3], $0x80, s29, s15, $0xb8;
	[tilespmem:$0x1DC00] =	vst v63  }
0xa3: {  	_ =	swait.ge [sflag:s11], $0x4000  }
0xa4: {  	[sflag:s11] =	ssyncset.done $0x0  }
0xa5: {  	s30 =	simm.s32 $0x100;
	[sflag:s11] =	ssyncadd.s32 $0xFFFFC000  }
0xa6: {  	[tilespmem:s16], [sflag:$0x1] =	stream.indirect.gather [hbm4b:s2+s15], $0x80, s30, s15, $0xb8;
	[tilespmem:$0x1DC00] =	vst v63  }
0xa7: {  	_ =	swait.ge [sflag:s19], $0x4000  }
0xa8: {  	[sflag:s19] =	ssyncset.done $0x0  }
0xa9: {  	s31 =	simm.s32 $0x1080;
	[sflag:s19] =	ssyncadd.s32 $0xFFFFC000  }
0xaa: {  	[spmem:s3] =	stream.indirect.scatter.add.f32 [tilespmem:s17], [sflag:$0x3], $0x80, s31, s15, $0xb8;
	[tilespmem:$0x1DC00] =	vst v63  }
0xab: {  	_ =	swait.ge [sflag:s11], $0x4000  }
0xac: {  	[sflag:s11] =	ssyncset.done $0x0  }
0xad: {  	s26 =	simm.s32 $0x180;
	s25 =	simm.s32 $0x400;
	[sflag:s11] =	ssyncadd.s32 $0xFFFFC000  }
.LBB2_5:
0xae: {  	[tilespmem:s17], [sflag:$0x2] =	stream.indirect.gather [hbm4b:s2+s15], $0x80, s26, s15, $0xb8;
	[tilespmem:$0x1DC00] =	vst v63  }
0xaf: {  	s26 =	smov.u32 s25  }
0xb0: {  	p1 =	sne.s32 s25, $0x3800;
	s25 =	sadd.s32 $0x400, s25;
	_ =	swait.ge [sflag:s18], $0x4000  }
0xb1: {  	s26 =	sshra.s32 s26, $0x2;
	[sflag:s18] =	ssyncset.done $0x0  }
0xb2: {  	s28 =	sadd.s32 $0x1000, s26;
	[sflag:s18] =	ssyncadd.s32 $0xFFFFC000  }
0xb3: {  	[spmem:s3] =	stream.indirect.scatter.add.f32 [tilespmem:s16], [sflag:$0x3], $0x80, s28, s15, $0xb8;
	[tilespmem:$0x1DC00] =	vst v63  }
0xb4: {  	_ =	swait.ge [sflag:s11], $0x4000  }
0xb5: {  	[sflag:s11] =	ssyncset.done $0x0  }
0xb6: {  	s28 =	sadd.s32 $0x100, s26;
	[sflag:s11] =	ssyncadd.s32 $0xFFFFC000  }
0xb7: {  	[tilespmem:s16], [sflag:$0x1] =	stream.indirect.gather [hbm4b:s2+s15], $0x80, s28, s15, $0xb8;
	[tilespmem:$0x1DC00] =	vst v63  }
0xb8: {  	_ =	swait.ge [sflag:s19], $0x4000  }
0xb9: {  	[sflag:s19] =	ssyncset.done $0x0  }
.Ltmp6:
0xba: {  	s28 =	sadd.s32 $0x1080, s26;
	[sflag:s19] =	ssyncadd.s32 $0xFFFFC000;
	(pc) =	sbr.rel @p1 .LBB2_5-.Ltmp6, $4  }
0xbb: {  	[spmem:s3] =	stream.indirect.scatter.add.f32 [tilespmem:s17], [sflag:$0x3], $0x80, s28, s15, $0xb8;
	[tilespmem:$0x1DC00] =	vst v63  }
0xbc: {  	_ =	swait.ge [sflag:s11], $0x4000  }
0xbd: {  	[sflag:s11] =	ssyncset.done $0x0  }
0xbe: {  	s26 =	sadd.s32 $0x180, s26;
	[sflag:s11] =	ssyncadd.s32 $0xFFFFC000  }
0xbf: {  	[tilespmem:s17], [sflag:$0x2] =	stream.indirect.gather [hbm4b:s2+s15], $0x80, s26, s15, $0xb8;
	[tilespmem:$0x1DC00] =	vst v63  }
0xc0: {  	_ =	swait.ge [sflag:s18], $0x4000  }
0xc1: {  	[sflag:s18] =	ssyncset.done $0x0  }
0xc2: {  	[sflag:s18] =	ssyncadd.s32 $0xFFFFC000  }
0xc3: {  	[spmem:s3] =	stream.indirect.scatter.add.f32 [tilespmem:s16], [sflag:$0x3], $0x80, s20, s15, $0xb8;
	[tilespmem:$0x1DC00] =	vst v63  }
0xc4: {  	_ =	swait.ge [sflag:s11], $0x4000  }
0xc5: {  	[sflag:s11] =	ssyncset.done $0x0  }
0xc6: {  	[sflag:s11] =	ssyncadd.s32 $0xFFFFC000  }
0xc7: {  	_ =	swait.ge [sflag:s19], $0x4000  }
0xc8: {  	[sflag:s19] =	ssyncset.done $0x0  }
0xc9: {  	[sflag:s19] =	ssyncadd.s32 $0xFFFFC000  }
0xca: {  	[spmem:s3] =	stream.indirect.scatter.add.f32 [tilespmem:s17], [sflag:$0x3], $0x80, s21, s15, $0xb8;
	[tilespmem:$0x1DC00] =	vst v63  }
0xcb: {  	_ =	swait.ge [sflag:s11], $0x4000  }
0xcc: {  	[sflag:s11] =	ssyncset.done $0x0  }
0xcd: {  	s25 =	sadd.s32 $0x400, s7;
	s31 =	simm.s32 $0x0;
	[sflag:s11] =	ssyncadd.s32 $0xFFFFC000  }
0xce: {  	[tilespmem:s31], [sflag:$0x3] =	stream.linear.gather [hbm4b:s25+s31], $0x1000, $0x38;
	[tilespmem:$0x1DC00] =	vst v63  }
0xcf: {  	_ =	swait.ge [sflag:s11], $0x1000  }
0xd0: {  	[sflag:s11] =	ssyncset.done $0x0  }
0xd1: {  	s28 =	sadd.s32 $0x400, s8;
	[sflag:s11] =	ssyncadd.s32 $0xFFFFF000  }
0xd2: {  	[tilespmem:s14], [sflag:$0x3] =	stream.linear.gather [hbm4b:s28+s31], $0x1000, $0x38;
	[tilespmem:$0x1DC00] =	vst v63  }
0xd3: {  	_ =	swait.ge [sflag:s11], $0x1000  }
0xd4: {  	[sflag:s11] =	ssyncset.done $0x0  }
0xd5: {  	[sflag:s11] =	ssyncadd.s32 $0xFFFFF000  }
0xd6: {  	[tilespmem:s16], [sflag:$0x1] =	stream.indirect.gather [hbm4b:s2+s15], $0x80, s31, s15, $0xb8;
	[tilespmem:$0x1DC00] =	vst v63  }
0xd7: {  	_ = 	snop  }
0xd8: {  	[tilespmem:s17], [sflag:$0x2] =	stream.indirect.gather [hbm4b:s2+s15], $0x80, s15, s15, $0xb8;
	[tilespmem:$0x1DC00] =	vst v63  }
0xd9: {  	_ =	swait.ge [sflag:s18], $0x4000  }
0xda: {  	[sflag:s18] =	ssyncset.done $0x0  }
0xdb: {  	s29 =	simm.s32 $0x1000;
	[sflag:s18] =	ssyncadd.s32 $0xFFFFC000  }
0xdc: {  	[spmem:s3] =	stream.indirect.scatter.add.f32 [tilespmem:s16], [sflag:$0x3], $0x80, s29, s15, $0xb8;
	[tilespmem:$0x1DC00] =	vst v63  }
0xdd: {  	_ =	swait.ge [sflag:s11], $0x4000  }
0xde: {  	[sflag:s11] =	ssyncset.done $0x0  }
0xdf: {  	s30 =	simm.s32 $0x100;
	[sflag:s11] =	ssyncadd.s32 $0xFFFFC000  }
0xe0: {  	[tilespmem:s16], [sflag:$0x1] =	stream.indirect.gather [hbm4b:s2+s15], $0x80, s30, s15, $0xb8;
	[tilespmem:$0x1DC00] =	vst v63  }
0xe1: {  	_ =	swait.ge [sflag:s19], $0x4000  }
0xe2: {  	[sflag:s19] =	ssyncset.done $0x0  }
0xe3: {  	s31 =	simm.s32 $0x1080;
	[sflag:s19] =	ssyncadd.s32 $0xFFFFC000  }
0xe4: {  	[spmem:s3] =	stream.indirect.scatter.add.f32 [tilespmem:s17], [sflag:$0x3], $0x80, s31, s15, $0xb8;
	[tilespmem:$0x1DC00] =	vst v63  }
0xe5: {  	_ =	swait.ge [sflag:s11], $0x4000  }
0xe6: {  	[sflag:s11] =	ssyncset.done $0x0  }
0xe7: {  	s26 =	simm.s32 $0x180;
	s25 =	simm.s32 $0x400;
	[sflag:s11] =	ssyncadd.s32 $0xFFFFC000  }
.LBB2_7:
0xe8: {  	[tilespmem:s17], [sflag:$0x2] =	stream.indirect.gather [hbm4b:s2+s15], $0x80, s26, s15, $0xb8;
	[tilespmem:$0x1DC00] =	vst v63  }
0xe9: {  	s26 =	smov.u32 s25  }
0xea: {  	p1 =	sne.s32 s25, $0x3800;
	s25 =	sadd.s32 $0x400, s25;
	_ =	swait.ge [sflag:s18], $0x4000  }
0xeb: {  	s26 =	sshra.s32 s26, $0x2;
	[sflag:s18] =	ssyncset.done $0x0  }
0xec: {  	s28 =	sadd.s32 $0x1000, s26;
	[sflag:s18] =	ssyncadd.s32 $0xFFFFC000  }
0xed: {  	[spmem:s3] =	stream.indirect.scatter.add.f32 [tilespmem:s16], [sflag:$0x3], $0x80, s28, s15, $0xb8;
	[tilespmem:$0x1DC00] =	vst v63  }
0xee: {  	_ =	swait.ge [sflag:s11], $0x4000  }
0xef: {  	[sflag:s11] =	ssyncset.done $0x0  }
0xf0: {  	s28 =	sadd.s32 $0x100, s26;
	[sflag:s11] =	ssyncadd.s32 $0xFFFFC000  }
0xf1: {  	[tilespmem:s16], [sflag:$0x1] =	stream.indirect.gather [hbm4b:s2+s15], $0x80, s28, s15, $0xb8;
	[tilespmem:$0x1DC00] =	vst v63  }
0xf2: {  	_ =	swait.ge [sflag:s19], $0x4000  }
0xf3: {  	[sflag:s19] =	ssyncset.done $0x0  }
.Ltmp7:
0xf4: {  	s28 =	sadd.s32 $0x1080, s26;
	[sflag:s19] =	ssyncadd.s32 $0xFFFFC000;
	(pc) =	sbr.rel @p1 .LBB2_7-.Ltmp7, $4  }
0xf5: {  	[spmem:s3] =	stream.indirect.scatter.add.f32 [tilespmem:s17], [sflag:$0x3], $0x80, s28, s15, $0xb8;
	[tilespmem:$0x1DC00] =	vst v63  }
0xf6: {  	_ =	swait.ge [sflag:s11], $0x4000  }
0xf7: {  	[sflag:s11] =	ssyncset.done $0x0  }
0xf8: {  	s26 =	sadd.s32 $0x180, s26;
	[sflag:s11] =	ssyncadd.s32 $0xFFFFC000  }
0xf9: {  	[tilespmem:s17], [sflag:$0x2] =	stream.indirect.gather [hbm4b:s2+s15], $0x80, s26, s15, $0xb8;
	[tilespmem:$0x1DC00] =	vst v63  }
0xfa: {  	_ =	swait.ge [sflag:s18], $0x4000  }
0xfb: {  	[sflag:s18] =	ssyncset.done $0x0  }
0xfc: {  	[sflag:s18] =	ssyncadd.s32 $0xFFFFC000  }
0xfd: {  	[spmem:s3] =	stream.indirect.scatter.add.f32 [tilespmem:s16], [sflag:$0x3], $0x80, s20, s15, $0xb8;
	[tilespmem:$0x1DC00] =	vst v63  }
0xfe: {  	_ =	swait.ge [sflag:s11], $0x4000  }
0xff: {  	[sflag:s11] =	ssyncset.done $0x0  }
0x100: {  	[sflag:s11] =	ssyncadd.s32 $0xFFFFC000  }
0x101: {  	_ =	swait.ge [sflag:s19], $0x4000  }
0x102: {  	[sflag:s19] =	ssyncset.done $0x0  }
0x103: {  	[sflag:s19] =	ssyncadd.s32 $0xFFFFC000  }
0x104: {  	[spmem:s3] =	stream.indirect.scatter.add.f32 [tilespmem:s17], [sflag:$0x3], $0x80, s21, s15, $0xb8;
	[tilespmem:$0x1DC00] =	vst v63  }
0x105: {  	_ =	swait.ge [sflag:s11], $0x4000  }
0x106: {  	[sflag:s11] =	ssyncset.done $0x0  }
0x107: {  	s25 =	sadd.s32 $0x600, s7;
	s31 =	simm.s32 $0x0;
	[sflag:s11] =	ssyncadd.s32 $0xFFFFC000  }
0x108: {  	[tilespmem:s31], [sflag:$0x3] =	stream.linear.gather [hbm4b:s25+s31], $0x1000, $0x38;
	[tilespmem:$0x1DC00] =	vst v63  }
0x109: {  	_ =	swait.ge [sflag:s11], $0x1000  }
0x10a: {  	[sflag:s11] =	ssyncset.done $0x0  }
0x10b: {  	s28 =	sadd.s32 $0x600, s8;
	[sflag:s11] =	ssyncadd.s32 $0xFFFFF000  }
0x10c: {  	[tilespmem:s14], [sflag:$0x3] =	stream.linear.gather [hbm4b:s28+s31], $0x1000, $0x38;
	[tilespmem:$0x1DC00] =	vst v63  }
0x10d: {  	_ =	swait.ge [sflag:s11], $0x1000  }
0x10e: {  	[sflag:s11] =	ssyncset.done $0x0  }
0x10f: {  	[sflag:s11] =	ssyncadd.s32 $0xFFFFF000  }
0x110: {  	[tilespmem:s16], [sflag:$0x1] =	stream.indirect.gather [hbm4b:s2+s15], $0x80, s31, s15, $0xb8;
	[tilespmem:$0x1DC00] =	vst v63  }
0x111: {  	_ = 	snop  }
0x112: {  	[tilespmem:s17], [sflag:$0x2] =	stream.indirect.gather [hbm4b:s2+s15], $0x80, s15, s15, $0xb8;
	[tilespmem:$0x1DC00] =	vst v63  }
0x113: {  	_ =	swait.ge [sflag:s18], $0x4000  }
0x114: {  	[sflag:s18] =	ssyncset.done $0x0  }
0x115: {  	s29 =	simm.s32 $0x1000;
	[sflag:s18] =	ssyncadd.s32 $0xFFFFC000  }
0x116: {  	[spmem:s3] =	stream.indirect.scatter.add.f32 [tilespmem:s16], [sflag:$0x3], $0x80, s29, s15, $0xb8;
	[tilespmem:$0x1DC00] =	vst v63  }
0x117: {  	_ =	swait.ge [sflag:s11], $0x4000  }
0x118: {  	[sflag:s11] =	ssyncset.done $0x0  }
0x119: {  	s30 =	simm.s32 $0x100;
	[sflag:s11] =	ssyncadd.s32 $0xFFFFC000  }
0x11a: {  	[tilespmem:s16], [sflag:$0x1] =	stream.indirect.gather [hbm4b:s2+s15], $0x80, s30, s15, $0xb8;
	[tilespmem:$0x1DC00] =	vst v63  }
0x11b: {  	_ =	swait.ge [sflag:s19], $0x4000  }
0x11c: {  	[sflag:s19] =	ssyncset.done $0x0  }
0x11d: {  	s31 =	simm.s32 $0x1080;
	[sflag:s19] =	ssyncadd.s32 $0xFFFFC000  }
0x11e: {  	[spmem:s3] =	stream.indirect.scatter.add.f32 [tilespmem:s17], [sflag:$0x3], $0x80, s31, s15, $0xb8;
	[tilespmem:$0x1DC00] =	vst v63  }
0x11f: {  	_ =	swait.ge [sflag:s11], $0x4000  }
0x120: {  	[sflag:s11] =	ssyncset.done $0x0  }
0x121: {  	s26 =	simm.s32 $0x180;
	s25 =	simm.s32 $0x400;
	[sflag:s11] =	ssyncadd.s32 $0xFFFFC000  }
.LBB2_9:
0x122: {  	[tilespmem:s17], [sflag:$0x2] =	stream.indirect.gather [hbm4b:s2+s15], $0x80, s26, s15, $0xb8;
	[tilespmem:$0x1DC00] =	vst v63  }
0x123: {  	s26 =	smov.u32 s25  }
0x124: {  	p1 =	seq.s32 s25, $0x3800;
	s25 =	sadd.s32 $0x400, s25;
	_ =	swait.ge [sflag:s18], $0x4000  }
0x125: {  	s26 =	sshra.s32 s26, $0x2;
	[sflag:s18] =	ssyncset.done $0x0  }
0x126: {  	s28 =	sadd.s32 $0x1000, s26;
	[sflag:s18] =	ssyncadd.s32 $0xFFFFC000  }
0x127: {  	[spmem:s3] =	stream.indirect.scatter.add.f32 [tilespmem:s16], [sflag:$0x3], $0x80, s28, s15, $0xb8;
	[tilespmem:$0x1DC00] =	vst v63  }
0x128: {  	_ =	swait.ge [sflag:s11], $0x4000  }
0x129: {  	[sflag:s11] =	ssyncset.done $0x0  }
0x12a: {  	s28 =	sadd.s32 $0x100, s26;
	[sflag:s11] =	ssyncadd.s32 $0xFFFFC000  }
0x12b: {  	[tilespmem:s16], [sflag:$0x1] =	stream.indirect.gather [hbm4b:s2+s15], $0x80, s28, s15, $0xb8;
	[tilespmem:$0x1DC00] =	vst v63  }
0x12c: {  	_ =	swait.ge [sflag:s19], $0x4000  }
0x12d: {  	[sflag:s19] =	ssyncset.done $0x0  }
.Ltmp8:
0x12e: {  	s28 =	sadd.s32 $0x1080, s26;
	[sflag:s19] =	ssyncadd.s32 $0xFFFFC000;
	(pc) =	sbr.rel @!p1 .LBB2_9-.Ltmp8, $4  }
0x12f: {  	[spmem:s3] =	stream.indirect.scatter.add.f32 [tilespmem:s17], [sflag:$0x3], $0x80, s28, s15, $0xb8;
	[tilespmem:$0x1DC00] =	vst v63  }
0x130: {  	_ =	swait.ge [sflag:s11], $0x4000  }
0x131: {  	[sflag:s11] =	ssyncset.done $0x0  }
0x132: {  	s26 =	sadd.s32 $0x180, s26;
	[sflag:s11] =	ssyncadd.s32 $0xFFFFC000  }
.Ltmp9:
0x133: {  	(pc) =	sbr.rel .LBB2_14-.Ltmp9, $2  }
0x134: {  	_ =	sdelay $0x2  }
0x135: {  	[tilespmem:s17], [sflag:$0x2] =	stream.indirect.gather [hbm4b:s2+s15], $0x80, s26, s15, $0xb8;
	[tilespmem:$0x1DC00] =	vst v63  }
.LBB2_15:
0x136: {  	_ =	sfence.sel $0x180000  }
0x137: {  	[bflag:$0x0] =	sbarrier.arrive $0xFFFF  }
0x138: {  	p0 =	sne.s32 s1, $0x0;
	_ =	strace $0x9000004D  }
0x139: {  	s0 =	sadd.s32 @!p0 $0x100000, s0;
	[bflag:$0x2] =	sbarrier.arrive $0xFFFF  }
0x13a: {  	[sflag:s0] =	ssyncadd.tile.s32 @!p0 $0x1;
	_ =	shalt  }
.Lfunc_end2:
_tile_overlayer_lowered:
.L_overlay_start_2:
0x13b: {  	(tag) =	ssettag $0x2  }
0x13c: {  	s0 =	rddreg [dreg:$0x0];
	s2 =	stileid.u32  }
0x13d: {  	s1 =	rddreg [dreg:$0x1];
	p0 =	sne.s32 s2, $0x0  }
0x13e: {  	s3 =	rddreg [dreg:$0x2];
	[bflag:$0x3] =	sbarrier.arrive $0xFFFF;
	s2 =	simm.s32 @!p0 $0x1C03  }
0x13f: {  	[timem:s3], [sflag:s2] =	dma.local @!p0 [hbm:s0], s1  }
0x140: {  	s0 =	simm.s32 @!p0 $0x3  }
0x141: {  	_ =	swait.ge @!p0 [sflag:s0], s1  }
0x142: {  	s1 =	ssub.s32 @!p0 $0x0, s1;
	[sflag:s0] =	ssyncset.done @!p0 $0x0  }
0x143: {  	[sflag:s0] =	ssyncadd.s32 @!p0 s1  }
0x144: {  	[bflag:$0x3] =	sbarrier.arrive $0xFFFF  }
0x145: {  	_ =	shalt  }

// kernel: kernel.8.cloned.1.call-start
scs
__scs_entry_jumppad:
0x0: {  	(pc) =	sbr.rel $0x88, $3  }
0x1: {  	(tag) =	ssettag $0x0;
	lr =	simm.s32 $0x1  }
0x2: {  	[smem:$0x3F95] =	sst lr;
	_ =	strace $0xD0000000  }
0x3: {  	_ = 	snop  }
0x4: {  	_ = 	snop  }
0x5: {  	_ = 	snop  }
0x6: {  	_ = 	snop  }
0x7: {  	_ = 	snop  }
__scs_overlays_trampoline_lowered:
0x8: {  	[smem:$0x3FA4] =	sst s0  }
0x9: {  	[smem:$0x3FA5] =	sst s1  }
0xa: {  	[smem:$0x3FA6] =	sst s2  }
0xb: {  	[smem:$0x3FA7] =	sst s3  }
0xc: {  	[smem:$0x3FA8] =	sst s4  }
0xd: {  	[smem:$0x3FA9] =	sst s5  }
0xe: {  	[smem:$0x3FAA] =	sst s6  }
0xf: {  	[smem:$0x3FAB] =	sst s7  }
0x10: {  	[smem:$0x3FAC] =	sst s8  }
0x11: {  	[smem:$0x3FAD] =	sst s9;
	s0 =	simm.s32 @!p0 $0x0  }
0x12: {  	s1 =	sld [smem:$0x3F93];
	s0 =	simm.s32 @p0 $0x1  }
0x13: {  	[smem:$0x3FAE] =	sst s0;
	s0 =	simm.s32 @!p1 $0x0  }
0x14: {  	s2 =	sld [smem:$0x3F92];
	s0 =	simm.s32 @p1 $0x1  }
0x15: {  	[smem:$0x3FAF] =	sst s0;
	s0 =	simm.s32 @!p2 $0x0  }
0x16: {  	s3 =	sld [smem:$0x3FDB];
	s0 =	simm.s32 @p2 $0x1  }
0x17: {  	s4 =	simm.s32 $0x1BF5;
	[smem:$0x3FB1] =	sst s0  }
0x18: {  	s0 =	sld [smem:$0x3F94];
	_ =	swait.ge [sflag:s4], $0x0  }
0x19: {  	s7 =	sld [smem:$0x3F95]  }
0x1a: {  	s8 =	sadd.s32 $0xFFFFE003, lr  }
0x1b: {  	s9 =	sadd.s32 $0xFFFFFEF7, lr;
	s5 =	simm.s32 $0xFFFFFFFF;
	p2 =	slt.u32 s8, $0xFFFFF086  }
0x1c: {  	p1 =	slt.u32 s9, $0xF7A;
	s5 =	simm.s32 @!p2 $0x0  }
0x1d: {  	s5 =	simm.s32 @p1 $0x1;
	p0 =	seq.s32 s7, s2  }
0x1e: {  	s7 =	smul.u32 @!p0 $0xF7A, s2;
	p2 =	seq.s32 @!p0 s5, $0x0  }
0x1f: {  	s9 =	smul.u32 $0xF7A, s1;
	s8 =	simm.s32 @!p0 $0x1BF5;
	p2 =	por !p2, p0  }
0x20: {  	[sflag:s8] =	ssyncset.s32 @!p0 $0xFFFFF086;
	s6 =	sadd.s32 @!p0 s3, s7;
	s7 =	simm.s32 @!p0 $0x108  }
0x21: {  	s3 =	sadd.s32 s3, s9;
	s6 =	sadd.s32 @!p0 $0x88, s6;
	s7 =	simm.s32 @p2 $0x1082  }
0x22: {  	[simem:s7], [sflag:s8] =	dma.local @!p0 [hbm:s6], $0xF7A  }
0x23: {  	s9 =	sor.u32 $0xD0000000, s2;
	s6 =	simm.s32 $0x108;
	_ =	swait.ge @!p0 [sflag:s8], $0x0  }
0x24: {  	s3 =	sadd.s32 $0x88, s3;
	s6 =	simm.s32 @!p1 $0x1082;
	[sflag:s4] =	ssyncset.s32 $0xFFFFF086  }
0x25: {  	[simem:s6], [sflag:s4] =	dma.local [hbm:s3], $0xF7A  }
0x26: {  	[smem:$0x3F95] =	sst s1;
	(tag) =	ssettag s2;
	_ =	strace s9  }
0x27: {  	s1 =	sld [smem:$0x3FA5]  }
0x28: {  	s2 =	sld [smem:$0x3FA6]  }
0x29: {  	s4 =	sld [smem:$0x3FA8]  }
0x2a: {  	p0 =	seq.s32 s5, $0x0;
	s5 =	sld [smem:$0x3FA9]  }
0x2b: {  	s6 =	sld [smem:$0x3FAA]  }
0x2c: {  	s7 =	sld [smem:$0x3FAB]  }
0x2d: {  	s3 =	simm.s32 $0x108;
	s8 =	sld [smem:$0x3FAC]  }
0x2e: {  	s3 =	simm.s32 @!p0 $0x1082;
	s9 =	sld [smem:$0x3FAD]  }
0x2f: {  	lr =	sadd.s32 s0, s3;
	s0 =	sld [smem:$0x3FA4]  }
0x30: {  	s3 =	sld [smem:$0x3FA7]  }
0x31: {  	[smem:$0x3FB0] =	sst s10  }
0x32: {  	s10 =	sld [smem:$0x3FAE];
	_ =	sdelay $0x3  }
0x33: {  	p0 =	seq.s32 s10, $0x1;
	s10 =	sld [smem:$0x3FB0];
	_ =	sdelay $0x3  }
0x34: {  	[smem:$0x3FB0] =	sst s10  }
0x35: {  	s10 =	sld [smem:$0x3FAF];
	_ =	sdelay $0x3  }
0x36: {  	p1 =	seq.s32 s10, $0x1;
	s10 =	sld [smem:$0x3FB0];
	_ =	sdelay $0x3  }
0x37: {  	[smem:$0x3FB0] =	sst s10  }
0x38: {  	s10 =	sld [smem:$0x3FB1]  }
0x39: {  	_ = 	snop;
	(pc) =	sbr.ind lr, $3  }
0x3a: {  	_ = 	snop  }
0x3b: {  	_ = 	snop  }
0x3c: {  	p2 =	seq.s32 s10, $0x1;
	s10 =	sld [smem:$0x3FB0]  }
0x3d: {  	_ =	shalt  }
0x3e: {  	_ =	shalt  }
0x3f: {  	_ =	shalt  }
0x40: {  	_ =	shalt  }
0x41: {  	_ =	shalt  }
0x42: {  	_ =	shalt  }
0x43: {  	_ =	shalt  }
0x44: {  	_ =	shalt  }
0x45: {  	_ =	shalt  }
0x46: {  	_ =	shalt  }
0x47: {  	_ =	shalt  }
0x48: {  	_ =	shalt  }
0x49: {  	_ =	shalt  }
0x4a: {  	_ =	shalt  }
0x4b: {  	_ =	shalt  }
0x4c: {  	_ =	shalt  }
0x4d: {  	_ =	shalt  }
0x4e: {  	_ =	shalt  }
0x4f: {  	_ =	shalt  }
0x50: {  	_ =	shalt  }
0x51: {  	_ =	shalt  }
0x52: {  	_ =	shalt  }
0x53: {  	_ =	shalt  }
0x54: {  	_ =	shalt  }
0x55: {  	_ =	shalt  }
0x56: {  	_ =	shalt  }
0x57: {  	_ =	shalt  }
0x58: {  	_ =	shalt  }
0x59: {  	_ =	shalt  }
0x5a: {  	_ =	shalt  }
0x5b: {  	_ =	shalt  }
0x5c: {  	_ =	shalt  }
0x5d: {  	_ =	shalt  }
0x5e: {  	_ =	shalt  }
0x5f: {  	_ =	shalt  }
0x60: {  	_ =	shalt  }
0x61: {  	_ =	shalt  }
0x62: {  	_ =	shalt  }
0x63: {  	_ =	shalt  }
0x64: {  	_ =	shalt  }
0x65: {  	_ =	shalt  }
0x66: {  	_ =	shalt  }
0x67: {  	_ =	shalt  }
0x68: {  	_ =	shalt  }
0x69: {  	_ =	shalt  }
0x6a: {  	_ =	shalt  }
0x6b: {  	_ =	shalt  }
0x6c: {  	_ =	shalt  }
0x6d: {  	_ =	shalt  }
0x6e: {  	_ =	shalt  }
0x6f: {  	_ =	shalt  }
0x70: {  	_ =	shalt  }
0x71: {  	_ =	shalt  }
0x72: {  	_ =	shalt  }
0x73: {  	_ =	shalt  }
0x74: {  	_ =	shalt  }
0x75: {  	_ =	shalt  }
0x76: {  	_ =	shalt  }
0x77: {  	_ =	shalt  }
0x78: {  	_ =	shalt  }
0x79: {  	_ =	shalt  }
0x7a: {  	_ =	shalt  }
0x7b: {  	_ =	shalt  }
0x7c: {  	_ =	shalt  }
0x7d: {  	_ =	shalt  }
0x7e: {  	_ =	shalt  }
0x7f: {  	_ =	shalt  }
0x80: {  	_ =	shalt  }
0x81: {  	_ =	shalt  }
0x82: {  	_ =	shalt  }
0x83: {  	_ =	shalt  }
0x84: {  	_ =	shalt  }
0x85: {  	_ =	shalt  }
0x86: {  	_ =	shalt  }
0x87: {  	_ =	shalt  }
.Lfunc_end0:
.L_simem_size_0:
called_computation_lowered:
.L_overlay_start_0:
0x88: {  	s2 =	sld [smem:$0x3FD9]  }
0x89: {  	s3 =	sld [smem:$0x3FFE];
	_ =	sdelay $0x1  }
0x8a: {  	s1 =	srdreg.scid  }
0x8b: {  	s0 =	sand.u32 $0x1, s1  }
0x8c: {  	s17 =	sshll.u32 s0, $0xA;
	s2 =	sadd.s32 s3, s2  }
0x8d: {  	s2 =	sadd.s32 s2, s17  }
0x8e: {  	[smem:$0x3FBC] =	sst s2  }
0x8f: {  	_ = 	snop  }
0x90: {  	s2 =	sld [smem:$0x3FD0];
	(tm) =	ssettm $0x1  }
0x91: {  	s18 =	sld [smem:$0x3FFB];
	_ =	sdelay $0x3  }
0x92: {  	_ =	strace s18  }
0x93: {  	s3 =	sld [smem:$0x3FFC];
	_ =	sdelay $0x3  }
0x94: {  	_ =	strace s3  }
0x95: {  	s3 =	sld [smem:$0x3FFD];
	_ =	sdelay $0x3  }
0x96: {  	_ =	strace s3  }
0x97: {  	_ =	strace $0x8FFFFFFF  }
0x98: {  	s19 =	sld [smem:$0x3FDB];
	_ =	sdelay $0x1  }
0x99: {  	s4 =	simm.s32 $_scs_section_size  }
0x9a: {  	s5 =	simm.s32 $_size__tile_overlayer_lowered;
	s6 =	simm.s32 $_tile_overlayer_lowered  }
0x9b: {  	s22 =	simm.s32 $0x1BFF;
	s21 =	sshll.u32 s6, $0x1;
	s3 =	sadd.s32 s4, s19  }
0x9c: {  	s7 =	simm.s32 $0x0;
	s20 =	sshll.u32 s5, $0x1;
	s5 =	sadd.s32 s21, s3  }
0x9d: {  	[timem:s7], [sflag:s22] =	dma.local [hbm:s5], s20  }
0x9e: {  	_ =	swait.ge [sflag:s22], s20  }
0x9f: {  	s4 =	ssub.s32 $0x0, s20;
	[sflag:s22] =	ssyncset.done $0x0  }
0xa0: {  	[sflag:s22] =	ssyncadd.s32 s4;
	_ =	sdelay $0x1  }
0xa1: {  	s23 =	simm.s32 $0x1B8B  }
0xa2: {  	_ =	swait.ge [sflag:s23], $0x1  }
0xa3: {  	[sflag:s23] =	ssyncset.done $0x0  }
0xa4: {  	s25 =	simm.s32 $0x1B8E;
	s24 =	sld [smem:$0x3FFE];
	[sflag:s23] =	ssyncadd.s32 $0xFFFFFFFF  }
0xa5: {  	s26 =	simm.s32 $execute0_lowered;
	[smem:$0x3FD2] =	sst s25  }
0xa6: {  	s5 =	sshll.u32 s26, $0x1;
	_ =	strace $0x80000046;
	[dreg:$0x1] =	wrdreg $0xFFFFFFFF  }
0xa7: {  	s28 =	simm.s32 $_size_execute0_lowered;
	s3 =	sadd.s32 s3, s5;
	[dreg:$0x0] =	wrdreg $0x0  }
0xa8: {  	s5 =	sshll.u32 s28, $0x1;
	[dreg:$0x2] =	wrdreg s3  }
0xa9: {  	[dreg:$0x3] =	wrdreg s5  }
0xaa: {  	[dreg:$0x4] =	wrdreg $0xC0  }
0xab: {  	_ =	task [dreg:s7], $0x5FFFF  }
0xac: {  	[dreg:$0x1] =	wrdreg $0xFFFFFFFF  }
0xad: {  	[dreg:$0x0] =	wrdreg $0x60  }
0xae: {  	[dreg:$0x2] =	wrdreg s24  }
0xaf: {  	[dreg:$0x3] =	wrdreg s2  }
0xb0: {  	[dreg:$0x4] =	wrdreg $0x9  }
0xb1: {  	_ =	task.clear_ibuf [dreg:s7], $0x5FFFF;
	_ =	strace $0x90000046  }
0xb2: {  	s29 =	simm.s32 $0x9;
	_ =	strace $0x80000048  }
0xb3: {  	_ =	swait.ge [sflag:s29], $0x1  }
0xb4: {  	[sflag:s29] =	ssyncadd.s32 $0xFFFFFFFF  }
0xb5: {  	_ =	strace $0x90000048  }
0xb6: {  	_ =	sfence  }
0xb7: {  	s30 =	sld [smem:$0x0];
	_ =	sdelay $0x2  }
0xb8: {  	s31 =	sshll.u32 s1, $0xD;
	s1 =	sshrl.u32 s1, $0x2  }
0xb9: {  	s3 =	sand.u32 $0x4000, s31;
	s1 =	sadd.s32 s1, s30  }
0xba: {  	s0 =	sor.u32 s3, s0;
	s1 =	sshll.u32 s1, $0x11  }
0xbb: {  	s0 =	sor.u32 s1, s0  }
0xbc: {  	s0 =	sadd.s32 $0x8F2B, s0  }
0xbd: {  	[sflag:s0] =	ssyncadd.remote.s32 $0x1  }
0xbe: {  	_ =	sfence.sel $0xFFFF  }
0xbf: {  	[dreg:$0x0] =	wrdreg $0xFFFFFFFF;
	(pc) =	sbr.abs _section_cstart, $3  }
0xc0: {  	[dreg:$0x1] =	wrdreg $0xFFFFFFFF  }
0xc1: {  	_ =	task.clear_ibuf [dreg:s7], $0x2FFFF;
	_ =	strace $0x9FFFFFFF  }
0xc2: {  	(tm) =	ssettm $0x7FFFFFFF  }
0xc3: {  	_ =	shalt  }
tec
execute0_lowered:
.L_overlay_start_1:
0x0: {  	(tag) =	ssettag $0x1  }
0x1: {  	s3 =	rddreg [dreg:$0x0]  }
0x2: {  	s4 =	rddreg [dreg:$0x1];
	s1 =	stileid.u32  }
0x3: {  	s0 =	rddreg [dreg:$0x2];
	s2 =	simm.s32 $0x0;
	s6 =	srdreg.scid  }
0x4: {  	s5 =	smul.u32 $0xA00, s1;
	[smem:$0x7FF] =	sst s2  }
0x5: {  	s29 =	sand.u32 $0x1, s6;
	s8 =	sshrl.u32 s1, $0x3;
	s10 =	sshll.u32 s1, $0x7  }
0x6: {  	_ =	strace $0x80000047;
	s6 =	ssub.s32 $0x2, s29;
	s7 =	smul.u32 $0x500, s29  }
0x7: {  	s8 =	smul.u32 $0x13C00, s8;
	s30 =	sand.u32 $0x380, s10;
	s10 =	simm.s32 $0x0  }
0x8: {  	s3 =	sadd.s32 s5, s3;
	s9 =	sshrl.u32 s6, $0x1;
	s5 =	smul.u32 $0x4F00, s29  }
0x9: {  	s3 =	sadd.s32 s7, s3;
	s6 =	ssub.s32 s6, s9;
	s7 =	sor.u32 s30, s8  }
0xa: {  	s8 =	simm.s32 $0x80;
	s9 =	simm.s32 $0x400;
	s3 =	sadd.s32 $0x2E00, s3  }
0xb: {  	s31 =	sadd.s32 s4, s5;
	s7 =	sshrl.u32 s7, $0x3;
	s4 =	smax.u32 s6, $0x1  }
0xc: {  	v0 =	vimm.f32 $0.0e+00;
	v1 =	vimm.f32 $1.000000000e+00;
	s5 =	simm.s32 $0x1;
	s6 =	simm.s32 $0x2800;
	s7 =	sadd.s32 s7, s31  }
.LBB2_1:
0xd: {  	s11 =	simm.s32 $0x40;
	s12 =	simm.s32 $0x0  }
.LBB2_2:
0xe: {  	p0 =	sne.s32 s11, $0x9DC0;
	[tilespmem:s12+$0x2800] =	vst v0;
	s12 =	smov.u32 s11;
	s11 =	sadd.s32 $0x40, s11  }
.Ltmp0:
0xf: {  	(pc) =	sbr.rel @p0 .LBB2_2-.Ltmp0, $2  }
0x10: {  	_ =	sdelay $0x2  }
0x11: {  	s12 =	sshra.s32 s12, $0x2  }
0x12: {  	[tilespmem:s12+$0x2800] =	vst v0  }
0x13: {  	[tilespmem:s2], [sflag:$0x1] =	stream.linear.gather [hbm4b:s3+s2], $0x2800, $0x38;
	[tilespmem:$0x4F80] =	vst v63  }
0x14: {  	_ =	swait.ge [sflag:s5], $0x2800  }
0x15: {  	[sflag:s5] =	ssyncset.done $0x0  }
0x16: {  	s11 =	simm.s32 $0x1C0;
	[sflag:s5] =	ssyncadd.s32 $0xFFFFD800  }
.LBB2_4:
0x17: {  	s12 =	sshra.s32 s11, $0x2  }
0x18: {  	v2 =	vld [tilespmem:s12+$0xFFFFFF90];
	_ =	sdelay $0x7  }
0x19: {  	[tilespmem:v2+s6+$0x0] =	vst.idx.add.f32.msk $0xffff, v1  }
0x1a: {  	v2 =	vld [tilespmem:s12+$0xFFFFFFA0];
	_ =	sdelay $0x7  }
0x1b: {  	[tilespmem:v2+s6+$0x0] =	vst.idx.add.f32.msk $0xffff, v1  }
0x1c: {  	v2 =	vld [tilespmem:s12+$0xFFFFFFB0];
	_ =	sdelay $0x7  }
0x1d: {  	[tilespmem:v2+s6+$0x0] =	vst.idx.add.f32.msk $0xffff, v1  }
0x1e: {  	v2 =	vld [tilespmem:s12+$0xFFFFFFC0];
	_ =	sdelay $0x7  }
0x1f: {  	[tilespmem:v2+s6+$0x0] =	vst.idx.add.f32.msk $0xffff, v1  }
0x20: {  	v2 =	vld [tilespmem:s12+$0xFFFFFFD0];
	_ =	sdelay $0x7  }
0x21: {  	[tilespmem:v2+s6+$0x0] =	vst.idx.add.f32.msk $0xffff, v1  }
0x22: {  	v2 =	vld [tilespmem:s12+$0xFFFFFFE0];
	_ =	sdelay $0x7  }
0x23: {  	[tilespmem:v2+s6+$0x0] =	vst.idx.add.f32.msk $0xffff, v1  }
0x24: {  	v2 =	vld [tilespmem:s12+$0xFFFFFFF0];
	_ =	sdelay $0x7  }
0x25: {  	[tilespmem:v2+s6+$0x0] =	vst.idx.add.f32.msk $0xffff, v1  }
0x26: {  	v2 =	vld [tilespmem:s12+$0x0];
	_ =	sdelay $0x2  }
0x27: {  	p0 =	sne.s32 s11, $0x9FC0  }
.Ltmp1:
0x28: {  	_ = 	snop;
	(pc) =	sbr.rel @p0 .LBB2_4-.Ltmp1, $2  }
0x29: {  	_ =	sdelay $0x2  }
0x2a: {  	s11 =	sadd.s32 $0x200, s11;
	[tilespmem:v2+s6+$0x0] =	vst.idx.add.f32.msk $0xffff, v1  }
0x2b: {  	s10 =	sadd.s32 $0x1, s10  }
0x2c: {  	p0 =	sne.s32 s10, s4  }
.Ltmp2:
0x2d: {  	_ = 	snop;
	(pc) =	sbr.rel @p0 .LBB2_1-.Ltmp2, $4  }
0x2e: {  	[hbm4b:s7+s8] =	stream.strided.scatter [tilespmem:s6], [sflag:$0x1], $0x2780, s9, s8, $0x38;
	[tilespmem:$0x4F80] =	vst v63  }
0x2f: {  	_ =	swait.ge [sflag:s5], $0x2780  }
0x30: {  	[sflag:s5] =	ssyncset.done $0x0  }
0x31: {  	[sflag:s5] =	ssyncadd.s32 $0xFFFFD880  }
0x32: {  	_ =	sfence.sel $0x180000  }
0x33: {  	[bflag:$0x0] =	sbarrier.arrive $0xFFFF  }
0x34: {  	p0 =	sne.s32 s1, $0x0;
	_ =	strace $0x90000047  }
0x35: {  	s0 =	sadd.s32 @!p0 $0x100000, s0;
	[bflag:$0x2] =	sbarrier.arrive $0xFFFF  }
0x36: {  	[sflag:s0] =	ssyncadd.tile.s32 @!p0 $0x1;
	_ =	shalt  }
.Lfunc_end2:
_tile_overlayer_lowered:
.L_overlay_start_2:
0x37: {  	(tag) =	ssettag $0x2  }
0x38: {  	s0 =	rddreg [dreg:$0x0];
	s2 =	stileid.u32  }
0x39: {  	s1 =	rddreg [dreg:$0x1];
	p0 =	sne.s32 s2, $0x0  }
0x3a: {  	s3 =	rddreg [dreg:$0x2];
	[bflag:$0x3] =	sbarrier.arrive $0xFFFF;
	s2 =	simm.s32 @!p0 $0x1C01  }
0x3b: {  	[timem:s3], [sflag:s2] =	dma.local @!p0 [hbm:s0], s1  }
0x3c: {  	s0 =	simm.s32 @!p0 $0x1  }
0x3d: {  	_ =	swait.ge @!p0 [sflag:s0], s1  }
0x3e: {  	s1 =	ssub.s32 @!p0 $0x0, s1;
	[sflag:s0] =	ssyncset.done @!p0 $0x0  }
0x3f: {  	[sflag:s0] =	ssyncadd.s32 @!p0 s1  }
0x40: {  	[bflag:$0x3] =	sbarrier.arrive $0xFFFF  }
0x41: {  	_ =	shalt  }

</sc_bundles>
